<compile_context>
chip_gen: v7x
topology: tpu7x:2x2x1
jax: 0.10.2.dev20260603
libtpu: 0.0.44.dev20260713+nightly
codegen_flags: <defaults>
</compile_context>

<pallas_src>
import functools

import jax
import jax.numpy as jnp
from jax import lax
from jax.experimental import pallas as pl
from jax.experimental.pallas import tpu as pltpu
from jax.experimental.pallas import tpu_sc as plsc

BATCH = 16384
INPUT_DIM = 128
NUM_BINS = 32

NW = 16
CHUNK = BATCH // NW
FPB = 19
NBINS = 1 << FPB
BINS_PER_W = NBINS // NW
ZCHUNK = 2048
FCAP = CHUNK + 16
NV = CHUNK // 16
RTRASH = NW * CHUNK


def _hash_body(f_ref, p_ref, hash_ref):
    f = f_ref[...]
    n = jnp.float32(BATCH)
    s = jnp.sum(f, axis=0, keepdims=True).reshape(INPUT_DIM, 1)
    sq = jnp.sum(f * f, axis=0, keepdims=True).reshape(INPUT_DIM, 1)
    batch_mean = s / n
    batch_var = (sq - s * batch_mean) / (n - 1.0)
    eps_count = jnp.float32(1e-4)
    tot = eps_count + n
    mu = batch_mean * n / tot
    m2 = eps_count + batch_var * n + batch_mean * batch_mean * eps_count * n / tot
    var = m2 / tot
    sigma = jnp.sqrt(var + 1e-8)
    p_scaled = p_ref[...] / sigma
    c = lax.dot_general(p_scaled, mu, (((0,), (0,)), ((), ())),
                        precision=lax.Precision.HIGHEST)
    proj_t = lax.dot_general(p_scaled, f, (((0,), (1,)), ((), ())),
                             precision=lax.Precision.HIGHEST)
    bits = (proj_t > c).astype(jnp.int32)
    k = lax.broadcasted_iota(jnp.int32, (NUM_BINS, 1), 0)
    hash_ref[...] = jnp.sum(bits << k, axis=0, dtype=jnp.int32)


def _i32(x):
    return jnp.int32(x)


def _zeros16():
    return jnp.zeros((16,), jnp.int32)


def _count_sc(hash_hbm, env_hbm, out_hbm,
              h_v, e_v, q_v, bc_v, rw_v, yb_v,
              fp_v, ci_v, ri_v, ones_row, z_v, senti_v, cnt_buf,
              fh_a, fe_a, fq_a, cn_a,
              table, sh_fh, sh_fe, sh_fq, sh_cn, sh_rw,
              sem_a, sem_z, sem_s):
    wid = lax.axis_index("s")
    base = wid * _i32(CHUNK)
    rowb = wid * _i32(FCAP)

    dh = pltpu.async_copy(hash_hbm.at[pl.ds(base, CHUNK)], h_v, sem_a)
    de = pltpu.async_copy(env_hbm.at[pl.ds(base, CHUNK)], e_v, sem_a)

    def or_body(i, c):
        ones_row[pl.ds(i * 16, 16)] = jnp.full((16,), 1, jnp.int32)
        return c
    lax.fori_loop(_i32(0), _i32(8), or_body, _i32(0))

    def z_body(i, c):
        z_v[pl.ds(i * 16, 16)] = _zeros16()
        return c
    lax.fori_loop(_i32(0), _i32(ZCHUNK // 16), z_body, _i32(0))

    def senti_body(i, c):
        senti_v[pl.ds(i * 16, 16)] = jnp.full((16,), -1, jnp.int32)
        return c
    lax.fori_loop(_i32(0), _i32(FCAP // 16), senti_body, _i32(0))

    zcs = [
        pltpu.async_copy(
            z_v,
            table.at[pl.ds(wid * _i32(BINS_PER_W) + _i32(k * ZCHUNK), ZCHUNK)],
            sem_z)
        for k in range(BINS_PER_W // ZCHUNK)
    ]

    dh.wait()
    de.wait()

    def fp_body(i, c):
        sl = pl.ds(i * 16, 16)
        h = h_v[sl]
        e = e_v[sl]
        x = h ^ (e * jnp.int32(-1640531527))
        x = x * jnp.int32(-2048144789)
        fp = lax.shift_right_logical(x, jnp.int32(32 - FPB))
        fp_v[i // 8, pl.ds((i % 8) * 16, 16)] = fp
        q_v[sl] = base + i * 16 + lax.iota(jnp.int32, 16)
        rw_v[sl] = jnp.full((16,), 1.0, jnp.float32)
        ri_v[i // 8, pl.ds((i % 8) * 16, 16)] = _zeros16() + _i32(RTRASH)
        return c
    lax.fori_loop(_i32(0), _i32(NV), fp_body, _i32(0))

    sd = pltpu.async_copy(senti_v, sh_fe.at[pl.ds(rowb, FCAP)], sem_a)
    rd = pltpu.async_copy(rw_v, sh_rw.at[pl.ds(base, CHUNK)], sem_a)

    for c in zcs:
        c.wait()
    plsc.subcore_barrier()

    sas = [pltpu.async_copy(ones_row, table.at[fp_v.at[_i32(k)]], sem_s, add=True)
           for k in range(CHUNK // 128)]
    for c in sas:
        c.wait()
    plsc.subcore_barrier()

    gas = [pltpu.async_copy(table.at[fp_v.at[_i32(k)]], bc_v.at[pl.ds(k * 128, 128)],
                            sem_s)
           for k in range(CHUNK // 128)]
    for c in gas:
        c.wait()

    lane = lax.iota(jnp.int32, 16)
    trash_c = rowb + _i32(FCAP - 1)

    def c_body(i, cnt):
        sl = pl.ds(i * 16, 16)
        bc = bc_v[sl]
        flag = bc > 1
        fi = jnp.where(flag, jnp.full((16,), 1, jnp.int32), _zeros16())
        excl = _zeros16()
        run = _i32(0)
        for l in range(16):
            excl = jnp.where(lane == _i32(l), _zeros16() + run, excl)
            run = run + fi[l]
        idx = jnp.where(flag, excl + (cnt + rowb), trash_c)
        ci_v[i // 8, pl.ds((i % 8) * 16, 16)] = idx
        return cnt + run
    cnt = lax.fori_loop(_i32(0), _i32(NV), c_body, _i32(0))

    sd.wait()
    scs = []
    for k in range(CHUNK // 128):
        csl = pl.ds(k * 128, 128)
        scs.append(pltpu.async_copy(h_v.at[csl], sh_fh.at[ci_v.at[_i32(k)]], sem_s))
        scs.append(pltpu.async_copy(e_v.at[csl], sh_fe.at[ci_v.at[_i32(k)]], sem_s))
        scs.append(pltpu.async_copy(q_v.at[csl], sh_fq.at[ci_v.at[_i32(k)]], sem_s))
    cnt_buf[...] = _zeros16() + cnt
    for c in scs:
        c.wait()
    pltpu.sync_copy(cnt_buf, sh_cn.at[pl.ds(wid * _i32(16), 16)])
    plsc.subcore_barrier()

    rbs = [pltpu.async_copy(sh_fh, fh_a, sem_s),
           pltpu.async_copy(sh_fe, fe_a, sem_s),
           pltpu.async_copy(sh_fq, fq_a, sem_s),
           pltpu.async_copy(sh_cn, cn_a, sem_s)]
    for c in rbs:
        c.wait()

    niv = (cnt + _i32(15)) // _i32(16)

    def iv_body(si, c):
        sl = pl.ds(rowb + si * 16, 16)
        ih = fh_a[sl]
        ie = fe_a[sl]
        iq = fq_a[sl]
        ivalid = (si * 16 + lane) < cnt

        def r_body(r, acc):
            cr = cn_a[pl.ds(r * 16, 16)][0]
            njv = (cr + _i32(15)) // _i32(16)
            rb = r * _i32(FCAP)

            def jv_body(jv, acc2):
                jsl = pl.ds(rb + jv * 16, 16)
                jh = fh_a[jsl]
                je = fe_a[jsl]
                jq = fq_a[jsl]
                one16 = jnp.full((16,), 1, jnp.int32)
                for l in range(16):
                    m = (ih == jh[l]) & (ie == je[l]) & (jq[l] < iq)
                    acc2 = acc2 + jnp.where(m, one16, _zeros16())
                return acc2
            return lax.fori_loop(_i32(0), njv, jv_body, acc)

        acc = lax.fori_loop(_i32(0), _i32(NW), r_body, _zeros16())
        occ = (acc + 1).astype(jnp.float32)
        ii = lax.bitcast_convert_type(occ, jnp.int32)
        y = lax.bitcast_convert_type(
            jnp.int32(0x5F3759DF) - lax.shift_right_logical(ii, jnp.int32(1)),
            jnp.float32)
        hx = occ * jnp.float32(0.5)
        y = y * (jnp.float32(1.5) - hx * y * y)
        y = y * (jnp.float32(1.5) - hx * y * y)
        y = y * (jnp.float32(1.5) - hx * y * y)
        gidx = jnp.where(ivalid, iq, _zeros16() + _i32(RTRASH))
        yb_v[pl.ds(si * 16, 16)] = y
        ri_v[si // 8, pl.ds((si % 8) * 16, 16)] = gidx
        return c
    lax.fori_loop(_i32(0), niv, iv_body, _i32(0))

    rd.wait()
    rss = [pltpu.async_copy(yb_v.at[pl.ds(k * 128, 128)],
                            sh_rw.at[ri_v.at[_i32(k)]], sem_s)
           for k in range(CHUNK // 128)]
    for c in rss:
        c.wait()

    pltpu.sync_copy(sh_rw.at[pl.ds(base, CHUNK)], out_hbm.at[pl.ds(base, CHUNK)])


@functools.cache
def _make_count_kernel():
    return functools.partial(
            pl.kernel,
        out_type=jax.ShapeDtypeStruct((BATCH,), jnp.float32),
        mesh=plsc.VectorSubcoreMesh(core_axis_name="c", subcore_axis_name="s",
                                    num_cores=1),
        scratch_types=[
            pltpu.VMEM((CHUNK,), jnp.int32),
            pltpu.VMEM((CHUNK,), jnp.int32),
            pltpu.VMEM((CHUNK,), jnp.int32),
            pltpu.VMEM((CHUNK,), jnp.int32),
            pltpu.VMEM((CHUNK,), jnp.float32),
            pltpu.VMEM((CHUNK,), jnp.float32),
            pltpu.VMEM((CHUNK // 128, 128), jnp.int32),
            pltpu.VMEM((CHUNK // 128, 128), jnp.int32),
            pltpu.VMEM((CHUNK // 128, 128), jnp.int32),
            pltpu.VMEM((128,), jnp.int32),
            pltpu.VMEM((ZCHUNK,), jnp.int32),
            pltpu.VMEM((FCAP,), jnp.int32),
            pltpu.VMEM((16,), jnp.int32),
            pltpu.VMEM((NW * FCAP,), jnp.int32),
            pltpu.VMEM((NW * FCAP,), jnp.int32),
            pltpu.VMEM((NW * FCAP,), jnp.int32),
            pltpu.VMEM((NW * 16,), jnp.int32),
            pltpu.VMEM_SHARED((NBINS,), jnp.int32),
            pltpu.VMEM_SHARED((NW * FCAP,), jnp.int32),
            pltpu.VMEM_SHARED((NW * FCAP,), jnp.int32),
            pltpu.VMEM_SHARED((NW * FCAP,), jnp.int32),
            pltpu.VMEM_SHARED((NW * 16,), jnp.int32),
            pltpu.VMEM_SHARED((NW * CHUNK + 16,), jnp.float32),
            pltpu.SemaphoreType.DMA,
            pltpu.SemaphoreType.DMA,
            pltpu.SemaphoreType.DMA,
        ],
    )(_count_sc)


def kernel(features, random_projection, env_indices):
    hash_flat = pl.pallas_call(
        _hash_body,
        out_shape=jax.ShapeDtypeStruct((BATCH,), jnp.int32),
    )(features.astype(jnp.float32), random_projection.astype(jnp.float32))

    env_flat = env_indices.astype(jnp.int32).reshape(BATCH)
    rewards = _make_count_kernel()(hash_flat, env_flat)
    return rewards.reshape(BATCH, 1)

# --- scband reference (transcript-rebuilt; emitter-appended) ---
"""Pipeline reference for scband-episodic-count-module-37082747634611 (READ-ONLY COPY).

The authoritative reference and input builder live on the scoring server;
editing this copy changes nothing except your own understanding.
"""

import jax, jax.numpy as jnp
import numpy as np
jax.config.update('jax_enable_x64', True)

BATCH = 16384
INPUT_DIM = 128
NUM_BINS = 32
NUM_ENVS = 64


def setup_inputs(seed: int = 0) -> dict:
    key = jax.random.key(seed)
    k1, k2, k3 = jax.random.split(key, 3)
    features = jax.random.normal(k1, (BATCH, INPUT_DIM), dtype=jnp.float32)
    random_projection = (jax.random.normal(k2, (INPUT_DIM, NUM_BINS), dtype=jnp.float32)
                         / np.sqrt(INPUT_DIM))
    env_indices = jax.random.randint(k3, (BATCH,), 0, NUM_ENVS, dtype=jnp.int64)
    return {"features": features, "random_projection": random_projection,
            "env_indices": env_indices}


def reference(features, random_projection, env_indices):
    N = features.shape[0]
    # RunningMeanStd update (fresh state: mean=0, var=1, count=1e-4), Welford merge
    eps_count = 1e-4
    f = jax.lax.stop_gradient(features)
    batch_mean = f.mean(axis=0)
    batch_var = jnp.var(f, axis=0, ddof=1)  # torch .var(dim=0) is unbiased
    delta = batch_mean  # minus zero init mean
    tot = eps_count + N
    mean = delta * N / tot
    m_a = jnp.ones_like(batch_var) * eps_count  # var init ones * count
    m_b = batch_var * N
    M2 = m_a + m_b + delta ** 2 * eps_count * N / tot
    var = M2 / tot
    mu = mean
    sigma = jnp.sqrt(var + 1e-8)
    normalized = (features - mu) / sigma
    # LSH hash: random projection -> sign bits -> packed integer
    projected = jnp.matmul(normalized, random_projection)
    hash_bits = (projected > 0).astype(jnp.int64)
    powers = 2 ** jnp.arange(NUM_BINS, dtype=jnp.int64)  # num_bins=32 <= 63
    hash_ints = (hash_bits * powers).sum(axis=-1)
    # per-env running visit count: key = (env_idx, hash_int)
    env = env_indices.astype(jnp.int64)
    combined = env * (jnp.int64(1) << 32) + hash_ints
    # stable argsort keeps original (temporal) order within equal keys,
    # so the occurrence rank reproduces the sequential counting loop
    order = jnp.argsort(combined)
    sorted_vals = combined[order]
    idx = jnp.arange(N, dtype=jnp.int64)
    change = jnp.concatenate([jnp.ones((1,), dtype=bool),
                              sorted_vals[1:] != sorted_vals[:-1]])
    starts = jnp.where(change, idx, jnp.int64(0))
    group_start = jax.lax.cummax(starts, axis=0)
    occ = idx - group_start + 1  # cumulative count at each visit
    counts = jnp.zeros((N,), dtype=jnp.int64).at[order].set(occ)
    rewards = 1.0 / jnp.sqrt(counts.astype(features.dtype))
    return rewards[:, None]

if __name__ == "__main__":
    import jax
    _d = setup_inputs()
    print(jax.jit(kernel)(*tuple(_d.values())))

</pallas_src>

<mosaic_0001>
#map = affine_map<(d0, d1) -> (0)>
module attributes {stable_mosaic.version = 14 : i64} {
  func.func @_count_sc(%arg0: i32, %arg1: i32, %arg2: memref<16384xi32, #tpu.memory_space<hbm>>, %arg3: memref<16384xi32, #tpu.memory_space<hbm>>, %arg4: memref<16384xf32, #tpu.memory_space<hbm>>, %arg5: memref<1024xi32, #tpu.memory_space<vmem>>, %arg6: memref<1024xi32, #tpu.memory_space<vmem>>, %arg7: memref<1024xi32, #tpu.memory_space<vmem>>, %arg8: memref<1024xi32, #tpu.memory_space<vmem>>, %arg9: memref<1024xf32, #tpu.memory_space<vmem>>, %arg10: memref<1024xf32, #tpu.memory_space<vmem>>, %arg11: memref<8x128xi32, #tpu.memory_space<vmem>>, %arg12: memref<8x128xi32, #tpu.memory_space<vmem>>, %arg13: memref<8x128xi32, #tpu.memory_space<vmem>>, %arg14: memref<128xi32, #tpu.memory_space<vmem>>, %arg15: memref<2048xi32, #tpu.memory_space<vmem>>, %arg16: memref<1040xi32, #tpu.memory_space<vmem>>, %arg17: memref<16xi32, #tpu.memory_space<vmem>>, %arg18: memref<16640xi32, #tpu.memory_space<vmem>>, %arg19: memref<16640xi32, #tpu.memory_space<vmem>>, %arg20: memref<16640xi32, #tpu.memory_space<vmem>>, %arg21: memref<256xi32, #tpu.memory_space<vmem>>, %arg22: memref<524288xi32, #tpu.memory_space<vmem_shared>>, %arg23: memref<16640xi32, #tpu.memory_space<vmem_shared>>, %arg24: memref<16640xi32, #tpu.memory_space<vmem_shared>>, %arg25: memref<16640xi32, #tpu.memory_space<vmem_shared>>, %arg26: memref<256xi32, #tpu.memory_space<vmem_shared>>, %arg27: memref<16400xf32, #tpu.memory_space<vmem_shared>>, %arg28: memref<!tpu.dma_semaphore, #tpu.memory_space<semaphore_mem>>, %arg29: memref<!tpu.dma_semaphore, #tpu.memory_space<semaphore_mem>>, %arg30: memref<!tpu.dma_semaphore, #tpu.memory_space<semaphore_mem>>) attributes {dimension_semantics = [#tpu.dimension_semantics<core_parallel>, #tpu.dimension_semantics<subcore_parallel>], iteration_bounds = array<i64: 1, 16>, scalar_prefetch = 0 : i64, scratch_operands = 26 : i64, tpu.core_type = #tpu.core_type<sc_vector_subcore>, window_params = [{transform_indices = #map}, {transform_indices = #map}, {transform_indices = #map}]} {
    %mul3A = arith.constant 1024 : i32
    %mul3A_0 = arith.muli %arg1, %mul3A : i32
    %mul3A_1 = arith.constant 1040 : i32
    %mul3A_2 = arith.muli %arg1, %mul3A_1 : i32
    %dma_start3A = tpu.memref_slice %arg2[%mul3A_0] : memref<16384xi32, #tpu.memory_space<hbm>> -> memref<1024xi32, #tpu.memory_space<hbm>>
    %dma_start3A_3 = tpu.memref_slice %arg2[%mul3A_0] : memref<16384xi32, #tpu.memory_space<hbm>> -> memref<1024xi32, #tpu.memory_space<hbm>>
    tpu.enqueue_dma source(%dma_start3A_3 : memref<1024xi32, #tpu.memory_space<hbm>>) target(%arg5 : memref<1024xi32, #tpu.memory_space<vmem>>) target_semaphore(%arg28 : memref<!tpu.dma_semaphore, #tpu.memory_space<semaphore_mem>>)
    %dma_start3A_4 = tpu.memref_slice %arg3[%mul3A_0] : memref<16384xi32, #tpu.memory_space<hbm>> -> memref<1024xi32, #tpu.memory_space<hbm>>
    %dma_start3A_5 = tpu.memref_slice %arg3[%mul3A_0] : memref<16384xi32, #tpu.memory_space<hbm>> -> memref<1024xi32, #tpu.memory_space<hbm>>
    tpu.enqueue_dma source(%dma_start3A_5 : memref<1024xi32, #tpu.memory_space<hbm>>) target(%arg6 : memref<1024xi32, #tpu.memory_space<vmem>>) target_semaphore(%arg28 : memref<!tpu.dma_semaphore, #tpu.memory_space<semaphore_mem>>)
    %while3A = arith.constant 0 : i32
    %while3A_6 = arith.constant 0 : i32
    %while3A_7 = arith.constant 8 : i32
    %while3A_8 = arith.subi %while3A_7, %while3A_6 : i32
    %while3A_9 = arith.addi %while3A_6, %while3A_8 : i32
    %while3A_10 = arith.constant 1 : i32
    %while3A_11 = arith.divsi %while3A_8, %while3A_10 : i32
    %while3A_12 = arith.muli %while3A_11, %while3A_10 : i32
    %while3A_13 = arith.addi %while3A_6, %while3A_12 : i32
    %while3A_14 = arith.constant 1 : i32
    scf.for %while3A_976 = %while3A_6 to %while3A_13 step %while3A_14  : i32 {
      %broadcast_in_dim3A_977 = arith.constant 1 : i32
      %broadcast_in_dim3A_978 = vector.broadcast %broadcast_in_dim3A_977 : i32 to vector<16xi32>
      %mul3A_979 = arith.constant 16 : i32
      %mul3A_980 = arith.muli %while3A_976, %mul3A_979 : i32
      %swap3A_981 = arith.index_cast %mul3A_980 : i32 to index
      %swap3A_982 = tpu.vector_load %arg14[%swap3A_981] {strides = array<i32>} : memref<128xi32, #tpu.memory_space<vmem>>, vector<16xi32>,
      %swap3A_983 = vector.shape_cast %swap3A_982 : vector<16xi32> to vector<16xi32>
      %swap3A_984 = vector.shape_cast %broadcast_in_dim3A_978 : vector<16xi32> to vector<16xi32>
      tpu.vector_store %arg14[%swap3A_981], %swap3A_984 {strides = array<i32>} : memref<128xi32, #tpu.memory_space<vmem>>, vector<16xi32>,
    }
    %while3A_15 = arith.constant 1 : i32
    scf.for %while3A_976 = %while3A_13 to %while3A_9 step %while3A_15  : i32 {
      %broadcast_in_dim3A_977 = arith.constant 1 : i32
      %broadcast_in_dim3A_978 = vector.broadcast %broadcast_in_dim3A_977 : i32 to vector<16xi32>
      %mul3A_979 = arith.constant 16 : i32
      %mul3A_980 = arith.muli %while3A_976, %mul3A_979 : i32
      %swap3A_981 = arith.index_cast %mul3A_980 : i32 to index
      %swap3A_982 = tpu.vector_load %arg14[%swap3A_981] {strides = array<i32>} : memref<128xi32, #tpu.memory_space<vmem>>, vector<16xi32>,
      %swap3A_983 = vector.shape_cast %swap3A_982 : vector<16xi32> to vector<16xi32>
      %swap3A_984 = vector.shape_cast %broadcast_in_dim3A_978 : vector<16xi32> to vector<16xi32>
      tpu.vector_store %arg14[%swap3A_981], %swap3A_984 {strides = array<i32>} : memref<128xi32, #tpu.memory_space<vmem>>, vector<16xi32>,
    }
    %while3A_16 = arith.constant 0 : i32
    %while3A_17 = arith.constant 0 : i32
    %while3A_18 = arith.constant 128 : i32
    %while3A_19 = arith.subi %while3A_18, %while3A_17 : i32
    %while3A_20 = arith.addi %while3A_17, %while3A_19 : i32
    %while3A_21 = arith.constant 1 : i32
    %while3A_22 = arith.divsi %while3A_19, %while3A_21 : i32
    %while3A_23 = arith.muli %while3A_22, %while3A_21 : i32
    %while3A_24 = arith.addi %while3A_17, %while3A_23 : i32
    %while3A_25 = arith.constant 1 : i32
    scf.for %while3A_976 = %while3A_17 to %while3A_24 step %while3A_25  : i32 {
      %broadcast_in_dim3A_977 = arith.constant 0 : i32
      %broadcast_in_dim3A_978 = vector.broadcast %broadcast_in_dim3A_977 : i32 to vector<16xi32>
      %mul3A_979 = arith.constant 16 : i32
      %mul3A_980 = arith.muli %while3A_976, %mul3A_979 : i32
      %swap3A_981 = arith.index_cast %mul3A_980 : i32 to index
      %swap3A_982 = tpu.vector_load %arg15[%swap3A_981] {strides = array<i32>} : memref<2048xi32, #tpu.memory_space<vmem>>, vector<16xi32>,
      %swap3A_983 = vector.shape_cast %swap3A_982 : vector<16xi32> to vector<16xi32>
      %swap3A_984 = vector.shape_cast %broadcast_in_dim3A_978 : vector<16xi32> to vector<16xi32>
      tpu.vector_store %arg15[%swap3A_981], %swap3A_984 {strides = array<i32>} : memref<2048xi32, #tpu.memory_space<vmem>>, vector<16xi32>,
    }
    %while3A_26 = arith.constant 1 : i32
    scf.for %while3A_976 = %while3A_24 to %while3A_20 step %while3A_26  : i32 {
      %broadcast_in_dim3A_977 = arith.constant 0 : i32
      %broadcast_in_dim3A_978 = vector.broadcast %broadcast_in_dim3A_977 : i32 to vector<16xi32>
      %mul3A_979 = arith.constant 16 : i32
      %mul3A_980 = arith.muli %while3A_976, %mul3A_979 : i32
      %swap3A_981 = arith.index_cast %mul3A_980 : i32 to index
      %swap3A_982 = tpu.vector_load %arg15[%swap3A_981] {strides = array<i32>} : memref<2048xi32, #tpu.memory_space<vmem>>, vector<16xi32>,
      %swap3A_983 = vector.shape_cast %swap3A_982 : vector<16xi32> to vector<16xi32>
      %swap3A_984 = vector.shape_cast %broadcast_in_dim3A_978 : vector<16xi32> to vector<16xi32>
      tpu.vector_store %arg15[%swap3A_981], %swap3A_984 {strides = array<i32>} : memref<2048xi32, #tpu.memory_space<vmem>>, vector<16xi32>,
    }
    %while3A_27 = arith.constant 0 : i32
    %while3A_28 = arith.constant 0 : i32
    %while3A_29 = arith.constant 65 : i32
    %while3A_30 = arith.subi %while3A_29, %while3A_28 : i32
    %while3A_31 = arith.addi %while3A_28, %while3A_30 : i32
    %while3A_32 = arith.constant 1 : i32
    %while3A_33 = arith.divsi %while3A_30, %while3A_32 : i32
    %while3A_34 = arith.muli %while3A_33, %while3A_32 : i32
    %while3A_35 = arith.addi %while3A_28, %while3A_34 : i32
    %while3A_36 = arith.constant 1 : i32
    scf.for %while3A_976 = %while3A_28 to %while3A_35 step %while3A_36  : i32 {
      %broadcast_in_dim3A_977 = arith.constant -1 : i32
      %broadcast_in_dim3A_978 = vector.broadcast %broadcast_in_dim3A_977 : i32 to vector<16xi32>
      %mul3A_979 = arith.constant 16 : i32
      %mul3A_980 = arith.muli %while3A_976, %mul3A_979 : i32
      %swap3A_981 = arith.index_cast %mul3A_980 : i32 to index
      %swap3A_982 = tpu.vector_load %arg16[%swap3A_981] {strides = array<i32>} : memref<1040xi32, #tpu.memory_space<vmem>>, vector<16xi32>,
      %swap3A_983 = vector.shape_cast %swap3A_982 : vector<16xi32> to vector<16xi32>
      %swap3A_984 = vector.shape_cast %broadcast_in_dim3A_978 : vector<16xi32> to vector<16xi32>
      tpu.vector_store %arg16[%swap3A_981], %swap3A_984 {strides = array<i32>} : memref<1040xi32, #tpu.memory_space<vmem>>, vector<16xi32>,
    }
    %while3A_37 = arith.constant 1 : i32
    scf.for %while3A_976 = %while3A_35 to %while3A_31 step %while3A_37  : i32 {
      %broadcast_in_dim3A_977 = arith.constant -1 : i32
      %broadcast_in_dim3A_978 = vector.broadcast %broadcast_in_dim3A_977 : i32 to vector<16xi32>
      %mul3A_979 = arith.constant 16 : i32
      %mul3A_980 = arith.muli %while3A_976, %mul3A_979 : i32
      %swap3A_981 = arith.index_cast %mul3A_980 : i32 to index
      %swap3A_982 = tpu.vector_load %arg16[%swap3A_981] {strides = array<i32>} : memref<1040xi32, #tpu.memory_space<vmem>>, vector<16xi32>,
      %swap3A_983 = vector.shape_cast %swap3A_982 : vector<16xi32> to vector<16xi32>
      %swap3A_984 = vector.shape_cast %broadcast_in_dim3A_978 : vector<16xi32> to vector<16xi32>
      tpu.vector_store %arg16[%swap3A_981], %swap3A_984 {strides = array<i32>} : memref<1040xi32, #tpu.memory_space<vmem>>, vector<16xi32>,
    }
    %mul3A_38 = arith.constant 32768 : i32
    %mul3A_39 = arith.muli %arg1, %mul3A_38 : i32
    %add3A = arith.constant 0 : i32
    %add3A_40 = arith.addi %mul3A_39, %add3A : i32
    %dma_start3A_41 = tpu.memref_slice %arg22[%add3A_40] : memref<524288xi32, #tpu.memory_space<vmem_shared>> -> memref<2048xi32, #tpu.memory_space<vmem_shared>>
    %dma_start3A_42 = tpu.memref_slice %arg22[%add3A_40] : memref<524288xi32, #tpu.memory_space<vmem_shared>> -> memref<2048xi32, #tpu.memory_space<vmem_shared>>
    tpu.enqueue_dma source(%arg15 : memref<2048xi32, #tpu.memory_space<vmem>>) target(%dma_start3A_42 : memref<2048xi32, #tpu.memory_space<vmem_shared>>) target_semaphore(%arg29 : memref<!tpu.dma_semaphore, #tpu.memory_space<semaphore_mem>>)
    %mul3A_43 = arith.constant 32768 : i32
    %mul3A_44 = arith.muli %arg1, %mul3A_43 : i32
    %add3A_45 = arith.constant 2048 : i32
    %add3A_46 = arith.addi %mul3A_44, %add3A_45 : i32
    %dma_start3A_47 = tpu.memref_slice %arg22[%add3A_46] : memref<524288xi32, #tpu.memory_space<vmem_shared>> -> memref<2048xi32, #tpu.memory_space<vmem_shared>>
    %dma_start3A_48 = tpu.memref_slice %arg22[%add3A_46] : memref<524288xi32, #tpu.memory_space<vmem_shared>> -> memref<2048xi32, #tpu.memory_space<vmem_shared>>
    tpu.enqueue_dma source(%arg15 : memref<2048xi32, #tpu.memory_space<vmem>>) target(%dma_start3A_48 : memref<2048xi32, #tpu.memory_space<vmem_shared>>) target_semaphore(%arg29 : memref<!tpu.dma_semaphore, #tpu.memory_space<semaphore_mem>>)
    %mul3A_49 = arith.constant 32768 : i32
    %mul3A_50 = arith.muli %arg1, %mul3A_49 : i32
    %add3A_51 = arith.constant 4096 : i32
    %add3A_52 = arith.addi %mul3A_50, %add3A_51 : i32
    %dma_start3A_53 = tpu.memref_slice %arg22[%add3A_52] : memref<524288xi32, #tpu.memory_space<vmem_shared>> -> memref<2048xi32, #tpu.memory_space<vmem_shared>>
    %dma_start3A_54 = tpu.memref_slice %arg22[%add3A_52] : memref<524288xi32, #tpu.memory_space<vmem_shared>> -> memref<2048xi32, #tpu.memory_space<vmem_shared>>
    tpu.enqueue_dma source(%arg15 : memref<2048xi32, #tpu.memory_space<vmem>>) target(%dma_start3A_54 : memref<2048xi32, #tpu.memory_space<vmem_shared>>) target_semaphore(%arg29 : memref<!tpu.dma_semaphore, #tpu.memory_space<semaphore_mem>>)
    %mul3A_55 = arith.constant 32768 : i32
    %mul3A_56 = arith.muli %arg1, %mul3A_55 : i32
    %add3A_57 = arith.constant 6144 : i32
    %add3A_58 = arith.addi %mul3A_56, %add3A_57 : i32
    %dma_start3A_59 = tpu.memref_slice %arg22[%add3A_58] : memref<524288xi32, #tpu.memory_space<vmem_shared>> -> memref<2048xi32, #tpu.memory_space<vmem_shared>>
    %dma_start3A_60 = tpu.memref_slice %arg22[%add3A_58] : memref<524288xi32, #tpu.memory_space<vmem_shared>> -> memref<2048xi32, #tpu.memory_space<vmem_shared>>
    tpu.enqueue_dma source(%arg15 : memref<2048xi32, #tpu.memory_space<vmem>>) target(%dma_start3A_60 : memref<2048xi32, #tpu.memory_space<vmem_shared>>) target_semaphore(%arg29 : memref<!tpu.dma_semaphore, #tpu.memory_space<semaphore_mem>>)
    %mul3A_61 = arith.constant 32768 : i32
    %mul3A_62 = arith.muli %arg1, %mul3A_61 : i32
    %add3A_63 = arith.constant 8192 : i32
    %add3A_64 = arith.addi %mul3A_62, %add3A_63 : i32
    %dma_start3A_65 = tpu.memref_slice %arg22[%add3A_64] : memref<524288xi32, #tpu.memory_space<vmem_shared>> -> memref<2048xi32, #tpu.memory_space<vmem_shared>>
    %dma_start3A_66 = tpu.memref_slice %arg22[%add3A_64] : memref<524288xi32, #tpu.memory_space<vmem_shared>> -> memref<2048xi32, #tpu.memory_space<vmem_shared>>
    tpu.enqueue_dma source(%arg15 : memref<2048xi32, #tpu.memory_space<vmem>>) target(%dma_start3A_66 : memref<2048xi32, #tpu.memory_space<vmem_shared>>) target_semaphore(%arg29 : memref<!tpu.dma_semaphore, #tpu.memory_space<semaphore_mem>>)
    %mul3A_67 = arith.constant 32768 : i32
    %mul3A_68 = arith.muli %arg1, %mul3A_67 : i32
    %add3A_69 = arith.constant 10240 : i32
    %add3A_70 = arith.addi %mul3A_68, %add3A_69 : i32
    %dma_start3A_71 = tpu.memref_slice %arg22[%add3A_70] : memref<524288xi32, #tpu.memory_space<vmem_shared>> -> memref<2048xi32, #tpu.memory_space<vmem_shared>>
    %dma_start3A_72 = tpu.memref_slice %arg22[%add3A_70] : memref<524288xi32, #tpu.memory_space<vmem_shared>> -> memref<2048xi32, #tpu.memory_space<vmem_shared>>
    tpu.enqueue_dma source(%arg15 : memref<2048xi32, #tpu.memory_space<vmem>>) target(%dma_start3A_72 : memref<2048xi32, #tpu.memory_space<vmem_shared>>) target_semaphore(%arg29 : memref<!tpu.dma_semaphore, #tpu.memory_space<semaphore_mem>>)
    %mul3A_73 = arith.constant 32768 : i32
    %mul3A_74 = arith.muli %arg1, %mul3A_73 : i32
    %add3A_75 = arith.constant 12288 : i32
    %add3A_76 = arith.addi %mul3A_74, %add3A_75 : i32
    %dma_start3A_77 = tpu.memref_slice %arg22[%add3A_76] : memref<524288xi32, #tpu.memory_space<vmem_shared>> -> memref<2048xi32, #tpu.memory_space<vmem_shared>>
    %dma_start3A_78 = tpu.memref_slice %arg22[%add3A_76] : memref<524288xi32, #tpu.memory_space<vmem_shared>> -> memref<2048xi32, #tpu.memory_space<vmem_shared>>
    tpu.enqueue_dma source(%arg15 : memref<2048xi32, #tpu.memory_space<vmem>>) target(%dma_start3A_78 : memref<2048xi32, #tpu.memory_space<vmem_shared>>) target_semaphore(%arg29 : memref<!tpu.dma_semaphore, #tpu.memory_space<semaphore_mem>>)
    %mul3A_79 = arith.constant 32768 : i32
    %mul3A_80 = arith.muli %arg1, %mul3A_79 : i32
    %add3A_81 = arith.constant 14336 : i32
    %add3A_82 = arith.addi %mul3A_80, %add3A_81 : i32
    %dma_start3A_83 = tpu.memref_slice %arg22[%add3A_82] : memref<524288xi32, #tpu.memory_space<vmem_shared>> -> memref<2048xi32, #tpu.memory_space<vmem_shared>>
    %dma_start3A_84 = tpu.memref_slice %arg22[%add3A_82] : memref<524288xi32, #tpu.memory_space<vmem_shared>> -> memref<2048xi32, #tpu.memory_space<vmem_shared>>
    tpu.enqueue_dma source(%arg15 : memref<2048xi32, #tpu.memory_space<vmem>>) target(%dma_start3A_84 : memref<2048xi32, #tpu.memory_space<vmem_shared>>) target_semaphore(%arg29 : memref<!tpu.dma_semaphore, #tpu.memory_space<semaphore_mem>>)
    %mul3A_85 = arith.constant 32768 : i32
    %mul3A_86 = arith.muli %arg1, %mul3A_85 : i32
    %add3A_87 = arith.constant 16384 : i32
    %add3A_88 = arith.addi %mul3A_86, %add3A_87 : i32
    %dma_start3A_89 = tpu.memref_slice %arg22[%add3A_88] : memref<524288xi32, #tpu.memory_space<vmem_shared>> -> memref<2048xi32, #tpu.memory_space<vmem_shared>>
    %dma_start3A_90 = tpu.memref_slice %arg22[%add3A_88] : memref<524288xi32, #tpu.memory_space<vmem_shared>> -> memref<2048xi32, #tpu.memory_space<vmem_shared>>
    tpu.enqueue_dma source(%arg15 : memref<2048xi32, #tpu.memory_space<vmem>>) target(%dma_start3A_90 : memref<2048xi32, #tpu.memory_space<vmem_shared>>) target_semaphore(%arg29 : memref<!tpu.dma_semaphore, #tpu.memory_space<semaphore_mem>>)
    %mul3A_91 = arith.constant 32768 : i32
    %mul3A_92 = arith.muli %arg1, %mul3A_91 : i32
    %add3A_93 = arith.constant 18432 : i32
    %add3A_94 = arith.addi %mul3A_92, %add3A_93 : i32
    %dma_start3A_95 = tpu.memref_slice %arg22[%add3A_94] : memref<524288xi32, #tpu.memory_space<vmem_shared>> -> memref<2048xi32, #tpu.memory_space<vmem_shared>>
    %dma_start3A_96 = tpu.memref_slice %arg22[%add3A_94] : memref<524288xi32, #tpu.memory_space<vmem_shared>> -> memref<2048xi32, #tpu.memory_space<vmem_shared>>
    tpu.enqueue_dma source(%arg15 : memref<2048xi32, #tpu.memory_space<vmem>>) target(%dma_start3A_96 : memref<2048xi32, #tpu.memory_space<vmem_shared>>) target_semaphore(%arg29 : memref<!tpu.dma_semaphore, #tpu.memory_space<semaphore_mem>>)
    %mul3A_97 = arith.constant 32768 : i32
    %mul3A_98 = arith.muli %arg1, %mul3A_97 : i32
    %add3A_99 = arith.constant 20480 : i32
    %add3A_100 = arith.addi %mul3A_98, %add3A_99 : i32
    %dma_start3A_101 = tpu.memref_slice %arg22[%add3A_100] : memref<524288xi32, #tpu.memory_space<vmem_shared>> -> memref<2048xi32, #tpu.memory_space<vmem_shared>>
    %dma_start3A_102 = tpu.memref_slice %arg22[%add3A_100] : memref<524288xi32, #tpu.memory_space<vmem_shared>> -> memref<2048xi32, #tpu.memory_space<vmem_shared>>
    tpu.enqueue_dma source(%arg15 : memref<2048xi32, #tpu.memory_space<vmem>>) target(%dma_start3A_102 : memref<2048xi32, #tpu.memory_space<vmem_shared>>) target_semaphore(%arg29 : memref<!tpu.dma_semaphore, #tpu.memory_space<semaphore_mem>>)
    %mul3A_103 = arith.constant 32768 : i32
    %mul3A_104 = arith.muli %arg1, %mul3A_103 : i32
    %add3A_105 = arith.constant 22528 : i32
    %add3A_106 = arith.addi %mul3A_104, %add3A_105 : i32
    %dma_start3A_107 = tpu.memref_slice %arg22[%add3A_106] : memref<524288xi32, #tpu.memory_space<vmem_shared>> -> memref<2048xi32, #tpu.memory_space<vmem_shared>>
    %dma_start3A_108 = tpu.memref_slice %arg22[%add3A_106] : memref<524288xi32, #tpu.memory_space<vmem_shared>> -> memref<2048xi32, #tpu.memory_space<vmem_shared>>
    tpu.enqueue_dma source(%arg15 : memref<2048xi32, #tpu.memory_space<vmem>>) target(%dma_start3A_108 : memref<2048xi32, #tpu.memory_space<vmem_shared>>) target_semaphore(%arg29 : memref<!tpu.dma_semaphore, #tpu.memory_space<semaphore_mem>>)
    %mul3A_109 = arith.constant 32768 : i32
    %mul3A_110 = arith.muli %arg1, %mul3A_109 : i32
    %add3A_111 = arith.constant 24576 : i32
    %add3A_112 = arith.addi %mul3A_110, %add3A_111 : i32
    %dma_start3A_113 = tpu.memref_slice %arg22[%add3A_112] : memref<524288xi32, #tpu.memory_space<vmem_shared>> -> memref<2048xi32, #tpu.memory_space<vmem_shared>>
    %dma_start3A_114 = tpu.memref_slice %arg22[%add3A_112] : memref<524288xi32, #tpu.memory_space<vmem_shared>> -> memref<2048xi32, #tpu.memory_space<vmem_shared>>
    tpu.enqueue_dma source(%arg15 : memref<2048xi32, #tpu.memory_space<vmem>>) target(%dma_start3A_114 : memref<2048xi32, #tpu.memory_space<vmem_shared>>) target_semaphore(%arg29 : memref<!tpu.dma_semaphore, #tpu.memory_space<semaphore_mem>>)
    %mul3A_115 = arith.constant 32768 : i32
    %mul3A_116 = arith.muli %arg1, %mul3A_115 : i32
    %add3A_117 = arith.constant 26624 : i32
    %add3A_118 = arith.addi %mul3A_116, %add3A_117 : i32
    %dma_start3A_119 = tpu.memref_slice %arg22[%add3A_118] : memref<524288xi32, #tpu.memory_space<vmem_shared>> -> memref<2048xi32, #tpu.memory_space<vmem_shared>>
    %dma_start3A_120 = tpu.memref_slice %arg22[%add3A_118] : memref<524288xi32, #tpu.memory_space<vmem_shared>> -> memref<2048xi32, #tpu.memory_space<vmem_shared>>
    tpu.enqueue_dma source(%arg15 : memref<2048xi32, #tpu.memory_space<vmem>>) target(%dma_start3A_120 : memref<2048xi32, #tpu.memory_space<vmem_shared>>) target_semaphore(%arg29 : memref<!tpu.dma_semaphore, #tpu.memory_space<semaphore_mem>>)
    %mul3A_121 = arith.constant 32768 : i32
    %mul3A_122 = arith.muli %arg1, %mul3A_121 : i32
    %add3A_123 = arith.constant 28672 : i32
    %add3A_124 = arith.addi %mul3A_122, %add3A_123 : i32
    %dma_start3A_125 = tpu.memref_slice %arg22[%add3A_124] : memref<524288xi32, #tpu.memory_space<vmem_shared>> -> memref<2048xi32, #tpu.memory_space<vmem_shared>>
    %dma_start3A_126 = tpu.memref_slice %arg22[%add3A_124] : memref<524288xi32, #tpu.memory_space<vmem_shared>> -> memref<2048xi32, #tpu.memory_space<vmem_shared>>
    tpu.enqueue_dma source(%arg15 : memref<2048xi32, #tpu.memory_space<vmem>>) target(%dma_start3A_126 : memref<2048xi32, #tpu.memory_space<vmem_shared>>) target_semaphore(%arg29 : memref<!tpu.dma_semaphore, #tpu.memory_space<semaphore_mem>>)
    %mul3A_127 = arith.constant 32768 : i32
    %mul3A_128 = arith.muli %arg1, %mul3A_127 : i32
    %add3A_129 = arith.constant 30720 : i32
    %add3A_130 = arith.addi %mul3A_128, %add3A_129 : i32
    %dma_start3A_131 = tpu.memref_slice %arg22[%add3A_130] : memref<524288xi32, #tpu.memory_space<vmem_shared>> -> memref<2048xi32, #tpu.memory_space<vmem_shared>>
    %dma_start3A_132 = tpu.memref_slice %arg22[%add3A_130] : memref<524288xi32, #tpu.memory_space<vmem_shared>> -> memref<2048xi32, #tpu.memory_space<vmem_shared>>
    tpu.enqueue_dma source(%arg15 : memref<2048xi32, #tpu.memory_space<vmem>>) target(%dma_start3A_132 : memref<2048xi32, #tpu.memory_space<vmem_shared>>) target_semaphore(%arg29 : memref<!tpu.dma_semaphore, #tpu.memory_space<semaphore_mem>>)
    %dma_wait3A = tpu.memref_slice %arg2[%mul3A_0] : memref<16384xi32, #tpu.memory_space<hbm>> -> memref<1024xi32, #tpu.memory_space<hbm>>
    %dma_wait3A_133 = tpu.memref_slice %arg2[%mul3A_0] : memref<16384xi32, #tpu.memory_space<hbm>> -> memref<1024xi32, #tpu.memory_space<hbm>>
    tpu.wait_dma2 semaphore(%arg28 : memref<!tpu.dma_semaphore, #tpu.memory_space<semaphore_mem>>) src(%dma_wait3A_133 : memref<1024xi32, #tpu.memory_space<hbm>>) dst(%arg5 : memref<1024xi32, #tpu.memory_space<vmem>>)
    %dma_wait3A_134 = tpu.memref_slice %arg3[%mul3A_0] : memref<16384xi32, #tpu.memory_space<hbm>> -> memref<1024xi32, #tpu.memory_space<hbm>>
    %dma_wait3A_135 = tpu.memref_slice %arg3[%mul3A_0] : memref<16384xi32, #tpu.memory_space<hbm>> -> memref<1024xi32, #tpu.memory_space<hbm>>
    tpu.wait_dma2 semaphore(%arg28 : memref<!tpu.dma_semaphore, #tpu.memory_space<semaphore_mem>>) src(%dma_wait3A_135 : memref<1024xi32, #tpu.memory_space<hbm>>) dst(%arg6 : memref<1024xi32, #tpu.memory_space<vmem>>)
    %while3A_136 = arith.constant 0 : i32
    %while3A_137 = arith.constant 0 : i32
    %while3A_138 = arith.constant 64 : i32
    %while3A_139 = arith.subi %while3A_138, %while3A_137 : i32
    %while3A_140 = arith.addi %while3A_137, %while3A_139 : i32
    %while3A_141 = arith.constant 1 : i32
    %while3A_142 = arith.divsi %while3A_139, %while3A_141 : i32
    %while3A_143 = arith.muli %while3A_142, %while3A_141 : i32
    %while3A_144 = arith.addi %while3A_137, %while3A_143 : i32
    %while3A_145 = arith.constant 1 : i32
    scf.for %while3A_976 = %while3A_137 to %while3A_144 step %while3A_145  : i32 {
      %mul3A_977 = arith.constant 16 : i32
      %mul3A_978 = arith.muli %while3A_976, %mul3A_977 : i32
      %get3A = arith.index_cast %mul3A_978 : i32 to index
      %get3A_979 = tpu.vector_load %arg5[%get3A] {strides = array<i32>} : memref<1024xi32, #tpu.memory_space<vmem>>, vector<16xi32>,
      %get3A_980 = vector.shape_cast %get3A_979 : vector<16xi32> to vector<16xi32>
      %get3A_981 = arith.index_cast %mul3A_978 : i32 to index
      %get3A_982 = tpu.vector_load %arg6[%get3A_981] {strides = array<i32>} : memref<1024xi32, #tpu.memory_space<vmem>>, vector<16xi32>,
      %get3A_983 = vector.shape_cast %get3A_982 : vector<16xi32> to vector<16xi32>
      %mul3A_984 = arith.constant -1640531527 : i32
      %mul3A_985 = vector.broadcast %mul3A_984 : i32 to vector<16xi32>
      %mul3A_986 = arith.muli %get3A_983, %mul3A_985 : vector<16xi32>
      %xor3A = arith.xori %get3A_980, %mul3A_986 : vector<16xi32>
      %mul3A_987 = arith.constant -2048144789 : i32
      %mul3A_988 = vector.broadcast %mul3A_987 : i32 to vector<16xi32>
      %mul3A_989 = arith.muli %xor3A, %mul3A_988 : vector<16xi32>
      %shift_right_logical3A = arith.constant 13 : i32
      %shift_right_logical3A_990 = vector.broadcast %shift_right_logical3A : i32 to vector<16xi32>
      %shift_right_logical3A_991 = arith.shrui %mul3A_989, %shift_right_logical3A_990 : vector<16xi32>
      %jit3A_992 = arith.constant 8 : i64
      %convert_element_type3A = arith.trunci %jit3A_992 : i64 to i32
      %div3A_993 = arith.divsi %while3A_976, %convert_element_type3A : i32
      %sign3A_994 = arith.constant 0 : i32
      %sign3A_995 = arith.cmpi sgt, %while3A_976, %sign3A_994 : i32
      %sign3A_996 = arith.extui %sign3A_995 : i1 to i32
      %sign3A_997 = arith.constant 0 : i32
      %sign3A_998 = arith.cmpi slt, %while3A_976, %sign3A_997 : i32
      %sign3A_999 = arith.extui %sign3A_998 : i1 to i32
      %sign3A_1000 = arith.subi %sign3A_996, %sign3A_999 : i32
      %sign3A_1001 = arith.constant 0 : i32
      %sign3A_1002 = arith.cmpi sgt, %convert_element_type3A, %sign3A_1001 : i32
      %sign3A_1003 = arith.extui %sign3A_1002 : i1 to i32
      %sign3A_1004 = arith.constant 0 : i32
      %sign3A_1005 = arith.cmpi slt, %convert_element_type3A, %sign3A_1004 : i32
      %sign3A_1006 = arith.extui %sign3A_1005 : i1 to i32
      %sign3A_1007 = arith.subi %sign3A_1003, %sign3A_1006 : i32
      %ne3A_1008 = arith.cmpi ne, %sign3A_1000, %sign3A_1007 : i32
      %rem3A_1009 = arith.remsi %while3A_976, %convert_element_type3A : i32
      %ne3A_1010 = arith.constant 0 : i32
      %ne3A_1011 = arith.cmpi ne, %rem3A_1009, %ne3A_1010 : i32
      %and3A_1012 = arith.andi %ne3A_1008, %ne3A_1011 : i1
      %sub3A_1013 = arith.constant 1 : i32
      %sub3A_1014 = arith.subi %div3A_993, %sub3A_1013 : i32
      %select_n3A_1015 = arith.select %and3A_1012, %sub3A_1014, %div3A_993 : i32
      %jit3A_1016 = arith.constant 8 : i64
      %convert_element_type3A_1017 = arith.trunci %jit3A_1016 : i64 to i32
      %eq3A = arith.constant 0 : i32
      %eq3A_1018 = arith.cmpi eq, %convert_element_type3A_1017, %eq3A : i32
      %jit3A_1019 = arith.constant 1 : i32
      %select_n3A_1020 = arith.select %eq3A_1018, %jit3A_1019, %convert_element_type3A_1017 : i32
      %rem3A_1021 = arith.remsi %while3A_976, %select_n3A_1020 : i32
      %ne3A_1022 = arith.constant 0 : i32
      %ne3A_1023 = arith.cmpi ne, %rem3A_1021, %ne3A_1022 : i32
      %lt3A = arith.constant 0 : i32
      %lt3A_1024 = arith.cmpi slt, %rem3A_1021, %lt3A : i32
      %lt3A_1025 = arith.constant 0 : i32
      %lt3A_1026 = arith.cmpi slt, %select_n3A_1020, %lt3A_1025 : i32
      %ne3A_1027 = arith.xori %lt3A_1024, %lt3A_1026 : i1
      %and3A_1028 = arith.andi %ne3A_1027, %ne3A_1023 : i1
      %add3A_1029 = arith.addi %rem3A_1021, %select_n3A_1020 : i32
      %select_n3A_1030 = arith.select %and3A_1028, %add3A_1029, %rem3A_1021 : i32
      %mul3A_1031 = arith.constant 16 : i32
      %mul3A_1032 = arith.muli %select_n3A_1030, %mul3A_1031 : i32
      %swap3A_1033 = arith.index_cast %select_n3A_1015 : i32 to index
      %swap3A_1034 = arith.index_cast %mul3A_1032 : i32 to index
      %swap3A_1035 = tpu.vector_load %arg11[%swap3A_1033, %swap3A_1034] {strides = array<i32>} : memref<8x128xi32, #tpu.memory_space<vmem>>, vector<1x16xi32>,
      %swap3A_1036 = vector.shape_cast %swap3A_1035 : vector<1x16xi32> to vector<16xi32>
      %swap3A_1037 = vector.shape_cast %shift_right_logical3A_991 : vector<16xi32> to vector<1x16xi32>
      tpu.vector_store %arg11[%swap3A_1033, %swap3A_1034], %swap3A_1037 {strides = array<i32>} : memref<8x128xi32, #tpu.memory_space<vmem>>, vector<1x16xi32>,
      %mul3A_1038 = arith.constant 16 : i32
      %mul3A_1039 = arith.muli %while3A_976, %mul3A_1038 : i32
      %add3A_1040 = arith.addi %mul3A_0, %mul3A_1039 : i32
      %iota3A_1041 = tpu.iota {dimensions = array<i32: 0>} : vector<16xi32>
      %add3A_1042 = vector.broadcast %add3A_1040 : i32 to vector<16xi32>
      %add3A_1043 = arith.addi %add3A_1042, %iota3A_1041 : vector<16xi32>
      %swap3A_1044 = arith.index_cast %mul3A_978 : i32 to index
      %swap3A_1045 = tpu.vector_load %arg7[%swap3A_1044] {strides = array<i32>} : memref<1024xi32, #tpu.memory_space<vmem>>, vector<16xi32>,
      %swap3A_1046 = vector.shape_cast %swap3A_1045 : vector<16xi32> to vector<16xi32>
      %swap3A_1047 = vector.shape_cast %add3A_1043 : vector<16xi32> to vector<16xi32>
      tpu.vector_store %arg7[%swap3A_1044], %swap3A_1047 {strides = array<i32>} : memref<1024xi32, #tpu.memory_space<vmem>>, vector<16xi32>,
      %broadcast_in_dim3A_1048 = arith.constant 1.000000e+00 : f32
      %broadcast_in_dim3A_1049 = vector.broadcast %broadcast_in_dim3A_1048 : f32 to vector<16xf32>
      %swap3A_1050 = arith.index_cast %mul3A_978 : i32 to index
      %swap3A_1051 = tpu.vector_load %arg9[%swap3A_1050] {strides = array<i32>} : memref<1024xf32, #tpu.memory_space<vmem>>, vector<16xf32>,
      %swap3A_1052 = vector.shape_cast %swap3A_1051 : vector<16xf32> to vector<16xf32>
      %swap3A_1053 = vector.shape_cast %broadcast_in_dim3A_1049 : vector<16xf32> to vector<16xf32>
      tpu.vector_store %arg9[%swap3A_1050], %swap3A_1053 {strides = array<i32>} : memref<1024xf32, #tpu.memory_space<vmem>>, vector<16xf32>,
      %broadcast_in_dim3A_1054 = arith.constant 0 : i32
      %broadcast_in_dim3A_1055 = vector.broadcast %broadcast_in_dim3A_1054 : i32 to vector<16xi32>
      %add3A_1056 = arith.constant 16384 : i32
      %add3A_1057 = vector.broadcast %add3A_1056 : i32 to vector<16xi32>
      %add3A_1058 = arith.addi %broadcast_in_dim3A_1055, %add3A_1057 : vector<16xi32>
      %jit3A_1059 = arith.constant 8 : i64
      %convert_element_type3A_1060 = arith.trunci %jit3A_1059 : i64 to i32
      %div3A_1061 = arith.divsi %while3A_976, %convert_element_type3A_1060 : i32
      %sign3A_1062 = arith.constant 0 : i32
      %sign3A_1063 = arith.cmpi sgt, %while3A_976, %sign3A_1062 : i32
      %sign3A_1064 = arith.extui %sign3A_1063 : i1 to i32
      %sign3A_1065 = arith.constant 0 : i32
      %sign3A_1066 = arith.cmpi slt, %while3A_976, %sign3A_1065 : i32
      %sign3A_1067 = arith.extui %sign3A_1066 : i1 to i32
      %sign3A_1068 = arith.subi %sign3A_1064, %sign3A_1067 : i32
      %sign3A_1069 = arith.constant 0 : i32
      %sign3A_1070 = arith.cmpi sgt, %convert_element_type3A_1060, %sign3A_1069 : i32
      %sign3A_1071 = arith.extui %sign3A_1070 : i1 to i32
      %sign3A_1072 = arith.constant 0 : i32
      %sign3A_1073 = arith.cmpi slt, %convert_element_type3A_1060, %sign3A_1072 : i32
      %sign3A_1074 = arith.extui %sign3A_1073 : i1 to i32
      %sign3A_1075 = arith.subi %sign3A_1071, %sign3A_1074 : i32
      %ne3A_1076 = arith.cmpi ne, %sign3A_1068, %sign3A_1075 : i32
      %rem3A_1077 = arith.remsi %while3A_976, %convert_element_type3A_1060 : i32
      %ne3A_1078 = arith.constant 0 : i32
      %ne3A_1079 = arith.cmpi ne, %rem3A_1077, %ne3A_1078 : i32
      %and3A_1080 = arith.andi %ne3A_1076, %ne3A_1079 : i1
      %sub3A_1081 = arith.constant 1 : i32
      %sub3A_1082 = arith.subi %div3A_1061, %sub3A_1081 : i32
      %select_n3A_1083 = arith.select %and3A_1080, %sub3A_1082, %div3A_1061 : i32
      %jit3A_1084 = arith.constant 8 : i64
      %convert_element_type3A_1085 = arith.trunci %jit3A_1084 : i64 to i32
      %eq3A_1086 = arith.constant 0 : i32
      %eq3A_1087 = arith.cmpi eq, %convert_element_type3A_1085, %eq3A_1086 : i32
      %jit3A_1088 = arith.constant 1 : i32
      %select_n3A_1089 = arith.select %eq3A_1087, %jit3A_1088, %convert_element_type3A_1085 : i32
      %rem3A_1090 = arith.remsi %while3A_976, %select_n3A_1089 : i32
      %ne3A_1091 = arith.constant 0 : i32
      %ne3A_1092 = arith.cmpi ne, %rem3A_1090, %ne3A_1091 : i32
      %lt3A_1093 = arith.constant 0 : i32
      %lt3A_1094 = arith.cmpi slt, %rem3A_1090, %lt3A_1093 : i32
      %lt3A_1095 = arith.constant 0 : i32
      %lt3A_1096 = arith.cmpi slt, %select_n3A_1089, %lt3A_1095 : i32
      %ne3A_1097 = arith.xori %lt3A_1094, %lt3A_1096 : i1
      %and3A_1098 = arith.andi %ne3A_1097, %ne3A_1092 : i1
      %add3A_1099 = arith.addi %rem3A_1090, %select_n3A_1089 : i32
      %select_n3A_1100 = arith.select %and3A_1098, %add3A_1099, %rem3A_1090 : i32
      %mul3A_1101 = arith.constant 16 : i32
      %mul3A_1102 = arith.muli %select_n3A_1100, %mul3A_1101 : i32
      %swap3A_1103 = arith.index_cast %select_n3A_1083 : i32 to index
      %swap3A_1104 = arith.index_cast %mul3A_1102 : i32 to index
      %swap3A_1105 = tpu.vector_load %arg13[%swap3A_1103, %swap3A_1104] {strides = array<i32>} : memref<8x128xi32, #tpu.memory_space<vmem>>, vector<1x16xi32>,
      %swap3A_1106 = vector.shape_cast %swap3A_1105 : vector<1x16xi32> to vector<16xi32>
      %swap3A_1107 = vector.shape_cast %add3A_1058 : vector<16xi32> to vector<1x16xi32>
      tpu.vector_store %arg13[%swap3A_1103, %swap3A_1104], %swap3A_1107 {strides = array<i32>} : memref<8x128xi32, #tpu.memory_space<vmem>>, vector<1x16xi32>,
    }
    %while3A_146 = arith.constant 1 : i32
    scf.for %while3A_976 = %while3A_144 to %while3A_140 step %while3A_146  : i32 {
      %mul3A_977 = arith.constant 16 : i32
      %mul3A_978 = arith.muli %while3A_976, %mul3A_977 : i32
      %get3A = arith.index_cast %mul3A_978 : i32 to index
      %get3A_979 = tpu.vector_load %arg5[%get3A] {strides = array<i32>} : memref<1024xi32, #tpu.memory_space<vmem>>, vector<16xi32>,
      %get3A_980 = vector.shape_cast %get3A_979 : vector<16xi32> to vector<16xi32>
      %get3A_981 = arith.index_cast %mul3A_978 : i32 to index
      %get3A_982 = tpu.vector_load %arg6[%get3A_981] {strides = array<i32>} : memref<1024xi32, #tpu.memory_space<vmem>>, vector<16xi32>,
      %get3A_983 = vector.shape_cast %get3A_982 : vector<16xi32> to vector<16xi32>
      %mul3A_984 = arith.constant -1640531527 : i32
      %mul3A_985 = vector.broadcast %mul3A_984 : i32 to vector<16xi32>
      %mul3A_986 = arith.muli %get3A_983, %mul3A_985 : vector<16xi32>
      %xor3A = arith.xori %get3A_980, %mul3A_986 : vector<16xi32>
      %mul3A_987 = arith.constant -2048144789 : i32
      %mul3A_988 = vector.broadcast %mul3A_987 : i32 to vector<16xi32>
      %mul3A_989 = arith.muli %xor3A, %mul3A_988 : vector<16xi32>
      %shift_right_logical3A = arith.constant 13 : i32
      %shift_right_logical3A_990 = vector.broadcast %shift_right_logical3A : i32 to vector<16xi32>
      %shift_right_logical3A_991 = arith.shrui %mul3A_989, %shift_right_logical3A_990 : vector<16xi32>
      %jit3A_992 = arith.constant 8 : i64
      %convert_element_type3A = arith.trunci %jit3A_992 : i64 to i32
      %div3A_993 = arith.divsi %while3A_976, %convert_element_type3A : i32
      %sign3A_994 = arith.constant 0 : i32
      %sign3A_995 = arith.cmpi sgt, %while3A_976, %sign3A_994 : i32
      %sign3A_996 = arith.extui %sign3A_995 : i1 to i32
      %sign3A_997 = arith.constant 0 : i32
      %sign3A_998 = arith.cmpi slt, %while3A_976, %sign3A_997 : i32
      %sign3A_999 = arith.extui %sign3A_998 : i1 to i32
      %sign3A_1000 = arith.subi %sign3A_996, %sign3A_999 : i32
      %sign3A_1001 = arith.constant 0 : i32
      %sign3A_1002 = arith.cmpi sgt, %convert_element_type3A, %sign3A_1001 : i32
      %sign3A_1003 = arith.extui %sign3A_1002 : i1 to i32
      %sign3A_1004 = arith.constant 0 : i32
      %sign3A_1005 = arith.cmpi slt, %convert_element_type3A, %sign3A_1004 : i32
      %sign3A_1006 = arith.extui %sign3A_1005 : i1 to i32
      %sign3A_1007 = arith.subi %sign3A_1003, %sign3A_1006 : i32
      %ne3A_1008 = arith.cmpi ne, %sign3A_1000, %sign3A_1007 : i32
      %rem3A_1009 = arith.remsi %while3A_976, %convert_element_type3A : i32
      %ne3A_1010 = arith.constant 0 : i32
      %ne3A_1011 = arith.cmpi ne, %rem3A_1009, %ne3A_1010 : i32
      %and3A_1012 = arith.andi %ne3A_1008, %ne3A_1011 : i1
      %sub3A_1013 = arith.constant 1 : i32
      %sub3A_1014 = arith.subi %div3A_993, %sub3A_1013 : i32
      %select_n3A_1015 = arith.select %and3A_1012, %sub3A_1014, %div3A_993 : i32
      %jit3A_1016 = arith.constant 8 : i64
      %convert_element_type3A_1017 = arith.trunci %jit3A_1016 : i64 to i32
      %eq3A = arith.constant 0 : i32
      %eq3A_1018 = arith.cmpi eq, %convert_element_type3A_1017, %eq3A : i32
      %jit3A_1019 = arith.constant 1 : i32
      %select_n3A_1020 = arith.select %eq3A_1018, %jit3A_1019, %convert_element_type3A_1017 : i32
      %rem3A_1021 = arith.remsi %while3A_976, %select_n3A_1020 : i32
      %ne3A_1022 = arith.constant 0 : i32
      %ne3A_1023 = arith.cmpi ne, %rem3A_1021, %ne3A_1022 : i32
      %lt3A = arith.constant 0 : i32
      %lt3A_1024 = arith.cmpi slt, %rem3A_1021, %lt3A : i32
      %lt3A_1025 = arith.constant 0 : i32
      %lt3A_1026 = arith.cmpi slt, %select_n3A_1020, %lt3A_1025 : i32
      %ne3A_1027 = arith.xori %lt3A_1024, %lt3A_1026 : i1
      %and3A_1028 = arith.andi %ne3A_1027, %ne3A_1023 : i1
      %add3A_1029 = arith.addi %rem3A_1021, %select_n3A_1020 : i32
      %select_n3A_1030 = arith.select %and3A_1028, %add3A_1029, %rem3A_1021 : i32
      %mul3A_1031 = arith.constant 16 : i32
      %mul3A_1032 = arith.muli %select_n3A_1030, %mul3A_1031 : i32
      %swap3A_1033 = arith.index_cast %select_n3A_1015 : i32 to index
      %swap3A_1034 = arith.index_cast %mul3A_1032 : i32 to index
      %swap3A_1035 = tpu.vector_load %arg11[%swap3A_1033, %swap3A_1034] {strides = array<i32>} : memref<8x128xi32, #tpu.memory_space<vmem>>, vector<1x16xi32>,
      %swap3A_1036 = vector.shape_cast %swap3A_1035 : vector<1x16xi32> to vector<16xi32>
      %swap3A_1037 = vector.shape_cast %shift_right_logical3A_991 : vector<16xi32> to vector<1x16xi32>
      tpu.vector_store %arg11[%swap3A_1033, %swap3A_1034], %swap3A_1037 {strides = array<i32>} : memref<8x128xi32, #tpu.memory_space<vmem>>, vector<1x16xi32>,
      %mul3A_1038 = arith.constant 16 : i32
      %mul3A_1039 = arith.muli %while3A_976, %mul3A_1038 : i32
      %add3A_1040 = arith.addi %mul3A_0, %mul3A_1039 : i32
      %iota3A_1041 = tpu.iota {dimensions = array<i32: 0>} : vector<16xi32>
      %add3A_1042 = vector.broadcast %add3A_1040 : i32 to vector<16xi32>
      %add3A_1043 = arith.addi %add3A_1042, %iota3A_1041 : vector<16xi32>
      %swap3A_1044 = arith.index_cast %mul3A_978 : i32 to index
      %swap3A_1045 = tpu.vector_load %arg7[%swap3A_1044] {strides = array<i32>} : memref<1024xi32, #tpu.memory_space<vmem>>, vector<16xi32>,
      %swap3A_1046 = vector.shape_cast %swap3A_1045 : vector<16xi32> to vector<16xi32>
      %swap3A_1047 = vector.shape_cast %add3A_1043 : vector<16xi32> to vector<16xi32>
      tpu.vector_store %arg7[%swap3A_1044], %swap3A_1047 {strides = array<i32>} : memref<1024xi32, #tpu.memory_space<vmem>>, vector<16xi32>,
      %broadcast_in_dim3A_1048 = arith.constant 1.000000e+00 : f32
      %broadcast_in_dim3A_1049 = vector.broadcast %broadcast_in_dim3A_1048 : f32 to vector<16xf32>
      %swap3A_1050 = arith.index_cast %mul3A_978 : i32 to index
      %swap3A_1051 = tpu.vector_load %arg9[%swap3A_1050] {strides = array<i32>} : memref<1024xf32, #tpu.memory_space<vmem>>, vector<16xf32>,
      %swap3A_1052 = vector.shape_cast %swap3A_1051 : vector<16xf32> to vector<16xf32>
      %swap3A_1053 = vector.shape_cast %broadcast_in_dim3A_1049 : vector<16xf32> to vector<16xf32>
      tpu.vector_store %arg9[%swap3A_1050], %swap3A_1053 {strides = array<i32>} : memref<1024xf32, #tpu.memory_space<vmem>>, vector<16xf32>,
      %broadcast_in_dim3A_1054 = arith.constant 0 : i32
      %broadcast_in_dim3A_1055 = vector.broadcast %broadcast_in_dim3A_1054 : i32 to vector<16xi32>
      %add3A_1056 = arith.constant 16384 : i32
      %add3A_1057 = vector.broadcast %add3A_1056 : i32 to vector<16xi32>
      %add3A_1058 = arith.addi %broadcast_in_dim3A_1055, %add3A_1057 : vector<16xi32>
      %jit3A_1059 = arith.constant 8 : i64
      %convert_element_type3A_1060 = arith.trunci %jit3A_1059 : i64 to i32
      %div3A_1061 = arith.divsi %while3A_976, %convert_element_type3A_1060 : i32
      %sign3A_1062 = arith.constant 0 : i32
      %sign3A_1063 = arith.cmpi sgt, %while3A_976, %sign3A_1062 : i32
      %sign3A_1064 = arith.extui %sign3A_1063 : i1 to i32
      %sign3A_1065 = arith.constant 0 : i32
      %sign3A_1066 = arith.cmpi slt, %while3A_976, %sign3A_1065 : i32
      %sign3A_1067 = arith.extui %sign3A_1066 : i1 to i32
      %sign3A_1068 = arith.subi %sign3A_1064, %sign3A_1067 : i32
      %sign3A_1069 = arith.constant 0 : i32
      %sign3A_1070 = arith.cmpi sgt, %convert_element_type3A_1060, %sign3A_1069 : i32
      %sign3A_1071 = arith.extui %sign3A_1070 : i1 to i32
      %sign3A_1072 = arith.constant 0 : i32
      %sign3A_1073 = arith.cmpi slt, %convert_element_type3A_1060, %sign3A_1072 : i32
      %sign3A_1074 = arith.extui %sign3A_1073 : i1 to i32
      %sign3A_1075 = arith.subi %sign3A_1071, %sign3A_1074 : i32
      %ne3A_1076 = arith.cmpi ne, %sign3A_1068, %sign3A_1075 : i32
      %rem3A_1077 = arith.remsi %while3A_976, %convert_element_type3A_1060 : i32
      %ne3A_1078 = arith.constant 0 : i32
      %ne3A_1079 = arith.cmpi ne, %rem3A_1077, %ne3A_1078 : i32
      %and3A_1080 = arith.andi %ne3A_1076, %ne3A_1079 : i1
      %sub3A_1081 = arith.constant 1 : i32
      %sub3A_1082 = arith.subi %div3A_1061, %sub3A_1081 : i32
      %select_n3A_1083 = arith.select %and3A_1080, %sub3A_1082, %div3A_1061 : i32
      %jit3A_1084 = arith.constant 8 : i64
      %convert_element_type3A_1085 = arith.trunci %jit3A_1084 : i64 to i32
      %eq3A_1086 = arith.constant 0 : i32
      %eq3A_1087 = arith.cmpi eq, %convert_element_type3A_1085, %eq3A_1086 : i32
      %jit3A_1088 = arith.constant 1 : i32
      %select_n3A_1089 = arith.select %eq3A_1087, %jit3A_1088, %convert_element_type3A_1085 : i32
      %rem3A_1090 = arith.remsi %while3A_976, %select_n3A_1089 : i32
      %ne3A_1091 = arith.constant 0 : i32
      %ne3A_1092 = arith.cmpi ne, %rem3A_1090, %ne3A_1091 : i32
      %lt3A_1093 = arith.constant 0 : i32
      %lt3A_1094 = arith.cmpi slt, %rem3A_1090, %lt3A_1093 : i32
      %lt3A_1095 = arith.constant 0 : i32
      %lt3A_1096 = arith.cmpi slt, %select_n3A_1089, %lt3A_1095 : i32
      %ne3A_1097 = arith.xori %lt3A_1094, %lt3A_1096 : i1
      %and3A_1098 = arith.andi %ne3A_1097, %ne3A_1092 : i1
      %add3A_1099 = arith.addi %rem3A_1090, %select_n3A_1089 : i32
      %select_n3A_1100 = arith.select %and3A_1098, %add3A_1099, %rem3A_1090 : i32
      %mul3A_1101 = arith.constant 16 : i32
      %mul3A_1102 = arith.muli %select_n3A_1100, %mul3A_1101 : i32
      %swap3A_1103 = arith.index_cast %select_n3A_1083 : i32 to index
      %swap3A_1104 = arith.index_cast %mul3A_1102 : i32 to index
      %swap3A_1105 = tpu.vector_load %arg13[%swap3A_1103, %swap3A_1104] {strides = array<i32>} : memref<8x128xi32, #tpu.memory_space<vmem>>, vector<1x16xi32>,
      %swap3A_1106 = vector.shape_cast %swap3A_1105 : vector<1x16xi32> to vector<16xi32>
      %swap3A_1107 = vector.shape_cast %add3A_1058 : vector<16xi32> to vector<1x16xi32>
      tpu.vector_store %arg13[%swap3A_1103, %swap3A_1104], %swap3A_1107 {strides = array<i32>} : memref<8x128xi32, #tpu.memory_space<vmem>>, vector<1x16xi32>,
    }
    %dma_start3A_147 = tpu.memref_slice %arg24[%mul3A_2] : memref<16640xi32, #tpu.memory_space<vmem_shared>> -> memref<1040xi32, #tpu.memory_space<vmem_shared>>
    %dma_start3A_148 = tpu.memref_slice %arg24[%mul3A_2] : memref<16640xi32, #tpu.memory_space<vmem_shared>> -> memref<1040xi32, #tpu.memory_space<vmem_shared>>
    tpu.enqueue_dma source(%arg16 : memref<1040xi32, #tpu.memory_space<vmem>>) target(%dma_start3A_148 : memref<1040xi32, #tpu.memory_space<vmem_shared>>) target_semaphore(%arg28 : memref<!tpu.dma_semaphore, #tpu.memory_space<semaphore_mem>>)
    %dma_start3A_149 = tpu.memref_slice %arg27[%mul3A_0] : memref<16400xf32, #tpu.memory_space<vmem_shared>> -> memref<1024xf32, #tpu.memory_space<vmem_shared>>
    %dma_start3A_150 = tpu.memref_slice %arg27[%mul3A_0] : memref<16400xf32, #tpu.memory_space<vmem_shared>> -> memref<1024xf32, #tpu.memory_space<vmem_shared>>
    tpu.enqueue_dma source(%arg9 : memref<1024xf32, #tpu.memory_space<vmem>>) target(%dma_start3A_150 : memref<1024xf32, #tpu.memory_space<vmem_shared>>) target_semaphore(%arg28 : memref<!tpu.dma_semaphore, #tpu.memory_space<semaphore_mem>>)
    %dma_wait3A_151 = tpu.memref_slice %arg22[%add3A_40] : memref<524288xi32, #tpu.memory_space<vmem_shared>> -> memref<2048xi32, #tpu.memory_space<vmem_shared>>
    %dma_wait3A_152 = tpu.memref_slice %arg22[%add3A_40] : memref<524288xi32, #tpu.memory_space<vmem_shared>> -> memref<2048xi32, #tpu.memory_space<vmem_shared>>
    tpu.wait_dma2 semaphore(%arg29 : memref<!tpu.dma_semaphore, #tpu.memory_space<semaphore_mem>>) src(%arg15 : memref<2048xi32, #tpu.memory_space<vmem>>) dst(%dma_wait3A_152 : memref<2048xi32, #tpu.memory_space<vmem_shared>>)
    %dma_wait3A_153 = tpu.memref_slice %arg22[%add3A_46] : memref<524288xi32, #tpu.memory_space<vmem_shared>> -> memref<2048xi32, #tpu.memory_space<vmem_shared>>
    %dma_wait3A_154 = tpu.memref_slice %arg22[%add3A_46] : memref<524288xi32, #tpu.memory_space<vmem_shared>> -> memref<2048xi32, #tpu.memory_space<vmem_shared>>
    tpu.wait_dma2 semaphore(%arg29 : memref<!tpu.dma_semaphore, #tpu.memory_space<semaphore_mem>>) src(%arg15 : memref<2048xi32, #tpu.memory_space<vmem>>) dst(%dma_wait3A_154 : memref<2048xi32, #tpu.memory_space<vmem_shared>>)
    %dma_wait3A_155 = tpu.memref_slice %arg22[%add3A_52] : memref<524288xi32, #tpu.memory_space<vmem_shared>> -> memref<2048xi32, #tpu.memory_space<vmem_shared>>
    %dma_wait3A_156 = tpu.memref_slice %arg22[%add3A_52] : memref<524288xi32, #tpu.memory_space<vmem_shared>> -> memref<2048xi32, #tpu.memory_space<vmem_shared>>
    tpu.wait_dma2 semaphore(%arg29 : memref<!tpu.dma_semaphore, #tpu.memory_space<semaphore_mem>>) src(%arg15 : memref<2048xi32, #tpu.memory_space<vmem>>) dst(%dma_wait3A_156 : memref<2048xi32, #tpu.memory_space<vmem_shared>>)
    %dma_wait3A_157 = tpu.memref_slice %arg22[%add3A_58] : memref<524288xi32, #tpu.memory_space<vmem_shared>> -> memref<2048xi32, #tpu.memory_space<vmem_shared>>
    %dma_wait3A_158 = tpu.memref_slice %arg22[%add3A_58] : memref<524288xi32, #tpu.memory_space<vmem_shared>> -> memref<2048xi32, #tpu.memory_space<vmem_shared>>
    tpu.wait_dma2 semaphore(%arg29 : memref<!tpu.dma_semaphore, #tpu.memory_space<semaphore_mem>>) src(%arg15 : memref<2048xi32, #tpu.memory_space<vmem>>) dst(%dma_wait3A_158 : memref<2048xi32, #tpu.memory_space<vmem_shared>>)
    %dma_wait3A_159 = tpu.memref_slice %arg22[%add3A_64] : memref<524288xi32, #tpu.memory_space<vmem_shared>> -> memref<2048xi32, #tpu.memory_space<vmem_shared>>
    %dma_wait3A_160 = tpu.memref_slice %arg22[%add3A_64] : memref<524288xi32, #tpu.memory_space<vmem_shared>> -> memref<2048xi32, #tpu.memory_space<vmem_shared>>
    tpu.wait_dma2 semaphore(%arg29 : memref<!tpu.dma_semaphore, #tpu.memory_space<semaphore_mem>>) src(%arg15 : memref<2048xi32, #tpu.memory_space<vmem>>) dst(%dma_wait3A_160 : memref<2048xi32, #tpu.memory_space<vmem_shared>>)
    %dma_wait3A_161 = tpu.memref_slice %arg22[%add3A_70] : memref<524288xi32, #tpu.memory_space<vmem_shared>> -> memref<2048xi32, #tpu.memory_space<vmem_shared>>
    %dma_wait3A_162 = tpu.memref_slice %arg22[%add3A_70] : memref<524288xi32, #tpu.memory_space<vmem_shared>> -> memref<2048xi32, #tpu.memory_space<vmem_shared>>
    tpu.wait_dma2 semaphore(%arg29 : memref<!tpu.dma_semaphore, #tpu.memory_space<semaphore_mem>>) src(%arg15 : memref<2048xi32, #tpu.memory_space<vmem>>) dst(%dma_wait3A_162 : memref<2048xi32, #tpu.memory_space<vmem_shared>>)
    %dma_wait3A_163 = tpu.memref_slice %arg22[%add3A_76] : memref<524288xi32, #tpu.memory_space<vmem_shared>> -> memref<2048xi32, #tpu.memory_space<vmem_shared>>
    %dma_wait3A_164 = tpu.memref_slice %arg22[%add3A_76] : memref<524288xi32, #tpu.memory_space<vmem_shared>> -> memref<2048xi32, #tpu.memory_space<vmem_shared>>
    tpu.wait_dma2 semaphore(%arg29 : memref<!tpu.dma_semaphore, #tpu.memory_space<semaphore_mem>>) src(%arg15 : memref<2048xi32, #tpu.memory_space<vmem>>) dst(%dma_wait3A_164 : memref<2048xi32, #tpu.memory_space<vmem_shared>>)
    %dma_wait3A_165 = tpu.memref_slice %arg22[%add3A_82] : memref<524288xi32, #tpu.memory_space<vmem_shared>> -> memref<2048xi32, #tpu.memory_space<vmem_shared>>
    %dma_wait3A_166 = tpu.memref_slice %arg22[%add3A_82] : memref<524288xi32, #tpu.memory_space<vmem_shared>> -> memref<2048xi32, #tpu.memory_space<vmem_shared>>
    tpu.wait_dma2 semaphore(%arg29 : memref<!tpu.dma_semaphore, #tpu.memory_space<semaphore_mem>>) src(%arg15 : memref<2048xi32, #tpu.memory_space<vmem>>) dst(%dma_wait3A_166 : memref<2048xi32, #tpu.memory_space<vmem_shared>>)
    %dma_wait3A_167 = tpu.memref_slice %arg22[%add3A_88] : memref<524288xi32, #tpu.memory_space<vmem_shared>> -> memref<2048xi32, #tpu.memory_space<vmem_shared>>
    %dma_wait3A_168 = tpu.memref_slice %arg22[%add3A_88] : memref<524288xi32, #tpu.memory_space<vmem_shared>> -> memref<2048xi32, #tpu.memory_space<vmem_shared>>
    tpu.wait_dma2 semaphore(%arg29 : memref<!tpu.dma_semaphore, #tpu.memory_space<semaphore_mem>>) src(%arg15 : memref<2048xi32, #tpu.memory_space<vmem>>) dst(%dma_wait3A_168 : memref<2048xi32, #tpu.memory_space<vmem_shared>>)
    %dma_wait3A_169 = tpu.memref_slice %arg22[%add3A_94] : memref<524288xi32, #tpu.memory_space<vmem_shared>> -> memref<2048xi32, #tpu.memory_space<vmem_shared>>
    %dma_wait3A_170 = tpu.memref_slice %arg22[%add3A_94] : memref<524288xi32, #tpu.memory_space<vmem_shared>> -> memref<2048xi32, #tpu.memory_space<vmem_shared>>
    tpu.wait_dma2 semaphore(%arg29 : memref<!tpu.dma_semaphore, #tpu.memory_space<semaphore_mem>>) src(%arg15 : memref<2048xi32, #tpu.memory_space<vmem>>) dst(%dma_wait3A_170 : memref<2048xi32, #tpu.memory_space<vmem_shared>>)
    %dma_wait3A_171 = tpu.memref_slice %arg22[%add3A_100] : memref<524288xi32, #tpu.memory_space<vmem_shared>> -> memref<2048xi32, #tpu.memory_space<vmem_shared>>
    %dma_wait3A_172 = tpu.memref_slice %arg22[%add3A_100] : memref<524288xi32, #tpu.memory_space<vmem_shared>> -> memref<2048xi32, #tpu.memory_space<vmem_shared>>
    tpu.wait_dma2 semaphore(%arg29 : memref<!tpu.dma_semaphore, #tpu.memory_space<semaphore_mem>>) src(%arg15 : memref<2048xi32, #tpu.memory_space<vmem>>) dst(%dma_wait3A_172 : memref<2048xi32, #tpu.memory_space<vmem_shared>>)
    %dma_wait3A_173 = tpu.memref_slice %arg22[%add3A_106] : memref<524288xi32, #tpu.memory_space<vmem_shared>> -> memref<2048xi32, #tpu.memory_space<vmem_shared>>
    %dma_wait3A_174 = tpu.memref_slice %arg22[%add3A_106] : memref<524288xi32, #tpu.memory_space<vmem_shared>> -> memref<2048xi32, #tpu.memory_space<vmem_shared>>
    tpu.wait_dma2 semaphore(%arg29 : memref<!tpu.dma_semaphore, #tpu.memory_space<semaphore_mem>>) src(%arg15 : memref<2048xi32, #tpu.memory_space<vmem>>) dst(%dma_wait3A_174 : memref<2048xi32, #tpu.memory_space<vmem_shared>>)
    %dma_wait3A_175 = tpu.memref_slice %arg22[%add3A_112] : memref<524288xi32, #tpu.memory_space<vmem_shared>> -> memref<2048xi32, #tpu.memory_space<vmem_shared>>
    %dma_wait3A_176 = tpu.memref_slice %arg22[%add3A_112] : memref<524288xi32, #tpu.memory_space<vmem_shared>> -> memref<2048xi32, #tpu.memory_space<vmem_shared>>
    tpu.wait_dma2 semaphore(%arg29 : memref<!tpu.dma_semaphore, #tpu.memory_space<semaphore_mem>>) src(%arg15 : memref<2048xi32, #tpu.memory_space<vmem>>) dst(%dma_wait3A_176 : memref<2048xi32, #tpu.memory_space<vmem_shared>>)
    %dma_wait3A_177 = tpu.memref_slice %arg22[%add3A_118] : memref<524288xi32, #tpu.memory_space<vmem_shared>> -> memref<2048xi32, #tpu.memory_space<vmem_shared>>
    %dma_wait3A_178 = tpu.memref_slice %arg22[%add3A_118] : memref<524288xi32, #tpu.memory_space<vmem_shared>> -> memref<2048xi32, #tpu.memory_space<vmem_shared>>
    tpu.wait_dma2 semaphore(%arg29 : memref<!tpu.dma_semaphore, #tpu.memory_space<semaphore_mem>>) src(%arg15 : memref<2048xi32, #tpu.memory_space<vmem>>) dst(%dma_wait3A_178 : memref<2048xi32, #tpu.memory_space<vmem_shared>>)
    %dma_wait3A_179 = tpu.memref_slice %arg22[%add3A_124] : memref<524288xi32, #tpu.memory_space<vmem_shared>> -> memref<2048xi32, #tpu.memory_space<vmem_shared>>
    %dma_wait3A_180 = tpu.memref_slice %arg22[%add3A_124] : memref<524288xi32, #tpu.memory_space<vmem_shared>> -> memref<2048xi32, #tpu.memory_space<vmem_shared>>
    tpu.wait_dma2 semaphore(%arg29 : memref<!tpu.dma_semaphore, #tpu.memory_space<semaphore_mem>>) src(%arg15 : memref<2048xi32, #tpu.memory_space<vmem>>) dst(%dma_wait3A_180 : memref<2048xi32, #tpu.memory_space<vmem_shared>>)
    %dma_wait3A_181 = tpu.memref_slice %arg22[%add3A_130] : memref<524288xi32, #tpu.memory_space<vmem_shared>> -> memref<2048xi32, #tpu.memory_space<vmem_shared>>
    %dma_wait3A_182 = tpu.memref_slice %arg22[%add3A_130] : memref<524288xi32, #tpu.memory_space<vmem_shared>> -> memref<2048xi32, #tpu.memory_space<vmem_shared>>
    tpu.wait_dma2 semaphore(%arg29 : memref<!tpu.dma_semaphore, #tpu.memory_space<semaphore_mem>>) src(%arg15 : memref<2048xi32, #tpu.memory_space<vmem>>) dst(%dma_wait3A_182 : memref<2048xi32, #tpu.memory_space<vmem_shared>>)
    %barrier3A = arith.constant 0 : index
    tpu.barrier barrier_id(%barrier3A)
    %dma_start3A_183 = arith.constant 0 : i32
    %dma_start3A_184 = arith.constant 0 : i32
    %dma_start3A_185 = tpu.memref_slice %arg11[%dma_start3A_183, %dma_start3A_184] : memref<8x128xi32, #tpu.memory_space<vmem>> -> memref<1x128xi32, #tpu.memory_space<vmem>>
    %dma_start3A_186 = tpu.memref_squeeze %dma_start3A_185 : memref<1x128xi32, #tpu.memory_space<vmem>> -> memref<128xi32, #tpu.memory_space<vmem>>
    %dma_start3A_187 = arith.constant 0 : i32
    %dma_start3A_188 = tpu.memref_slice %arg22[%dma_start3A_187] : memref<524288xi32, #tpu.memory_space<vmem_shared>> -> memref<524288xi32, #tpu.memory_space<vmem_shared>>
    tpu.enqueue_indirect_dma source(%arg14 : memref<128xi32, #tpu.memory_space<vmem>>) target(%dma_start3A_188 : memref<524288xi32, #tpu.memory_space<vmem_shared>>) offsets(%dma_start3A_186 : memref<128xi32, #tpu.memory_space<vmem>>) semaphore(%arg30 : memref<!tpu.dma_semaphore, #tpu.memory_space<semaphore_mem>>) {add = true}
    %dma_start3A_189 = arith.constant 1 : i32
    %dma_start3A_190 = arith.constant 0 : i32
    %dma_start3A_191 = tpu.memref_slice %arg11[%dma_start3A_189, %dma_start3A_190] : memref<8x128xi32, #tpu.memory_space<vmem>> -> memref<1x128xi32, #tpu.memory_space<vmem>>
    %dma_start3A_192 = tpu.memref_squeeze %dma_start3A_191 : memref<1x128xi32, #tpu.memory_space<vmem>> -> memref<128xi32, #tpu.memory_space<vmem>>
    %dma_start3A_193 = arith.constant 0 : i32
    %dma_start3A_194 = tpu.memref_slice %arg22[%dma_start3A_193] : memref<524288xi32, #tpu.memory_space<vmem_shared>> -> memref<524288xi32, #tpu.memory_space<vmem_shared>>
    tpu.enqueue_indirect_dma source(%arg14 : memref<128xi32, #tpu.memory_space<vmem>>) target(%dma_start3A_194 : memref<524288xi32, #tpu.memory_space<vmem_shared>>) offsets(%dma_start3A_192 : memref<128xi32, #tpu.memory_space<vmem>>) semaphore(%arg30 : memref<!tpu.dma_semaphore, #tpu.memory_space<semaphore_mem>>) {add = true}
    %dma_start3A_195 = arith.constant 2 : i32
    %dma_start3A_196 = arith.constant 0 : i32
    %dma_start3A_197 = tpu.memref_slice %arg11[%dma_start3A_195, %dma_start3A_196] : memref<8x128xi32, #tpu.memory_space<vmem>> -> memref<1x128xi32, #tpu.memory_space<vmem>>
    %dma_start3A_198 = tpu.memref_squeeze %dma_start3A_197 : memref<1x128xi32, #tpu.memory_space<vmem>> -> memref<128xi32, #tpu.memory_space<vmem>>
    %dma_start3A_199 = arith.constant 0 : i32
    %dma_start3A_200 = tpu.memref_slice %arg22[%dma_start3A_199] : memref<524288xi32, #tpu.memory_space<vmem_shared>> -> memref<524288xi32, #tpu.memory_space<vmem_shared>>
    tpu.enqueue_indirect_dma source(%arg14 : memref<128xi32, #tpu.memory_space<vmem>>) target(%dma_start3A_200 : memref<524288xi32, #tpu.memory_space<vmem_shared>>) offsets(%dma_start3A_198 : memref<128xi32, #tpu.memory_space<vmem>>) semaphore(%arg30 : memref<!tpu.dma_semaphore, #tpu.memory_space<semaphore_mem>>) {add = true}
    %dma_start3A_201 = arith.constant 3 : i32
    %dma_start3A_202 = arith.constant 0 : i32
    %dma_start3A_203 = tpu.memref_slice %arg11[%dma_start3A_201, %dma_start3A_202] : memref<8x128xi32, #tpu.memory_space<vmem>> -> memref<1x128xi32, #tpu.memory_space<vmem>>
    %dma_start3A_204 = tpu.memref_squeeze %dma_start3A_203 : memref<1x128xi32, #tpu.memory_space<vmem>> -> memref<128xi32, #tpu.memory_space<vmem>>
    %dma_start3A_205 = arith.constant 0 : i32
    %dma_start3A_206 = tpu.memref_slice %arg22[%dma_start3A_205] : memref<524288xi32, #tpu.memory_space<vmem_shared>> -> memref<524288xi32, #tpu.memory_space<vmem_shared>>
    tpu.enqueue_indirect_dma source(%arg14 : memref<128xi32, #tpu.memory_space<vmem>>) target(%dma_start3A_206 : memref<524288xi32, #tpu.memory_space<vmem_shared>>) offsets(%dma_start3A_204 : memref<128xi32, #tpu.memory_space<vmem>>) semaphore(%arg30 : memref<!tpu.dma_semaphore, #tpu.memory_space<semaphore_mem>>) {add = true}
    %dma_start3A_207 = arith.constant 4 : i32
    %dma_start3A_208 = arith.constant 0 : i32
    %dma_start3A_209 = tpu.memref_slice %arg11[%dma_start3A_207, %dma_start3A_208] : memref<8x128xi32, #tpu.memory_space<vmem>> -> memref<1x128xi32, #tpu.memory_space<vmem>>
    %dma_start3A_210 = tpu.memref_squeeze %dma_start3A_209 : memref<1x128xi32, #tpu.memory_space<vmem>> -> memref<128xi32, #tpu.memory_space<vmem>>
    %dma_start3A_211 = arith.constant 0 : i32
    %dma_start3A_212 = tpu.memref_slice %arg22[%dma_start3A_211] : memref<524288xi32, #tpu.memory_space<vmem_shared>> -> memref<524288xi32, #tpu.memory_space<vmem_shared>>
    tpu.enqueue_indirect_dma source(%arg14 : memref<128xi32, #tpu.memory_space<vmem>>) target(%dma_start3A_212 : memref<524288xi32, #tpu.memory_space<vmem_shared>>) offsets(%dma_start3A_210 : memref<128xi32, #tpu.memory_space<vmem>>) semaphore(%arg30 : memref<!tpu.dma_semaphore, #tpu.memory_space<semaphore_mem>>) {add = true}
    %dma_start3A_213 = arith.constant 5 : i32
    %dma_start3A_214 = arith.constant 0 : i32
    %dma_start3A_215 = tpu.memref_slice %arg11[%dma_start3A_213, %dma_start3A_214] : memref<8x128xi32, #tpu.memory_space<vmem>> -> memref<1x128xi32, #tpu.memory_space<vmem>>
    %dma_start3A_216 = tpu.memref_squeeze %dma_start3A_215 : memref<1x128xi32, #tpu.memory_space<vmem>> -> memref<128xi32, #tpu.memory_space<vmem>>
    %dma_start3A_217 = arith.constant 0 : i32
    %dma_start3A_218 = tpu.memref_slice %arg22[%dma_start3A_217] : memref<524288xi32, #tpu.memory_space<vmem_shared>> -> memref<524288xi32, #tpu.memory_space<vmem_shared>>
    tpu.enqueue_indirect_dma source(%arg14 : memref<128xi32, #tpu.memory_space<vmem>>) target(%dma_start3A_218 : memref<524288xi32, #tpu.memory_space<vmem_shared>>) offsets(%dma_start3A_216 : memref<128xi32, #tpu.memory_space<vmem>>) semaphore(%arg30 : memref<!tpu.dma_semaphore, #tpu.memory_space<semaphore_mem>>) {add = true}
    %dma_start3A_219 = arith.constant 6 : i32
    %dma_start3A_220 = arith.constant 0 : i32
    %dma_start3A_221 = tpu.memref_slice %arg11[%dma_start3A_219, %dma_start3A_220] : memref<8x128xi32, #tpu.memory_space<vmem>> -> memref<1x128xi32, #tpu.memory_space<vmem>>
    %dma_start3A_222 = tpu.memref_squeeze %dma_start3A_221 : memref<1x128xi32, #tpu.memory_space<vmem>> -> memref<128xi32, #tpu.memory_space<vmem>>
    %dma_start3A_223 = arith.constant 0 : i32
    %dma_start3A_224 = tpu.memref_slice %arg22[%dma_start3A_223] : memref<524288xi32, #tpu.memory_space<vmem_shared>> -> memref<524288xi32, #tpu.memory_space<vmem_shared>>
    tpu.enqueue_indirect_dma source(%arg14 : memref<128xi32, #tpu.memory_space<vmem>>) target(%dma_start3A_224 : memref<524288xi32, #tpu.memory_space<vmem_shared>>) offsets(%dma_start3A_222 : memref<128xi32, #tpu.memory_space<vmem>>) semaphore(%arg30 : memref<!tpu.dma_semaphore, #tpu.memory_space<semaphore_mem>>) {add = true}
    %dma_start3A_225 = arith.constant 7 : i32
    %dma_start3A_226 = arith.constant 0 : i32
    %dma_start3A_227 = tpu.memref_slice %arg11[%dma_start3A_225, %dma_start3A_226] : memref<8x128xi32, #tpu.memory_space<vmem>> -> memref<1x128xi32, #tpu.memory_space<vmem>>
    %dma_start3A_228 = tpu.memref_squeeze %dma_start3A_227 : memref<1x128xi32, #tpu.memory_space<vmem>> -> memref<128xi32, #tpu.memory_space<vmem>>
    %dma_start3A_229 = arith.constant 0 : i32
    %dma_start3A_230 = tpu.memref_slice %arg22[%dma_start3A_229] : memref<524288xi32, #tpu.memory_space<vmem_shared>> -> memref<524288xi32, #tpu.memory_space<vmem_shared>>
    tpu.enqueue_indirect_dma source(%arg14 : memref<128xi32, #tpu.memory_space<vmem>>) target(%dma_start3A_230 : memref<524288xi32, #tpu.memory_space<vmem_shared>>) offsets(%dma_start3A_228 : memref<128xi32, #tpu.memory_space<vmem>>) semaphore(%arg30 : memref<!tpu.dma_semaphore, #tpu.memory_space<semaphore_mem>>) {add = true}
    %dma_wait3A_231 = arith.constant 0 : i32
    %dma_wait3A_232 = arith.constant 0 : i32
    %dma_wait3A_233 = tpu.memref_slice %arg11[%dma_wait3A_231, %dma_wait3A_232] : memref<8x128xi32, #tpu.memory_space<vmem>> -> memref<1x128xi32, #tpu.memory_space<vmem>>
    %dma_wait3A_234 = tpu.memref_squeeze %dma_wait3A_233 : memref<1x128xi32, #tpu.memory_space<vmem>> -> memref<128xi32, #tpu.memory_space<vmem>>
    %dma_wait3A_235 = arith.constant 0 : i32
    %dma_wait3A_236 = tpu.memref_slice %arg22[%dma_wait3A_235] : memref<524288xi32, #tpu.memory_space<vmem_shared>> -> memref<524288xi32, #tpu.memory_space<vmem_shared>>
    tpu.wait_indirect_dma semaphore(%arg30 : memref<!tpu.dma_semaphore, #tpu.memory_space<semaphore_mem>>) src(%arg14 : memref<128xi32, #tpu.memory_space<vmem>>) dst(%dma_wait3A_236 : memref<524288xi32, #tpu.memory_space<vmem_shared>>)
    %dma_wait3A_237 = arith.constant 1 : i32
    %dma_wait3A_238 = arith.constant 0 : i32
    %dma_wait3A_239 = tpu.memref_slice %arg11[%dma_wait3A_237, %dma_wait3A_238] : memref<8x128xi32, #tpu.memory_space<vmem>> -> memref<1x128xi32, #tpu.memory_space<vmem>>
    %dma_wait3A_240 = tpu.memref_squeeze %dma_wait3A_239 : memref<1x128xi32, #tpu.memory_space<vmem>> -> memref<128xi32, #tpu.memory_space<vmem>>
    %dma_wait3A_241 = arith.constant 0 : i32
    %dma_wait3A_242 = tpu.memref_slice %arg22[%dma_wait3A_241] : memref<524288xi32, #tpu.memory_space<vmem_shared>> -> memref<524288xi32, #tpu.memory_space<vmem_shared>>
    tpu.wait_indirect_dma semaphore(%arg30 : memref<!tpu.dma_semaphore, #tpu.memory_space<semaphore_mem>>) src(%arg14 : memref<128xi32, #tpu.memory_space<vmem>>) dst(%dma_wait3A_242 : memref<524288xi32, #tpu.memory_space<vmem_shared>>)
    %dma_wait3A_243 = arith.constant 2 : i32
    %dma_wait3A_244 = arith.constant 0 : i32
    %dma_wait3A_245 = tpu.memref_slice %arg11[%dma_wait3A_243, %dma_wait3A_244] : memref<8x128xi32, #tpu.memory_space<vmem>> -> memref<1x128xi32, #tpu.memory_space<vmem>>
    %dma_wait3A_246 = tpu.memref_squeeze %dma_wait3A_245 : memref<1x128xi32, #tpu.memory_space<vmem>> -> memref<128xi32, #tpu.memory_space<vmem>>
    %dma_wait3A_247 = arith.constant 0 : i32
    %dma_wait3A_248 = tpu.memref_slice %arg22[%dma_wait3A_247] : memref<524288xi32, #tpu.memory_space<vmem_shared>> -> memref<524288xi32, #tpu.memory_space<vmem_shared>>
    tpu.wait_indirect_dma semaphore(%arg30 : memref<!tpu.dma_semaphore, #tpu.memory_space<semaphore_mem>>) src(%arg14 : memref<128xi32, #tpu.memory_space<vmem>>) dst(%dma_wait3A_248 : memref<524288xi32, #tpu.memory_space<vmem_shared>>)
    %dma_wait3A_249 = arith.constant 3 : i32
    %dma_wait3A_250 = arith.constant 0 : i32
    %dma_wait3A_251 = tpu.memref_slice %arg11[%dma_wait3A_249, %dma_wait3A_250] : memref<8x128xi32, #tpu.memory_space<vmem>> -> memref<1x128xi32, #tpu.memory_space<vmem>>
    %dma_wait3A_252 = tpu.memref_squeeze %dma_wait3A_251 : memref<1x128xi32, #tpu.memory_space<vmem>> -> memref<128xi32, #tpu.memory_space<vmem>>
    %dma_wait3A_253 = arith.constant 0 : i32
    %dma_wait3A_254 = tpu.memref_slice %arg22[%dma_wait3A_253] : memref<524288xi32, #tpu.memory_space<vmem_shared>> -> memref<524288xi32, #tpu.memory_space<vmem_shared>>
    tpu.wait_indirect_dma semaphore(%arg30 : memref<!tpu.dma_semaphore, #tpu.memory_space<semaphore_mem>>) src(%arg14 : memref<128xi32, #tpu.memory_space<vmem>>) dst(%dma_wait3A_254 : memref<524288xi32, #tpu.memory_space<vmem_shared>>)
    %dma_wait3A_255 = arith.constant 4 : i32
    %dma_wait3A_256 = arith.constant 0 : i32
    %dma_wait3A_257 = tpu.memref_slice %arg11[%dma_wait3A_255, %dma_wait3A_256] : memref<8x128xi32, #tpu.memory_space<vmem>> -> memref<1x128xi32, #tpu.memory_space<vmem>>
    %dma_wait3A_258 = tpu.memref_squeeze %dma_wait3A_257 : memref<1x128xi32, #tpu.memory_space<vmem>> -> memref<128xi32, #tpu.memory_space<vmem>>
    %dma_wait3A_259 = arith.constant 0 : i32
    %dma_wait3A_260 = tpu.memref_slice %arg22[%dma_wait3A_259] : memref<524288xi32, #tpu.memory_space<vmem_shared>> -> memref<524288xi32, #tpu.memory_space<vmem_shared>>
    tpu.wait_indirect_dma semaphore(%arg30 : memref<!tpu.dma_semaphore, #tpu.memory_space<semaphore_mem>>) src(%arg14 : memref<128xi32, #tpu.memory_space<vmem>>) dst(%dma_wait3A_260 : memref<524288xi32, #tpu.memory_space<vmem_shared>>)
    %dma_wait3A_261 = arith.constant 5 : i32
    %dma_wait3A_262 = arith.constant 0 : i32
    %dma_wait3A_263 = tpu.memref_slice %arg11[%dma_wait3A_261, %dma_wait3A_262] : memref<8x128xi32, #tpu.memory_space<vmem>> -> memref<1x128xi32, #tpu.memory_space<vmem>>
    %dma_wait3A_264 = tpu.memref_squeeze %dma_wait3A_263 : memref<1x128xi32, #tpu.memory_space<vmem>> -> memref<128xi32, #tpu.memory_space<vmem>>
    %dma_wait3A_265 = arith.constant 0 : i32
    %dma_wait3A_266 = tpu.memref_slice %arg22[%dma_wait3A_265] : memref<524288xi32, #tpu.memory_space<vmem_shared>> -> memref<524288xi32, #tpu.memory_space<vmem_shared>>
    tpu.wait_indirect_dma semaphore(%arg30 : memref<!tpu.dma_semaphore, #tpu.memory_space<semaphore_mem>>) src(%arg14 : memref<128xi32, #tpu.memory_space<vmem>>) dst(%dma_wait3A_266 : memref<524288xi32, #tpu.memory_space<vmem_shared>>)
    %dma_wait3A_267 = arith.constant 6 : i32
    %dma_wait3A_268 = arith.constant 0 : i32
    %dma_wait3A_269 = tpu.memref_slice %arg11[%dma_wait3A_267, %dma_wait3A_268] : memref<8x128xi32, #tpu.memory_space<vmem>> -> memref<1x128xi32, #tpu.memory_space<vmem>>
    %dma_wait3A_270 = tpu.memref_squeeze %dma_wait3A_269 : memref<1x128xi32, #tpu.memory_space<vmem>> -> memref<128xi32, #tpu.memory_space<vmem>>
    %dma_wait3A_271 = arith.constant 0 : i32
    %dma_wait3A_272 = tpu.memref_slice %arg22[%dma_wait3A_271] : memref<524288xi32, #tpu.memory_space<vmem_shared>> -> memref<524288xi32, #tpu.memory_space<vmem_shared>>
    tpu.wait_indirect_dma semaphore(%arg30 : memref<!tpu.dma_semaphore, #tpu.memory_space<semaphore_mem>>) src(%arg14 : memref<128xi32, #tpu.memory_space<vmem>>) dst(%dma_wait3A_272 : memref<524288xi32, #tpu.memory_space<vmem_shared>>)
    %dma_wait3A_273 = arith.constant 7 : i32
    %dma_wait3A_274 = arith.constant 0 : i32
    %dma_wait3A_275 = tpu.memref_slice %arg11[%dma_wait3A_273, %dma_wait3A_274] : memref<8x128xi32, #tpu.memory_space<vmem>> -> memref<1x128xi32, #tpu.memory_space<vmem>>
    %dma_wait3A_276 = tpu.memref_squeeze %dma_wait3A_275 : memref<1x128xi32, #tpu.memory_space<vmem>> -> memref<128xi32, #tpu.memory_space<vmem>>
    %dma_wait3A_277 = arith.constant 0 : i32
    %dma_wait3A_278 = tpu.memref_slice %arg22[%dma_wait3A_277] : memref<524288xi32, #tpu.memory_space<vmem_shared>> -> memref<524288xi32, #tpu.memory_space<vmem_shared>>
    tpu.wait_indirect_dma semaphore(%arg30 : memref<!tpu.dma_semaphore, #tpu.memory_space<semaphore_mem>>) src(%arg14 : memref<128xi32, #tpu.memory_space<vmem>>) dst(%dma_wait3A_278 : memref<524288xi32, #tpu.memory_space<vmem_shared>>)
    %barrier3A_279 = arith.constant 0 : index
    tpu.barrier barrier_id(%barrier3A_279)
    %dma_start3A_280 = arith.constant 0 : i32
    %dma_start3A_281 = arith.constant 0 : i32
    %dma_start3A_282 = tpu.memref_slice %arg8[%dma_start3A_281] : memref<1024xi32, #tpu.memory_space<vmem>> -> memref<128xi32, #tpu.memory_space<vmem>>
    %dma_start3A_283 = arith.constant 0 : i32
    %dma_start3A_284 = tpu.memref_slice %arg11[%dma_start3A_280, %dma_start3A_283] : memref<8x128xi32, #tpu.memory_space<vmem>> -> memref<1x128xi32, #tpu.memory_space<vmem>>
    %dma_start3A_285 = tpu.memref_squeeze %dma_start3A_284 : memref<1x128xi32, #tpu.memory_space<vmem>> -> memref<128xi32, #tpu.memory_space<vmem>>
    %dma_start3A_286 = arith.constant 0 : i32
    %dma_start3A_287 = tpu.memref_slice %arg22[%dma_start3A_286] : memref<524288xi32, #tpu.memory_space<vmem_shared>> -> memref<524288xi32, #tpu.memory_space<vmem_shared>>
    tpu.enqueue_indirect_dma source(%dma_start3A_287 : memref<524288xi32, #tpu.memory_space<vmem_shared>>) target(%dma_start3A_282 : memref<128xi32, #tpu.memory_space<vmem>>) offsets(%dma_start3A_285 : memref<128xi32, #tpu.memory_space<vmem>>) semaphore(%arg30 : memref<!tpu.dma_semaphore, #tpu.memory_space<semaphore_mem>>)
    %dma_start3A_288 = arith.constant 1 : i32
    %dma_start3A_289 = arith.constant 128 : i32
    %dma_start3A_290 = tpu.memref_slice %arg8[%dma_start3A_289] : memref<1024xi32, #tpu.memory_space<vmem>> -> memref<128xi32, #tpu.memory_space<vmem>>
    %dma_start3A_291 = arith.constant 0 : i32
    %dma_start3A_292 = tpu.memref_slice %arg11[%dma_start3A_288, %dma_start3A_291] : memref<8x128xi32, #tpu.memory_space<vmem>> -> memref<1x128xi32, #tpu.memory_space<vmem>>
    %dma_start3A_293 = tpu.memref_squeeze %dma_start3A_292 : memref<1x128xi32, #tpu.memory_space<vmem>> -> memref<128xi32, #tpu.memory_space<vmem>>
    %dma_start3A_294 = arith.constant 0 : i32
    %dma_start3A_295 = tpu.memref_slice %arg22[%dma_start3A_294] : memref<524288xi32, #tpu.memory_space<vmem_shared>> -> memref<524288xi32, #tpu.memory_space<vmem_shared>>
    tpu.enqueue_indirect_dma source(%dma_start3A_295 : memref<524288xi32, #tpu.memory_space<vmem_shared>>) target(%dma_start3A_290 : memref<128xi32, #tpu.memory_space<vmem>>) offsets(%dma_start3A_293 : memref<128xi32, #tpu.memory_space<vmem>>) semaphore(%arg30 : memref<!tpu.dma_semaphore, #tpu.memory_space<semaphore_mem>>)
    %dma_start3A_296 = arith.constant 2 : i32
    %dma_start3A_297 = arith.constant 256 : i32
    %dma_start3A_298 = tpu.memref_slice %arg8[%dma_start3A_297] : memref<1024xi32, #tpu.memory_space<vmem>> -> memref<128xi32, #tpu.memory_space<vmem>>
    %dma_start3A_299 = arith.constant 0 : i32
    %dma_start3A_300 = tpu.memref_slice %arg11[%dma_start3A_296, %dma_start3A_299] : memref<8x128xi32, #tpu.memory_space<vmem>> -> memref<1x128xi32, #tpu.memory_space<vmem>>
    %dma_start3A_301 = tpu.memref_squeeze %dma_start3A_300 : memref<1x128xi32, #tpu.memory_space<vmem>> -> memref<128xi32, #tpu.memory_space<vmem>>
    %dma_start3A_302 = arith.constant 0 : i32
    %dma_start3A_303 = tpu.memref_slice %arg22[%dma_start3A_302] : memref<524288xi32, #tpu.memory_space<vmem_shared>> -> memref<524288xi32, #tpu.memory_space<vmem_shared>>
    tpu.enqueue_indirect_dma source(%dma_start3A_303 : memref<524288xi32, #tpu.memory_space<vmem_shared>>) target(%dma_start3A_298 : memref<128xi32, #tpu.memory_space<vmem>>) offsets(%dma_start3A_301 : memref<128xi32, #tpu.memory_space<vmem>>) semaphore(%arg30 : memref<!tpu.dma_semaphore, #tpu.memory_space<semaphore_mem>>)
    %dma_start3A_304 = arith.constant 3 : i32
    %dma_start3A_305 = arith.constant 384 : i32
    %dma_start3A_306 = tpu.memref_slice %arg8[%dma_start3A_305] : memref<1024xi32, #tpu.memory_space<vmem>> -> memref<128xi32, #tpu.memory_space<vmem>>
    %dma_start3A_307 = arith.constant 0 : i32
    %dma_start3A_308 = tpu.memref_slice %arg11[%dma_start3A_304, %dma_start3A_307] : memref<8x128xi32, #tpu.memory_space<vmem>> -> memref<1x128xi32, #tpu.memory_space<vmem>>
    %dma_start3A_309 = tpu.memref_squeeze %dma_start3A_308 : memref<1x128xi32, #tpu.memory_space<vmem>> -> memref<128xi32, #tpu.memory_space<vmem>>
    %dma_start3A_310 = arith.constant 0 : i32
    %dma_start3A_311 = tpu.memref_slice %arg22[%dma_start3A_310] : memref<524288xi32, #tpu.memory_space<vmem_shared>> -> memref<524288xi32, #tpu.memory_space<vmem_shared>>
    tpu.enqueue_indirect_dma source(%dma_start3A_311 : memref<524288xi32, #tpu.memory_space<vmem_shared>>) target(%dma_start3A_306 : memref<128xi32, #tpu.memory_space<vmem>>) offsets(%dma_start3A_309 : memref<128xi32, #tpu.memory_space<vmem>>) semaphore(%arg30 : memref<!tpu.dma_semaphore, #tpu.memory_space<semaphore_mem>>)
    %dma_start3A_312 = arith.constant 4 : i32
    %dma_start3A_313 = arith.constant 512 : i32
    %dma_start3A_314 = tpu.memref_slice %arg8[%dma_start3A_313] : memref<1024xi32, #tpu.memory_space<vmem>> -> memref<128xi32, #tpu.memory_space<vmem>>
    %dma_start3A_315 = arith.constant 0 : i32
    %dma_start3A_316 = tpu.memref_slice %arg11[%dma_start3A_312, %dma_start3A_315] : memref<8x128xi32, #tpu.memory_space<vmem>> -> memref<1x128xi32, #tpu.memory_space<vmem>>
    %dma_start3A_317 = tpu.memref_squeeze %dma_start3A_316 : memref<1x128xi32, #tpu.memory_space<vmem>> -> memref<128xi32, #tpu.memory_space<vmem>>
    %dma_start3A_318 = arith.constant 0 : i32
    %dma_start3A_319 = tpu.memref_slice %arg22[%dma_start3A_318] : memref<524288xi32, #tpu.memory_space<vmem_shared>> -> memref<524288xi32, #tpu.memory_space<vmem_shared>>
    tpu.enqueue_indirect_dma source(%dma_start3A_319 : memref<524288xi32, #tpu.memory_space<vmem_shared>>) target(%dma_start3A_314 : memref<128xi32, #tpu.memory_space<vmem>>) offsets(%dma_start3A_317 : memref<128xi32, #tpu.memory_space<vmem>>) semaphore(%arg30 : memref<!tpu.dma_semaphore, #tpu.memory_space<semaphore_mem>>)
    %dma_start3A_320 = arith.constant 5 : i32
    %dma_start3A_321 = arith.constant 640 : i32
    %dma_start3A_322 = tpu.memref_slice %arg8[%dma_start3A_321] : memref<1024xi32, #tpu.memory_space<vmem>> -> memref<128xi32, #tpu.memory_space<vmem>>
    %dma_start3A_323 = arith.constant 0 : i32
    %dma_start3A_324 = tpu.memref_slice %arg11[%dma_start3A_320, %dma_start3A_323] : memref<8x128xi32, #tpu.memory_space<vmem>> -> memref<1x128xi32, #tpu.memory_space<vmem>>
    %dma_start3A_325 = tpu.memref_squeeze %dma_start3A_324 : memref<1x128xi32, #tpu.memory_space<vmem>> -> memref<128xi32, #tpu.memory_space<vmem>>
    %dma_start3A_326 = arith.constant 0 : i32
    %dma_start3A_327 = tpu.memref_slice %arg22[%dma_start3A_326] : memref<524288xi32, #tpu.memory_space<vmem_shared>> -> memref<524288xi32, #tpu.memory_space<vmem_shared>>
    tpu.enqueue_indirect_dma source(%dma_start3A_327 : memref<524288xi32, #tpu.memory_space<vmem_shared>>) target(%dma_start3A_322 : memref<128xi32, #tpu.memory_space<vmem>>) offsets(%dma_start3A_325 : memref<128xi32, #tpu.memory_space<vmem>>) semaphore(%arg30 : memref<!tpu.dma_semaphore, #tpu.memory_space<semaphore_mem>>)
    %dma_start3A_328 = arith.constant 6 : i32
    %dma_start3A_329 = arith.constant 768 : i32
    %dma_start3A_330 = tpu.memref_slice %arg8[%dma_start3A_329] : memref<1024xi32, #tpu.memory_space<vmem>> -> memref<128xi32, #tpu.memory_space<vmem>>
    %dma_start3A_331 = arith.constant 0 : i32
    %dma_start3A_332 = tpu.memref_slice %arg11[%dma_start3A_328, %dma_start3A_331] : memref<8x128xi32, #tpu.memory_space<vmem>> -> memref<1x128xi32, #tpu.memory_space<vmem>>
    %dma_start3A_333 = tpu.memref_squeeze %dma_start3A_332 : memref<1x128xi32, #tpu.memory_space<vmem>> -> memref<128xi32, #tpu.memory_space<vmem>>
    %dma_start3A_334 = arith.constant 0 : i32
    %dma_start3A_335 = tpu.memref_slice %arg22[%dma_start3A_334] : memref<524288xi32, #tpu.memory_space<vmem_shared>> -> memref<524288xi32, #tpu.memory_space<vmem_shared>>
    tpu.enqueue_indirect_dma source(%dma_start3A_335 : memref<524288xi32, #tpu.memory_space<vmem_shared>>) target(%dma_start3A_330 : memref<128xi32, #tpu.memory_space<vmem>>) offsets(%dma_start3A_333 : memref<128xi32, #tpu.memory_space<vmem>>) semaphore(%arg30 : memref<!tpu.dma_semaphore, #tpu.memory_space<semaphore_mem>>)
    %dma_start3A_336 = arith.constant 7 : i32
    %dma_start3A_337 = arith.constant 896 : i32
    %dma_start3A_338 = tpu.memref_slice %arg8[%dma_start3A_337] : memref<1024xi32, #tpu.memory_space<vmem>> -> memref<128xi32, #tpu.memory_space<vmem>>
    %dma_start3A_339 = arith.constant 0 : i32
    %dma_start3A_340 = tpu.memref_slice %arg11[%dma_start3A_336, %dma_start3A_339] : memref<8x128xi32, #tpu.memory_space<vmem>> -> memref<1x128xi32, #tpu.memory_space<vmem>>
    %dma_start3A_341 = tpu.memref_squeeze %dma_start3A_340 : memref<1x128xi32, #tpu.memory_space<vmem>> -> memref<128xi32, #tpu.memory_space<vmem>>
    %dma_start3A_342 = arith.constant 0 : i32
    %dma_start3A_343 = tpu.memref_slice %arg22[%dma_start3A_342] : memref<524288xi32, #tpu.memory_space<vmem_shared>> -> memref<524288xi32, #tpu.memory_space<vmem_shared>>
    tpu.enqueue_indirect_dma source(%dma_start3A_343 : memref<524288xi32, #tpu.memory_space<vmem_shared>>) target(%dma_start3A_338 : memref<128xi32, #tpu.memory_space<vmem>>) offsets(%dma_start3A_341 : memref<128xi32, #tpu.memory_space<vmem>>) semaphore(%arg30 : memref<!tpu.dma_semaphore, #tpu.memory_space<semaphore_mem>>)
    %dma_wait3A_344 = arith.constant 0 : i32
    %dma_wait3A_345 = arith.constant 0 : i32
    %dma_wait3A_346 = tpu.memref_slice %arg8[%dma_wait3A_345] : memref<1024xi32, #tpu.memory_space<vmem>> -> memref<128xi32, #tpu.memory_space<vmem>>
    %dma_wait3A_347 = arith.constant 0 : i32
    %dma_wait3A_348 = tpu.memref_slice %arg11[%dma_wait3A_344, %dma_wait3A_347] : memref<8x128xi32, #tpu.memory_space<vmem>> -> memref<1x128xi32, #tpu.memory_space<vmem>>
    %dma_wait3A_349 = tpu.memref_squeeze %dma_wait3A_348 : memref<1x128xi32, #tpu.memory_space<vmem>> -> memref<128xi32, #tpu.memory_space<vmem>>
    %dma_wait3A_350 = arith.constant 0 : i32
    %dma_wait3A_351 = tpu.memref_slice %arg22[%dma_wait3A_350] : memref<524288xi32, #tpu.memory_space<vmem_shared>> -> memref<524288xi32, #tpu.memory_space<vmem_shared>>
    tpu.wait_indirect_dma semaphore(%arg30 : memref<!tpu.dma_semaphore, #tpu.memory_space<semaphore_mem>>) src(%dma_wait3A_351 : memref<524288xi32, #tpu.memory_space<vmem_shared>>) dst(%dma_wait3A_346 : memref<128xi32, #tpu.memory_space<vmem>>)
    %dma_wait3A_352 = arith.constant 1 : i32
    %dma_wait3A_353 = arith.constant 128 : i32
    %dma_wait3A_354 = tpu.memref_slice %arg8[%dma_wait3A_353] : memref<1024xi32, #tpu.memory_space<vmem>> -> memref<128xi32, #tpu.memory_space<vmem>>
    %dma_wait3A_355 = arith.constant 0 : i32
    %dma_wait3A_356 = tpu.memref_slice %arg11[%dma_wait3A_352, %dma_wait3A_355] : memref<8x128xi32, #tpu.memory_space<vmem>> -> memref<1x128xi32, #tpu.memory_space<vmem>>
    %dma_wait3A_357 = tpu.memref_squeeze %dma_wait3A_356 : memref<1x128xi32, #tpu.memory_space<vmem>> -> memref<128xi32, #tpu.memory_space<vmem>>
    %dma_wait3A_358 = arith.constant 0 : i32
    %dma_wait3A_359 = tpu.memref_slice %arg22[%dma_wait3A_358] : memref<524288xi32, #tpu.memory_space<vmem_shared>> -> memref<524288xi32, #tpu.memory_space<vmem_shared>>
    tpu.wait_indirect_dma semaphore(%arg30 : memref<!tpu.dma_semaphore, #tpu.memory_space<semaphore_mem>>) src(%dma_wait3A_359 : memref<524288xi32, #tpu.memory_space<vmem_shared>>) dst(%dma_wait3A_354 : memref<128xi32, #tpu.memory_space<vmem>>)
    %dma_wait3A_360 = arith.constant 2 : i32
    %dma_wait3A_361 = arith.constant 256 : i32
    %dma_wait3A_362 = tpu.memref_slice %arg8[%dma_wait3A_361] : memref<1024xi32, #tpu.memory_space<vmem>> -> memref<128xi32, #tpu.memory_space<vmem>>
    %dma_wait3A_363 = arith.constant 0 : i32
    %dma_wait3A_364 = tpu.memref_slice %arg11[%dma_wait3A_360, %dma_wait3A_363] : memref<8x128xi32, #tpu.memory_space<vmem>> -> memref<1x128xi32, #tpu.memory_space<vmem>>
    %dma_wait3A_365 = tpu.memref_squeeze %dma_wait3A_364 : memref<1x128xi32, #tpu.memory_space<vmem>> -> memref<128xi32, #tpu.memory_space<vmem>>
    %dma_wait3A_366 = arith.constant 0 : i32
    %dma_wait3A_367 = tpu.memref_slice %arg22[%dma_wait3A_366] : memref<524288xi32, #tpu.memory_space<vmem_shared>> -> memref<524288xi32, #tpu.memory_space<vmem_shared>>
    tpu.wait_indirect_dma semaphore(%arg30 : memref<!tpu.dma_semaphore, #tpu.memory_space<semaphore_mem>>) src(%dma_wait3A_367 : memref<524288xi32, #tpu.memory_space<vmem_shared>>) dst(%dma_wait3A_362 : memref<128xi32, #tpu.memory_space<vmem>>)
    %dma_wait3A_368 = arith.constant 3 : i32
    %dma_wait3A_369 = arith.constant 384 : i32
    %dma_wait3A_370 = tpu.memref_slice %arg8[%dma_wait3A_369] : memref<1024xi32, #tpu.memory_space<vmem>> -> memref<128xi32, #tpu.memory_space<vmem>>
    %dma_wait3A_371 = arith.constant 0 : i32
    %dma_wait3A_372 = tpu.memref_slice %arg11[%dma_wait3A_368, %dma_wait3A_371] : memref<8x128xi32, #tpu.memory_space<vmem>> -> memref<1x128xi32, #tpu.memory_space<vmem>>
    %dma_wait3A_373 = tpu.memref_squeeze %dma_wait3A_372 : memref<1x128xi32, #tpu.memory_space<vmem>> -> memref<128xi32, #tpu.memory_space<vmem>>
    %dma_wait3A_374 = arith.constant 0 : i32
    %dma_wait3A_375 = tpu.memref_slice %arg22[%dma_wait3A_374] : memref<524288xi32, #tpu.memory_space<vmem_shared>> -> memref<524288xi32, #tpu.memory_space<vmem_shared>>
    tpu.wait_indirect_dma semaphore(%arg30 : memref<!tpu.dma_semaphore, #tpu.memory_space<semaphore_mem>>) src(%dma_wait3A_375 : memref<524288xi32, #tpu.memory_space<vmem_shared>>) dst(%dma_wait3A_370 : memref<128xi32, #tpu.memory_space<vmem>>)
    %dma_wait3A_376 = arith.constant 4 : i32
    %dma_wait3A_377 = arith.constant 512 : i32
    %dma_wait3A_378 = tpu.memref_slice %arg8[%dma_wait3A_377] : memref<1024xi32, #tpu.memory_space<vmem>> -> memref<128xi32, #tpu.memory_space<vmem>>
    %dma_wait3A_379 = arith.constant 0 : i32
    %dma_wait3A_380 = tpu.memref_slice %arg11[%dma_wait3A_376, %dma_wait3A_379] : memref<8x128xi32, #tpu.memory_space<vmem>> -> memref<1x128xi32, #tpu.memory_space<vmem>>
    %dma_wait3A_381 = tpu.memref_squeeze %dma_wait3A_380 : memref<1x128xi32, #tpu.memory_space<vmem>> -> memref<128xi32, #tpu.memory_space<vmem>>
    %dma_wait3A_382 = arith.constant 0 : i32
    %dma_wait3A_383 = tpu.memref_slice %arg22[%dma_wait3A_382] : memref<524288xi32, #tpu.memory_space<vmem_shared>> -> memref<524288xi32, #tpu.memory_space<vmem_shared>>
    tpu.wait_indirect_dma semaphore(%arg30 : memref<!tpu.dma_semaphore, #tpu.memory_space<semaphore_mem>>) src(%dma_wait3A_383 : memref<524288xi32, #tpu.memory_space<vmem_shared>>) dst(%dma_wait3A_378 : memref<128xi32, #tpu.memory_space<vmem>>)
    %dma_wait3A_384 = arith.constant 5 : i32
    %dma_wait3A_385 = arith.constant 640 : i32
    %dma_wait3A_386 = tpu.memref_slice %arg8[%dma_wait3A_385] : memref<1024xi32, #tpu.memory_space<vmem>> -> memref<128xi32, #tpu.memory_space<vmem>>
    %dma_wait3A_387 = arith.constant 0 : i32
    %dma_wait3A_388 = tpu.memref_slice %arg11[%dma_wait3A_384, %dma_wait3A_387] : memref<8x128xi32, #tpu.memory_space<vmem>> -> memref<1x128xi32, #tpu.memory_space<vmem>>
    %dma_wait3A_389 = tpu.memref_squeeze %dma_wait3A_388 : memref<1x128xi32, #tpu.memory_space<vmem>> -> memref<128xi32, #tpu.memory_space<vmem>>
    %dma_wait3A_390 = arith.constant 0 : i32
    %dma_wait3A_391 = tpu.memref_slice %arg22[%dma_wait3A_390] : memref<524288xi32, #tpu.memory_space<vmem_shared>> -> memref<524288xi32, #tpu.memory_space<vmem_shared>>
    tpu.wait_indirect_dma semaphore(%arg30 : memref<!tpu.dma_semaphore, #tpu.memory_space<semaphore_mem>>) src(%dma_wait3A_391 : memref<524288xi32, #tpu.memory_space<vmem_shared>>) dst(%dma_wait3A_386 : memref<128xi32, #tpu.memory_space<vmem>>)
    %dma_wait3A_392 = arith.constant 6 : i32
    %dma_wait3A_393 = arith.constant 768 : i32
    %dma_wait3A_394 = tpu.memref_slice %arg8[%dma_wait3A_393] : memref<1024xi32, #tpu.memory_space<vmem>> -> memref<128xi32, #tpu.memory_space<vmem>>
    %dma_wait3A_395 = arith.constant 0 : i32
    %dma_wait3A_396 = tpu.memref_slice %arg11[%dma_wait3A_392, %dma_wait3A_395] : memref<8x128xi32, #tpu.memory_space<vmem>> -> memref<1x128xi32, #tpu.memory_space<vmem>>
    %dma_wait3A_397 = tpu.memref_squeeze %dma_wait3A_396 : memref<1x128xi32, #tpu.memory_space<vmem>> -> memref<128xi32, #tpu.memory_space<vmem>>
    %dma_wait3A_398 = arith.constant 0 : i32
    %dma_wait3A_399 = tpu.memref_slice %arg22[%dma_wait3A_398] : memref<524288xi32, #tpu.memory_space<vmem_shared>> -> memref<524288xi32, #tpu.memory_space<vmem_shared>>
    tpu.wait_indirect_dma semaphore(%arg30 : memref<!tpu.dma_semaphore, #tpu.memory_space<semaphore_mem>>) src(%dma_wait3A_399 : memref<524288xi32, #tpu.memory_space<vmem_shared>>) dst(%dma_wait3A_394 : memref<128xi32, #tpu.memory_space<vmem>>)
    %dma_wait3A_400 = arith.constant 7 : i32
    %dma_wait3A_401 = arith.constant 896 : i32
    %dma_wait3A_402 = tpu.memref_slice %arg8[%dma_wait3A_401] : memref<1024xi32, #tpu.memory_space<vmem>> -> memref<128xi32, #tpu.memory_space<vmem>>
    %dma_wait3A_403 = arith.constant 0 : i32
    %dma_wait3A_404 = tpu.memref_slice %arg11[%dma_wait3A_400, %dma_wait3A_403] : memref<8x128xi32, #tpu.memory_space<vmem>> -> memref<1x128xi32, #tpu.memory_space<vmem>>
    %dma_wait3A_405 = tpu.memref_squeeze %dma_wait3A_404 : memref<1x128xi32, #tpu.memory_space<vmem>> -> memref<128xi32, #tpu.memory_space<vmem>>
    %dma_wait3A_406 = arith.constant 0 : i32
    %dma_wait3A_407 = tpu.memref_slice %arg22[%dma_wait3A_406] : memref<524288xi32, #tpu.memory_space<vmem_shared>> -> memref<524288xi32, #tpu.memory_space<vmem_shared>>
    tpu.wait_indirect_dma semaphore(%arg30 : memref<!tpu.dma_semaphore, #tpu.memory_space<semaphore_mem>>) src(%dma_wait3A_407 : memref<524288xi32, #tpu.memory_space<vmem_shared>>) dst(%dma_wait3A_402 : memref<128xi32, #tpu.memory_space<vmem>>)
    %iota3A = tpu.iota {dimensions = array<i32: 0>} : vector<16xi32>
    %add3A_408 = arith.constant 1039 : i32
    %add3A_409 = arith.addi %mul3A_2, %add3A_408 : i32
    %while3A_410 = arith.constant 0 : i32
    %while3A_411 = arith.constant 64 : i32
    %while3A_412 = arith.constant 0 : i32
    %while3A_413 = arith.subi %while3A_411, %while3A_410 : i32
    %while3A_414 = arith.addi %while3A_410, %while3A_413 : i32
    %while3A_415 = arith.constant 1 : i32
    %while3A_416 = arith.divsi %while3A_413, %while3A_415 : i32
    %while3A_417 = arith.muli %while3A_416, %while3A_415 : i32
    %while3A_418 = arith.addi %while3A_410, %while3A_417 : i32
    %while3A_419 = arith.constant 1 : i32
    %while3A_420 = scf.for %while3A_976 = %while3A_410 to %while3A_418 step %while3A_419 iter_args(%while3A_977 = %while3A_412) -> (i32)  : i32 {
      %mul3A_978 = arith.constant 16 : i32
      %mul3A_979 = arith.muli %while3A_976, %mul3A_978 : i32
      %get3A = arith.index_cast %mul3A_979 : i32 to index
      %get3A_980 = tpu.vector_load %arg8[%get3A] {strides = array<i32>} : memref<1024xi32, #tpu.memory_space<vmem>>, vector<16xi32>,
      %get3A_981 = vector.shape_cast %get3A_980 : vector<16xi32> to vector<16xi32>
      %gt3A = arith.constant 1 : i32
      %gt3A_982 = vector.broadcast %gt3A : i32 to vector<16xi32>
      %gt3A_983 = arith.cmpi sgt, %get3A_981, %gt3A_982 : vector<16xi32>
      %broadcast_in_dim3A_984 = arith.constant 1 : i32
      %broadcast_in_dim3A_985 = vector.broadcast %broadcast_in_dim3A_984 : i32 to vector<16xi32>
      %broadcast_in_dim3A_986 = arith.constant 0 : i32
      %broadcast_in_dim3A_987 = vector.broadcast %broadcast_in_dim3A_986 : i32 to vector<16xi32>
      %select_n3A_988 = arith.select %gt3A_983, %broadcast_in_dim3A_985, %broadcast_in_dim3A_987 : vector<16xi1>, vector<16xi32>
      %broadcast_in_dim3A_989 = arith.constant 0 : i32
      %broadcast_in_dim3A_990 = vector.broadcast %broadcast_in_dim3A_989 : i32 to vector<16xi32>
      %eq3A = arith.constant 0 : i32
      %eq3A_991 = vector.broadcast %eq3A : i32 to vector<16xi32>
      %eq3A_992 = arith.cmpi eq, %iota3A, %eq3A_991 : vector<16xi32>
      %broadcast_in_dim3A_993 = arith.constant 0 : i32
      %broadcast_in_dim3A_994 = vector.broadcast %broadcast_in_dim3A_993 : i32 to vector<16xi32>
      %add3A_995 = arith.constant 0 : i32
      %add3A_996 = vector.broadcast %add3A_995 : i32 to vector<16xi32>
      %add3A_997 = arith.addi %broadcast_in_dim3A_994, %add3A_996 : vector<16xi32>
      %select_n3A_998 = arith.select %eq3A_992, %add3A_997, %broadcast_in_dim3A_990 : vector<16xi1>, vector<16xi32>
      %slice3A = vector.extract_strided_slice %select_n3A_988 {offsets = [0], sizes = [1], strides = [1]} : vector<16xi32> to vector<1xi32>
      %squeeze3A = vector.extract %slice3A[0] : i32 from vector<1xi32>
      %add3A_999 = arith.constant 0 : i32
      %add3A_1000 = arith.addi %add3A_999, %squeeze3A : i32
      %eq3A_1001 = arith.constant 1 : i32
      %eq3A_1002 = vector.broadcast %eq3A_1001 : i32 to vector<16xi32>
      %eq3A_1003 = arith.cmpi eq, %iota3A, %eq3A_1002 : vector<16xi32>
      %broadcast_in_dim3A_1004 = arith.constant 0 : i32
      %broadcast_in_dim3A_1005 = vector.broadcast %broadcast_in_dim3A_1004 : i32 to vector<16xi32>
      %add3A_1006 = vector.broadcast %add3A_1000 : i32 to vector<16xi32>
      %add3A_1007 = arith.addi %broadcast_in_dim3A_1005, %add3A_1006 : vector<16xi32>
      %select_n3A_1008 = arith.select %eq3A_1003, %add3A_1007, %select_n3A_998 : vector<16xi1>, vector<16xi32>
      %slice3A_1009 = vector.extract_strided_slice %select_n3A_988 {offsets = [1], sizes = [1], strides = [1]} : vector<16xi32> to vector<1xi32>
      %squeeze3A_1010 = vector.extract %slice3A_1009[0] : i32 from vector<1xi32>
      %add3A_1011 = arith.addi %add3A_1000, %squeeze3A_1010 : i32
      %eq3A_1012 = arith.constant 2 : i32
      %eq3A_1013 = vector.broadcast %eq3A_1012 : i32 to vector<16xi32>
      %eq3A_1014 = arith.cmpi eq, %iota3A, %eq3A_1013 : vector<16xi32>
      %broadcast_in_dim3A_1015 = arith.constant 0 : i32
      %broadcast_in_dim3A_1016 = vector.broadcast %broadcast_in_dim3A_1015 : i32 to vector<16xi32>
      %add3A_1017 = vector.broadcast %add3A_1011 : i32 to vector<16xi32>
      %add3A_1018 = arith.addi %broadcast_in_dim3A_1016, %add3A_1017 : vector<16xi32>
      %select_n3A_1019 = arith.select %eq3A_1014, %add3A_1018, %select_n3A_1008 : vector<16xi1>, vector<16xi32>
      %slice3A_1020 = vector.extract_strided_slice %select_n3A_988 {offsets = [2], sizes = [1], strides = [1]} : vector<16xi32> to vector<1xi32>
      %squeeze3A_1021 = vector.extract %slice3A_1020[0] : i32 from vector<1xi32>
      %add3A_1022 = arith.addi %add3A_1011, %squeeze3A_1021 : i32
      %eq3A_1023 = arith.constant 3 : i32
      %eq3A_1024 = vector.broadcast %eq3A_1023 : i32 to vector<16xi32>
      %eq3A_1025 = arith.cmpi eq, %iota3A, %eq3A_1024 : vector<16xi32>
      %broadcast_in_dim3A_1026 = arith.constant 0 : i32
      %broadcast_in_dim3A_1027 = vector.broadcast %broadcast_in_dim3A_1026 : i32 to vector<16xi32>
      %add3A_1028 = vector.broadcast %add3A_1022 : i32 to vector<16xi32>
      %add3A_1029 = arith.addi %broadcast_in_dim3A_1027, %add3A_1028 : vector<16xi32>
      %select_n3A_1030 = arith.select %eq3A_1025, %add3A_1029, %select_n3A_1019 : vector<16xi1>, vector<16xi32>
      %slice3A_1031 = vector.extract_strided_slice %select_n3A_988 {offsets = [3], sizes = [1], strides = [1]} : vector<16xi32> to vector<1xi32>
      %squeeze3A_1032 = vector.extract %slice3A_1031[0] : i32 from vector<1xi32>
      %add3A_1033 = arith.addi %add3A_1022, %squeeze3A_1032 : i32
      %eq3A_1034 = arith.constant 4 : i32
      %eq3A_1035 = vector.broadcast %eq3A_1034 : i32 to vector<16xi32>
      %eq3A_1036 = arith.cmpi eq, %iota3A, %eq3A_1035 : vector<16xi32>
      %broadcast_in_dim3A_1037 = arith.constant 0 : i32
      %broadcast_in_dim3A_1038 = vector.broadcast %broadcast_in_dim3A_1037 : i32 to vector<16xi32>
      %add3A_1039 = vector.broadcast %add3A_1033 : i32 to vector<16xi32>
      %add3A_1040 = arith.addi %broadcast_in_dim3A_1038, %add3A_1039 : vector<16xi32>
      %select_n3A_1041 = arith.select %eq3A_1036, %add3A_1040, %select_n3A_1030 : vector<16xi1>, vector<16xi32>
      %slice3A_1042 = vector.extract_strided_slice %select_n3A_988 {offsets = [4], sizes = [1], strides = [1]} : vector<16xi32> to vector<1xi32>
      %squeeze3A_1043 = vector.extract %slice3A_1042[0] : i32 from vector<1xi32>
      %add3A_1044 = arith.addi %add3A_1033, %squeeze3A_1043 : i32
      %eq3A_1045 = arith.constant 5 : i32
      %eq3A_1046 = vector.broadcast %eq3A_1045 : i32 to vector<16xi32>
      %eq3A_1047 = arith.cmpi eq, %iota3A, %eq3A_1046 : vector<16xi32>
      %broadcast_in_dim3A_1048 = arith.constant 0 : i32
      %broadcast_in_dim3A_1049 = vector.broadcast %broadcast_in_dim3A_1048 : i32 to vector<16xi32>
      %add3A_1050 = vector.broadcast %add3A_1044 : i32 to vector<16xi32>
      %add3A_1051 = arith.addi %broadcast_in_dim3A_1049, %add3A_1050 : vector<16xi32>
      %select_n3A_1052 = arith.select %eq3A_1047, %add3A_1051, %select_n3A_1041 : vector<16xi1>, vector<16xi32>
      %slice3A_1053 = vector.extract_strided_slice %select_n3A_988 {offsets = [5], sizes = [1], strides = [1]} : vector<16xi32> to vector<1xi32>
      %squeeze3A_1054 = vector.extract %slice3A_1053[0] : i32 from vector<1xi32>
      %add3A_1055 = arith.addi %add3A_1044, %squeeze3A_1054 : i32
      %eq3A_1056 = arith.constant 6 : i32
      %eq3A_1057 = vector.broadcast %eq3A_1056 : i32 to vector<16xi32>
      %eq3A_1058 = arith.cmpi eq, %iota3A, %eq3A_1057 : vector<16xi32>
      %broadcast_in_dim3A_1059 = arith.constant 0 : i32
      %broadcast_in_dim3A_1060 = vector.broadcast %broadcast_in_dim3A_1059 : i32 to vector<16xi32>
      %add3A_1061 = vector.broadcast %add3A_1055 : i32 to vector<16xi32>
      %add3A_1062 = arith.addi %broadcast_in_dim3A_1060, %add3A_1061 : vector<16xi32>
      %select_n3A_1063 = arith.select %eq3A_1058, %add3A_1062, %select_n3A_1052 : vector<16xi1>, vector<16xi32>
      %slice3A_1064 = vector.extract_strided_slice %select_n3A_988 {offsets = [6], sizes = [1], strides = [1]} : vector<16xi32> to vector<1xi32>
      %squeeze3A_1065 = vector.extract %slice3A_1064[0] : i32 from vector<1xi32>
      %add3A_1066 = arith.addi %add3A_1055, %squeeze3A_1065 : i32
      %eq3A_1067 = arith.constant 7 : i32
      %eq3A_1068 = vector.broadcast %eq3A_1067 : i32 to vector<16xi32>
      %eq3A_1069 = arith.cmpi eq, %iota3A, %eq3A_1068 : vector<16xi32>
      %broadcast_in_dim3A_1070 = arith.constant 0 : i32
      %broadcast_in_dim3A_1071 = vector.broadcast %broadcast_in_dim3A_1070 : i32 to vector<16xi32>
      %add3A_1072 = vector.broadcast %add3A_1066 : i32 to vector<16xi32>
      %add3A_1073 = arith.addi %broadcast_in_dim3A_1071, %add3A_1072 : vector<16xi32>
      %select_n3A_1074 = arith.select %eq3A_1069, %add3A_1073, %select_n3A_1063 : vector<16xi1>, vector<16xi32>
      %slice3A_1075 = vector.extract_strided_slice %select_n3A_988 {offsets = [7], sizes = [1], strides = [1]} : vector<16xi32> to vector<1xi32>
      %squeeze3A_1076 = vector.extract %slice3A_1075[0] : i32 from vector<1xi32>
      %add3A_1077 = arith.addi %add3A_1066, %squeeze3A_1076 : i32
      %eq3A_1078 = arith.constant 8 : i32
      %eq3A_1079 = vector.broadcast %eq3A_1078 : i32 to vector<16xi32>
      %eq3A_1080 = arith.cmpi eq, %iota3A, %eq3A_1079 : vector<16xi32>
      %broadcast_in_dim3A_1081 = arith.constant 0 : i32
      %broadcast_in_dim3A_1082 = vector.broadcast %broadcast_in_dim3A_1081 : i32 to vector<16xi32>
      %add3A_1083 = vector.broadcast %add3A_1077 : i32 to vector<16xi32>
      %add3A_1084 = arith.addi %broadcast_in_dim3A_1082, %add3A_1083 : vector<16xi32>
      %select_n3A_1085 = arith.select %eq3A_1080, %add3A_1084, %select_n3A_1074 : vector<16xi1>, vector<16xi32>
      %slice3A_1086 = vector.extract_strided_slice %select_n3A_988 {offsets = [8], sizes = [1], strides = [1]} : vector<16xi32> to vector<1xi32>
      %squeeze3A_1087 = vector.extract %slice3A_1086[0] : i32 from vector<1xi32>
      %add3A_1088 = arith.addi %add3A_1077, %squeeze3A_1087 : i32
      %eq3A_1089 = arith.constant 9 : i32
      %eq3A_1090 = vector.broadcast %eq3A_1089 : i32 to vector<16xi32>
      %eq3A_1091 = arith.cmpi eq, %iota3A, %eq3A_1090 : vector<16xi32>
      %broadcast_in_dim3A_1092 = arith.constant 0 : i32
      %broadcast_in_dim3A_1093 = vector.broadcast %broadcast_in_dim3A_1092 : i32 to vector<16xi32>
      %add3A_1094 = vector.broadcast %add3A_1088 : i32 to vector<16xi32>
      %add3A_1095 = arith.addi %broadcast_in_dim3A_1093, %add3A_1094 : vector<16xi32>
      %select_n3A_1096 = arith.select %eq3A_1091, %add3A_1095, %select_n3A_1085 : vector<16xi1>, vector<16xi32>
      %slice3A_1097 = vector.extract_strided_slice %select_n3A_988 {offsets = [9], sizes = [1], strides = [1]} : vector<16xi32> to vector<1xi32>
      %squeeze3A_1098 = vector.extract %slice3A_1097[0] : i32 from vector<1xi32>
      %add3A_1099 = arith.addi %add3A_1088, %squeeze3A_1098 : i32
      %eq3A_1100 = arith.constant 10 : i32
      %eq3A_1101 = vector.broadcast %eq3A_1100 : i32 to vector<16xi32>
      %eq3A_1102 = arith.cmpi eq, %iota3A, %eq3A_1101 : vector<16xi32>
      %broadcast_in_dim3A_1103 = arith.constant 0 : i32
      %broadcast_in_dim3A_1104 = vector.broadcast %broadcast_in_dim3A_1103 : i32 to vector<16xi32>
      %add3A_1105 = vector.broadcast %add3A_1099 : i32 to vector<16xi32>
      %add3A_1106 = arith.addi %broadcast_in_dim3A_1104, %add3A_1105 : vector<16xi32>
      %select_n3A_1107 = arith.select %eq3A_1102, %add3A_1106, %select_n3A_1096 : vector<16xi1>, vector<16xi32>
      %slice3A_1108 = vector.extract_strided_slice %select_n3A_988 {offsets = [10], sizes = [1], strides = [1]} : vector<16xi32> to vector<1xi32>
      %squeeze3A_1109 = vector.extract %slice3A_1108[0] : i32 from vector<1xi32>
      %add3A_1110 = arith.addi %add3A_1099, %squeeze3A_1109 : i32
      %eq3A_1111 = arith.constant 11 : i32
      %eq3A_1112 = vector.broadcast %eq3A_1111 : i32 to vector<16xi32>
      %eq3A_1113 = arith.cmpi eq, %iota3A, %eq3A_1112 : vector<16xi32>
      %broadcast_in_dim3A_1114 = arith.constant 0 : i32
      %broadcast_in_dim3A_1115 = vector.broadcast %broadcast_in_dim3A_1114 : i32 to vector<16xi32>
      %add3A_1116 = vector.broadcast %add3A_1110 : i32 to vector<16xi32>
      %add3A_1117 = arith.addi %broadcast_in_dim3A_1115, %add3A_1116 : vector<16xi32>
      %select_n3A_1118 = arith.select %eq3A_1113, %add3A_1117, %select_n3A_1107 : vector<16xi1>, vector<16xi32>
      %slice3A_1119 = vector.extract_strided_slice %select_n3A_988 {offsets = [11], sizes = [1], strides = [1]} : vector<16xi32> to vector<1xi32>
      %squeeze3A_1120 = vector.extract %slice3A_1119[0] : i32 from vector<1xi32>
      %add3A_1121 = arith.addi %add3A_1110, %squeeze3A_1120 : i32
      %eq3A_1122 = arith.constant 12 : i32
      %eq3A_1123 = vector.broadcast %eq3A_1122 : i32 to vector<16xi32>
      %eq3A_1124 = arith.cmpi eq, %iota3A, %eq3A_1123 : vector<16xi32>
      %broadcast_in_dim3A_1125 = arith.constant 0 : i32
      %broadcast_in_dim3A_1126 = vector.broadcast %broadcast_in_dim3A_1125 : i32 to vector<16xi32>
      %add3A_1127 = vector.broadcast %add3A_1121 : i32 to vector<16xi32>
      %add3A_1128 = arith.addi %broadcast_in_dim3A_1126, %add3A_1127 : vector<16xi32>
      %select_n3A_1129 = arith.select %eq3A_1124, %add3A_1128, %select_n3A_1118 : vector<16xi1>, vector<16xi32>
      %slice3A_1130 = vector.extract_strided_slice %select_n3A_988 {offsets = [12], sizes = [1], strides = [1]} : vector<16xi32> to vector<1xi32>
      %squeeze3A_1131 = vector.extract %slice3A_1130[0] : i32 from vector<1xi32>
      %add3A_1132 = arith.addi %add3A_1121, %squeeze3A_1131 : i32
      %eq3A_1133 = arith.constant 13 : i32
      %eq3A_1134 = vector.broadcast %eq3A_1133 : i32 to vector<16xi32>
      %eq3A_1135 = arith.cmpi eq, %iota3A, %eq3A_1134 : vector<16xi32>
      %broadcast_in_dim3A_1136 = arith.constant 0 : i32
      %broadcast_in_dim3A_1137 = vector.broadcast %broadcast_in_dim3A_1136 : i32 to vector<16xi32>
      %add3A_1138 = vector.broadcast %add3A_1132 : i32 to vector<16xi32>
      %add3A_1139 = arith.addi %broadcast_in_dim3A_1137, %add3A_1138 : vector<16xi32>
      %select_n3A_1140 = arith.select %eq3A_1135, %add3A_1139, %select_n3A_1129 : vector<16xi1>, vector<16xi32>
      %slice3A_1141 = vector.extract_strided_slice %select_n3A_988 {offsets = [13], sizes = [1], strides = [1]} : vector<16xi32> to vector<1xi32>
      %squeeze3A_1142 = vector.extract %slice3A_1141[0] : i32 from vector<1xi32>
      %add3A_1143 = arith.addi %add3A_1132, %squeeze3A_1142 : i32
      %eq3A_1144 = arith.constant 14 : i32
      %eq3A_1145 = vector.broadcast %eq3A_1144 : i32 to vector<16xi32>
      %eq3A_1146 = arith.cmpi eq, %iota3A, %eq3A_1145 : vector<16xi32>
      %broadcast_in_dim3A_1147 = arith.constant 0 : i32
      %broadcast_in_dim3A_1148 = vector.broadcast %broadcast_in_dim3A_1147 : i32 to vector<16xi32>
      %add3A_1149 = vector.broadcast %add3A_1143 : i32 to vector<16xi32>
      %add3A_1150 = arith.addi %broadcast_in_dim3A_1148, %add3A_1149 : vector<16xi32>
      %select_n3A_1151 = arith.select %eq3A_1146, %add3A_1150, %select_n3A_1140 : vector<16xi1>, vector<16xi32>
      %slice3A_1152 = vector.extract_strided_slice %select_n3A_988 {offsets = [14], sizes = [1], strides = [1]} : vector<16xi32> to vector<1xi32>
      %squeeze3A_1153 = vector.extract %slice3A_1152[0] : i32 from vector<1xi32>
      %add3A_1154 = arith.addi %add3A_1143, %squeeze3A_1153 : i32
      %eq3A_1155 = arith.constant 15 : i32
      %eq3A_1156 = vector.broadcast %eq3A_1155 : i32 to vector<16xi32>
      %eq3A_1157 = arith.cmpi eq, %iota3A, %eq3A_1156 : vector<16xi32>
      %broadcast_in_dim3A_1158 = arith.constant 0 : i32
      %broadcast_in_dim3A_1159 = vector.broadcast %broadcast_in_dim3A_1158 : i32 to vector<16xi32>
      %add3A_1160 = vector.broadcast %add3A_1154 : i32 to vector<16xi32>
      %add3A_1161 = arith.addi %broadcast_in_dim3A_1159, %add3A_1160 : vector<16xi32>
      %select_n3A_1162 = arith.select %eq3A_1157, %add3A_1161, %select_n3A_1151 : vector<16xi1>, vector<16xi32>
      %slice3A_1163 = vector.extract_strided_slice %select_n3A_988 {offsets = [15], sizes = [1], strides = [1]} : vector<16xi32> to vector<1xi32>
      %squeeze3A_1164 = vector.extract %slice3A_1163[0] : i32 from vector<1xi32>
      %add3A_1165 = arith.addi %add3A_1154, %squeeze3A_1164 : i32
      %add3A_1166 = arith.addi %while3A_977, %mul3A_2 : i32
      %add3A_1167 = vector.broadcast %add3A_1166 : i32 to vector<16xi32>
      %add3A_1168 = arith.addi %select_n3A_1162, %add3A_1167 : vector<16xi32>
      %broadcast_in_dim3A_1169 = vector.broadcast %add3A_409 : i32 to vector<16xi32>
      %select_n3A_1170 = arith.select %gt3A_983, %add3A_1168, %broadcast_in_dim3A_1169 : vector<16xi1>, vector<16xi32>
      %jit3A_1171 = arith.constant 8 : i64
      %convert_element_type3A = arith.trunci %jit3A_1171 : i64 to i32
      %div3A_1172 = arith.divsi %while3A_976, %convert_element_type3A : i32
      %sign3A_1173 = arith.constant 0 : i32
      %sign3A_1174 = arith.cmpi sgt, %while3A_976, %sign3A_1173 : i32
      %sign3A_1175 = arith.extui %sign3A_1174 : i1 to i32
      %sign3A_1176 = arith.constant 0 : i32
      %sign3A_1177 = arith.cmpi slt, %while3A_976, %sign3A_1176 : i32
      %sign3A_1178 = arith.extui %sign3A_1177 : i1 to i32
      %sign3A_1179 = arith.subi %sign3A_1175, %sign3A_1178 : i32
      %sign3A_1180 = arith.constant 0 : i32
      %sign3A_1181 = arith.cmpi sgt, %convert_element_type3A, %sign3A_1180 : i32
      %sign3A_1182 = arith.extui %sign3A_1181 : i1 to i32
      %sign3A_1183 = arith.constant 0 : i32
      %sign3A_1184 = arith.cmpi slt, %convert_element_type3A, %sign3A_1183 : i32
      %sign3A_1185 = arith.extui %sign3A_1184 : i1 to i32
      %sign3A_1186 = arith.subi %sign3A_1182, %sign3A_1185 : i32
      %ne3A_1187 = arith.cmpi ne, %sign3A_1179, %sign3A_1186 : i32
      %rem3A_1188 = arith.remsi %while3A_976, %convert_element_type3A : i32
      %ne3A_1189 = arith.constant 0 : i32
      %ne3A_1190 = arith.cmpi ne, %rem3A_1188, %ne3A_1189 : i32
      %and3A_1191 = arith.andi %ne3A_1187, %ne3A_1190 : i1
      %sub3A_1192 = arith.constant 1 : i32
      %sub3A_1193 = arith.subi %div3A_1172, %sub3A_1192 : i32
      %select_n3A_1194 = arith.select %and3A_1191, %sub3A_1193, %div3A_1172 : i32
      %jit3A_1195 = arith.constant 8 : i64
      %convert_element_type3A_1196 = arith.trunci %jit3A_1195 : i64 to i32
      %eq3A_1197 = arith.constant 0 : i32
      %eq3A_1198 = arith.cmpi eq, %convert_element_type3A_1196, %eq3A_1197 : i32
      %jit3A_1199 = arith.constant 1 : i32
      %select_n3A_1200 = arith.select %eq3A_1198, %jit3A_1199, %convert_element_type3A_1196 : i32
      %rem3A_1201 = arith.remsi %while3A_976, %select_n3A_1200 : i32
      %ne3A_1202 = arith.constant 0 : i32
      %ne3A_1203 = arith.cmpi ne, %rem3A_1201, %ne3A_1202 : i32
      %lt3A = arith.constant 0 : i32
      %lt3A_1204 = arith.cmpi slt, %rem3A_1201, %lt3A : i32
      %lt3A_1205 = arith.constant 0 : i32
      %lt3A_1206 = arith.cmpi slt, %select_n3A_1200, %lt3A_1205 : i32
      %ne3A_1207 = arith.xori %lt3A_1204, %lt3A_1206 : i1
      %and3A_1208 = arith.andi %ne3A_1207, %ne3A_1203 : i1
      %add3A_1209 = arith.addi %rem3A_1201, %select_n3A_1200 : i32
      %select_n3A_1210 = arith.select %and3A_1208, %add3A_1209, %rem3A_1201 : i32
      %mul3A_1211 = arith.constant 16 : i32
      %mul3A_1212 = arith.muli %select_n3A_1210, %mul3A_1211 : i32
      %swap3A_1213 = arith.index_cast %select_n3A_1194 : i32 to index
      %swap3A_1214 = arith.index_cast %mul3A_1212 : i32 to index
      %swap3A_1215 = tpu.vector_load %arg12[%swap3A_1213, %swap3A_1214] {strides = array<i32>} : memref<8x128xi32, #tpu.memory_space<vmem>>, vector<1x16xi32>,
      %swap3A_1216 = vector.shape_cast %swap3A_1215 : vector<1x16xi32> to vector<16xi32>
      %swap3A_1217 = vector.shape_cast %select_n3A_1170 : vector<16xi32> to vector<1x16xi32>
      tpu.vector_store %arg12[%swap3A_1213, %swap3A_1214], %swap3A_1217 {strides = array<i32>} : memref<8x128xi32, #tpu.memory_space<vmem>>, vector<1x16xi32>,
      %add3A_1218 = arith.addi %while3A_977, %add3A_1165 : i32
      scf.yield %add3A_1218 : i32
    }
    %while3A_421 = arith.constant 1 : i32
    %while3A_422 = scf.for %while3A_976 = %while3A_418 to %while3A_414 step %while3A_421 iter_args(%while3A_977 = %while3A_420) -> (i32)  : i32 {
      %mul3A_978 = arith.constant 16 : i32
      %mul3A_979 = arith.muli %while3A_976, %mul3A_978 : i32
      %get3A = arith.index_cast %mul3A_979 : i32 to index
      %get3A_980 = tpu.vector_load %arg8[%get3A] {strides = array<i32>} : memref<1024xi32, #tpu.memory_space<vmem>>, vector<16xi32>,
      %get3A_981 = vector.shape_cast %get3A_980 : vector<16xi32> to vector<16xi32>
      %gt3A = arith.constant 1 : i32
      %gt3A_982 = vector.broadcast %gt3A : i32 to vector<16xi32>
      %gt3A_983 = arith.cmpi sgt, %get3A_981, %gt3A_982 : vector<16xi32>
      %broadcast_in_dim3A_984 = arith.constant 1 : i32
      %broadcast_in_dim3A_985 = vector.broadcast %broadcast_in_dim3A_984 : i32 to vector<16xi32>
      %broadcast_in_dim3A_986 = arith.constant 0 : i32
      %broadcast_in_dim3A_987 = vector.broadcast %broadcast_in_dim3A_986 : i32 to vector<16xi32>
      %select_n3A_988 = arith.select %gt3A_983, %broadcast_in_dim3A_985, %broadcast_in_dim3A_987 : vector<16xi1>, vector<16xi32>
      %broadcast_in_dim3A_989 = arith.constant 0 : i32
      %broadcast_in_dim3A_990 = vector.broadcast %broadcast_in_dim3A_989 : i32 to vector<16xi32>
      %eq3A = arith.constant 0 : i32
      %eq3A_991 = vector.broadcast %eq3A : i32 to vector<16xi32>
      %eq3A_992 = arith.cmpi eq, %iota3A, %eq3A_991 : vector<16xi32>
      %broadcast_in_dim3A_993 = arith.constant 0 : i32
      %broadcast_in_dim3A_994 = vector.broadcast %broadcast_in_dim3A_993 : i32 to vector<16xi32>
      %add3A_995 = arith.constant 0 : i32
      %add3A_996 = vector.broadcast %add3A_995 : i32 to vector<16xi32>
      %add3A_997 = arith.addi %broadcast_in_dim3A_994, %add3A_996 : vector<16xi32>
      %select_n3A_998 = arith.select %eq3A_992, %add3A_997, %broadcast_in_dim3A_990 : vector<16xi1>, vector<16xi32>
      %slice3A = vector.extract_strided_slice %select_n3A_988 {offsets = [0], sizes = [1], strides = [1]} : vector<16xi32> to vector<1xi32>
      %squeeze3A = vector.extract %slice3A[0] : i32 from vector<1xi32>
      %add3A_999 = arith.constant 0 : i32
      %add3A_1000 = arith.addi %add3A_999, %squeeze3A : i32
      %eq3A_1001 = arith.constant 1 : i32
      %eq3A_1002 = vector.broadcast %eq3A_1001 : i32 to vector<16xi32>
      %eq3A_1003 = arith.cmpi eq, %iota3A, %eq3A_1002 : vector<16xi32>
      %broadcast_in_dim3A_1004 = arith.constant 0 : i32
      %broadcast_in_dim3A_1005 = vector.broadcast %broadcast_in_dim3A_1004 : i32 to vector<16xi32>
      %add3A_1006 = vector.broadcast %add3A_1000 : i32 to vector<16xi32>
      %add3A_1007 = arith.addi %broadcast_in_dim3A_1005, %add3A_1006 : vector<16xi32>
      %select_n3A_1008 = arith.select %eq3A_1003, %add3A_1007, %select_n3A_998 : vector<16xi1>, vector<16xi32>
      %slice3A_1009 = vector.extract_strided_slice %select_n3A_988 {offsets = [1], sizes = [1], strides = [1]} : vector<16xi32> to vector<1xi32>
      %squeeze3A_1010 = vector.extract %slice3A_1009[0] : i32 from vector<1xi32>
      %add3A_1011 = arith.addi %add3A_1000, %squeeze3A_1010 : i32
      %eq3A_1012 = arith.constant 2 : i32
      %eq3A_1013 = vector.broadcast %eq3A_1012 : i32 to vector<16xi32>
      %eq3A_1014 = arith.cmpi eq, %iota3A, %eq3A_1013 : vector<16xi32>
      %broadcast_in_dim3A_1015 = arith.constant 0 : i32
      %broadcast_in_dim3A_1016 = vector.broadcast %broadcast_in_dim3A_1015 : i32 to vector<16xi32>
      %add3A_1017 = vector.broadcast %add3A_1011 : i32 to vector<16xi32>
      %add3A_1018 = arith.addi %broadcast_in_dim3A_1016, %add3A_1017 : vector<16xi32>
      %select_n3A_1019 = arith.select %eq3A_1014, %add3A_1018, %select_n3A_1008 : vector<16xi1>, vector<16xi32>
      %slice3A_1020 = vector.extract_strided_slice %select_n3A_988 {offsets = [2], sizes = [1], strides = [1]} : vector<16xi32> to vector<1xi32>
      %squeeze3A_1021 = vector.extract %slice3A_1020[0] : i32 from vector<1xi32>
      %add3A_1022 = arith.addi %add3A_1011, %squeeze3A_1021 : i32
      %eq3A_1023 = arith.constant 3 : i32
      %eq3A_1024 = vector.broadcast %eq3A_1023 : i32 to vector<16xi32>
      %eq3A_1025 = arith.cmpi eq, %iota3A, %eq3A_1024 : vector<16xi32>
      %broadcast_in_dim3A_1026 = arith.constant 0 : i32
      %broadcast_in_dim3A_1027 = vector.broadcast %broadcast_in_dim3A_1026 : i32 to vector<16xi32>
      %add3A_1028 = vector.broadcast %add3A_1022 : i32 to vector<16xi32>
      %add3A_1029 = arith.addi %broadcast_in_dim3A_1027, %add3A_1028 : vector<16xi32>
      %select_n3A_1030 = arith.select %eq3A_1025, %add3A_1029, %select_n3A_1019 : vector<16xi1>, vector<16xi32>
      %slice3A_1031 = vector.extract_strided_slice %select_n3A_988 {offsets = [3], sizes = [1], strides = [1]} : vector<16xi32> to vector<1xi32>
      %squeeze3A_1032 = vector.extract %slice3A_1031[0] : i32 from vector<1xi32>
      %add3A_1033 = arith.addi %add3A_1022, %squeeze3A_1032 : i32
      %eq3A_1034 = arith.constant 4 : i32
      %eq3A_1035 = vector.broadcast %eq3A_1034 : i32 to vector<16xi32>
      %eq3A_1036 = arith.cmpi eq, %iota3A, %eq3A_1035 : vector<16xi32>
      %broadcast_in_dim3A_1037 = arith.constant 0 : i32
      %broadcast_in_dim3A_1038 = vector.broadcast %broadcast_in_dim3A_1037 : i32 to vector<16xi32>
      %add3A_1039 = vector.broadcast %add3A_1033 : i32 to vector<16xi32>
      %add3A_1040 = arith.addi %broadcast_in_dim3A_1038, %add3A_1039 : vector<16xi32>
      %select_n3A_1041 = arith.select %eq3A_1036, %add3A_1040, %select_n3A_1030 : vector<16xi1>, vector<16xi32>
      %slice3A_1042 = vector.extract_strided_slice %select_n3A_988 {offsets = [4], sizes = [1], strides = [1]} : vector<16xi32> to vector<1xi32>
      %squeeze3A_1043 = vector.extract %slice3A_1042[0] : i32 from vector<1xi32>
      %add3A_1044 = arith.addi %add3A_1033, %squeeze3A_1043 : i32
      %eq3A_1045 = arith.constant 5 : i32
      %eq3A_1046 = vector.broadcast %eq3A_1045 : i32 to vector<16xi32>
      %eq3A_1047 = arith.cmpi eq, %iota3A, %eq3A_1046 : vector<16xi32>
      %broadcast_in_dim3A_1048 = arith.constant 0 : i32
      %broadcast_in_dim3A_1049 = vector.broadcast %broadcast_in_dim3A_1048 : i32 to vector<16xi32>
      %add3A_1050 = vector.broadcast %add3A_1044 : i32 to vector<16xi32>
      %add3A_1051 = arith.addi %broadcast_in_dim3A_1049, %add3A_1050 : vector<16xi32>
      %select_n3A_1052 = arith.select %eq3A_1047, %add3A_1051, %select_n3A_1041 : vector<16xi1>, vector<16xi32>
      %slice3A_1053 = vector.extract_strided_slice %select_n3A_988 {offsets = [5], sizes = [1], strides = [1]} : vector<16xi32> to vector<1xi32>
      %squeeze3A_1054 = vector.extract %slice3A_1053[0] : i32 from vector<1xi32>
      %add3A_1055 = arith.addi %add3A_1044, %squeeze3A_1054 : i32
      %eq3A_1056 = arith.constant 6 : i32
      %eq3A_1057 = vector.broadcast %eq3A_1056 : i32 to vector<16xi32>
      %eq3A_1058 = arith.cmpi eq, %iota3A, %eq3A_1057 : vector<16xi32>
      %broadcast_in_dim3A_1059 = arith.constant 0 : i32
      %broadcast_in_dim3A_1060 = vector.broadcast %broadcast_in_dim3A_1059 : i32 to vector<16xi32>
      %add3A_1061 = vector.broadcast %add3A_1055 : i32 to vector<16xi32>
      %add3A_1062 = arith.addi %broadcast_in_dim3A_1060, %add3A_1061 : vector<16xi32>
      %select_n3A_1063 = arith.select %eq3A_1058, %add3A_1062, %select_n3A_1052 : vector<16xi1>, vector<16xi32>
      %slice3A_1064 = vector.extract_strided_slice %select_n3A_988 {offsets = [6], sizes = [1], strides = [1]} : vector<16xi32> to vector<1xi32>
      %squeeze3A_1065 = vector.extract %slice3A_1064[0] : i32 from vector<1xi32>
      %add3A_1066 = arith.addi %add3A_1055, %squeeze3A_1065 : i32
      %eq3A_1067 = arith.constant 7 : i32
      %eq3A_1068 = vector.broadcast %eq3A_1067 : i32 to vector<16xi32>
      %eq3A_1069 = arith.cmpi eq, %iota3A, %eq3A_1068 : vector<16xi32>
      %broadcast_in_dim3A_1070 = arith.constant 0 : i32
      %broadcast_in_dim3A_1071 = vector.broadcast %broadcast_in_dim3A_1070 : i32 to vector<16xi32>
      %add3A_1072 = vector.broadcast %add3A_1066 : i32 to vector<16xi32>
      %add3A_1073 = arith.addi %broadcast_in_dim3A_1071, %add3A_1072 : vector<16xi32>
      %select_n3A_1074 = arith.select %eq3A_1069, %add3A_1073, %select_n3A_1063 : vector<16xi1>, vector<16xi32>
      %slice3A_1075 = vector.extract_strided_slice %select_n3A_988 {offsets = [7], sizes = [1], strides = [1]} : vector<16xi32> to vector<1xi32>
      %squeeze3A_1076 = vector.extract %slice3A_1075[0] : i32 from vector<1xi32>
      %add3A_1077 = arith.addi %add3A_1066, %squeeze3A_1076 : i32
      %eq3A_1078 = arith.constant 8 : i32
      %eq3A_1079 = vector.broadcast %eq3A_1078 : i32 to vector<16xi32>
      %eq3A_1080 = arith.cmpi eq, %iota3A, %eq3A_1079 : vector<16xi32>
      %broadcast_in_dim3A_1081 = arith.constant 0 : i32
      %broadcast_in_dim3A_1082 = vector.broadcast %broadcast_in_dim3A_1081 : i32 to vector<16xi32>
      %add3A_1083 = vector.broadcast %add3A_1077 : i32 to vector<16xi32>
      %add3A_1084 = arith.addi %broadcast_in_dim3A_1082, %add3A_1083 : vector<16xi32>
      %select_n3A_1085 = arith.select %eq3A_1080, %add3A_1084, %select_n3A_1074 : vector<16xi1>, vector<16xi32>
      %slice3A_1086 = vector.extract_strided_slice %select_n3A_988 {offsets = [8], sizes = [1], strides = [1]} : vector<16xi32> to vector<1xi32>
      %squeeze3A_1087 = vector.extract %slice3A_1086[0] : i32 from vector<1xi32>
      %add3A_1088 = arith.addi %add3A_1077, %squeeze3A_1087 : i32
      %eq3A_1089 = arith.constant 9 : i32
      %eq3A_1090 = vector.broadcast %eq3A_1089 : i32 to vector<16xi32>
      %eq3A_1091 = arith.cmpi eq, %iota3A, %eq3A_1090 : vector<16xi32>
      %broadcast_in_dim3A_1092 = arith.constant 0 : i32
      %broadcast_in_dim3A_1093 = vector.broadcast %broadcast_in_dim3A_1092 : i32 to vector<16xi32>
      %add3A_1094 = vector.broadcast %add3A_1088 : i32 to vector<16xi32>
      %add3A_1095 = arith.addi %broadcast_in_dim3A_1093, %add3A_1094 : vector<16xi32>
      %select_n3A_1096 = arith.select %eq3A_1091, %add3A_1095, %select_n3A_1085 : vector<16xi1>, vector<16xi32>
      %slice3A_1097 = vector.extract_strided_slice %select_n3A_988 {offsets = [9], sizes = [1], strides = [1]} : vector<16xi32> to vector<1xi32>
      %squeeze3A_1098 = vector.extract %slice3A_1097[0] : i32 from vector<1xi32>
      %add3A_1099 = arith.addi %add3A_1088, %squeeze3A_1098 : i32
      %eq3A_1100 = arith.constant 10 : i32
      %eq3A_1101 = vector.broadcast %eq3A_1100 : i32 to vector<16xi32>
      %eq3A_1102 = arith.cmpi eq, %iota3A, %eq3A_1101 : vector<16xi32>
      %broadcast_in_dim3A_1103 = arith.constant 0 : i32
      %broadcast_in_dim3A_1104 = vector.broadcast %broadcast_in_dim3A_1103 : i32 to vector<16xi32>
      %add3A_1105 = vector.broadcast %add3A_1099 : i32 to vector<16xi32>
      %add3A_1106 = arith.addi %broadcast_in_dim3A_1104, %add3A_1105 : vector<16xi32>
      %select_n3A_1107 = arith.select %eq3A_1102, %add3A_1106, %select_n3A_1096 : vector<16xi1>, vector<16xi32>
      %slice3A_1108 = vector.extract_strided_slice %select_n3A_988 {offsets = [10], sizes = [1], strides = [1]} : vector<16xi32> to vector<1xi32>
      %squeeze3A_1109 = vector.extract %slice3A_1108[0] : i32 from vector<1xi32>
      %add3A_1110 = arith.addi %add3A_1099, %squeeze3A_1109 : i32
      %eq3A_1111 = arith.constant 11 : i32
      %eq3A_1112 = vector.broadcast %eq3A_1111 : i32 to vector<16xi32>
      %eq3A_1113 = arith.cmpi eq, %iota3A, %eq3A_1112 : vector<16xi32>
      %broadcast_in_dim3A_1114 = arith.constant 0 : i32
      %broadcast_in_dim3A_1115 = vector.broadcast %broadcast_in_dim3A_1114 : i32 to vector<16xi32>
      %add3A_1116 = vector.broadcast %add3A_1110 : i32 to vector<16xi32>
      %add3A_1117 = arith.addi %broadcast_in_dim3A_1115, %add3A_1116 : vector<16xi32>
      %select_n3A_1118 = arith.select %eq3A_1113, %add3A_1117, %select_n3A_1107 : vector<16xi1>, vector<16xi32>
      %slice3A_1119 = vector.extract_strided_slice %select_n3A_988 {offsets = [11], sizes = [1], strides = [1]} : vector<16xi32> to vector<1xi32>
      %squeeze3A_1120 = vector.extract %slice3A_1119[0] : i32 from vector<1xi32>
      %add3A_1121 = arith.addi %add3A_1110, %squeeze3A_1120 : i32
      %eq3A_1122 = arith.constant 12 : i32
      %eq3A_1123 = vector.broadcast %eq3A_1122 : i32 to vector<16xi32>
      %eq3A_1124 = arith.cmpi eq, %iota3A, %eq3A_1123 : vector<16xi32>
      %broadcast_in_dim3A_1125 = arith.constant 0 : i32
      %broadcast_in_dim3A_1126 = vector.broadcast %broadcast_in_dim3A_1125 : i32 to vector<16xi32>
      %add3A_1127 = vector.broadcast %add3A_1121 : i32 to vector<16xi32>
      %add3A_1128 = arith.addi %broadcast_in_dim3A_1126, %add3A_1127 : vector<16xi32>
      %select_n3A_1129 = arith.select %eq3A_1124, %add3A_1128, %select_n3A_1118 : vector<16xi1>, vector<16xi32>
      %slice3A_1130 = vector.extract_strided_slice %select_n3A_988 {offsets = [12], sizes = [1], strides = [1]} : vector<16xi32> to vector<1xi32>
      %squeeze3A_1131 = vector.extract %slice3A_1130[0] : i32 from vector<1xi32>
      %add3A_1132 = arith.addi %add3A_1121, %squeeze3A_1131 : i32
      %eq3A_1133 = arith.constant 13 : i32
      %eq3A_1134 = vector.broadcast %eq3A_1133 : i32 to vector<16xi32>
      %eq3A_1135 = arith.cmpi eq, %iota3A, %eq3A_1134 : vector<16xi32>
      %broadcast_in_dim3A_1136 = arith.constant 0 : i32
      %broadcast_in_dim3A_1137 = vector.broadcast %broadcast_in_dim3A_1136 : i32 to vector<16xi32>
      %add3A_1138 = vector.broadcast %add3A_1132 : i32 to vector<16xi32>
      %add3A_1139 = arith.addi %broadcast_in_dim3A_1137, %add3A_1138 : vector<16xi32>
      %select_n3A_1140 = arith.select %eq3A_1135, %add3A_1139, %select_n3A_1129 : vector<16xi1>, vector<16xi32>
      %slice3A_1141 = vector.extract_strided_slice %select_n3A_988 {offsets = [13], sizes = [1], strides = [1]} : vector<16xi32> to vector<1xi32>
      %squeeze3A_1142 = vector.extract %slice3A_1141[0] : i32 from vector<1xi32>
      %add3A_1143 = arith.addi %add3A_1132, %squeeze3A_1142 : i32
      %eq3A_1144 = arith.constant 14 : i32
      %eq3A_1145 = vector.broadcast %eq3A_1144 : i32 to vector<16xi32>
      %eq3A_1146 = arith.cmpi eq, %iota3A, %eq3A_1145 : vector<16xi32>
      %broadcast_in_dim3A_1147 = arith.constant 0 : i32
      %broadcast_in_dim3A_1148 = vector.broadcast %broadcast_in_dim3A_1147 : i32 to vector<16xi32>
      %add3A_1149 = vector.broadcast %add3A_1143 : i32 to vector<16xi32>
      %add3A_1150 = arith.addi %broadcast_in_dim3A_1148, %add3A_1149 : vector<16xi32>
      %select_n3A_1151 = arith.select %eq3A_1146, %add3A_1150, %select_n3A_1140 : vector<16xi1>, vector<16xi32>
      %slice3A_1152 = vector.extract_strided_slice %select_n3A_988 {offsets = [14], sizes = [1], strides = [1]} : vector<16xi32> to vector<1xi32>
      %squeeze3A_1153 = vector.extract %slice3A_1152[0] : i32 from vector<1xi32>
      %add3A_1154 = arith.addi %add3A_1143, %squeeze3A_1153 : i32
      %eq3A_1155 = arith.constant 15 : i32
      %eq3A_1156 = vector.broadcast %eq3A_1155 : i32 to vector<16xi32>
      %eq3A_1157 = arith.cmpi eq, %iota3A, %eq3A_1156 : vector<16xi32>
      %broadcast_in_dim3A_1158 = arith.constant 0 : i32
      %broadcast_in_dim3A_1159 = vector.broadcast %broadcast_in_dim3A_1158 : i32 to vector<16xi32>
      %add3A_1160 = vector.broadcast %add3A_1154 : i32 to vector<16xi32>
      %add3A_1161 = arith.addi %broadcast_in_dim3A_1159, %add3A_1160 : vector<16xi32>
      %select_n3A_1162 = arith.select %eq3A_1157, %add3A_1161, %select_n3A_1151 : vector<16xi1>, vector<16xi32>
      %slice3A_1163 = vector.extract_strided_slice %select_n3A_988 {offsets = [15], sizes = [1], strides = [1]} : vector<16xi32> to vector<1xi32>
      %squeeze3A_1164 = vector.extract %slice3A_1163[0] : i32 from vector<1xi32>
      %add3A_1165 = arith.addi %add3A_1154, %squeeze3A_1164 : i32
      %add3A_1166 = arith.addi %while3A_977, %mul3A_2 : i32
      %add3A_1167 = vector.broadcast %add3A_1166 : i32 to vector<16xi32>
      %add3A_1168 = arith.addi %select_n3A_1162, %add3A_1167 : vector<16xi32>
      %broadcast_in_dim3A_1169 = vector.broadcast %add3A_409 : i32 to vector<16xi32>
      %select_n3A_1170 = arith.select %gt3A_983, %add3A_1168, %broadcast_in_dim3A_1169 : vector<16xi1>, vector<16xi32>
      %jit3A_1171 = arith.constant 8 : i64
      %convert_element_type3A = arith.trunci %jit3A_1171 : i64 to i32
      %div3A_1172 = arith.divsi %while3A_976, %convert_element_type3A : i32
      %sign3A_1173 = arith.constant 0 : i32
      %sign3A_1174 = arith.cmpi sgt, %while3A_976, %sign3A_1173 : i32
      %sign3A_1175 = arith.extui %sign3A_1174 : i1 to i32
      %sign3A_1176 = arith.constant 0 : i32
      %sign3A_1177 = arith.cmpi slt, %while3A_976, %sign3A_1176 : i32
      %sign3A_1178 = arith.extui %sign3A_1177 : i1 to i32
      %sign3A_1179 = arith.subi %sign3A_1175, %sign3A_1178 : i32
      %sign3A_1180 = arith.constant 0 : i32
      %sign3A_1181 = arith.cmpi sgt, %convert_element_type3A, %sign3A_1180 : i32
      %sign3A_1182 = arith.extui %sign3A_1181 : i1 to i32
      %sign3A_1183 = arith.constant 0 : i32
      %sign3A_1184 = arith.cmpi slt, %convert_element_type3A, %sign3A_1183 : i32
      %sign3A_1185 = arith.extui %sign3A_1184 : i1 to i32
      %sign3A_1186 = arith.subi %sign3A_1182, %sign3A_1185 : i32
      %ne3A_1187 = arith.cmpi ne, %sign3A_1179, %sign3A_1186 : i32
      %rem3A_1188 = arith.remsi %while3A_976, %convert_element_type3A : i32
      %ne3A_1189 = arith.constant 0 : i32
      %ne3A_1190 = arith.cmpi ne, %rem3A_1188, %ne3A_1189 : i32
      %and3A_1191 = arith.andi %ne3A_1187, %ne3A_1190 : i1
      %sub3A_1192 = arith.constant 1 : i32
      %sub3A_1193 = arith.subi %div3A_1172, %sub3A_1192 : i32
      %select_n3A_1194 = arith.select %and3A_1191, %sub3A_1193, %div3A_1172 : i32
      %jit3A_1195 = arith.constant 8 : i64
      %convert_element_type3A_1196 = arith.trunci %jit3A_1195 : i64 to i32
      %eq3A_1197 = arith.constant 0 : i32
      %eq3A_1198 = arith.cmpi eq, %convert_element_type3A_1196, %eq3A_1197 : i32
      %jit3A_1199 = arith.constant 1 : i32
      %select_n3A_1200 = arith.select %eq3A_1198, %jit3A_1199, %convert_element_type3A_1196 : i32
      %rem3A_1201 = arith.remsi %while3A_976, %select_n3A_1200 : i32
      %ne3A_1202 = arith.constant 0 : i32
      %ne3A_1203 = arith.cmpi ne, %rem3A_1201, %ne3A_1202 : i32
      %lt3A = arith.constant 0 : i32
      %lt3A_1204 = arith.cmpi slt, %rem3A_1201, %lt3A : i32
      %lt3A_1205 = arith.constant 0 : i32
      %lt3A_1206 = arith.cmpi slt, %select_n3A_1200, %lt3A_1205 : i32
      %ne3A_1207 = arith.xori %lt3A_1204, %lt3A_1206 : i1
      %and3A_1208 = arith.andi %ne3A_1207, %ne3A_1203 : i1
      %add3A_1209 = arith.addi %rem3A_1201, %select_n3A_1200 : i32
      %select_n3A_1210 = arith.select %and3A_1208, %add3A_1209, %rem3A_1201 : i32
      %mul3A_1211 = arith.constant 16 : i32
      %mul3A_1212 = arith.muli %select_n3A_1210, %mul3A_1211 : i32
      %swap3A_1213 = arith.index_cast %select_n3A_1194 : i32 to index
      %swap3A_1214 = arith.index_cast %mul3A_1212 : i32 to index
      %swap3A_1215 = tpu.vector_load %arg12[%swap3A_1213, %swap3A_1214] {strides = array<i32>} : memref<8x128xi32, #tpu.memory_space<vmem>>, vector<1x16xi32>,
      %swap3A_1216 = vector.shape_cast %swap3A_1215 : vector<1x16xi32> to vector<16xi32>
      %swap3A_1217 = vector.shape_cast %select_n3A_1170 : vector<16xi32> to vector<1x16xi32>
      tpu.vector_store %arg12[%swap3A_1213, %swap3A_1214], %swap3A_1217 {strides = array<i32>} : memref<8x128xi32, #tpu.memory_space<vmem>>, vector<1x16xi32>,
      %add3A_1218 = arith.addi %while3A_977, %add3A_1165 : i32
      scf.yield %add3A_1218 : i32
    }
    %dma_wait3A_423 = tpu.memref_slice %arg24[%mul3A_2] : memref<16640xi32, #tpu.memory_space<vmem_shared>> -> memref<1040xi32, #tpu.memory_space<vmem_shared>>
    %dma_wait3A_424 = tpu.memref_slice %arg24[%mul3A_2] : memref<16640xi32, #tpu.memory_space<vmem_shared>> -> memref<1040xi32, #tpu.memory_space<vmem_shared>>
    tpu.wait_dma2 semaphore(%arg28 : memref<!tpu.dma_semaphore, #tpu.memory_space<semaphore_mem>>) src(%arg16 : memref<1040xi32, #tpu.memory_space<vmem>>) dst(%dma_wait3A_424 : memref<1040xi32, #tpu.memory_space<vmem_shared>>)
    %dma_start3A_425 = arith.constant 0 : i32
    %dma_start3A_426 = arith.constant 0 : i32
    %dma_start3A_427 = tpu.memref_slice %arg5[%dma_start3A_426] : memref<1024xi32, #tpu.memory_space<vmem>> -> memref<128xi32, #tpu.memory_space<vmem>>
    %dma_start3A_428 = arith.constant 0 : i32
    %dma_start3A_429 = tpu.memref_slice %arg12[%dma_start3A_425, %dma_start3A_428] : memref<8x128xi32, #tpu.memory_space<vmem>> -> memref<1x128xi32, #tpu.memory_space<vmem>>
    %dma_start3A_430 = tpu.memref_squeeze %dma_start3A_429 : memref<1x128xi32, #tpu.memory_space<vmem>> -> memref<128xi32, #tpu.memory_space<vmem>>
    %dma_start3A_431 = arith.constant 0 : i32
    %dma_start3A_432 = tpu.memref_slice %arg23[%dma_start3A_431] : memref<16640xi32, #tpu.memory_space<vmem_shared>> -> memref<16640xi32, #tpu.memory_space<vmem_shared>>
    tpu.enqueue_indirect_dma source(%dma_start3A_427 : memref<128xi32, #tpu.memory_space<vmem>>) target(%dma_start3A_432 : memref<16640xi32, #tpu.memory_space<vmem_shared>>) offsets(%dma_start3A_430 : memref<128xi32, #tpu.memory_space<vmem>>) semaphore(%arg30 : memref<!tpu.dma_semaphore, #tpu.memory_space<semaphore_mem>>)
    %dma_start3A_433 = arith.constant 0 : i32
    %dma_start3A_434 = arith.constant 0 : i32
    %dma_start3A_435 = tpu.memref_slice %arg6[%dma_start3A_434] : memref<1024xi32, #tpu.memory_space<vmem>> -> memref<128xi32, #tpu.memory_space<vmem>>
    %dma_start3A_436 = arith.constant 0 : i32
    %dma_start3A_437 = tpu.memref_slice %arg12[%dma_start3A_433, %dma_start3A_436] : memref<8x128xi32, #tpu.memory_space<vmem>> -> memref<1x128xi32, #tpu.memory_space<vmem>>
    %dma_start3A_438 = tpu.memref_squeeze %dma_start3A_437 : memref<1x128xi32, #tpu.memory_space<vmem>> -> memref<128xi32, #tpu.memory_space<vmem>>
    %dma_start3A_439 = arith.constant 0 : i32
    %dma_start3A_440 = tpu.memref_slice %arg24[%dma_start3A_439] : memref<16640xi32, #tpu.memory_space<vmem_shared>> -> memref<16640xi32, #tpu.memory_space<vmem_shared>>
    tpu.enqueue_indirect_dma source(%dma_start3A_435 : memref<128xi32, #tpu.memory_space<vmem>>) target(%dma_start3A_440 : memref<16640xi32, #tpu.memory_space<vmem_shared>>) offsets(%dma_start3A_438 : memref<128xi32, #tpu.memory_space<vmem>>) semaphore(%arg30 : memref<!tpu.dma_semaphore, #tpu.memory_space<semaphore_mem>>)
    %dma_start3A_441 = arith.constant 0 : i32
    %dma_start3A_442 = arith.constant 0 : i32
    %dma_start3A_443 = tpu.memref_slice %arg7[%dma_start3A_442] : memref<1024xi32, #tpu.memory_space<vmem>> -> memref<128xi32, #tpu.memory_space<vmem>>
    %dma_start3A_444 = arith.constant 0 : i32
    %dma_start3A_445 = tpu.memref_slice %arg12[%dma_start3A_441, %dma_start3A_444] : memref<8x128xi32, #tpu.memory_space<vmem>> -> memref<1x128xi32, #tpu.memory_space<vmem>>
    %dma_start3A_446 = tpu.memref_squeeze %dma_start3A_445 : memref<1x128xi32, #tpu.memory_space<vmem>> -> memref<128xi32, #tpu.memory_space<vmem>>
    %dma_start3A_447 = arith.constant 0 : i32
    %dma_start3A_448 = tpu.memref_slice %arg25[%dma_start3A_447] : memref<16640xi32, #tpu.memory_space<vmem_shared>> -> memref<16640xi32, #tpu.memory_space<vmem_shared>>
    tpu.enqueue_indirect_dma source(%dma_start3A_443 : memref<128xi32, #tpu.memory_space<vmem>>) target(%dma_start3A_448 : memref<16640xi32, #tpu.memory_space<vmem_shared>>) offsets(%dma_start3A_446 : memref<128xi32, #tpu.memory_space<vmem>>) semaphore(%arg30 : memref<!tpu.dma_semaphore, #tpu.memory_space<semaphore_mem>>)
    %dma_start3A_449 = arith.constant 1 : i32
    %dma_start3A_450 = arith.constant 128 : i32
    %dma_start3A_451 = tpu.memref_slice %arg5[%dma_start3A_450] : memref<1024xi32, #tpu.memory_space<vmem>> -> memref<128xi32, #tpu.memory_space<vmem>>
    %dma_start3A_452 = arith.constant 0 : i32
    %dma_start3A_453 = tpu.memref_slice %arg12[%dma_start3A_449, %dma_start3A_452] : memref<8x128xi32, #tpu.memory_space<vmem>> -> memref<1x128xi32, #tpu.memory_space<vmem>>
    %dma_start3A_454 = tpu.memref_squeeze %dma_start3A_453 : memref<1x128xi32, #tpu.memory_space<vmem>> -> memref<128xi32, #tpu.memory_space<vmem>>
    %dma_start3A_455 = arith.constant 0 : i32
    %dma_start3A_456 = tpu.memref_slice %arg23[%dma_start3A_455] : memref<16640xi32, #tpu.memory_space<vmem_shared>> -> memref<16640xi32, #tpu.memory_space<vmem_shared>>
    tpu.enqueue_indirect_dma source(%dma_start3A_451 : memref<128xi32, #tpu.memory_space<vmem>>) target(%dma_start3A_456 : memref<16640xi32, #tpu.memory_space<vmem_shared>>) offsets(%dma_start3A_454 : memref<128xi32, #tpu.memory_space<vmem>>) semaphore(%arg30 : memref<!tpu.dma_semaphore, #tpu.memory_space<semaphore_mem>>)
    %dma_start3A_457 = arith.constant 1 : i32
    %dma_start3A_458 = arith.constant 128 : i32
    %dma_start3A_459 = tpu.memref_slice %arg6[%dma_start3A_458] : memref<1024xi32, #tpu.memory_space<vmem>> -> memref<128xi32, #tpu.memory_space<vmem>>
    %dma_start3A_460 = arith.constant 0 : i32
    %dma_start3A_461 = tpu.memref_slice %arg12[%dma_start3A_457, %dma_start3A_460] : memref<8x128xi32, #tpu.memory_space<vmem>> -> memref<1x128xi32, #tpu.memory_space<vmem>>
    %dma_start3A_462 = tpu.memref_squeeze %dma_start3A_461 : memref<1x128xi32, #tpu.memory_space<vmem>> -> memref<128xi32, #tpu.memory_space<vmem>>
    %dma_start3A_463 = arith.constant 0 : i32
    %dma_start3A_464 = tpu.memref_slice %arg24[%dma_start3A_463] : memref<16640xi32, #tpu.memory_space<vmem_shared>> -> memref<16640xi32, #tpu.memory_space<vmem_shared>>
    tpu.enqueue_indirect_dma source(%dma_start3A_459 : memref<128xi32, #tpu.memory_space<vmem>>) target(%dma_start3A_464 : memref<16640xi32, #tpu.memory_space<vmem_shared>>) offsets(%dma_start3A_462 : memref<128xi32, #tpu.memory_space<vmem>>) semaphore(%arg30 : memref<!tpu.dma_semaphore, #tpu.memory_space<semaphore_mem>>)
    %dma_start3A_465 = arith.constant 1 : i32
    %dma_start3A_466 = arith.constant 128 : i32
    %dma_start3A_467 = tpu.memref_slice %arg7[%dma_start3A_466] : memref<1024xi32, #tpu.memory_space<vmem>> -> memref<128xi32, #tpu.memory_space<vmem>>
    %dma_start3A_468 = arith.constant 0 : i32
    %dma_start3A_469 = tpu.memref_slice %arg12[%dma_start3A_465, %dma_start3A_468] : memref<8x128xi32, #tpu.memory_space<vmem>> -> memref<1x128xi32, #tpu.memory_space<vmem>>
    %dma_start3A_470 = tpu.memref_squeeze %dma_start3A_469 : memref<1x128xi32, #tpu.memory_space<vmem>> -> memref<128xi32, #tpu.memory_space<vmem>>
    %dma_start3A_471 = arith.constant 0 : i32
    %dma_start3A_472 = tpu.memref_slice %arg25[%dma_start3A_471] : memref<16640xi32, #tpu.memory_space<vmem_shared>> -> memref<16640xi32, #tpu.memory_space<vmem_shared>>
    tpu.enqueue_indirect_dma source(%dma_start3A_467 : memref<128xi32, #tpu.memory_space<vmem>>) target(%dma_start3A_472 : memref<16640xi32, #tpu.memory_space<vmem_shared>>) offsets(%dma_start3A_470 : memref<128xi32, #tpu.memory_space<vmem>>) semaphore(%arg30 : memref<!tpu.dma_semaphore, #tpu.memory_space<semaphore_mem>>)
    %dma_start3A_473 = arith.constant 2 : i32
    %dma_start3A_474 = arith.constant 256 : i32
    %dma_start3A_475 = tpu.memref_slice %arg5[%dma_start3A_474] : memref<1024xi32, #tpu.memory_space<vmem>> -> memref<128xi32, #tpu.memory_space<vmem>>
    %dma_start3A_476 = arith.constant 0 : i32
    %dma_start3A_477 = tpu.memref_slice %arg12[%dma_start3A_473, %dma_start3A_476] : memref<8x128xi32, #tpu.memory_space<vmem>> -> memref<1x128xi32, #tpu.memory_space<vmem>>
    %dma_start3A_478 = tpu.memref_squeeze %dma_start3A_477 : memref<1x128xi32, #tpu.memory_space<vmem>> -> memref<128xi32, #tpu.memory_space<vmem>>
    %dma_start3A_479 = arith.constant 0 : i32
    %dma_start3A_480 = tpu.memref_slice %arg23[%dma_start3A_479] : memref<16640xi32, #tpu.memory_space<vmem_shared>> -> memref<16640xi32, #tpu.memory_space<vmem_shared>>
    tpu.enqueue_indirect_dma source(%dma_start3A_475 : memref<128xi32, #tpu.memory_space<vmem>>) target(%dma_start3A_480 : memref<16640xi32, #tpu.memory_space<vmem_shared>>) offsets(%dma_start3A_478 : memref<128xi32, #tpu.memory_space<vmem>>) semaphore(%arg30 : memref<!tpu.dma_semaphore, #tpu.memory_space<semaphore_mem>>)
    %dma_start3A_481 = arith.constant 2 : i32
    %dma_start3A_482 = arith.constant 256 : i32
    %dma_start3A_483 = tpu.memref_slice %arg6[%dma_start3A_482] : memref<1024xi32, #tpu.memory_space<vmem>> -> memref<128xi32, #tpu.memory_space<vmem>>
    %dma_start3A_484 = arith.constant 0 : i32
    %dma_start3A_485 = tpu.memref_slice %arg12[%dma_start3A_481, %dma_start3A_484] : memref<8x128xi32, #tpu.memory_space<vmem>> -> memref<1x128xi32, #tpu.memory_space<vmem>>
    %dma_start3A_486 = tpu.memref_squeeze %dma_start3A_485 : memref<1x128xi32, #tpu.memory_space<vmem>> -> memref<128xi32, #tpu.memory_space<vmem>>
    %dma_start3A_487 = arith.constant 0 : i32
    %dma_start3A_488 = tpu.memref_slice %arg24[%dma_start3A_487] : memref<16640xi32, #tpu.memory_space<vmem_shared>> -> memref<16640xi32, #tpu.memory_space<vmem_shared>>
    tpu.enqueue_indirect_dma source(%dma_start3A_483 : memref<128xi32, #tpu.memory_space<vmem>>) target(%dma_start3A_488 : memref<16640xi32, #tpu.memory_space<vmem_shared>>) offsets(%dma_start3A_486 : memref<128xi32, #tpu.memory_space<vmem>>) semaphore(%arg30 : memref<!tpu.dma_semaphore, #tpu.memory_space<semaphore_mem>>)
    %dma_start3A_489 = arith.constant 2 : i32
    %dma_start3A_490 = arith.constant 256 : i32
    %dma_start3A_491 = tpu.memref_slice %arg7[%dma_start3A_490] : memref<1024xi32, #tpu.memory_space<vmem>> -> memref<128xi32, #tpu.memory_space<vmem>>
    %dma_start3A_492 = arith.constant 0 : i32
    %dma_start3A_493 = tpu.memref_slice %arg12[%dma_start3A_489, %dma_start3A_492] : memref<8x128xi32, #tpu.memory_space<vmem>> -> memref<1x128xi32, #tpu.memory_space<vmem>>
    %dma_start3A_494 = tpu.memref_squeeze %dma_start3A_493 : memref<1x128xi32, #tpu.memory_space<vmem>> -> memref<128xi32, #tpu.memory_space<vmem>>
    %dma_start3A_495 = arith.constant 0 : i32
    %dma_start3A_496 = tpu.memref_slice %arg25[%dma_start3A_495] : memref<16640xi32, #tpu.memory_space<vmem_shared>> -> memref<16640xi32, #tpu.memory_space<vmem_shared>>
    tpu.enqueue_indirect_dma source(%dma_start3A_491 : memref<128xi32, #tpu.memory_space<vmem>>) target(%dma_start3A_496 : memref<16640xi32, #tpu.memory_space<vmem_shared>>) offsets(%dma_start3A_494 : memref<128xi32, #tpu.memory_space<vmem>>) semaphore(%arg30 : memref<!tpu.dma_semaphore, #tpu.memory_space<semaphore_mem>>)
    %dma_start3A_497 = arith.constant 3 : i32
    %dma_start3A_498 = arith.constant 384 : i32
    %dma_start3A_499 = tpu.memref_slice %arg5[%dma_start3A_498] : memref<1024xi32, #tpu.memory_space<vmem>> -> memref<128xi32, #tpu.memory_space<vmem>>
    %dma_start3A_500 = arith.constant 0 : i32
    %dma_start3A_501 = tpu.memref_slice %arg12[%dma_start3A_497, %dma_start3A_500] : memref<8x128xi32, #tpu.memory_space<vmem>> -> memref<1x128xi32, #tpu.memory_space<vmem>>
    %dma_start3A_502 = tpu.memref_squeeze %dma_start3A_501 : memref<1x128xi32, #tpu.memory_space<vmem>> -> memref<128xi32, #tpu.memory_space<vmem>>
    %dma_start3A_503 = arith.constant 0 : i32
    %dma_start3A_504 = tpu.memref_slice %arg23[%dma_start3A_503] : memref<16640xi32, #tpu.memory_space<vmem_shared>> -> memref<16640xi32, #tpu.memory_space<vmem_shared>>
    tpu.enqueue_indirect_dma source(%dma_start3A_499 : memref<128xi32, #tpu.memory_space<vmem>>) target(%dma_start3A_504 : memref<16640xi32, #tpu.memory_space<vmem_shared>>) offsets(%dma_start3A_502 : memref<128xi32, #tpu.memory_space<vmem>>) semaphore(%arg30 : memref<!tpu.dma_semaphore, #tpu.memory_space<semaphore_mem>>)
    %dma_start3A_505 = arith.constant 3 : i32
    %dma_start3A_506 = arith.constant 384 : i32
    %dma_start3A_507 = tpu.memref_slice %arg6[%dma_start3A_506] : memref<1024xi32, #tpu.memory_space<vmem>> -> memref<128xi32, #tpu.memory_space<vmem>>
    %dma_start3A_508 = arith.constant 0 : i32
    %dma_start3A_509 = tpu.memref_slice %arg12[%dma_start3A_505, %dma_start3A_508] : memref<8x128xi32, #tpu.memory_space<vmem>> -> memref<1x128xi32, #tpu.memory_space<vmem>>
    %dma_start3A_510 = tpu.memref_squeeze %dma_start3A_509 : memref<1x128xi32, #tpu.memory_space<vmem>> -> memref<128xi32, #tpu.memory_space<vmem>>
    %dma_start3A_511 = arith.constant 0 : i32
    %dma_start3A_512 = tpu.memref_slice %arg24[%dma_start3A_511] : memref<16640xi32, #tpu.memory_space<vmem_shared>> -> memref<16640xi32, #tpu.memory_space<vmem_shared>>
    tpu.enqueue_indirect_dma source(%dma_start3A_507 : memref<128xi32, #tpu.memory_space<vmem>>) target(%dma_start3A_512 : memref<16640xi32, #tpu.memory_space<vmem_shared>>) offsets(%dma_start3A_510 : memref<128xi32, #tpu.memory_space<vmem>>) semaphore(%arg30 : memref<!tpu.dma_semaphore, #tpu.memory_space<semaphore_mem>>)
    %dma_start3A_513 = arith.constant 3 : i32
    %dma_start3A_514 = arith.constant 384 : i32
    %dma_start3A_515 = tpu.memref_slice %arg7[%dma_start3A_514] : memref<1024xi32, #tpu.memory_space<vmem>> -> memref<128xi32, #tpu.memory_space<vmem>>
    %dma_start3A_516 = arith.constant 0 : i32
    %dma_start3A_517 = tpu.memref_slice %arg12[%dma_start3A_513, %dma_start3A_516] : memref<8x128xi32, #tpu.memory_space<vmem>> -> memref<1x128xi32, #tpu.memory_space<vmem>>
    %dma_start3A_518 = tpu.memref_squeeze %dma_start3A_517 : memref<1x128xi32, #tpu.memory_space<vmem>> -> memref<128xi32, #tpu.memory_space<vmem>>
    %dma_start3A_519 = arith.constant 0 : i32
    %dma_start3A_520 = tpu.memref_slice %arg25[%dma_start3A_519] : memref<16640xi32, #tpu.memory_space<vmem_shared>> -> memref<16640xi32, #tpu.memory_space<vmem_shared>>
    tpu.enqueue_indirect_dma source(%dma_start3A_515 : memref<128xi32, #tpu.memory_space<vmem>>) target(%dma_start3A_520 : memref<16640xi32, #tpu.memory_space<vmem_shared>>) offsets(%dma_start3A_518 : memref<128xi32, #tpu.memory_space<vmem>>) semaphore(%arg30 : memref<!tpu.dma_semaphore, #tpu.memory_space<semaphore_mem>>)
    %dma_start3A_521 = arith.constant 4 : i32
    %dma_start3A_522 = arith.constant 512 : i32
    %dma_start3A_523 = tpu.memref_slice %arg5[%dma_start3A_522] : memref<1024xi32, #tpu.memory_space<vmem>> -> memref<128xi32, #tpu.memory_space<vmem>>
    %dma_start3A_524 = arith.constant 0 : i32
    %dma_start3A_525 = tpu.memref_slice %arg12[%dma_start3A_521, %dma_start3A_524] : memref<8x128xi32, #tpu.memory_space<vmem>> -> memref<1x128xi32, #tpu.memory_space<vmem>>
    %dma_start3A_526 = tpu.memref_squeeze %dma_start3A_525 : memref<1x128xi32, #tpu.memory_space<vmem>> -> memref<128xi32, #tpu.memory_space<vmem>>
    %dma_start3A_527 = arith.constant 0 : i32
    %dma_start3A_528 = tpu.memref_slice %arg23[%dma_start3A_527] : memref<16640xi32, #tpu.memory_space<vmem_shared>> -> memref<16640xi32, #tpu.memory_space<vmem_shared>>
    tpu.enqueue_indirect_dma source(%dma_start3A_523 : memref<128xi32, #tpu.memory_space<vmem>>) target(%dma_start3A_528 : memref<16640xi32, #tpu.memory_space<vmem_shared>>) offsets(%dma_start3A_526 : memref<128xi32, #tpu.memory_space<vmem>>) semaphore(%arg30 : memref<!tpu.dma_semaphore, #tpu.memory_space<semaphore_mem>>)
    %dma_start3A_529 = arith.constant 4 : i32
    %dma_start3A_530 = arith.constant 512 : i32
    %dma_start3A_531 = tpu.memref_slice %arg6[%dma_start3A_530] : memref<1024xi32, #tpu.memory_space<vmem>> -> memref<128xi32, #tpu.memory_space<vmem>>
    %dma_start3A_532 = arith.constant 0 : i32
    %dma_start3A_533 = tpu.memref_slice %arg12[%dma_start3A_529, %dma_start3A_532] : memref<8x128xi32, #tpu.memory_space<vmem>> -> memref<1x128xi32, #tpu.memory_space<vmem>>
    %dma_start3A_534 = tpu.memref_squeeze %dma_start3A_533 : memref<1x128xi32, #tpu.memory_space<vmem>> -> memref<128xi32, #tpu.memory_space<vmem>>
    %dma_start3A_535 = arith.constant 0 : i32
    %dma_start3A_536 = tpu.memref_slice %arg24[%dma_start3A_535] : memref<16640xi32, #tpu.memory_space<vmem_shared>> -> memref<16640xi32, #tpu.memory_space<vmem_shared>>
    tpu.enqueue_indirect_dma source(%dma_start3A_531 : memref<128xi32, #tpu.memory_space<vmem>>) target(%dma_start3A_536 : memref<16640xi32, #tpu.memory_space<vmem_shared>>) offsets(%dma_start3A_534 : memref<128xi32, #tpu.memory_space<vmem>>) semaphore(%arg30 : memref<!tpu.dma_semaphore, #tpu.memory_space<semaphore_mem>>)
    %dma_start3A_537 = arith.constant 4 : i32
    %dma_start3A_538 = arith.constant 512 : i32
    %dma_start3A_539 = tpu.memref_slice %arg7[%dma_start3A_538] : memref<1024xi32, #tpu.memory_space<vmem>> -> memref<128xi32, #tpu.memory_space<vmem>>
    %dma_start3A_540 = arith.constant 0 : i32
    %dma_start3A_541 = tpu.memref_slice %arg12[%dma_start3A_537, %dma_start3A_540] : memref<8x128xi32, #tpu.memory_space<vmem>> -> memref<1x128xi32, #tpu.memory_space<vmem>>
    %dma_start3A_542 = tpu.memref_squeeze %dma_start3A_541 : memref<1x128xi32, #tpu.memory_space<vmem>> -> memref<128xi32, #tpu.memory_space<vmem>>
    %dma_start3A_543 = arith.constant 0 : i32
    %dma_start3A_544 = tpu.memref_slice %arg25[%dma_start3A_543] : memref<16640xi32, #tpu.memory_space<vmem_shared>> -> memref<16640xi32, #tpu.memory_space<vmem_shared>>
    tpu.enqueue_indirect_dma source(%dma_start3A_539 : memref<128xi32, #tpu.memory_space<vmem>>) target(%dma_start3A_544 : memref<16640xi32, #tpu.memory_space<vmem_shared>>) offsets(%dma_start3A_542 : memref<128xi32, #tpu.memory_space<vmem>>) semaphore(%arg30 : memref<!tpu.dma_semaphore, #tpu.memory_space<semaphore_mem>>)
    %dma_start3A_545 = arith.constant 5 : i32
    %dma_start3A_546 = arith.constant 640 : i32
    %dma_start3A_547 = tpu.memref_slice %arg5[%dma_start3A_546] : memref<1024xi32, #tpu.memory_space<vmem>> -> memref<128xi32, #tpu.memory_space<vmem>>
    %dma_start3A_548 = arith.constant 0 : i32
    %dma_start3A_549 = tpu.memref_slice %arg12[%dma_start3A_545, %dma_start3A_548] : memref<8x128xi32, #tpu.memory_space<vmem>> -> memref<1x128xi32, #tpu.memory_space<vmem>>
    %dma_start3A_550 = tpu.memref_squeeze %dma_start3A_549 : memref<1x128xi32, #tpu.memory_space<vmem>> -> memref<128xi32, #tpu.memory_space<vmem>>
    %dma_start3A_551 = arith.constant 0 : i32
    %dma_start3A_552 = tpu.memref_slice %arg23[%dma_start3A_551] : memref<16640xi32, #tpu.memory_space<vmem_shared>> -> memref<16640xi32, #tpu.memory_space<vmem_shared>>
    tpu.enqueue_indirect_dma source(%dma_start3A_547 : memref<128xi32, #tpu.memory_space<vmem>>) target(%dma_start3A_552 : memref<16640xi32, #tpu.memory_space<vmem_shared>>) offsets(%dma_start3A_550 : memref<128xi32, #tpu.memory_space<vmem>>) semaphore(%arg30 : memref<!tpu.dma_semaphore, #tpu.memory_space<semaphore_mem>>)
    %dma_start3A_553 = arith.constant 5 : i32
    %dma_start3A_554 = arith.constant 640 : i32
    %dma_start3A_555 = tpu.memref_slice %arg6[%dma_start3A_554] : memref<1024xi32, #tpu.memory_space<vmem>> -> memref<128xi32, #tpu.memory_space<vmem>>
    %dma_start3A_556 = arith.constant 0 : i32
    %dma_start3A_557 = tpu.memref_slice %arg12[%dma_start3A_553, %dma_start3A_556] : memref<8x128xi32, #tpu.memory_space<vmem>> -> memref<1x128xi32, #tpu.memory_space<vmem>>
    %dma_start3A_558 = tpu.memref_squeeze %dma_start3A_557 : memref<1x128xi32, #tpu.memory_space<vmem>> -> memref<128xi32, #tpu.memory_space<vmem>>
    %dma_start3A_559 = arith.constant 0 : i32
    %dma_start3A_560 = tpu.memref_slice %arg24[%dma_start3A_559] : memref<16640xi32, #tpu.memory_space<vmem_shared>> -> memref<16640xi32, #tpu.memory_space<vmem_shared>>
    tpu.enqueue_indirect_dma source(%dma_start3A_555 : memref<128xi32, #tpu.memory_space<vmem>>) target(%dma_start3A_560 : memref<16640xi32, #tpu.memory_space<vmem_shared>>) offsets(%dma_start3A_558 : memref<128xi32, #tpu.memory_space<vmem>>) semaphore(%arg30 : memref<!tpu.dma_semaphore, #tpu.memory_space<semaphore_mem>>)
    %dma_start3A_561 = arith.constant 5 : i32
    %dma_start3A_562 = arith.constant 640 : i32
    %dma_start3A_563 = tpu.memref_slice %arg7[%dma_start3A_562] : memref<1024xi32, #tpu.memory_space<vmem>> -> memref<128xi32, #tpu.memory_space<vmem>>
    %dma_start3A_564 = arith.constant 0 : i32
    %dma_start3A_565 = tpu.memref_slice %arg12[%dma_start3A_561, %dma_start3A_564] : memref<8x128xi32, #tpu.memory_space<vmem>> -> memref<1x128xi32, #tpu.memory_space<vmem>>
    %dma_start3A_566 = tpu.memref_squeeze %dma_start3A_565 : memref<1x128xi32, #tpu.memory_space<vmem>> -> memref<128xi32, #tpu.memory_space<vmem>>
    %dma_start3A_567 = arith.constant 0 : i32
    %dma_start3A_568 = tpu.memref_slice %arg25[%dma_start3A_567] : memref<16640xi32, #tpu.memory_space<vmem_shared>> -> memref<16640xi32, #tpu.memory_space<vmem_shared>>
    tpu.enqueue_indirect_dma source(%dma_start3A_563 : memref<128xi32, #tpu.memory_space<vmem>>) target(%dma_start3A_568 : memref<16640xi32, #tpu.memory_space<vmem_shared>>) offsets(%dma_start3A_566 : memref<128xi32, #tpu.memory_space<vmem>>) semaphore(%arg30 : memref<!tpu.dma_semaphore, #tpu.memory_space<semaphore_mem>>)
    %dma_start3A_569 = arith.constant 6 : i32
    %dma_start3A_570 = arith.constant 768 : i32
    %dma_start3A_571 = tpu.memref_slice %arg5[%dma_start3A_570] : memref<1024xi32, #tpu.memory_space<vmem>> -> memref<128xi32, #tpu.memory_space<vmem>>
    %dma_start3A_572 = arith.constant 0 : i32
    %dma_start3A_573 = tpu.memref_slice %arg12[%dma_start3A_569, %dma_start3A_572] : memref<8x128xi32, #tpu.memory_space<vmem>> -> memref<1x128xi32, #tpu.memory_space<vmem>>
    %dma_start3A_574 = tpu.memref_squeeze %dma_start3A_573 : memref<1x128xi32, #tpu.memory_space<vmem>> -> memref<128xi32, #tpu.memory_space<vmem>>
    %dma_start3A_575 = arith.constant 0 : i32
    %dma_start3A_576 = tpu.memref_slice %arg23[%dma_start3A_575] : memref<16640xi32, #tpu.memory_space<vmem_shared>> -> memref<16640xi32, #tpu.memory_space<vmem_shared>>
    tpu.enqueue_indirect_dma source(%dma_start3A_571 : memref<128xi32, #tpu.memory_space<vmem>>) target(%dma_start3A_576 : memref<16640xi32, #tpu.memory_space<vmem_shared>>) offsets(%dma_start3A_574 : memref<128xi32, #tpu.memory_space<vmem>>) semaphore(%arg30 : memref<!tpu.dma_semaphore, #tpu.memory_space<semaphore_mem>>)
    %dma_start3A_577 = arith.constant 6 : i32
    %dma_start3A_578 = arith.constant 768 : i32
    %dma_start3A_579 = tpu.memref_slice %arg6[%dma_start3A_578] : memref<1024xi32, #tpu.memory_space<vmem>> -> memref<128xi32, #tpu.memory_space<vmem>>
    %dma_start3A_580 = arith.constant 0 : i32
    %dma_start3A_581 = tpu.memref_slice %arg12[%dma_start3A_577, %dma_start3A_580] : memref<8x128xi32, #tpu.memory_space<vmem>> -> memref<1x128xi32, #tpu.memory_space<vmem>>
    %dma_start3A_582 = tpu.memref_squeeze %dma_start3A_581 : memref<1x128xi32, #tpu.memory_space<vmem>> -> memref<128xi32, #tpu.memory_space<vmem>>
    %dma_start3A_583 = arith.constant 0 : i32
    %dma_start3A_584 = tpu.memref_slice %arg24[%dma_start3A_583] : memref<16640xi32, #tpu.memory_space<vmem_shared>> -> memref<16640xi32, #tpu.memory_space<vmem_shared>>
    tpu.enqueue_indirect_dma source(%dma_start3A_579 : memref<128xi32, #tpu.memory_space<vmem>>) target(%dma_start3A_584 : memref<16640xi32, #tpu.memory_space<vmem_shared>>) offsets(%dma_start3A_582 : memref<128xi32, #tpu.memory_space<vmem>>) semaphore(%arg30 : memref<!tpu.dma_semaphore, #tpu.memory_space<semaphore_mem>>)
    %dma_start3A_585 = arith.constant 6 : i32
    %dma_start3A_586 = arith.constant 768 : i32
    %dma_start3A_587 = tpu.memref_slice %arg7[%dma_start3A_586] : memref<1024xi32, #tpu.memory_space<vmem>> -> memref<128xi32, #tpu.memory_space<vmem>>
    %dma_start3A_588 = arith.constant 0 : i32
    %dma_start3A_589 = tpu.memref_slice %arg12[%dma_start3A_585, %dma_start3A_588] : memref<8x128xi32, #tpu.memory_space<vmem>> -> memref<1x128xi32, #tpu.memory_space<vmem>>
    %dma_start3A_590 = tpu.memref_squeeze %dma_start3A_589 : memref<1x128xi32, #tpu.memory_space<vmem>> -> memref<128xi32, #tpu.memory_space<vmem>>
    %dma_start3A_591 = arith.constant 0 : i32
    %dma_start3A_592 = tpu.memref_slice %arg25[%dma_start3A_591] : memref<16640xi32, #tpu.memory_space<vmem_shared>> -> memref<16640xi32, #tpu.memory_space<vmem_shared>>
    tpu.enqueue_indirect_dma source(%dma_start3A_587 : memref<128xi32, #tpu.memory_space<vmem>>) target(%dma_start3A_592 : memref<16640xi32, #tpu.memory_space<vmem_shared>>) offsets(%dma_start3A_590 : memref<128xi32, #tpu.memory_space<vmem>>) semaphore(%arg30 : memref<!tpu.dma_semaphore, #tpu.memory_space<semaphore_mem>>)
    %dma_start3A_593 = arith.constant 7 : i32
    %dma_start3A_594 = arith.constant 896 : i32
    %dma_start3A_595 = tpu.memref_slice %arg5[%dma_start3A_594] : memref<1024xi32, #tpu.memory_space<vmem>> -> memref<128xi32, #tpu.memory_space<vmem>>
    %dma_start3A_596 = arith.constant 0 : i32
    %dma_start3A_597 = tpu.memref_slice %arg12[%dma_start3A_593, %dma_start3A_596] : memref<8x128xi32, #tpu.memory_space<vmem>> -> memref<1x128xi32, #tpu.memory_space<vmem>>
    %dma_start3A_598 = tpu.memref_squeeze %dma_start3A_597 : memref<1x128xi32, #tpu.memory_space<vmem>> -> memref<128xi32, #tpu.memory_space<vmem>>
    %dma_start3A_599 = arith.constant 0 : i32
    %dma_start3A_600 = tpu.memref_slice %arg23[%dma_start3A_599] : memref<16640xi32, #tpu.memory_space<vmem_shared>> -> memref<16640xi32, #tpu.memory_space<vmem_shared>>
    tpu.enqueue_indirect_dma source(%dma_start3A_595 : memref<128xi32, #tpu.memory_space<vmem>>) target(%dma_start3A_600 : memref<16640xi32, #tpu.memory_space<vmem_shared>>) offsets(%dma_start3A_598 : memref<128xi32, #tpu.memory_space<vmem>>) semaphore(%arg30 : memref<!tpu.dma_semaphore, #tpu.memory_space<semaphore_mem>>)
    %dma_start3A_601 = arith.constant 7 : i32
    %dma_start3A_602 = arith.constant 896 : i32
    %dma_start3A_603 = tpu.memref_slice %arg6[%dma_start3A_602] : memref<1024xi32, #tpu.memory_space<vmem>> -> memref<128xi32, #tpu.memory_space<vmem>>
    %dma_start3A_604 = arith.constant 0 : i32
    %dma_start3A_605 = tpu.memref_slice %arg12[%dma_start3A_601, %dma_start3A_604] : memref<8x128xi32, #tpu.memory_space<vmem>> -> memref<1x128xi32, #tpu.memory_space<vmem>>
    %dma_start3A_606 = tpu.memref_squeeze %dma_start3A_605 : memref<1x128xi32, #tpu.memory_space<vmem>> -> memref<128xi32, #tpu.memory_space<vmem>>
    %dma_start3A_607 = arith.constant 0 : i32
    %dma_start3A_608 = tpu.memref_slice %arg24[%dma_start3A_607] : memref<16640xi32, #tpu.memory_space<vmem_shared>> -> memref<16640xi32, #tpu.memory_space<vmem_shared>>
    tpu.enqueue_indirect_dma source(%dma_start3A_603 : memref<128xi32, #tpu.memory_space<vmem>>) target(%dma_start3A_608 : memref<16640xi32, #tpu.memory_space<vmem_shared>>) offsets(%dma_start3A_606 : memref<128xi32, #tpu.memory_space<vmem>>) semaphore(%arg30 : memref<!tpu.dma_semaphore, #tpu.memory_space<semaphore_mem>>)
    %dma_start3A_609 = arith.constant 7 : i32
    %dma_start3A_610 = arith.constant 896 : i32
    %dma_start3A_611 = tpu.memref_slice %arg7[%dma_start3A_610] : memref<1024xi32, #tpu.memory_space<vmem>> -> memref<128xi32, #tpu.memory_space<vmem>>
    %dma_start3A_612 = arith.constant 0 : i32
    %dma_start3A_613 = tpu.memref_slice %arg12[%dma_start3A_609, %dma_start3A_612] : memref<8x128xi32, #tpu.memory_space<vmem>> -> memref<1x128xi32, #tpu.memory_space<vmem>>
    %dma_start3A_614 = tpu.memref_squeeze %dma_start3A_613 : memref<1x128xi32, #tpu.memory_space<vmem>> -> memref<128xi32, #tpu.memory_space<vmem>>
    %dma_start3A_615 = arith.constant 0 : i32
    %dma_start3A_616 = tpu.memref_slice %arg25[%dma_start3A_615] : memref<16640xi32, #tpu.memory_space<vmem_shared>> -> memref<16640xi32, #tpu.memory_space<vmem_shared>>
    tpu.enqueue_indirect_dma source(%dma_start3A_611 : memref<128xi32, #tpu.memory_space<vmem>>) target(%dma_start3A_616 : memref<16640xi32, #tpu.memory_space<vmem_shared>>) offsets(%dma_start3A_614 : memref<128xi32, #tpu.memory_space<vmem>>) semaphore(%arg30 : memref<!tpu.dma_semaphore, #tpu.memory_space<semaphore_mem>>)
    %broadcast_in_dim3A = arith.constant 0 : i32
    %broadcast_in_dim3A_617 = vector.broadcast %broadcast_in_dim3A : i32 to vector<16xi32>
    %add3A_618 = vector.broadcast %while3A_422 : i32 to vector<16xi32>
    %add3A_619 = arith.addi %broadcast_in_dim3A_617, %add3A_618 : vector<16xi32>
    %swap3A = arith.constant 0 : index
    %swap3A_620 = tpu.vector_load %arg17[%swap3A] {strides = array<i32>} : memref<16xi32, #tpu.memory_space<vmem>>, vector<16xi32>,
    %swap3A_621 = vector.shape_cast %swap3A_620 : vector<16xi32> to vector<16xi32>
    %swap3A_622 = vector.shape_cast %add3A_619 : vector<16xi32> to vector<16xi32>
    tpu.vector_store %arg17[%swap3A], %swap3A_622 {strides = array<i32>} : memref<16xi32, #tpu.memory_space<vmem>>, vector<16xi32>,
    %dma_wait3A_623 = arith.constant 0 : i32
    %dma_wait3A_624 = arith.constant 0 : i32
    %dma_wait3A_625 = tpu.memref_slice %arg5[%dma_wait3A_624] : memref<1024xi32, #tpu.memory_space<vmem>> -> memref<128xi32, #tpu.memory_space<vmem>>
    %dma_wait3A_626 = arith.constant 0 : i32
    %dma_wait3A_627 = tpu.memref_slice %arg12[%dma_wait3A_623, %dma_wait3A_626] : memref<8x128xi32, #tpu.memory_space<vmem>> -> memref<1x128xi32, #tpu.memory_space<vmem>>
    %dma_wait3A_628 = tpu.memref_squeeze %dma_wait3A_627 : memref<1x128xi32, #tpu.memory_space<vmem>> -> memref<128xi32, #tpu.memory_space<vmem>>
    %dma_wait3A_629 = arith.constant 0 : i32
    %dma_wait3A_630 = tpu.memref_slice %arg23[%dma_wait3A_629] : memref<16640xi32, #tpu.memory_space<vmem_shared>> -> memref<16640xi32, #tpu.memory_space<vmem_shared>>
    tpu.wait_indirect_dma semaphore(%arg30 : memref<!tpu.dma_semaphore, #tpu.memory_space<semaphore_mem>>) src(%dma_wait3A_625 : memref<128xi32, #tpu.memory_space<vmem>>) dst(%dma_wait3A_630 : memref<16640xi32, #tpu.memory_space<vmem_shared>>)
    %dma_wait3A_631 = arith.constant 0 : i32
    %dma_wait3A_632 = arith.constant 0 : i32
    %dma_wait3A_633 = tpu.memref_slice %arg6[%dma_wait3A_632] : memref<1024xi32, #tpu.memory_space<vmem>> -> memref<128xi32, #tpu.memory_space<vmem>>
    %dma_wait3A_634 = arith.constant 0 : i32
    %dma_wait3A_635 = tpu.memref_slice %arg12[%dma_wait3A_631, %dma_wait3A_634] : memref<8x128xi32, #tpu.memory_space<vmem>> -> memref<1x128xi32, #tpu.memory_space<vmem>>
    %dma_wait3A_636 = tpu.memref_squeeze %dma_wait3A_635 : memref<1x128xi32, #tpu.memory_space<vmem>> -> memref<128xi32, #tpu.memory_space<vmem>>
    %dma_wait3A_637 = arith.constant 0 : i32
    %dma_wait3A_638 = tpu.memref_slice %arg24[%dma_wait3A_637] : memref<16640xi32, #tpu.memory_space<vmem_shared>> -> memref<16640xi32, #tpu.memory_space<vmem_shared>>
    tpu.wait_indirect_dma semaphore(%arg30 : memref<!tpu.dma_semaphore, #tpu.memory_space<semaphore_mem>>) src(%dma_wait3A_633 : memref<128xi32, #tpu.memory_space<vmem>>) dst(%dma_wait3A_638 : memref<16640xi32, #tpu.memory_space<vmem_shared>>)
    %dma_wait3A_639 = arith.constant 0 : i32
    %dma_wait3A_640 = arith.constant 0 : i32
    %dma_wait3A_641 = tpu.memref_slice %arg7[%dma_wait3A_640] : memref<1024xi32, #tpu.memory_space<vmem>> -> memref<128xi32, #tpu.memory_space<vmem>>
    %dma_wait3A_642 = arith.constant 0 : i32
    %dma_wait3A_643 = tpu.memref_slice %arg12[%dma_wait3A_639, %dma_wait3A_642] : memref<8x128xi32, #tpu.memory_space<vmem>> -> memref<1x128xi32, #tpu.memory_space<vmem>>
    %dma_wait3A_644 = tpu.memref_squeeze %dma_wait3A_643 : memref<1x128xi32, #tpu.memory_space<vmem>> -> memref<128xi32, #tpu.memory_space<vmem>>
    %dma_wait3A_645 = arith.constant 0 : i32
    %dma_wait3A_646 = tpu.memref_slice %arg25[%dma_wait3A_645] : memref<16640xi32, #tpu.memory_space<vmem_shared>> -> memref<16640xi32, #tpu.memory_space<vmem_shared>>
    tpu.wait_indirect_dma semaphore(%arg30 : memref<!tpu.dma_semaphore, #tpu.memory_space<semaphore_mem>>) src(%dma_wait3A_641 : memref<128xi32, #tpu.memory_space<vmem>>) dst(%dma_wait3A_646 : memref<16640xi32, #tpu.memory_space<vmem_shared>>)
    %dma_wait3A_647 = arith.constant 1 : i32
    %dma_wait3A_648 = arith.constant 128 : i32
    %dma_wait3A_649 = tpu.memref_slice %arg5[%dma_wait3A_648] : memref<1024xi32, #tpu.memory_space<vmem>> -> memref<128xi32, #tpu.memory_space<vmem>>
    %dma_wait3A_650 = arith.constant 0 : i32
    %dma_wait3A_651 = tpu.memref_slice %arg12[%dma_wait3A_647, %dma_wait3A_650] : memref<8x128xi32, #tpu.memory_space<vmem>> -> memref<1x128xi32, #tpu.memory_space<vmem>>
    %dma_wait3A_652 = tpu.memref_squeeze %dma_wait3A_651 : memref<1x128xi32, #tpu.memory_space<vmem>> -> memref<128xi32, #tpu.memory_space<vmem>>
    %dma_wait3A_653 = arith.constant 0 : i32
    %dma_wait3A_654 = tpu.memref_slice %arg23[%dma_wait3A_653] : memref<16640xi32, #tpu.memory_space<vmem_shared>> -> memref<16640xi32, #tpu.memory_space<vmem_shared>>
    tpu.wait_indirect_dma semaphore(%arg30 : memref<!tpu.dma_semaphore, #tpu.memory_space<semaphore_mem>>) src(%dma_wait3A_649 : memref<128xi32, #tpu.memory_space<vmem>>) dst(%dma_wait3A_654 : memref<16640xi32, #tpu.memory_space<vmem_shared>>)
    %dma_wait3A_655 = arith.constant 1 : i32
    %dma_wait3A_656 = arith.constant 128 : i32
    %dma_wait3A_657 = tpu.memref_slice %arg6[%dma_wait3A_656] : memref<1024xi32, #tpu.memory_space<vmem>> -> memref<128xi32, #tpu.memory_space<vmem>>
    %dma_wait3A_658 = arith.constant 0 : i32
    %dma_wait3A_659 = tpu.memref_slice %arg12[%dma_wait3A_655, %dma_wait3A_658] : memref<8x128xi32, #tpu.memory_space<vmem>> -> memref<1x128xi32, #tpu.memory_space<vmem>>
    %dma_wait3A_660 = tpu.memref_squeeze %dma_wait3A_659 : memref<1x128xi32, #tpu.memory_space<vmem>> -> memref<128xi32, #tpu.memory_space<vmem>>
    %dma_wait3A_661 = arith.constant 0 : i32
    %dma_wait3A_662 = tpu.memref_slice %arg24[%dma_wait3A_661] : memref<16640xi32, #tpu.memory_space<vmem_shared>> -> memref<16640xi32, #tpu.memory_space<vmem_shared>>
    tpu.wait_indirect_dma semaphore(%arg30 : memref<!tpu.dma_semaphore, #tpu.memory_space<semaphore_mem>>) src(%dma_wait3A_657 : memref<128xi32, #tpu.memory_space<vmem>>) dst(%dma_wait3A_662 : memref<16640xi32, #tpu.memory_space<vmem_shared>>)
    %dma_wait3A_663 = arith.constant 1 : i32
    %dma_wait3A_664 = arith.constant 128 : i32
    %dma_wait3A_665 = tpu.memref_slice %arg7[%dma_wait3A_664] : memref<1024xi32, #tpu.memory_space<vmem>> -> memref<128xi32, #tpu.memory_space<vmem>>
    %dma_wait3A_666 = arith.constant 0 : i32
    %dma_wait3A_667 = tpu.memref_slice %arg12[%dma_wait3A_663, %dma_wait3A_666] : memref<8x128xi32, #tpu.memory_space<vmem>> -> memref<1x128xi32, #tpu.memory_space<vmem>>
    %dma_wait3A_668 = tpu.memref_squeeze %dma_wait3A_667 : memref<1x128xi32, #tpu.memory_space<vmem>> -> memref<128xi32, #tpu.memory_space<vmem>>
    %dma_wait3A_669 = arith.constant 0 : i32
    %dma_wait3A_670 = tpu.memref_slice %arg25[%dma_wait3A_669] : memref<16640xi32, #tpu.memory_space<vmem_shared>> -> memref<16640xi32, #tpu.memory_space<vmem_shared>>
    tpu.wait_indirect_dma semaphore(%arg30 : memref<!tpu.dma_semaphore, #tpu.memory_space<semaphore_mem>>) src(%dma_wait3A_665 : memref<128xi32, #tpu.memory_space<vmem>>) dst(%dma_wait3A_670 : memref<16640xi32, #tpu.memory_space<vmem_shared>>)
    %dma_wait3A_671 = arith.constant 2 : i32
    %dma_wait3A_672 = arith.constant 256 : i32
    %dma_wait3A_673 = tpu.memref_slice %arg5[%dma_wait3A_672] : memref<1024xi32, #tpu.memory_space<vmem>> -> memref<128xi32, #tpu.memory_space<vmem>>
    %dma_wait3A_674 = arith.constant 0 : i32
    %dma_wait3A_675 = tpu.memref_slice %arg12[%dma_wait3A_671, %dma_wait3A_674] : memref<8x128xi32, #tpu.memory_space<vmem>> -> memref<1x128xi32, #tpu.memory_space<vmem>>
    %dma_wait3A_676 = tpu.memref_squeeze %dma_wait3A_675 : memref<1x128xi32, #tpu.memory_space<vmem>> -> memref<128xi32, #tpu.memory_space<vmem>>
    %dma_wait3A_677 = arith.constant 0 : i32
    %dma_wait3A_678 = tpu.memref_slice %arg23[%dma_wait3A_677] : memref<16640xi32, #tpu.memory_space<vmem_shared>> -> memref<16640xi32, #tpu.memory_space<vmem_shared>>
    tpu.wait_indirect_dma semaphore(%arg30 : memref<!tpu.dma_semaphore, #tpu.memory_space<semaphore_mem>>) src(%dma_wait3A_673 : memref<128xi32, #tpu.memory_space<vmem>>) dst(%dma_wait3A_678 : memref<16640xi32, #tpu.memory_space<vmem_shared>>)
    %dma_wait3A_679 = arith.constant 2 : i32
    %dma_wait3A_680 = arith.constant 256 : i32
    %dma_wait3A_681 = tpu.memref_slice %arg6[%dma_wait3A_680] : memref<1024xi32, #tpu.memory_space<vmem>> -> memref<128xi32, #tpu.memory_space<vmem>>
    %dma_wait3A_682 = arith.constant 0 : i32
    %dma_wait3A_683 = tpu.memref_slice %arg12[%dma_wait3A_679, %dma_wait3A_682] : memref<8x128xi32, #tpu.memory_space<vmem>> -> memref<1x128xi32, #tpu.memory_space<vmem>>
    %dma_wait3A_684 = tpu.memref_squeeze %dma_wait3A_683 : memref<1x128xi32, #tpu.memory_space<vmem>> -> memref<128xi32, #tpu.memory_space<vmem>>
    %dma_wait3A_685 = arith.constant 0 : i32
    %dma_wait3A_686 = tpu.memref_slice %arg24[%dma_wait3A_685] : memref<16640xi32, #tpu.memory_space<vmem_shared>> -> memref<16640xi32, #tpu.memory_space<vmem_shared>>
    tpu.wait_indirect_dma semaphore(%arg30 : memref<!tpu.dma_semaphore, #tpu.memory_space<semaphore_mem>>) src(%dma_wait3A_681 : memref<128xi32, #tpu.memory_space<vmem>>) dst(%dma_wait3A_686 : memref<16640xi32, #tpu.memory_space<vmem_shared>>)
    %dma_wait3A_687 = arith.constant 2 : i32
    %dma_wait3A_688 = arith.constant 256 : i32
    %dma_wait3A_689 = tpu.memref_slice %arg7[%dma_wait3A_688] : memref<1024xi32, #tpu.memory_space<vmem>> -> memref<128xi32, #tpu.memory_space<vmem>>
    %dma_wait3A_690 = arith.constant 0 : i32
    %dma_wait3A_691 = tpu.memref_slice %arg12[%dma_wait3A_687, %dma_wait3A_690] : memref<8x128xi32, #tpu.memory_space<vmem>> -> memref<1x128xi32, #tpu.memory_space<vmem>>
    %dma_wait3A_692 = tpu.memref_squeeze %dma_wait3A_691 : memref<1x128xi32, #tpu.memory_space<vmem>> -> memref<128xi32, #tpu.memory_space<vmem>>
    %dma_wait3A_693 = arith.constant 0 : i32
    %dma_wait3A_694 = tpu.memref_slice %arg25[%dma_wait3A_693] : memref<16640xi32, #tpu.memory_space<vmem_shared>> -> memref<16640xi32, #tpu.memory_space<vmem_shared>>
    tpu.wait_indirect_dma semaphore(%arg30 : memref<!tpu.dma_semaphore, #tpu.memory_space<semaphore_mem>>) src(%dma_wait3A_689 : memref<128xi32, #tpu.memory_space<vmem>>) dst(%dma_wait3A_694 : memref<16640xi32, #tpu.memory_space<vmem_shared>>)
    %dma_wait3A_695 = arith.constant 3 : i32
    %dma_wait3A_696 = arith.constant 384 : i32
    %dma_wait3A_697 = tpu.memref_slice %arg5[%dma_wait3A_696] : memref<1024xi32, #tpu.memory_space<vmem>> -> memref<128xi32, #tpu.memory_space<vmem>>
    %dma_wait3A_698 = arith.constant 0 : i32
    %dma_wait3A_699 = tpu.memref_slice %arg12[%dma_wait3A_695, %dma_wait3A_698] : memref<8x128xi32, #tpu.memory_space<vmem>> -> memref<1x128xi32, #tpu.memory_space<vmem>>
    %dma_wait3A_700 = tpu.memref_squeeze %dma_wait3A_699 : memref<1x128xi32, #tpu.memory_space<vmem>> -> memref<128xi32, #tpu.memory_space<vmem>>
    %dma_wait3A_701 = arith.constant 0 : i32
    %dma_wait3A_702 = tpu.memref_slice %arg23[%dma_wait3A_701] : memref<16640xi32, #tpu.memory_space<vmem_shared>> -> memref<16640xi32, #tpu.memory_space<vmem_shared>>
    tpu.wait_indirect_dma semaphore(%arg30 : memref<!tpu.dma_semaphore, #tpu.memory_space<semaphore_mem>>) src(%dma_wait3A_697 : memref<128xi32, #tpu.memory_space<vmem>>) dst(%dma_wait3A_702 : memref<16640xi32, #tpu.memory_space<vmem_shared>>)
    %dma_wait3A_703 = arith.constant 3 : i32
    %dma_wait3A_704 = arith.constant 384 : i32
    %dma_wait3A_705 = tpu.memref_slice %arg6[%dma_wait3A_704] : memref<1024xi32, #tpu.memory_space<vmem>> -> memref<128xi32, #tpu.memory_space<vmem>>
    %dma_wait3A_706 = arith.constant 0 : i32
    %dma_wait3A_707 = tpu.memref_slice %arg12[%dma_wait3A_703, %dma_wait3A_706] : memref<8x128xi32, #tpu.memory_space<vmem>> -> memref<1x128xi32, #tpu.memory_space<vmem>>
    %dma_wait3A_708 = tpu.memref_squeeze %dma_wait3A_707 : memref<1x128xi32, #tpu.memory_space<vmem>> -> memref<128xi32, #tpu.memory_space<vmem>>
    %dma_wait3A_709 = arith.constant 0 : i32
    %dma_wait3A_710 = tpu.memref_slice %arg24[%dma_wait3A_709] : memref<16640xi32, #tpu.memory_space<vmem_shared>> -> memref<16640xi32, #tpu.memory_space<vmem_shared>>
    tpu.wait_indirect_dma semaphore(%arg30 : memref<!tpu.dma_semaphore, #tpu.memory_space<semaphore_mem>>) src(%dma_wait3A_705 : memref<128xi32, #tpu.memory_space<vmem>>) dst(%dma_wait3A_710 : memref<16640xi32, #tpu.memory_space<vmem_shared>>)
    %dma_wait3A_711 = arith.constant 3 : i32
    %dma_wait3A_712 = arith.constant 384 : i32
    %dma_wait3A_713 = tpu.memref_slice %arg7[%dma_wait3A_712] : memref<1024xi32, #tpu.memory_space<vmem>> -> memref<128xi32, #tpu.memory_space<vmem>>
    %dma_wait3A_714 = arith.constant 0 : i32
    %dma_wait3A_715 = tpu.memref_slice %arg12[%dma_wait3A_711, %dma_wait3A_714] : memref<8x128xi32, #tpu.memory_space<vmem>> -> memref<1x128xi32, #tpu.memory_space<vmem>>
    %dma_wait3A_716 = tpu.memref_squeeze %dma_wait3A_715 : memref<1x128xi32, #tpu.memory_space<vmem>> -> memref<128xi32, #tpu.memory_space<vmem>>
    %dma_wait3A_717 = arith.constant 0 : i32
    %dma_wait3A_718 = tpu.memref_slice %arg25[%dma_wait3A_717] : memref<16640xi32, #tpu.memory_space<vmem_shared>> -> memref<16640xi32, #tpu.memory_space<vmem_shared>>
    tpu.wait_indirect_dma semaphore(%arg30 : memref<!tpu.dma_semaphore, #tpu.memory_space<semaphore_mem>>) src(%dma_wait3A_713 : memref<128xi32, #tpu.memory_space<vmem>>) dst(%dma_wait3A_718 : memref<16640xi32, #tpu.memory_space<vmem_shared>>)
    %dma_wait3A_719 = arith.constant 4 : i32
    %dma_wait3A_720 = arith.constant 512 : i32
    %dma_wait3A_721 = tpu.memref_slice %arg5[%dma_wait3A_720] : memref<1024xi32, #tpu.memory_space<vmem>> -> memref<128xi32, #tpu.memory_space<vmem>>
    %dma_wait3A_722 = arith.constant 0 : i32
    %dma_wait3A_723 = tpu.memref_slice %arg12[%dma_wait3A_719, %dma_wait3A_722] : memref<8x128xi32, #tpu.memory_space<vmem>> -> memref<1x128xi32, #tpu.memory_space<vmem>>
    %dma_wait3A_724 = tpu.memref_squeeze %dma_wait3A_723 : memref<1x128xi32, #tpu.memory_space<vmem>> -> memref<128xi32, #tpu.memory_space<vmem>>
    %dma_wait3A_725 = arith.constant 0 : i32
    %dma_wait3A_726 = tpu.memref_slice %arg23[%dma_wait3A_725] : memref<16640xi32, #tpu.memory_space<vmem_shared>> -> memref<16640xi32, #tpu.memory_space<vmem_shared>>
    tpu.wait_indirect_dma semaphore(%arg30 : memref<!tpu.dma_semaphore, #tpu.memory_space<semaphore_mem>>) src(%dma_wait3A_721 : memref<128xi32, #tpu.memory_space<vmem>>) dst(%dma_wait3A_726 : memref<16640xi32, #tpu.memory_space<vmem_shared>>)
    %dma_wait3A_727 = arith.constant 4 : i32
    %dma_wait3A_728 = arith.constant 512 : i32
    %dma_wait3A_729 = tpu.memref_slice %arg6[%dma_wait3A_728] : memref<1024xi32, #tpu.memory_space<vmem>> -> memref<128xi32, #tpu.memory_space<vmem>>
    %dma_wait3A_730 = arith.constant 0 : i32
    %dma_wait3A_731 = tpu.memref_slice %arg12[%dma_wait3A_727, %dma_wait3A_730] : memref<8x128xi32, #tpu.memory_space<vmem>> -> memref<1x128xi32, #tpu.memory_space<vmem>>
    %dma_wait3A_732 = tpu.memref_squeeze %dma_wait3A_731 : memref<1x128xi32, #tpu.memory_space<vmem>> -> memref<128xi32, #tpu.memory_space<vmem>>
    %dma_wait3A_733 = arith.constant 0 : i32
    %dma_wait3A_734 = tpu.memref_slice %arg24[%dma_wait3A_733] : memref<16640xi32, #tpu.memory_space<vmem_shared>> -> memref<16640xi32, #tpu.memory_space<vmem_shared>>
    tpu.wait_indirect_dma semaphore(%arg30 : memref<!tpu.dma_semaphore, #tpu.memory_space<semaphore_mem>>) src(%dma_wait3A_729 : memref<128xi32, #tpu.memory_space<vmem>>) dst(%dma_wait3A_734 : memref<16640xi32, #tpu.memory_space<vmem_shared>>)
    %dma_wait3A_735 = arith.constant 4 : i32
    %dma_wait3A_736 = arith.constant 512 : i32
    %dma_wait3A_737 = tpu.memref_slice %arg7[%dma_wait3A_736] : memref<1024xi32, #tpu.memory_space<vmem>> -> memref<128xi32, #tpu.memory_space<vmem>>
    %dma_wait3A_738 = arith.constant 0 : i32
    %dma_wait3A_739 = tpu.memref_slice %arg12[%dma_wait3A_735, %dma_wait3A_738] : memref<8x128xi32, #tpu.memory_space<vmem>> -> memref<1x128xi32, #tpu.memory_space<vmem>>
    %dma_wait3A_740 = tpu.memref_squeeze %dma_wait3A_739 : memref<1x128xi32, #tpu.memory_space<vmem>> -> memref<128xi32, #tpu.memory_space<vmem>>
    %dma_wait3A_741 = arith.constant 0 : i32
    %dma_wait3A_742 = tpu.memref_slice %arg25[%dma_wait3A_741] : memref<16640xi32, #tpu.memory_space<vmem_shared>> -> memref<16640xi32, #tpu.memory_space<vmem_shared>>
    tpu.wait_indirect_dma semaphore(%arg30 : memref<!tpu.dma_semaphore, #tpu.memory_space<semaphore_mem>>) src(%dma_wait3A_737 : memref<128xi32, #tpu.memory_space<vmem>>) dst(%dma_wait3A_742 : memref<16640xi32, #tpu.memory_space<vmem_shared>>)
    %dma_wait3A_743 = arith.constant 5 : i32
    %dma_wait3A_744 = arith.constant 640 : i32
    %dma_wait3A_745 = tpu.memref_slice %arg5[%dma_wait3A_744] : memref<1024xi32, #tpu.memory_space<vmem>> -> memref<128xi32, #tpu.memory_space<vmem>>
    %dma_wait3A_746 = arith.constant 0 : i32
    %dma_wait3A_747 = tpu.memref_slice %arg12[%dma_wait3A_743, %dma_wait3A_746] : memref<8x128xi32, #tpu.memory_space<vmem>> -> memref<1x128xi32, #tpu.memory_space<vmem>>
    %dma_wait3A_748 = tpu.memref_squeeze %dma_wait3A_747 : memref<1x128xi32, #tpu.memory_space<vmem>> -> memref<128xi32, #tpu.memory_space<vmem>>
    %dma_wait3A_749 = arith.constant 0 : i32
    %dma_wait3A_750 = tpu.memref_slice %arg23[%dma_wait3A_749] : memref<16640xi32, #tpu.memory_space<vmem_shared>> -> memref<16640xi32, #tpu.memory_space<vmem_shared>>
    tpu.wait_indirect_dma semaphore(%arg30 : memref<!tpu.dma_semaphore, #tpu.memory_space<semaphore_mem>>) src(%dma_wait3A_745 : memref<128xi32, #tpu.memory_space<vmem>>) dst(%dma_wait3A_750 : memref<16640xi32, #tpu.memory_space<vmem_shared>>)
    %dma_wait3A_751 = arith.constant 5 : i32
    %dma_wait3A_752 = arith.constant 640 : i32
    %dma_wait3A_753 = tpu.memref_slice %arg6[%dma_wait3A_752] : memref<1024xi32, #tpu.memory_space<vmem>> -> memref<128xi32, #tpu.memory_space<vmem>>
    %dma_wait3A_754 = arith.constant 0 : i32
    %dma_wait3A_755 = tpu.memref_slice %arg12[%dma_wait3A_751, %dma_wait3A_754] : memref<8x128xi32, #tpu.memory_space<vmem>> -> memref<1x128xi32, #tpu.memory_space<vmem>>
    %dma_wait3A_756 = tpu.memref_squeeze %dma_wait3A_755 : memref<1x128xi32, #tpu.memory_space<vmem>> -> memref<128xi32, #tpu.memory_space<vmem>>
    %dma_wait3A_757 = arith.constant 0 : i32
    %dma_wait3A_758 = tpu.memref_slice %arg24[%dma_wait3A_757] : memref<16640xi32, #tpu.memory_space<vmem_shared>> -> memref<16640xi32, #tpu.memory_space<vmem_shared>>
    tpu.wait_indirect_dma semaphore(%arg30 : memref<!tpu.dma_semaphore, #tpu.memory_space<semaphore_mem>>) src(%dma_wait3A_753 : memref<128xi32, #tpu.memory_space<vmem>>) dst(%dma_wait3A_758 : memref<16640xi32, #tpu.memory_space<vmem_shared>>)
    %dma_wait3A_759 = arith.constant 5 : i32
    %dma_wait3A_760 = arith.constant 640 : i32
    %dma_wait3A_761 = tpu.memref_slice %arg7[%dma_wait3A_760] : memref<1024xi32, #tpu.memory_space<vmem>> -> memref<128xi32, #tpu.memory_space<vmem>>
    %dma_wait3A_762 = arith.constant 0 : i32
    %dma_wait3A_763 = tpu.memref_slice %arg12[%dma_wait3A_759, %dma_wait3A_762] : memref<8x128xi32, #tpu.memory_space<vmem>> -> memref<1x128xi32, #tpu.memory_space<vmem>>
    %dma_wait3A_764 = tpu.memref_squeeze %dma_wait3A_763 : memref<1x128xi32, #tpu.memory_space<vmem>> -> memref<128xi32, #tpu.memory_space<vmem>>
    %dma_wait3A_765 = arith.constant 0 : i32
    %dma_wait3A_766 = tpu.memref_slice %arg25[%dma_wait3A_765] : memref<16640xi32, #tpu.memory_space<vmem_shared>> -> memref<16640xi32, #tpu.memory_space<vmem_shared>>
    tpu.wait_indirect_dma semaphore(%arg30 : memref<!tpu.dma_semaphore, #tpu.memory_space<semaphore_mem>>) src(%dma_wait3A_761 : memref<128xi32, #tpu.memory_space<vmem>>) dst(%dma_wait3A_766 : memref<16640xi32, #tpu.memory_space<vmem_shared>>)
    %dma_wait3A_767 = arith.constant 6 : i32
    %dma_wait3A_768 = arith.constant 768 : i32
    %dma_wait3A_769 = tpu.memref_slice %arg5[%dma_wait3A_768] : memref<1024xi32, #tpu.memory_space<vmem>> -> memref<128xi32, #tpu.memory_space<vmem>>
    %dma_wait3A_770 = arith.constant 0 : i32
    %dma_wait3A_771 = tpu.memref_slice %arg12[%dma_wait3A_767, %dma_wait3A_770] : memref<8x128xi32, #tpu.memory_space<vmem>> -> memref<1x128xi32, #tpu.memory_space<vmem>>
    %dma_wait3A_772 = tpu.memref_squeeze %dma_wait3A_771 : memref<1x128xi32, #tpu.memory_space<vmem>> -> memref<128xi32, #tpu.memory_space<vmem>>
    %dma_wait3A_773 = arith.constant 0 : i32
    %dma_wait3A_774 = tpu.memref_slice %arg23[%dma_wait3A_773] : memref<16640xi32, #tpu.memory_space<vmem_shared>> -> memref<16640xi32, #tpu.memory_space<vmem_shared>>
    tpu.wait_indirect_dma semaphore(%arg30 : memref<!tpu.dma_semaphore, #tpu.memory_space<semaphore_mem>>) src(%dma_wait3A_769 : memref<128xi32, #tpu.memory_space<vmem>>) dst(%dma_wait3A_774 : memref<16640xi32, #tpu.memory_space<vmem_shared>>)
    %dma_wait3A_775 = arith.constant 6 : i32
    %dma_wait3A_776 = arith.constant 768 : i32
    %dma_wait3A_777 = tpu.memref_slice %arg6[%dma_wait3A_776] : memref<1024xi32, #tpu.memory_space<vmem>> -> memref<128xi32, #tpu.memory_space<vmem>>
    %dma_wait3A_778 = arith.constant 0 : i32
    %dma_wait3A_779 = tpu.memref_slice %arg12[%dma_wait3A_775, %dma_wait3A_778] : memref<8x128xi32, #tpu.memory_space<vmem>> -> memref<1x128xi32, #tpu.memory_space<vmem>>
    %dma_wait3A_780 = tpu.memref_squeeze %dma_wait3A_779 : memref<1x128xi32, #tpu.memory_space<vmem>> -> memref<128xi32, #tpu.memory_space<vmem>>
    %dma_wait3A_781 = arith.constant 0 : i32
    %dma_wait3A_782 = tpu.memref_slice %arg24[%dma_wait3A_781] : memref<16640xi32, #tpu.memory_space<vmem_shared>> -> memref<16640xi32, #tpu.memory_space<vmem_shared>>
    tpu.wait_indirect_dma semaphore(%arg30 : memref<!tpu.dma_semaphore, #tpu.memory_space<semaphore_mem>>) src(%dma_wait3A_777 : memref<128xi32, #tpu.memory_space<vmem>>) dst(%dma_wait3A_782 : memref<16640xi32, #tpu.memory_space<vmem_shared>>)
    %dma_wait3A_783 = arith.constant 6 : i32
    %dma_wait3A_784 = arith.constant 768 : i32
    %dma_wait3A_785 = tpu.memref_slice %arg7[%dma_wait3A_784] : memref<1024xi32, #tpu.memory_space<vmem>> -> memref<128xi32, #tpu.memory_space<vmem>>
    %dma_wait3A_786 = arith.constant 0 : i32
    %dma_wait3A_787 = tpu.memref_slice %arg12[%dma_wait3A_783, %dma_wait3A_786] : memref<8x128xi32, #tpu.memory_space<vmem>> -> memref<1x128xi32, #tpu.memory_space<vmem>>
    %dma_wait3A_788 = tpu.memref_squeeze %dma_wait3A_787 : memref<1x128xi32, #tpu.memory_space<vmem>> -> memref<128xi32, #tpu.memory_space<vmem>>
    %dma_wait3A_789 = arith.constant 0 : i32
    %dma_wait3A_790 = tpu.memref_slice %arg25[%dma_wait3A_789] : memref<16640xi32, #tpu.memory_space<vmem_shared>> -> memref<16640xi32, #tpu.memory_space<vmem_shared>>
    tpu.wait_indirect_dma semaphore(%arg30 : memref<!tpu.dma_semaphore, #tpu.memory_space<semaphore_mem>>) src(%dma_wait3A_785 : memref<128xi32, #tpu.memory_space<vmem>>) dst(%dma_wait3A_790 : memref<16640xi32, #tpu.memory_space<vmem_shared>>)
    %dma_wait3A_791 = arith.constant 7 : i32
    %dma_wait3A_792 = arith.constant 896 : i32
    %dma_wait3A_793 = tpu.memref_slice %arg5[%dma_wait3A_792] : memref<1024xi32, #tpu.memory_space<vmem>> -> memref<128xi32, #tpu.memory_space<vmem>>
    %dma_wait3A_794 = arith.constant 0 : i32
    %dma_wait3A_795 = tpu.memref_slice %arg12[%dma_wait3A_791, %dma_wait3A_794] : memref<8x128xi32, #tpu.memory_space<vmem>> -> memref<1x128xi32, #tpu.memory_space<vmem>>
    %dma_wait3A_796 = tpu.memref_squeeze %dma_wait3A_795 : memref<1x128xi32, #tpu.memory_space<vmem>> -> memref<128xi32, #tpu.memory_space<vmem>>
    %dma_wait3A_797 = arith.constant 0 : i32
    %dma_wait3A_798 = tpu.memref_slice %arg23[%dma_wait3A_797] : memref<16640xi32, #tpu.memory_space<vmem_shared>> -> memref<16640xi32, #tpu.memory_space<vmem_shared>>
    tpu.wait_indirect_dma semaphore(%arg30 : memref<!tpu.dma_semaphore, #tpu.memory_space<semaphore_mem>>) src(%dma_wait3A_793 : memref<128xi32, #tpu.memory_space<vmem>>) dst(%dma_wait3A_798 : memref<16640xi32, #tpu.memory_space<vmem_shared>>)
    %dma_wait3A_799 = arith.constant 7 : i32
    %dma_wait3A_800 = arith.constant 896 : i32
    %dma_wait3A_801 = tpu.memref_slice %arg6[%dma_wait3A_800] : memref<1024xi32, #tpu.memory_space<vmem>> -> memref<128xi32, #tpu.memory_space<vmem>>
    %dma_wait3A_802 = arith.constant 0 : i32
    %dma_wait3A_803 = tpu.memref_slice %arg12[%dma_wait3A_799, %dma_wait3A_802] : memref<8x128xi32, #tpu.memory_space<vmem>> -> memref<1x128xi32, #tpu.memory_space<vmem>>
    %dma_wait3A_804 = tpu.memref_squeeze %dma_wait3A_803 : memref<1x128xi32, #tpu.memory_space<vmem>> -> memref<128xi32, #tpu.memory_space<vmem>>
    %dma_wait3A_805 = arith.constant 0 : i32
    %dma_wait3A_806 = tpu.memref_slice %arg24[%dma_wait3A_805] : memref<16640xi32, #tpu.memory_space<vmem_shared>> -> memref<16640xi32, #tpu.memory_space<vmem_shared>>
    tpu.wait_indirect_dma semaphore(%arg30 : memref<!tpu.dma_semaphore, #tpu.memory_space<semaphore_mem>>) src(%dma_wait3A_801 : memref<128xi32, #tpu.memory_space<vmem>>) dst(%dma_wait3A_806 : memref<16640xi32, #tpu.memory_space<vmem_shared>>)
    %dma_wait3A_807 = arith.constant 7 : i32
    %dma_wait3A_808 = arith.constant 896 : i32
    %dma_wait3A_809 = tpu.memref_slice %arg7[%dma_wait3A_808] : memref<1024xi32, #tpu.memory_space<vmem>> -> memref<128xi32, #tpu.memory_space<vmem>>
    %dma_wait3A_810 = arith.constant 0 : i32
    %dma_wait3A_811 = tpu.memref_slice %arg12[%dma_wait3A_807, %dma_wait3A_810] : memref<8x128xi32, #tpu.memory_space<vmem>> -> memref<1x128xi32, #tpu.memory_space<vmem>>
    %dma_wait3A_812 = tpu.memref_squeeze %dma_wait3A_811 : memref<1x128xi32, #tpu.memory_space<vmem>> -> memref<128xi32, #tpu.memory_space<vmem>>
    %dma_wait3A_813 = arith.constant 0 : i32
    %dma_wait3A_814 = tpu.memref_slice %arg25[%dma_wait3A_813] : memref<16640xi32, #tpu.memory_space<vmem_shared>> -> memref<16640xi32, #tpu.memory_space<vmem_shared>>
    tpu.wait_indirect_dma semaphore(%arg30 : memref<!tpu.dma_semaphore, #tpu.memory_space<semaphore_mem>>) src(%dma_wait3A_809 : memref<128xi32, #tpu.memory_space<vmem>>) dst(%dma_wait3A_814 : memref<16640xi32, #tpu.memory_space<vmem_shared>>)
    %mul3A_815 = arith.constant 16 : i32
    %mul3A_816 = arith.muli %arg1, %mul3A_815 : i32
    "tpu.region"() ({
      %run_scoped3A = tpu.sem_alloc : memref<!tpu.dma_semaphore, #tpu.memory_space<semaphore_mem>>
      %dma_start3A_976 = tpu.memref_slice %arg26[%mul3A_816] : memref<256xi32, #tpu.memory_space<vmem_shared>> -> memref<16xi32, #tpu.memory_space<vmem_shared>>
      %dma_start3A_977 = tpu.memref_slice %arg26[%mul3A_816] : memref<256xi32, #tpu.memory_space<vmem_shared>> -> memref<16xi32, #tpu.memory_space<vmem_shared>>
      tpu.enqueue_dma source(%arg17 : memref<16xi32, #tpu.memory_space<vmem>>) target(%dma_start3A_977 : memref<16xi32, #tpu.memory_space<vmem_shared>>) target_semaphore(%run_scoped3A : memref<!tpu.dma_semaphore, #tpu.memory_space<semaphore_mem>>)
      %dma_wait3A_978 = tpu.memref_slice %arg26[%mul3A_816] : memref<256xi32, #tpu.memory_space<vmem_shared>> -> memref<16xi32, #tpu.memory_space<vmem_shared>>
      %dma_wait3A_979 = tpu.memref_slice %arg26[%mul3A_816] : memref<256xi32, #tpu.memory_space<vmem_shared>> -> memref<16xi32, #tpu.memory_space<vmem_shared>>
      tpu.wait_dma2 semaphore(%run_scoped3A : memref<!tpu.dma_semaphore, #tpu.memory_space<semaphore_mem>>) src(%arg17 : memref<16xi32, #tpu.memory_space<vmem>>) dst(%dma_wait3A_979 : memref<16xi32, #tpu.memory_space<vmem_shared>>)
      tpu.yield
    }) : () -> ()
    %barrier3A_817 = arith.constant 0 : index
    tpu.barrier barrier_id(%barrier3A_817)
    tpu.enqueue_dma source(%arg23 : memref<16640xi32, #tpu.memory_space<vmem_shared>>) target(%arg18 : memref<16640xi32, #tpu.memory_space<vmem>>) target_semaphore(%arg30 : memref<!tpu.dma_semaphore, #tpu.memory_space<semaphore_mem>>)
    tpu.enqueue_dma source(%arg24 : memref<16640xi32, #tpu.memory_space<vmem_shared>>) target(%arg19 : memref<16640xi32, #tpu.memory_space<vmem>>) target_semaphore(%arg30 : memref<!tpu.dma_semaphore, #tpu.memory_space<semaphore_mem>>)
    tpu.enqueue_dma source(%arg25 : memref<16640xi32, #tpu.memory_space<vmem_shared>>) target(%arg20 : memref<16640xi32, #tpu.memory_space<vmem>>) target_semaphore(%arg30 : memref<!tpu.dma_semaphore, #tpu.memory_space<semaphore_mem>>)
    tpu.enqueue_dma source(%arg26 : memref<256xi32, #tpu.memory_space<vmem_shared>>) target(%arg21 : memref<256xi32, #tpu.memory_space<vmem>>) target_semaphore(%arg30 : memref<!tpu.dma_semaphore, #tpu.memory_space<semaphore_mem>>)
    tpu.wait_dma2 semaphore(%arg30 : memref<!tpu.dma_semaphore, #tpu.memory_space<semaphore_mem>>) src(%arg23 : memref<16640xi32, #tpu.memory_space<vmem_shared>>) dst(%arg18 : memref<16640xi32, #tpu.memory_space<vmem>>)
    tpu.wait_dma2 semaphore(%arg30 : memref<!tpu.dma_semaphore, #tpu.memory_space<semaphore_mem>>) src(%arg24 : memref<16640xi32, #tpu.memory_space<vmem_shared>>) dst(%arg19 : memref<16640xi32, #tpu.memory_space<vmem>>)
    tpu.wait_dma2 semaphore(%arg30 : memref<!tpu.dma_semaphore, #tpu.memory_space<semaphore_mem>>) src(%arg25 : memref<16640xi32, #tpu.memory_space<vmem_shared>>) dst(%arg20 : memref<16640xi32, #tpu.memory_space<vmem>>)
    tpu.wait_dma2 semaphore(%arg30 : memref<!tpu.dma_semaphore, #tpu.memory_space<semaphore_mem>>) src(%arg26 : memref<256xi32, #tpu.memory_space<vmem_shared>>) dst(%arg21 : memref<256xi32, #tpu.memory_space<vmem>>)
    %add3A_818 = arith.constant 15 : i32
    %add3A_819 = arith.addi %while3A_422, %add3A_818 : i32
    %jit3A = arith.constant 16 : i32
    %div3A = arith.divsi %add3A_819, %jit3A : i32
    %sign3A = arith.constant 0 : i32
    %sign3A_820 = arith.cmpi sgt, %add3A_819, %sign3A : i32
    %sign3A_821 = arith.extui %sign3A_820 : i1 to i32
    %sign3A_822 = arith.constant 0 : i32
    %sign3A_823 = arith.cmpi slt, %add3A_819, %sign3A_822 : i32
    %sign3A_824 = arith.extui %sign3A_823 : i1 to i32
    %sign3A_825 = arith.subi %sign3A_821, %sign3A_824 : i32
    %sign3A_826 = arith.constant 0 : i32
    %sign3A_827 = arith.cmpi sgt, %jit3A, %sign3A_826 : i32
    %sign3A_828 = arith.extui %sign3A_827 : i1 to i32
    %sign3A_829 = arith.constant 0 : i32
    %sign3A_830 = arith.cmpi slt, %jit3A, %sign3A_829 : i32
    %sign3A_831 = arith.extui %sign3A_830 : i1 to i32
    %sign3A_832 = arith.subi %sign3A_828, %sign3A_831 : i32
    %ne3A = arith.cmpi ne, %sign3A_825, %sign3A_832 : i32
    %rem3A = arith.remsi %add3A_819, %jit3A : i32
    %ne3A_833 = arith.constant 0 : i32
    %ne3A_834 = arith.cmpi ne, %rem3A, %ne3A_833 : i32
    %and3A = arith.andi %ne3A, %ne3A_834 : i1
    %sub3A = arith.constant 1 : i32
    %sub3A_835 = arith.subi %div3A, %sub3A : i32
    %select_n3A = arith.select %and3A, %sub3A_835, %div3A : i32
    %while3A_836 = arith.constant 0 : i32
    %while3A_837 = arith.constant 0 : i32
    %while3A_838 = arith.subi %select_n3A, %while3A_837 : i32
    %while3A_839 = arith.addi %while3A_837, %while3A_838 : i32
    %while3A_840 = arith.constant 1 : i32
    %while3A_841 = arith.divsi %while3A_838, %while3A_840 : i32
    %while3A_842 = arith.muli %while3A_841, %while3A_840 : i32
    %while3A_843 = arith.addi %while3A_837, %while3A_842 : i32
    %while3A_844 = arith.constant 1 : i32
    scf.for %while3A_976 = %while3A_837 to %while3A_843 step %while3A_844  : i32 {
      %mul3A_977 = arith.constant 16 : i32
      %mul3A_978 = arith.muli %while3A_976, %mul3A_977 : i32
      %add3A_979 = arith.addi %mul3A_2, %mul3A_978 : i32
      %get3A = arith.index_cast %add3A_979 : i32 to index
      %get3A_980 = tpu.vector_load %arg18[%get3A] {strides = array<i32>} : memref<16640xi32, #tpu.memory_space<vmem>>, vector<16xi32>,
      %get3A_981 = vector.shape_cast %get3A_980 : vector<16xi32> to vector<16xi32>
      %get3A_982 = arith.index_cast %add3A_979 : i32 to index
      %get3A_983 = tpu.vector_load %arg19[%get3A_982] {strides = array<i32>} : memref<16640xi32, #tpu.memory_space<vmem>>, vector<16xi32>,
      %get3A_984 = vector.shape_cast %get3A_983 : vector<16xi32> to vector<16xi32>
      %get3A_985 = arith.index_cast %add3A_979 : i32 to index
      %get3A_986 = tpu.vector_load %arg20[%get3A_985] {strides = array<i32>} : memref<16640xi32, #tpu.memory_space<vmem>>, vector<16xi32>,
      %get3A_987 = vector.shape_cast %get3A_986 : vector<16xi32> to vector<16xi32>
      %mul3A_988 = arith.constant 16 : i32
      %mul3A_989 = arith.muli %while3A_976, %mul3A_988 : i32
      %add3A_990 = vector.broadcast %mul3A_989 : i32 to vector<16xi32>
      %add3A_991 = arith.addi %add3A_990, %iota3A : vector<16xi32>
      %lt3A = vector.broadcast %while3A_422 : i32 to vector<16xi32>
      %lt3A_992 = arith.cmpi slt, %add3A_991, %lt3A : vector<16xi32>
      %broadcast_in_dim3A_993 = arith.constant 0 : i32
      %broadcast_in_dim3A_994 = vector.broadcast %broadcast_in_dim3A_993 : i32 to vector<16xi32>
      %while3A_995 = arith.constant 0 : i32
      %while3A_996 = arith.constant 16 : i32
      %while3A_997 = arith.subi %while3A_996, %while3A_995 : i32
      %while3A_998 = arith.addi %while3A_995, %while3A_997 : i32
      %while3A_999 = arith.constant 1 : i32
      %while3A_1000 = arith.divsi %while3A_997, %while3A_999 : i32
      %while3A_1001 = arith.muli %while3A_1000, %while3A_999 : i32
      %while3A_1002 = arith.addi %while3A_995, %while3A_1001 : i32
      %while3A_1003 = arith.constant 1 : i32
      %while3A_1004 = scf.for %while3A_1097 = %while3A_995 to %while3A_1002 step %while3A_1003 iter_args(%while3A_1098 = %broadcast_in_dim3A_994) -> (vector<16xi32>)  : i32 {
        %mul3A_1099 = arith.constant 16 : i32
        %mul3A_1100 = arith.muli %while3A_1097, %mul3A_1099 : i32
        %get3A_1101 = arith.index_cast %mul3A_1100 : i32 to index
        %get3A_1102 = tpu.vector_load %arg21[%get3A_1101] {strides = array<i32>} : memref<256xi32, #tpu.memory_space<vmem>>, vector<16xi32>,
        %get3A_1103 = vector.shape_cast %get3A_1102 : vector<16xi32> to vector<16xi32>
        %slice3A = vector.extract_strided_slice %get3A_1103 {offsets = [0], sizes = [1], strides = [1]} : vector<16xi32> to vector<1xi32>
        %squeeze3A = vector.extract %slice3A[0] : i32 from vector<1xi32>
        %add3A_1104 = arith.constant 15 : i32
        %add3A_1105 = arith.addi %squeeze3A, %add3A_1104 : i32
        %jit3A_1106 = arith.constant 16 : i32
        %div3A_1107 = arith.divsi %add3A_1105, %jit3A_1106 : i32
        %sign3A_1108 = arith.constant 0 : i32
        %sign3A_1109 = arith.cmpi sgt, %add3A_1105, %sign3A_1108 : i32
        %sign3A_1110 = arith.extui %sign3A_1109 : i1 to i32
        %sign3A_1111 = arith.constant 0 : i32
        %sign3A_1112 = arith.cmpi slt, %add3A_1105, %sign3A_1111 : i32
        %sign3A_1113 = arith.extui %sign3A_1112 : i1 to i32
        %sign3A_1114 = arith.subi %sign3A_1110, %sign3A_1113 : i32
        %sign3A_1115 = arith.constant 0 : i32
        %sign3A_1116 = arith.cmpi sgt, %jit3A_1106, %sign3A_1115 : i32
        %sign3A_1117 = arith.extui %sign3A_1116 : i1 to i32
        %sign3A_1118 = arith.constant 0 : i32
        %sign3A_1119 = arith.cmpi slt, %jit3A_1106, %sign3A_1118 : i32
        %sign3A_1120 = arith.extui %sign3A_1119 : i1 to i32
        %sign3A_1121 = arith.subi %sign3A_1117, %sign3A_1120 : i32
        %ne3A_1122 = arith.cmpi ne, %sign3A_1114, %sign3A_1121 : i32
        %rem3A_1123 = arith.remsi %add3A_1105, %jit3A_1106 : i32
        %ne3A_1124 = arith.constant 0 : i32
        %ne3A_1125 = arith.cmpi ne, %rem3A_1123, %ne3A_1124 : i32
        %and3A_1126 = arith.andi %ne3A_1122, %ne3A_1125 : i1
        %sub3A_1127 = arith.constant 1 : i32
        %sub3A_1128 = arith.subi %div3A_1107, %sub3A_1127 : i32
        %select_n3A_1129 = arith.select %and3A_1126, %sub3A_1128, %div3A_1107 : i32
        %mul3A_1130 = arith.constant 1040 : i32
        %mul3A_1131 = arith.muli %while3A_1097, %mul3A_1130 : i32
        %while3A_1132 = arith.constant 0 : i32
        %while3A_1133 = arith.subi %select_n3A_1129, %while3A_1132 : i32
        %while3A_1134 = arith.addi %while3A_1132, %while3A_1133 : i32
        %while3A_1135 = arith.constant 1 : i32
        %while3A_1136 = arith.divsi %while3A_1133, %while3A_1135 : i32
        %while3A_1137 = arith.muli %while3A_1136, %while3A_1135 : i32
        %while3A_1138 = arith.addi %while3A_1132, %while3A_1137 : i32
        %while3A_1139 = arith.constant 1 : i32
        %while3A_1140 = scf.for %while3A_1143 = %while3A_1132 to %while3A_1138 step %while3A_1139 iter_args(%while3A_1144 = %while3A_1098) -> (vector<16xi32>)  : i32 {
          %mul3A_1145 = arith.constant 16 : i32
          %mul3A_1146 = arith.muli %while3A_1143, %mul3A_1145 : i32
          %add3A_1147 = arith.addi %mul3A_1131, %mul3A_1146 : i32
          %get3A_1148 = arith.index_cast %add3A_1147 : i32 to index
          %get3A_1149 = tpu.vector_load %arg18[%get3A_1148] {strides = array<i32>} : memref<16640xi32, #tpu.memory_space<vmem>>, vector<16xi32>,
          %get3A_1150 = vector.shape_cast %get3A_1149 : vector<16xi32> to vector<16xi32>
          %get3A_1151 = arith.index_cast %add3A_1147 : i32 to index
          %get3A_1152 = tpu.vector_load %arg19[%get3A_1151] {strides = array<i32>} : memref<16640xi32, #tpu.memory_space<vmem>>, vector<16xi32>,
          %get3A_1153 = vector.shape_cast %get3A_1152 : vector<16xi32> to vector<16xi32>
          %get3A_1154 = arith.index_cast %add3A_1147 : i32 to index
          %get3A_1155 = tpu.vector_load %arg20[%get3A_1154] {strides = array<i32>} : memref<16640xi32, #tpu.memory_space<vmem>>, vector<16xi32>,
          %get3A_1156 = vector.shape_cast %get3A_1155 : vector<16xi32> to vector<16xi32>
          %broadcast_in_dim3A_1157 = arith.constant 1 : i32
          %broadcast_in_dim3A_1158 = vector.broadcast %broadcast_in_dim3A_1157 : i32 to vector<16xi32>
          %slice3A_1159 = vector.extract_strided_slice %get3A_1150 {offsets = [0], sizes = [1], strides = [1]} : vector<16xi32> to vector<1xi32>
          %squeeze3A_1160 = vector.extract %slice3A_1159[0] : i32 from vector<1xi32>
          %eq3A_1161 = vector.broadcast %squeeze3A_1160 : i32 to vector<16xi32>
          %eq3A_1162 = arith.cmpi eq, %get3A_981, %eq3A_1161 : vector<16xi32>
          %slice3A_1163 = vector.extract_strided_slice %get3A_1153 {offsets = [0], sizes = [1], strides = [1]} : vector<16xi32> to vector<1xi32>
          %squeeze3A_1164 = vector.extract %slice3A_1163[0] : i32 from vector<1xi32>
          %eq3A_1165 = vector.broadcast %squeeze3A_1164 : i32 to vector<16xi32>
          %eq3A_1166 = arith.cmpi eq, %get3A_984, %eq3A_1165 : vector<16xi32>
          %and3A_1167 = arith.andi %eq3A_1162, %eq3A_1166 : vector<16xi1>
          %slice3A_1168 = vector.extract_strided_slice %get3A_1156 {offsets = [0], sizes = [1], strides = [1]} : vector<16xi32> to vector<1xi32>
          %squeeze3A_1169 = vector.extract %slice3A_1168[0] : i32 from vector<1xi32>
          %lt3A_1170 = vector.broadcast %squeeze3A_1169 : i32 to vector<16xi32>
          %lt3A_1171 = arith.cmpi slt, %lt3A_1170, %get3A_987 : vector<16xi32>
          %and3A_1172 = arith.andi %and3A_1167, %lt3A_1171 : vector<16xi1>
          %broadcast_in_dim3A_1173 = arith.constant 0 : i32
          %broadcast_in_dim3A_1174 = vector.broadcast %broadcast_in_dim3A_1173 : i32 to vector<16xi32>
          %select_n3A_1175 = arith.select %and3A_1172, %broadcast_in_dim3A_1158, %broadcast_in_dim3A_1174 : vector<16xi1>, vector<16xi32>
          %add3A_1176 = arith.addi %while3A_1144, %select_n3A_1175 : vector<16xi32>
          %slice3A_1177 = vector.extract_strided_slice %get3A_1150 {offsets = [1], sizes = [1], strides = [1]} : vector<16xi32> to vector<1xi32>
          %squeeze3A_1178 = vector.extract %slice3A_1177[0] : i32 from vector<1xi32>
          %eq3A_1179 = vector.broadcast %squeeze3A_1178 : i32 to vector<16xi32>
          %eq3A_1180 = arith.cmpi eq, %get3A_981, %eq3A_1179 : vector<16xi32>
          %slice3A_1181 = vector.extract_strided_slice %get3A_1153 {offsets = [1], sizes = [1], strides = [1]} : vector<16xi32> to vector<1xi32>
          %squeeze3A_1182 = vector.extract %slice3A_1181[0] : i32 from vector<1xi32>
          %eq3A_1183 = vector.broadcast %squeeze3A_1182 : i32 to vector<16xi32>
          %eq3A_1184 = arith.cmpi eq, %get3A_984, %eq3A_1183 : vector<16xi32>
          %and3A_1185 = arith.andi %eq3A_1180, %eq3A_1184 : vector<16xi1>
          %slice3A_1186 = vector.extract_strided_slice %get3A_1156 {offsets = [1], sizes = [1], strides = [1]} : vector<16xi32> to vector<1xi32>
          %squeeze3A_1187 = vector.extract %slice3A_1186[0] : i32 from vector<1xi32>
          %lt3A_1188 = vector.broadcast %squeeze3A_1187 : i32 to vector<16xi32>
          %lt3A_1189 = arith.cmpi slt, %lt3A_1188, %get3A_987 : vector<16xi32>
          %and3A_1190 = arith.andi %and3A_1185, %lt3A_1189 : vector<16xi1>
          %broadcast_in_dim3A_1191 = arith.constant 0 : i32
          %broadcast_in_dim3A_1192 = vector.broadcast %broadcast_in_dim3A_1191 : i32 to vector<16xi32>
          %select_n3A_1193 = arith.select %and3A_1190, %broadcast_in_dim3A_1158, %broadcast_in_dim3A_1192 : vector<16xi1>, vector<16xi32>
          %add3A_1194 = arith.addi %add3A_1176, %select_n3A_1193 : vector<16xi32>
          %slice3A_1195 = vector.extract_strided_slice %get3A_1150 {offsets = [2], sizes = [1], strides = [1]} : vector<16xi32> to vector<1xi32>
          %squeeze3A_1196 = vector.extract %slice3A_1195[0] : i32 from vector<1xi32>
          %eq3A_1197 = vector.broadcast %squeeze3A_1196 : i32 to vector<16xi32>
          %eq3A_1198 = arith.cmpi eq, %get3A_981, %eq3A_1197 : vector<16xi32>
          %slice3A_1199 = vector.extract_strided_slice %get3A_1153 {offsets = [2], sizes = [1], strides = [1]} : vector<16xi32> to vector<1xi32>
          %squeeze3A_1200 = vector.extract %slice3A_1199[0] : i32 from vector<1xi32>
          %eq3A_1201 = vector.broadcast %squeeze3A_1200 : i32 to vector<16xi32>
          %eq3A_1202 = arith.cmpi eq, %get3A_984, %eq3A_1201 : vector<16xi32>
          %and3A_1203 = arith.andi %eq3A_1198, %eq3A_1202 : vector<16xi1>
          %slice3A_1204 = vector.extract_strided_slice %get3A_1156 {offsets = [2], sizes = [1], strides = [1]} : vector<16xi32> to vector<1xi32>
          %squeeze3A_1205 = vector.extract %slice3A_1204[0] : i32 from vector<1xi32>
          %lt3A_1206 = vector.broadcast %squeeze3A_1205 : i32 to vector<16xi32>
          %lt3A_1207 = arith.cmpi slt, %lt3A_1206, %get3A_987 : vector<16xi32>
          %and3A_1208 = arith.andi %and3A_1203, %lt3A_1207 : vector<16xi1>
          %broadcast_in_dim3A_1209 = arith.constant 0 : i32
          %broadcast_in_dim3A_1210 = vector.broadcast %broadcast_in_dim3A_1209 : i32 to vector<16xi32>
          %select_n3A_1211 = arith.select %and3A_1208, %broadcast_in_dim3A_1158, %broadcast_in_dim3A_1210 : vector<16xi1>, vector<16xi32>
          %add3A_1212 = arith.addi %add3A_1194, %select_n3A_1211 : vector<16xi32>
          %slice3A_1213 = vector.extract_strided_slice %get3A_1150 {offsets = [3], sizes = [1], strides = [1]} : vector<16xi32> to vector<1xi32>
          %squeeze3A_1214 = vector.extract %slice3A_1213[0] : i32 from vector<1xi32>
          %eq3A_1215 = vector.broadcast %squeeze3A_1214 : i32 to vector<16xi32>
          %eq3A_1216 = arith.cmpi eq, %get3A_981, %eq3A_1215 : vector<16xi32>
          %slice3A_1217 = vector.extract_strided_slice %get3A_1153 {offsets = [3], sizes = [1], strides = [1]} : vector<16xi32> to vector<1xi32>
          %squeeze3A_1218 = vector.extract %slice3A_1217[0] : i32 from vector<1xi32>
          %eq3A_1219 = vector.broadcast %squeeze3A_1218 : i32 to vector<16xi32>
          %eq3A_1220 = arith.cmpi eq, %get3A_984, %eq3A_1219 : vector<16xi32>
          %and3A_1221 = arith.andi %eq3A_1216, %eq3A_1220 : vector<16xi1>
          %slice3A_1222 = vector.extract_strided_slice %get3A_1156 {offsets = [3], sizes = [1], strides = [1]} : vector<16xi32> to vector<1xi32>
          %squeeze3A_1223 = vector.extract %slice3A_1222[0] : i32 from vector<1xi32>
          %lt3A_1224 = vector.broadcast %squeeze3A_1223 : i32 to vector<16xi32>
          %lt3A_1225 = arith.cmpi slt, %lt3A_1224, %get3A_987 : vector<16xi32>
          %and3A_1226 = arith.andi %and3A_1221, %lt3A_1225 : vector<16xi1>
          %broadcast_in_dim3A_1227 = arith.constant 0 : i32
          %broadcast_in_dim3A_1228 = vector.broadcast %broadcast_in_dim3A_1227 : i32 to vector<16xi32>
          %select_n3A_1229 = arith.select %and3A_1226, %broadcast_in_dim3A_1158, %broadcast_in_dim3A_1228 : vector<16xi1>, vector<16xi32>
          %add3A_1230 = arith.addi %add3A_1212, %select_n3A_1229 : vector<16xi32>
          %slice3A_1231 = vector.extract_strided_slice %get3A_1150 {offsets = [4], sizes = [1], strides = [1]} : vector<16xi32> to vector<1xi32>
          %squeeze3A_1232 = vector.extract %slice3A_1231[0] : i32 from vector<1xi32>
          %eq3A_1233 = vector.broadcast %squeeze3A_1232 : i32 to vector<16xi32>
          %eq3A_1234 = arith.cmpi eq, %get3A_981, %eq3A_1233 : vector<16xi32>
          %slice3A_1235 = vector.extract_strided_slice %get3A_1153 {offsets = [4], sizes = [1], strides = [1]} : vector<16xi32> to vector<1xi32>
          %squeeze3A_1236 = vector.extract %slice3A_1235[0] : i32 from vector<1xi32>
          %eq3A_1237 = vector.broadcast %squeeze3A_1236 : i32 to vector<16xi32>
          %eq3A_1238 = arith.cmpi eq, %get3A_984, %eq3A_1237 : vector<16xi32>
          %and3A_1239 = arith.andi %eq3A_1234, %eq3A_1238 : vector<16xi1>
          %slice3A_1240 = vector.extract_strided_slice %get3A_1156 {offsets = [4], sizes = [1], strides = [1]} : vector<16xi32> to vector<1xi32>
          %squeeze3A_1241 = vector.extract %slice3A_1240[0] : i32 from vector<1xi32>
          %lt3A_1242 = vector.broadcast %squeeze3A_1241 : i32 to vector<16xi32>
          %lt3A_1243 = arith.cmpi slt, %lt3A_1242, %get3A_987 : vector<16xi32>
          %and3A_1244 = arith.andi %and3A_1239, %lt3A_1243 : vector<16xi1>
          %broadcast_in_dim3A_1245 = arith.constant 0 : i32
          %broadcast_in_dim3A_1246 = vector.broadcast %broadcast_in_dim3A_1245 : i32 to vector<16xi32>
          %select_n3A_1247 = arith.select %and3A_1244, %broadcast_in_dim3A_1158, %broadcast_in_dim3A_1246 : vector<16xi1>, vector<16xi32>
          %add3A_1248 = arith.addi %add3A_1230, %select_n3A_1247 : vector<16xi32>
          %slice3A_1249 = vector.extract_strided_slice %get3A_1150 {offsets = [5], sizes = [1], strides = [1]} : vector<16xi32> to vector<1xi32>
          %squeeze3A_1250 = vector.extract %slice3A_1249[0] : i32 from vector<1xi32>
          %eq3A_1251 = vector.broadcast %squeeze3A_1250 : i32 to vector<16xi32>
          %eq3A_1252 = arith.cmpi eq, %get3A_981, %eq3A_1251 : vector<16xi32>
          %slice3A_1253 = vector.extract_strided_slice %get3A_1153 {offsets = [5], sizes = [1], strides = [1]} : vector<16xi32> to vector<1xi32>
          %squeeze3A_1254 = vector.extract %slice3A_1253[0] : i32 from vector<1xi32>
          %eq3A_1255 = vector.broadcast %squeeze3A_1254 : i32 to vector<16xi32>
          %eq3A_1256 = arith.cmpi eq, %get3A_984, %eq3A_1255 : vector<16xi32>
          %and3A_1257 = arith.andi %eq3A_1252, %eq3A_1256 : vector<16xi1>
          %slice3A_1258 = vector.extract_strided_slice %get3A_1156 {offsets = [5], sizes = [1], strides = [1]} : vector<16xi32> to vector<1xi32>
          %squeeze3A_1259 = vector.extract %slice3A_1258[0] : i32 from vector<1xi32>
          %lt3A_1260 = vector.broadcast %squeeze3A_1259 : i32 to vector<16xi32>
          %lt3A_1261 = arith.cmpi slt, %lt3A_1260, %get3A_987 : vector<16xi32>
          %and3A_1262 = arith.andi %and3A_1257, %lt3A_1261 : vector<16xi1>
          %broadcast_in_dim3A_1263 = arith.constant 0 : i32
          %broadcast_in_dim3A_1264 = vector.broadcast %broadcast_in_dim3A_1263 : i32 to vector<16xi32>
          %select_n3A_1265 = arith.select %and3A_1262, %broadcast_in_dim3A_1158, %broadcast_in_dim3A_1264 : vector<16xi1>, vector<16xi32>
          %add3A_1266 = arith.addi %add3A_1248, %select_n3A_1265 : vector<16xi32>
          %slice3A_1267 = vector.extract_strided_slice %get3A_1150 {offsets = [6], sizes = [1], strides = [1]} : vector<16xi32> to vector<1xi32>
          %squeeze3A_1268 = vector.extract %slice3A_1267[0] : i32 from vector<1xi32>
          %eq3A_1269 = vector.broadcast %squeeze3A_1268 : i32 to vector<16xi32>
          %eq3A_1270 = arith.cmpi eq, %get3A_981, %eq3A_1269 : vector<16xi32>
          %slice3A_1271 = vector.extract_strided_slice %get3A_1153 {offsets = [6], sizes = [1], strides = [1]} : vector<16xi32> to vector<1xi32>
          %squeeze3A_1272 = vector.extract %slice3A_1271[0] : i32 from vector<1xi32>
          %eq3A_1273 = vector.broadcast %squeeze3A_1272 : i32 to vector<16xi32>
          %eq3A_1274 = arith.cmpi eq, %get3A_984, %eq3A_1273 : vector<16xi32>
          %and3A_1275 = arith.andi %eq3A_1270, %eq3A_1274 : vector<16xi1>
          %slice3A_1276 = vector.extract_strided_slice %get3A_1156 {offsets = [6], sizes = [1], strides = [1]} : vector<16xi32> to vector<1xi32>
          %squeeze3A_1277 = vector.extract %slice3A_1276[0] : i32 from vector<1xi32>
          %lt3A_1278 = vector.broadcast %squeeze3A_1277 : i32 to vector<16xi32>
          %lt3A_1279 = arith.cmpi slt, %lt3A_1278, %get3A_987 : vector<16xi32>
          %and3A_1280 = arith.andi %and3A_1275, %lt3A_1279 : vector<16xi1>
          %broadcast_in_dim3A_1281 = arith.constant 0 : i32
          %broadcast_in_dim3A_1282 = vector.broadcast %broadcast_in_dim3A_1281 : i32 to vector<16xi32>
          %select_n3A_1283 = arith.select %and3A_1280, %broadcast_in_dim3A_1158, %broadcast_in_dim3A_1282 : vector<16xi1>, vector<16xi32>
          %add3A_1284 = arith.addi %add3A_1266, %select_n3A_1283 : vector<16xi32>
          %slice3A_1285 = vector.extract_strided_slice %get3A_1150 {offsets = [7], sizes = [1], strides = [1]} : vector<16xi32> to vector<1xi32>
          %squeeze3A_1286 = vector.extract %slice3A_1285[0] : i32 from vector<1xi32>
          %eq3A_1287 = vector.broadcast %squeeze3A_1286 : i32 to vector<16xi32>
          %eq3A_1288 = arith.cmpi eq, %get3A_981, %eq3A_1287 : vector<16xi32>
          %slice3A_1289 = vector.extract_strided_slice %get3A_1153 {offsets = [7], sizes = [1], strides = [1]} : vector<16xi32> to vector<1xi32>
          %squeeze3A_1290 = vector.extract %slice3A_1289[0] : i32 from vector<1xi32>
          %eq3A_1291 = vector.broadcast %squeeze3A_1290 : i32 to vector<16xi32>
          %eq3A_1292 = arith.cmpi eq, %get3A_984, %eq3A_1291 : vector<16xi32>
          %and3A_1293 = arith.andi %eq3A_1288, %eq3A_1292 : vector<16xi1>
          %slice3A_1294 = vector.extract_strided_slice %get3A_1156 {offsets = [7], sizes = [1], strides = [1]} : vector<16xi32> to vector<1xi32>
          %squeeze3A_1295 = vector.extract %slice3A_1294[0] : i32 from vector<1xi32>
          %lt3A_1296 = vector.broadcast %squeeze3A_1295 : i32 to vector<16xi32>
          %lt3A_1297 = arith.cmpi slt, %lt3A_1296, %get3A_987 : vector<16xi32>
          %and3A_1298 = arith.andi %and3A_1293, %lt3A_1297 : vector<16xi1>
          %broadcast_in_dim3A_1299 = arith.constant 0 : i32
          %broadcast_in_dim3A_1300 = vector.broadcast %broadcast_in_dim3A_1299 : i32 to vector<16xi32>
          %select_n3A_1301 = arith.select %and3A_1298, %broadcast_in_dim3A_1158, %broadcast_in_dim3A_1300 : vector<16xi1>, vector<16xi32>
          %add3A_1302 = arith.addi %add3A_1284, %select_n3A_1301 : vector<16xi32>
          %slice3A_1303 = vector.extract_strided_slice %get3A_1150 {offsets = [8], sizes = [1], strides = [1]} : vector<16xi32> to vector<1xi32>
          %squeeze3A_1304 = vector.extract %slice3A_1303[0] : i32 from vector<1xi32>
          %eq3A_1305 = vector.broadcast %squeeze3A_1304 : i32 to vector<16xi32>
          %eq3A_1306 = arith.cmpi eq, %get3A_981, %eq3A_1305 : vector<16xi32>
          %slice3A_1307 = vector.extract_strided_slice %get3A_1153 {offsets = [8], sizes = [1], strides = [1]} : vector<16xi32> to vector<1xi32>
          %squeeze3A_1308 = vector.extract %slice3A_1307[0] : i32 from vector<1xi32>
          %eq3A_1309 = vector.broadcast %squeeze3A_1308 : i32 to vector<16xi32>
          %eq3A_1310 = arith.cmpi eq, %get3A_984, %eq3A_1309 : vector<16xi32>
          %and3A_1311 = arith.andi %eq3A_1306, %eq3A_1310 : vector<16xi1>
          %slice3A_1312 = vector.extract_strided_slice %get3A_1156 {offsets = [8], sizes = [1], strides = [1]} : vector<16xi32> to vector<1xi32>
          %squeeze3A_1313 = vector.extract %slice3A_1312[0] : i32 from vector<1xi32>
          %lt3A_1314 = vector.broadcast %squeeze3A_1313 : i32 to vector<16xi32>
          %lt3A_1315 = arith.cmpi slt, %lt3A_1314, %get3A_987 : vector<16xi32>
          %and3A_1316 = arith.andi %and3A_1311, %lt3A_1315 : vector<16xi1>
          %broadcast_in_dim3A_1317 = arith.constant 0 : i32
          %broadcast_in_dim3A_1318 = vector.broadcast %broadcast_in_dim3A_1317 : i32 to vector<16xi32>
          %select_n3A_1319 = arith.select %and3A_1316, %broadcast_in_dim3A_1158, %broadcast_in_dim3A_1318 : vector<16xi1>, vector<16xi32>
          %add3A_1320 = arith.addi %add3A_1302, %select_n3A_1319 : vector<16xi32>
          %slice3A_1321 = vector.extract_strided_slice %get3A_1150 {offsets = [9], sizes = [1], strides = [1]} : vector<16xi32> to vector<1xi32>
          %squeeze3A_1322 = vector.extract %slice3A_1321[0] : i32 from vector<1xi32>
          %eq3A_1323 = vector.broadcast %squeeze3A_1322 : i32 to vector<16xi32>
          %eq3A_1324 = arith.cmpi eq, %get3A_981, %eq3A_1323 : vector<16xi32>
          %slice3A_1325 = vector.extract_strided_slice %get3A_1153 {offsets = [9], sizes = [1], strides = [1]} : vector<16xi32> to vector<1xi32>
          %squeeze3A_1326 = vector.extract %slice3A_1325[0] : i32 from vector<1xi32>
          %eq3A_1327 = vector.broadcast %squeeze3A_1326 : i32 to vector<16xi32>
          %eq3A_1328 = arith.cmpi eq, %get3A_984, %eq3A_1327 : vector<16xi32>
          %and3A_1329 = arith.andi %eq3A_1324, %eq3A_1328 : vector<16xi1>
          %slice3A_1330 = vector.extract_strided_slice %get3A_1156 {offsets = [9], sizes = [1], strides = [1]} : vector<16xi32> to vector<1xi32>
          %squeeze3A_1331 = vector.extract %slice3A_1330[0] : i32 from vector<1xi32>
          %lt3A_1332 = vector.broadcast %squeeze3A_1331 : i32 to vector<16xi32>
          %lt3A_1333 = arith.cmpi slt, %lt3A_1332, %get3A_987 : vector<16xi32>
          %and3A_1334 = arith.andi %and3A_1329, %lt3A_1333 : vector<16xi1>
          %broadcast_in_dim3A_1335 = arith.constant 0 : i32
          %broadcast_in_dim3A_1336 = vector.broadcast %broadcast_in_dim3A_1335 : i32 to vector<16xi32>
          %select_n3A_1337 = arith.select %and3A_1334, %broadcast_in_dim3A_1158, %broadcast_in_dim3A_1336 : vector<16xi1>, vector<16xi32>
          %add3A_1338 = arith.addi %add3A_1320, %select_n3A_1337 : vector<16xi32>
          %slice3A_1339 = vector.extract_strided_slice %get3A_1150 {offsets = [10], sizes = [1], strides = [1]} : vector<16xi32> to vector<1xi32>
          %squeeze3A_1340 = vector.extract %slice3A_1339[0] : i32 from vector<1xi32>
          %eq3A_1341 = vector.broadcast %squeeze3A_1340 : i32 to vector<16xi32>
          %eq3A_1342 = arith.cmpi eq, %get3A_981, %eq3A_1341 : vector<16xi32>
          %slice3A_1343 = vector.extract_strided_slice %get3A_1153 {offsets = [10], sizes = [1], strides = [1]} : vector<16xi32> to vector<1xi32>
          %squeeze3A_1344 = vector.extract %slice3A_1343[0] : i32 from vector<1xi32>
          %eq3A_1345 = vector.broadcast %squeeze3A_1344 : i32 to vector<16xi32>
          %eq3A_1346 = arith.cmpi eq, %get3A_984, %eq3A_1345 : vector<16xi32>
          %and3A_1347 = arith.andi %eq3A_1342, %eq3A_1346 : vector<16xi1>
          %slice3A_1348 = vector.extract_strided_slice %get3A_1156 {offsets = [10], sizes = [1], strides = [1]} : vector<16xi32> to vector<1xi32>
          %squeeze3A_1349 = vector.extract %slice3A_1348[0] : i32 from vector<1xi32>
          %lt3A_1350 = vector.broadcast %squeeze3A_1349 : i32 to vector<16xi32>
          %lt3A_1351 = arith.cmpi slt, %lt3A_1350, %get3A_987 : vector<16xi32>
          %and3A_1352 = arith.andi %and3A_1347, %lt3A_1351 : vector<16xi1>
          %broadcast_in_dim3A_1353 = arith.constant 0 : i32
          %broadcast_in_dim3A_1354 = vector.broadcast %broadcast_in_dim3A_1353 : i32 to vector<16xi32>
          %select_n3A_1355 = arith.select %and3A_1352, %broadcast_in_dim3A_1158, %broadcast_in_dim3A_1354 : vector<16xi1>, vector<16xi32>
          %add3A_1356 = arith.addi %add3A_1338, %select_n3A_1355 : vector<16xi32>
          %slice3A_1357 = vector.extract_strided_slice %get3A_1150 {offsets = [11], sizes = [1], strides = [1]} : vector<16xi32> to vector<1xi32>
          %squeeze3A_1358 = vector.extract %slice3A_1357[0] : i32 from vector<1xi32>
          %eq3A_1359 = vector.broadcast %squeeze3A_1358 : i32 to vector<16xi32>
          %eq3A_1360 = arith.cmpi eq, %get3A_981, %eq3A_1359 : vector<16xi32>
          %slice3A_1361 = vector.extract_strided_slice %get3A_1153 {offsets = [11], sizes = [1], strides = [1]} : vector<16xi32> to vector<1xi32>
          %squeeze3A_1362 = vector.extract %slice3A_1361[0] : i32 from vector<1xi32>
          %eq3A_1363 = vector.broadcast %squeeze3A_1362 : i32 to vector<16xi32>
          %eq3A_1364 = arith.cmpi eq, %get3A_984, %eq3A_1363 : vector<16xi32>
          %and3A_1365 = arith.andi %eq3A_1360, %eq3A_1364 : vector<16xi1>
          %slice3A_1366 = vector.extract_strided_slice %get3A_1156 {offsets = [11], sizes = [1], strides = [1]} : vector<16xi32> to vector<1xi32>
          %squeeze3A_1367 = vector.extract %slice3A_1366[0] : i32 from vector<1xi32>
          %lt3A_1368 = vector.broadcast %squeeze3A_1367 : i32 to vector<16xi32>
          %lt3A_1369 = arith.cmpi slt, %lt3A_1368, %get3A_987 : vector<16xi32>
          %and3A_1370 = arith.andi %and3A_1365, %lt3A_1369 : vector<16xi1>
          %broadcast_in_dim3A_1371 = arith.constant 0 : i32
          %broadcast_in_dim3A_1372 = vector.broadcast %broadcast_in_dim3A_1371 : i32 to vector<16xi32>
          %select_n3A_1373 = arith.select %and3A_1370, %broadcast_in_dim3A_1158, %broadcast_in_dim3A_1372 : vector<16xi1>, vector<16xi32>
          %add3A_1374 = arith.addi %add3A_1356, %select_n3A_1373 : vector<16xi32>
          %slice3A_1375 = vector.extract_strided_slice %get3A_1150 {offsets = [12], sizes = [1], strides = [1]} : vector<16xi32> to vector<1xi32>
          %squeeze3A_1376 = vector.extract %slice3A_1375[0] : i32 from vector<1xi32>
          %eq3A_1377 = vector.broadcast %squeeze3A_1376 : i32 to vector<16xi32>
          %eq3A_1378 = arith.cmpi eq, %get3A_981, %eq3A_1377 : vector<16xi32>
          %slice3A_1379 = vector.extract_strided_slice %get3A_1153 {offsets = [12], sizes = [1], strides = [1]} : vector<16xi32> to vector<1xi32>
          %squeeze3A_1380 = vector.extract %slice3A_1379[0] : i32 from vector<1xi32>
          %eq3A_1381 = vector.broadcast %squeeze3A_1380 : i32 to vector<16xi32>
          %eq3A_1382 = arith.cmpi eq, %get3A_984, %eq3A_1381 : vector<16xi32>
          %and3A_1383 = arith.andi %eq3A_1378, %eq3A_1382 : vector<16xi1>
          %slice3A_1384 = vector.extract_strided_slice %get3A_1156 {offsets = [12], sizes = [1], strides = [1]} : vector<16xi32> to vector<1xi32>
          %squeeze3A_1385 = vector.extract %slice3A_1384[0] : i32 from vector<1xi32>
          %lt3A_1386 = vector.broadcast %squeeze3A_1385 : i32 to vector<16xi32>
          %lt3A_1387 = arith.cmpi slt, %lt3A_1386, %get3A_987 : vector<16xi32>
          %and3A_1388 = arith.andi %and3A_1383, %lt3A_1387 : vector<16xi1>
          %broadcast_in_dim3A_1389 = arith.constant 0 : i32
          %broadcast_in_dim3A_1390 = vector.broadcast %broadcast_in_dim3A_1389 : i32 to vector<16xi32>
          %select_n3A_1391 = arith.select %and3A_1388, %broadcast_in_dim3A_1158, %broadcast_in_dim3A_1390 : vector<16xi1>, vector<16xi32>
          %add3A_1392 = arith.addi %add3A_1374, %select_n3A_1391 : vector<16xi32>
          %slice3A_1393 = vector.extract_strided_slice %get3A_1150 {offsets = [13], sizes = [1], strides = [1]} : vector<16xi32> to vector<1xi32>
          %squeeze3A_1394 = vector.extract %slice3A_1393[0] : i32 from vector<1xi32>
          %eq3A_1395 = vector.broadcast %squeeze3A_1394 : i32 to vector<16xi32>
          %eq3A_1396 = arith.cmpi eq, %get3A_981, %eq3A_1395 : vector<16xi32>
          %slice3A_1397 = vector.extract_strided_slice %get3A_1153 {offsets = [13], sizes = [1], strides = [1]} : vector<16xi32> to vector<1xi32>
          %squeeze3A_1398 = vector.extract %slice3A_1397[0] : i32 from vector<1xi32>
          %eq3A_1399 = vector.broadcast %squeeze3A_1398 : i32 to vector<16xi32>
          %eq3A_1400 = arith.cmpi eq, %get3A_984, %eq3A_1399 : vector<16xi32>
          %and3A_1401 = arith.andi %eq3A_1396, %eq3A_1400 : vector<16xi1>
          %slice3A_1402 = vector.extract_strided_slice %get3A_1156 {offsets = [13], sizes = [1], strides = [1]} : vector<16xi32> to vector<1xi32>
          %squeeze3A_1403 = vector.extract %slice3A_1402[0] : i32 from vector<1xi32>
          %lt3A_1404 = vector.broadcast %squeeze3A_1403 : i32 to vector<16xi32>
          %lt3A_1405 = arith.cmpi slt, %lt3A_1404, %get3A_987 : vector<16xi32>
          %and3A_1406 = arith.andi %and3A_1401, %lt3A_1405 : vector<16xi1>
          %broadcast_in_dim3A_1407 = arith.constant 0 : i32
          %broadcast_in_dim3A_1408 = vector.broadcast %broadcast_in_dim3A_1407 : i32 to vector<16xi32>
          %select_n3A_1409 = arith.select %and3A_1406, %broadcast_in_dim3A_1158, %broadcast_in_dim3A_1408 : vector<16xi1>, vector<16xi32>
          %add3A_1410 = arith.addi %add3A_1392, %select_n3A_1409 : vector<16xi32>
          %slice3A_1411 = vector.extract_strided_slice %get3A_1150 {offsets = [14], sizes = [1], strides = [1]} : vector<16xi32> to vector<1xi32>
          %squeeze3A_1412 = vector.extract %slice3A_1411[0] : i32 from vector<1xi32>
          %eq3A_1413 = vector.broadcast %squeeze3A_1412 : i32 to vector<16xi32>
          %eq3A_1414 = arith.cmpi eq, %get3A_981, %eq3A_1413 : vector<16xi32>
          %slice3A_1415 = vector.extract_strided_slice %get3A_1153 {offsets = [14], sizes = [1], strides = [1]} : vector<16xi32> to vector<1xi32>
          %squeeze3A_1416 = vector.extract %slice3A_1415[0] : i32 from vector<1xi32>
          %eq3A_1417 = vector.broadcast %squeeze3A_1416 : i32 to vector<16xi32>
          %eq3A_1418 = arith.cmpi eq, %get3A_984, %eq3A_1417 : vector<16xi32>
          %and3A_1419 = arith.andi %eq3A_1414, %eq3A_1418 : vector<16xi1>
          %slice3A_1420 = vector.extract_strided_slice %get3A_1156 {offsets = [14], sizes = [1], strides = [1]} : vector<16xi32> to vector<1xi32>
          %squeeze3A_1421 = vector.extract %slice3A_1420[0] : i32 from vector<1xi32>
          %lt3A_1422 = vector.broadcast %squeeze3A_1421 : i32 to vector<16xi32>
          %lt3A_1423 = arith.cmpi slt, %lt3A_1422, %get3A_987 : vector<16xi32>
          %and3A_1424 = arith.andi %and3A_1419, %lt3A_1423 : vector<16xi1>
          %broadcast_in_dim3A_1425 = arith.constant 0 : i32
          %broadcast_in_dim3A_1426 = vector.broadcast %broadcast_in_dim3A_1425 : i32 to vector<16xi32>
          %select_n3A_1427 = arith.select %and3A_1424, %broadcast_in_dim3A_1158, %broadcast_in_dim3A_1426 : vector<16xi1>, vector<16xi32>
          %add3A_1428 = arith.addi %add3A_1410, %select_n3A_1427 : vector<16xi32>
          %slice3A_1429 = vector.extract_strided_slice %get3A_1150 {offsets = [15], sizes = [1], strides = [1]} : vector<16xi32> to vector<1xi32>
          %squeeze3A_1430 = vector.extract %slice3A_1429[0] : i32 from vector<1xi32>
          %eq3A_1431 = vector.broadcast %squeeze3A_1430 : i32 to vector<16xi32>
          %eq3A_1432 = arith.cmpi eq, %get3A_981, %eq3A_1431 : vector<16xi32>
          %slice3A_1433 = vector.extract_strided_slice %get3A_1153 {offsets = [15], sizes = [1], strides = [1]} : vector<16xi32> to vector<1xi32>
          %squeeze3A_1434 = vector.extract %slice3A_1433[0] : i32 from vector<1xi32>
          %eq3A_1435 = vector.broadcast %squeeze3A_1434 : i32 to vector<16xi32>
          %eq3A_1436 = arith.cmpi eq, %get3A_984, %eq3A_1435 : vector<16xi32>
          %and3A_1437 = arith.andi %eq3A_1432, %eq3A_1436 : vector<16xi1>
          %slice3A_1438 = vector.extract_strided_slice %get3A_1156 {offsets = [15], sizes = [1], strides = [1]} : vector<16xi32> to vector<1xi32>
          %squeeze3A_1439 = vector.extract %slice3A_1438[0] : i32 from vector<1xi32>
          %lt3A_1440 = vector.broadcast %squeeze3A_1439 : i32 to vector<16xi32>
          %lt3A_1441 = arith.cmpi slt, %lt3A_1440, %get3A_987 : vector<16xi32>
          %and3A_1442 = arith.andi %and3A_1437, %lt3A_1441 : vector<16xi1>
          %broadcast_in_dim3A_1443 = arith.constant 0 : i32
          %broadcast_in_dim3A_1444 = vector.broadcast %broadcast_in_dim3A_1443 : i32 to vector<16xi32>
          %select_n3A_1445 = arith.select %and3A_1442, %broadcast_in_dim3A_1158, %broadcast_in_dim3A_1444 : vector<16xi1>, vector<16xi32>
          %add3A_1446 = arith.addi %add3A_1428, %select_n3A_1445 : vector<16xi32>
          scf.yield %add3A_1446 : vector<16xi32>
        }
        %while3A_1141 = arith.constant 1 : i32
        %while3A_1142 = scf.for %while3A_1143 = %while3A_1138 to %while3A_1134 step %while3A_1141 iter_args(%while3A_1144 = %while3A_1140) -> (vector<16xi32>)  : i32 {
          %mul3A_1145 = arith.constant 16 : i32
          %mul3A_1146 = arith.muli %while3A_1143, %mul3A_1145 : i32
          %add3A_1147 = arith.addi %mul3A_1131, %mul3A_1146 : i32
          %get3A_1148 = arith.index_cast %add3A_1147 : i32 to index
          %get3A_1149 = tpu.vector_load %arg18[%get3A_1148] {strides = array<i32>} : memref<16640xi32, #tpu.memory_space<vmem>>, vector<16xi32>,
          %get3A_1150 = vector.shape_cast %get3A_1149 : vector<16xi32> to vector<16xi32>
          %get3A_1151 = arith.index_cast %add3A_1147 : i32 to index
          %get3A_1152 = tpu.vector_load %arg19[%get3A_1151] {strides = array<i32>} : memref<16640xi32, #tpu.memory_space<vmem>>, vector<16xi32>,
          %get3A_1153 = vector.shape_cast %get3A_1152 : vector<16xi32> to vector<16xi32>
          %get3A_1154 = arith.index_cast %add3A_1147 : i32 to index
          %get3A_1155 = tpu.vector_load %arg20[%get3A_1154] {strides = array<i32>} : memref<16640xi32, #tpu.memory_space<vmem>>, vector<16xi32>,
          %get3A_1156 = vector.shape_cast %get3A_1155 : vector<16xi32> to vector<16xi32>
          %broadcast_in_dim3A_1157 = arith.constant 1 : i32
          %broadcast_in_dim3A_1158 = vector.broadcast %broadcast_in_dim3A_1157 : i32 to vector<16xi32>
          %slice3A_1159 = vector.extract_strided_slice %get3A_1150 {offsets = [0], sizes = [1], strides = [1]} : vector<16xi32> to vector<1xi32>
          %squeeze3A_1160 = vector.extract %slice3A_1159[0] : i32 from vector<1xi32>
          %eq3A_1161 = vector.broadcast %squeeze3A_1160 : i32 to vector<16xi32>
          %eq3A_1162 = arith.cmpi eq, %get3A_981, %eq3A_1161 : vector<16xi32>
          %slice3A_1163 = vector.extract_strided_slice %get3A_1153 {offsets = [0], sizes = [1], strides = [1]} : vector<16xi32> to vector<1xi32>
          %squeeze3A_1164 = vector.extract %slice3A_1163[0] : i32 from vector<1xi32>
          %eq3A_1165 = vector.broadcast %squeeze3A_1164 : i32 to vector<16xi32>
          %eq3A_1166 = arith.cmpi eq, %get3A_984, %eq3A_1165 : vector<16xi32>
          %and3A_1167 = arith.andi %eq3A_1162, %eq3A_1166 : vector<16xi1>
          %slice3A_1168 = vector.extract_strided_slice %get3A_1156 {offsets = [0], sizes = [1], strides = [1]} : vector<16xi32> to vector<1xi32>
          %squeeze3A_1169 = vector.extract %slice3A_1168[0] : i32 from vector<1xi32>
          %lt3A_1170 = vector.broadcast %squeeze3A_1169 : i32 to vector<16xi32>
          %lt3A_1171 = arith.cmpi slt, %lt3A_1170, %get3A_987 : vector<16xi32>
          %and3A_1172 = arith.andi %and3A_1167, %lt3A_1171 : vector<16xi1>
          %broadcast_in_dim3A_1173 = arith.constant 0 : i32
          %broadcast_in_dim3A_1174 = vector.broadcast %broadcast_in_dim3A_1173 : i32 to vector<16xi32>
          %select_n3A_1175 = arith.select %and3A_1172, %broadcast_in_dim3A_1158, %broadcast_in_dim3A_1174 : vector<16xi1>, vector<16xi32>
          %add3A_1176 = arith.addi %while3A_1144, %select_n3A_1175 : vector<16xi32>
          %slice3A_1177 = vector.extract_strided_slice %get3A_1150 {offsets = [1], sizes = [1], strides = [1]} : vector<16xi32> to vector<1xi32>
          %squeeze3A_1178 = vector.extract %slice3A_1177[0] : i32 from vector<1xi32>
          %eq3A_1179 = vector.broadcast %squeeze3A_1178 : i32 to vector<16xi32>
          %eq3A_1180 = arith.cmpi eq, %get3A_981, %eq3A_1179 : vector<16xi32>
          %slice3A_1181 = vector.extract_strided_slice %get3A_1153 {offsets = [1], sizes = [1], strides = [1]} : vector<16xi32> to vector<1xi32>
          %squeeze3A_1182 = vector.extract %slice3A_1181[0] : i32 from vector<1xi32>
          %eq3A_1183 = vector.broadcast %squeeze3A_1182 : i32 to vector<16xi32>
          %eq3A_1184 = arith.cmpi eq, %get3A_984, %eq3A_1183 : vector<16xi32>
          %and3A_1185 = arith.andi %eq3A_1180, %eq3A_1184 : vector<16xi1>
          %slice3A_1186 = vector.extract_strided_slice %get3A_1156 {offsets = [1], sizes = [1], strides = [1]} : vector<16xi32> to vector<1xi32>
          %squeeze3A_1187 = vector.extract %slice3A_1186[0] : i32 from vector<1xi32>
          %lt3A_1188 = vector.broadcast %squeeze3A_1187 : i32 to vector<16xi32>
          %lt3A_1189 = arith.cmpi slt, %lt3A_1188, %get3A_987 : vector<16xi32>
          %and3A_1190 = arith.andi %and3A_1185, %lt3A_1189 : vector<16xi1>
          %broadcast_in_dim3A_1191 = arith.constant 0 : i32
          %broadcast_in_dim3A_1192 = vector.broadcast %broadcast_in_dim3A_1191 : i32 to vector<16xi32>
          %select_n3A_1193 = arith.select %and3A_1190, %broadcast_in_dim3A_1158, %broadcast_in_dim3A_1192 : vector<16xi1>, vector<16xi32>
          %add3A_1194 = arith.addi %add3A_1176, %select_n3A_1193 : vector<16xi32>
          %slice3A_1195 = vector.extract_strided_slice %get3A_1150 {offsets = [2], sizes = [1], strides = [1]} : vector<16xi32> to vector<1xi32>
          %squeeze3A_1196 = vector.extract %slice3A_1195[0] : i32 from vector<1xi32>
          %eq3A_1197 = vector.broadcast %squeeze3A_1196 : i32 to vector<16xi32>
          %eq3A_1198 = arith.cmpi eq, %get3A_981, %eq3A_1197 : vector<16xi32>
          %slice3A_1199 = vector.extract_strided_slice %get3A_1153 {offsets = [2], sizes = [1], strides = [1]} : vector<16xi32> to vector<1xi32>
          %squeeze3A_1200 = vector.extract %slice3A_1199[0] : i32 from vector<1xi32>
          %eq3A_1201 = vector.broadcast %squeeze3A_1200 : i32 to vector<16xi32>
          %eq3A_1202 = arith.cmpi eq, %get3A_984, %eq3A_1201 : vector<16xi32>
          %and3A_1203 = arith.andi %eq3A_1198, %eq3A_1202 : vector<16xi1>
          %slice3A_1204 = vector.extract_strided_slice %get3A_1156 {offsets = [2], sizes = [1], strides = [1]} : vector<16xi32> to vector<1xi32>
          %squeeze3A_1205 = vector.extract %slice3A_1204[0] : i32 from vector<1xi32>
          %lt3A_1206 = vector.broadcast %squeeze3A_1205 : i32 to vector<16xi32>
          %lt3A_1207 = arith.cmpi slt, %lt3A_1206, %get3A_987 : vector<16xi32>
          %and3A_1208 = arith.andi %and3A_1203, %lt3A_1207 : vector<16xi1>
          %broadcast_in_dim3A_1209 = arith.constant 0 : i32
          %broadcast_in_dim3A_1210 = vector.broadcast %broadcast_in_dim3A_1209 : i32 to vector<16xi32>
          %select_n3A_1211 = arith.select %and3A_1208, %broadcast_in_dim3A_1158, %broadcast_in_dim3A_1210 : vector<16xi1>, vector<16xi32>
          %add3A_1212 = arith.addi %add3A_1194, %select_n3A_1211 : vector<16xi32>
          %slice3A_1213 = vector.extract_strided_slice %get3A_1150 {offsets = [3], sizes = [1], strides = [1]} : vector<16xi32> to vector<1xi32>
          %squeeze3A_1214 = vector.extract %slice3A_1213[0] : i32 from vector<1xi32>
          %eq3A_1215 = vector.broadcast %squeeze3A_1214 : i32 to vector<16xi32>
          %eq3A_1216 = arith.cmpi eq, %get3A_981, %eq3A_1215 : vector<16xi32>
          %slice3A_1217 = vector.extract_strided_slice %get3A_1153 {offsets = [3], sizes = [1], strides = [1]} : vector<16xi32> to vector<1xi32>
          %squeeze3A_1218 = vector.extract %slice3A_1217[0] : i32 from vector<1xi32>
          %eq3A_1219 = vector.broadcast %squeeze3A_1218 : i32 to vector<16xi32>
          %eq3A_1220 = arith.cmpi eq, %get3A_984, %eq3A_1219 : vector<16xi32>
          %and3A_1221 = arith.andi %eq3A_1216, %eq3A_1220 : vector<16xi1>
          %slice3A_1222 = vector.extract_strided_slice %get3A_1156 {offsets = [3], sizes = [1], strides = [1]} : vector<16xi32> to vector<1xi32>
          %squeeze3A_1223 = vector.extract %slice3A_1222[0] : i32 from vector<1xi32>
          %lt3A_1224 = vector.broadcast %squeeze3A_1223 : i32 to vector<16xi32>
          %lt3A_1225 = arith.cmpi slt, %lt3A_1224, %get3A_987 : vector<16xi32>
          %and3A_1226 = arith.andi %and3A_1221, %lt3A_1225 : vector<16xi1>
          %broadcast_in_dim3A_1227 = arith.constant 0 : i32
          %broadcast_in_dim3A_1228 = vector.broadcast %broadcast_in_dim3A_1227 : i32 to vector<16xi32>
          %select_n3A_1229 = arith.select %and3A_1226, %broadcast_in_dim3A_1158, %broadcast_in_dim3A_1228 : vector<16xi1>, vector<16xi32>
          %add3A_1230 = arith.addi %add3A_1212, %select_n3A_1229 : vector<16xi32>
          %slice3A_1231 = vector.extract_strided_slice %get3A_1150 {offsets = [4], sizes = [1], strides = [1]} : vector<16xi32> to vector<1xi32>
          %squeeze3A_1232 = vector.extract %slice3A_1231[0] : i32 from vector<1xi32>
          %eq3A_1233 = vector.broadcast %squeeze3A_1232 : i32 to vector<16xi32>
          %eq3A_1234 = arith.cmpi eq, %get3A_981, %eq3A_1233 : vector<16xi32>
          %slice3A_1235 = vector.extract_strided_slice %get3A_1153 {offsets = [4], sizes = [1], strides = [1]} : vector<16xi32> to vector<1xi32>
          %squeeze3A_1236 = vector.extract %slice3A_1235[0] : i32 from vector<1xi32>
          %eq3A_1237 = vector.broadcast %squeeze3A_1236 : i32 to vector<16xi32>
          %eq3A_1238 = arith.cmpi eq, %get3A_984, %eq3A_1237 : vector<16xi32>
          %and3A_1239 = arith.andi %eq3A_1234, %eq3A_1238 : vector<16xi1>
          %slice3A_1240 = vector.extract_strided_slice %get3A_1156 {offsets = [4], sizes = [1], strides = [1]} : vector<16xi32> to vector<1xi32>
          %squeeze3A_1241 = vector.extract %slice3A_1240[0] : i32 from vector<1xi32>
          %lt3A_1242 = vector.broadcast %squeeze3A_1241 : i32 to vector<16xi32>
          %lt3A_1243 = arith.cmpi slt, %lt3A_1242, %get3A_987 : vector<16xi32>
          %and3A_1244 = arith.andi %and3A_1239, %lt3A_1243 : vector<16xi1>
          %broadcast_in_dim3A_1245 = arith.constant 0 : i32
          %broadcast_in_dim3A_1246 = vector.broadcast %broadcast_in_dim3A_1245 : i32 to vector<16xi32>
          %select_n3A_1247 = arith.select %and3A_1244, %broadcast_in_dim3A_1158, %broadcast_in_dim3A_1246 : vector<16xi1>, vector<16xi32>
          %add3A_1248 = arith.addi %add3A_1230, %select_n3A_1247 : vector<16xi32>
          %slice3A_1249 = vector.extract_strided_slice %get3A_1150 {offsets = [5], sizes = [1], strides = [1]} : vector<16xi32> to vector<1xi32>
          %squeeze3A_1250 = vector.extract %slice3A_1249[0] : i32 from vector<1xi32>
          %eq3A_1251 = vector.broadcast %squeeze3A_1250 : i32 to vector<16xi32>
          %eq3A_1252 = arith.cmpi eq, %get3A_981, %eq3A_1251 : vector<16xi32>
          %slice3A_1253 = vector.extract_strided_slice %get3A_1153 {offsets = [5], sizes = [1], strides = [1]} : vector<16xi32> to vector<1xi32>
          %squeeze3A_1254 = vector.extract %slice3A_1253[0] : i32 from vector<1xi32>
          %eq3A_1255 = vector.broadcast %squeeze3A_1254 : i32 to vector<16xi32>
          %eq3A_1256 = arith.cmpi eq, %get3A_984, %eq3A_1255 : vector<16xi32>
          %and3A_1257 = arith.andi %eq3A_1252, %eq3A_1256 : vector<16xi1>
          %slice3A_1258 = vector.extract_strided_slice %get3A_1156 {offsets = [5], sizes = [1], strides = [1]} : vector<16xi32> to vector<1xi32>
          %squeeze3A_1259 = vector.extract %slice3A_1258[0] : i32 from vector<1xi32>
          %lt3A_1260 = vector.broadcast %squeeze3A_1259 : i32 to vector<16xi32>
          %lt3A_1261 = arith.cmpi slt, %lt3A_1260, %get3A_987 : vector<16xi32>
          %and3A_1262 = arith.andi %and3A_1257, %lt3A_1261 : vector<16xi1>
          %broadcast_in_dim3A_1263 = arith.constant 0 : i32
          %broadcast_in_dim3A_1264 = vector.broadcast %broadcast_in_dim3A_1263 : i32 to vector<16xi32>
          %select_n3A_1265 = arith.select %and3A_1262, %broadcast_in_dim3A_1158, %broadcast_in_dim3A_1264 : vector<16xi1>, vector<16xi32>
          %add3A_1266 = arith.addi %add3A_1248, %select_n3A_1265 : vector<16xi32>
          %slice3A_1267 = vector.extract_strided_slice %get3A_1150 {offsets = [6], sizes = [1], strides = [1]} : vector<16xi32> to vector<1xi32>
          %squeeze3A_1268 = vector.extract %slice3A_1267[0] : i32 from vector<1xi32>
          %eq3A_1269 = vector.broadcast %squeeze3A_1268 : i32 to vector<16xi32>
          %eq3A_1270 = arith.cmpi eq, %get3A_981, %eq3A_1269 : vector<16xi32>
          %slice3A_1271 = vector.extract_strided_slice %get3A_1153 {offsets = [6], sizes = [1], strides = [1]} : vector<16xi32> to vector<1xi32>
          %squeeze3A_1272 = vector.extract %slice3A_1271[0] : i32 from vector<1xi32>
          %eq3A_1273 = vector.broadcast %squeeze3A_1272 : i32 to vector<16xi32>
          %eq3A_1274 = arith.cmpi eq, %get3A_984, %eq3A_1273 : vector<16xi32>
          %and3A_1275 = arith.andi %eq3A_1270, %eq3A_1274 : vector<16xi1>
          %slice3A_1276 = vector.extract_strided_slice %get3A_1156 {offsets = [6], sizes = [1], strides = [1]} : vector<16xi32> to vector<1xi32>
          %squeeze3A_1277 = vector.extract %slice3A_1276[0] : i32 from vector<1xi32>
          %lt3A_1278 = vector.broadcast %squeeze3A_1277 : i32 to vector<16xi32>
          %lt3A_1279 = arith.cmpi slt, %lt3A_1278, %get3A_987 : vector<16xi32>
          %and3A_1280 = arith.andi %and3A_1275, %lt3A_1279 : vector<16xi1>
          %broadcast_in_dim3A_1281 = arith.constant 0 : i32
          %broadcast_in_dim3A_1282 = vector.broadcast %broadcast_in_dim3A_1281 : i32 to vector<16xi32>
          %select_n3A_1283 = arith.select %and3A_1280, %broadcast_in_dim3A_1158, %broadcast_in_dim3A_1282 : vector<16xi1>, vector<16xi32>
          %add3A_1284 = arith.addi %add3A_1266, %select_n3A_1283 : vector<16xi32>
          %slice3A_1285 = vector.extract_strided_slice %get3A_1150 {offsets = [7], sizes = [1], strides = [1]} : vector<16xi32> to vector<1xi32>
          %squeeze3A_1286 = vector.extract %slice3A_1285[0] : i32 from vector<1xi32>
          %eq3A_1287 = vector.broadcast %squeeze3A_1286 : i32 to vector<16xi32>
          %eq3A_1288 = arith.cmpi eq, %get3A_981, %eq3A_1287 : vector<16xi32>
          %slice3A_1289 = vector.extract_strided_slice %get3A_1153 {offsets = [7], sizes = [1], strides = [1]} : vector<16xi32> to vector<1xi32>
          %squeeze3A_1290 = vector.extract %slice3A_1289[0] : i32 from vector<1xi32>
          %eq3A_1291 = vector.broadcast %squeeze3A_1290 : i32 to vector<16xi32>
          %eq3A_1292 = arith.cmpi eq, %get3A_984, %eq3A_1291 : vector<16xi32>
          %and3A_1293 = arith.andi %eq3A_1288, %eq3A_1292 : vector<16xi1>
          %slice3A_1294 = vector.extract_strided_slice %get3A_1156 {offsets = [7], sizes = [1], strides = [1]} : vector<16xi32> to vector<1xi32>
          %squeeze3A_1295 = vector.extract %slice3A_1294[0] : i32 from vector<1xi32>
          %lt3A_1296 = vector.broadcast %squeeze3A_1295 : i32 to vector<16xi32>
          %lt3A_1297 = arith.cmpi slt, %lt3A_1296, %get3A_987 : vector<16xi32>
          %and3A_1298 = arith.andi %and3A_1293, %lt3A_1297 : vector<16xi1>
          %broadcast_in_dim3A_1299 = arith.constant 0 : i32
          %broadcast_in_dim3A_1300 = vector.broadcast %broadcast_in_dim3A_1299 : i32 to vector<16xi32>
          %select_n3A_1301 = arith.select %and3A_1298, %broadcast_in_dim3A_1158, %broadcast_in_dim3A_1300 : vector<16xi1>, vector<16xi32>
          %add3A_1302 = arith.addi %add3A_1284, %select_n3A_1301 : vector<16xi32>
          %slice3A_1303 = vector.extract_strided_slice %get3A_1150 {offsets = [8], sizes = [1], strides = [1]} : vector<16xi32> to vector<1xi32>
          %squeeze3A_1304 = vector.extract %slice3A_1303[0] : i32 from vector<1xi32>
          %eq3A_1305 = vector.broadcast %squeeze3A_1304 : i32 to vector<16xi32>
          %eq3A_1306 = arith.cmpi eq, %get3A_981, %eq3A_1305 : vector<16xi32>
          %slice3A_1307 = vector.extract_strided_slice %get3A_1153 {offsets = [8], sizes = [1], strides = [1]} : vector<16xi32> to vector<1xi32>
          %squeeze3A_1308 = vector.extract %slice3A_1307[0] : i32 from vector<1xi32>
          %eq3A_1309 = vector.broadcast %squeeze3A_1308 : i32 to vector<16xi32>
          %eq3A_1310 = arith.cmpi eq, %get3A_984, %eq3A_1309 : vector<16xi32>
          %and3A_1311 = arith.andi %eq3A_1306, %eq3A_1310 : vector<16xi1>
          %slice3A_1312 = vector.extract_strided_slice %get3A_1156 {offsets = [8], sizes = [1], strides = [1]} : vector<16xi32> to vector<1xi32>
          %squeeze3A_1313 = vector.extract %slice3A_1312[0] : i32 from vector<1xi32>
          %lt3A_1314 = vector.broadcast %squeeze3A_1313 : i32 to vector<16xi32>
          %lt3A_1315 = arith.cmpi slt, %lt3A_1314, %get3A_987 : vector<16xi32>
          %and3A_1316 = arith.andi %and3A_1311, %lt3A_1315 : vector<16xi1>
          %broadcast_in_dim3A_1317 = arith.constant 0 : i32
          %broadcast_in_dim3A_1318 = vector.broadcast %broadcast_in_dim3A_1317 : i32 to vector<16xi32>
          %select_n3A_1319 = arith.select %and3A_1316, %broadcast_in_dim3A_1158, %broadcast_in_dim3A_1318 : vector<16xi1>, vector<16xi32>
          %add3A_1320 = arith.addi %add3A_1302, %select_n3A_1319 : vector<16xi32>
          %slice3A_1321 = vector.extract_strided_slice %get3A_1150 {offsets = [9], sizes = [1], strides = [1]} : vector<16xi32> to vector<1xi32>
          %squeeze3A_1322 = vector.extract %slice3A_1321[0] : i32 from vector<1xi32>
          %eq3A_1323 = vector.broadcast %squeeze3A_1322 : i32 to vector<16xi32>
          %eq3A_1324 = arith.cmpi eq, %get3A_981, %eq3A_1323 : vector<16xi32>
          %slice3A_1325 = vector.extract_strided_slice %get3A_1153 {offsets = [9], sizes = [1], strides = [1]} : vector<16xi32> to vector<1xi32>
          %squeeze3A_1326 = vector.extract %slice3A_1325[0] : i32 from vector<1xi32>
          %eq3A_1327 = vector.broadcast %squeeze3A_1326 : i32 to vector<16xi32>
          %eq3A_1328 = arith.cmpi eq, %get3A_984, %eq3A_1327 : vector<16xi32>
          %and3A_1329 = arith.andi %eq3A_1324, %eq3A_1328 : vector<16xi1>
          %slice3A_1330 = vector.extract_strided_slice %get3A_1156 {offsets = [9], sizes = [1], strides = [1]} : vector<16xi32> to vector<1xi32>
          %squeeze3A_1331 = vector.extract %slice3A_1330[0] : i32 from vector<1xi32>
          %lt3A_1332 = vector.broadcast %squeeze3A_1331 : i32 to vector<16xi32>
          %lt3A_1333 = arith.cmpi slt, %lt3A_1332, %get3A_987 : vector<16xi32>
          %and3A_1334 = arith.andi %and3A_1329, %lt3A_1333 : vector<16xi1>
          %broadcast_in_dim3A_1335 = arith.constant 0 : i32
          %broadcast_in_dim3A_1336 = vector.broadcast %broadcast_in_dim3A_1335 : i32 to vector<16xi32>
          %select_n3A_1337 = arith.select %and3A_1334, %broadcast_in_dim3A_1158, %broadcast_in_dim3A_1336 : vector<16xi1>, vector<16xi32>
          %add3A_1338 = arith.addi %add3A_1320, %select_n3A_1337 : vector<16xi32>
          %slice3A_1339 = vector.extract_strided_slice %get3A_1150 {offsets = [10], sizes = [1], strides = [1]} : vector<16xi32> to vector<1xi32>
          %squeeze3A_1340 = vector.extract %slice3A_1339[0] : i32 from vector<1xi32>
          %eq3A_1341 = vector.broadcast %squeeze3A_1340 : i32 to vector<16xi32>
          %eq3A_1342 = arith.cmpi eq, %get3A_981, %eq3A_1341 : vector<16xi32>
          %slice3A_1343 = vector.extract_strided_slice %get3A_1153 {offsets = [10], sizes = [1], strides = [1]} : vector<16xi32> to vector<1xi32>
          %squeeze3A_1344 = vector.extract %slice3A_1343[0] : i32 from vector<1xi32>
          %eq3A_1345 = vector.broadcast %squeeze3A_1344 : i32 to vector<16xi32>
          %eq3A_1346 = arith.cmpi eq, %get3A_984, %eq3A_1345 : vector<16xi32>
          %and3A_1347 = arith.andi %eq3A_1342, %eq3A_1346 : vector<16xi1>
          %slice3A_1348 = vector.extract_strided_slice %get3A_1156 {offsets = [10], sizes = [1], strides = [1]} : vector<16xi32> to vector<1xi32>
          %squeeze3A_1349 = vector.extract %slice3A_1348[0] : i32 from vector<1xi32>
          %lt3A_1350 = vector.broadcast %squeeze3A_1349 : i32 to vector<16xi32>
          %lt3A_1351 = arith.cmpi slt, %lt3A_1350, %get3A_987 : vector<16xi32>
          %and3A_1352 = arith.andi %and3A_1347, %lt3A_1351 : vector<16xi1>
          %broadcast_in_dim3A_1353 = arith.constant 0 : i32
          %broadcast_in_dim3A_1354 = vector.broadcast %broadcast_in_dim3A_1353 : i32 to vector<16xi32>
          %select_n3A_1355 = arith.select %and3A_1352, %broadcast_in_dim3A_1158, %broadcast_in_dim3A_1354 : vector<16xi1>, vector<16xi32>
          %add3A_1356 = arith.addi %add3A_1338, %select_n3A_1355 : vector<16xi32>
          %slice3A_1357 = vector.extract_strided_slice %get3A_1150 {offsets = [11], sizes = [1], strides = [1]} : vector<16xi32> to vector<1xi32>
          %squeeze3A_1358 = vector.extract %slice3A_1357[0] : i32 from vector<1xi32>
          %eq3A_1359 = vector.broadcast %squeeze3A_1358 : i32 to vector<16xi32>
          %eq3A_1360 = arith.cmpi eq, %get3A_981, %eq3A_1359 : vector<16xi32>
          %slice3A_1361 = vector.extract_strided_slice %get3A_1153 {offsets = [11], sizes = [1], strides = [1]} : vector<16xi32> to vector<1xi32>
          %squeeze3A_1362 = vector.extract %slice3A_1361[0] : i32 from vector<1xi32>
          %eq3A_1363 = vector.broadcast %squeeze3A_1362 : i32 to vector<16xi32>
          %eq3A_1364 = arith.cmpi eq, %get3A_984, %eq3A_1363 : vector<16xi32>
          %and3A_1365 = arith.andi %eq3A_1360, %eq3A_1364 : vector<16xi1>
          %slice3A_1366 = vector.extract_strided_slice %get3A_1156 {offsets = [11], sizes = [1], strides = [1]} : vector<16xi32> to vector<1xi32>
          %squeeze3A_1367 = vector.extract %slice3A_1366[0] : i32 from vector<1xi32>
          %lt3A_1368 = vector.broadcast %squeeze3A_1367 : i32 to vector<16xi32>
          %lt3A_1369 = arith.cmpi slt, %lt3A_1368, %get3A_987 : vector<16xi32>
          %and3A_1370 = arith.andi %and3A_1365, %lt3A_1369 : vector<16xi1>
          %broadcast_in_dim3A_1371 = arith.constant 0 : i32
          %broadcast_in_dim3A_1372 = vector.broadcast %broadcast_in_dim3A_1371 : i32 to vector<16xi32>
          %select_n3A_1373 = arith.select %and3A_1370, %broadcast_in_dim3A_1158, %broadcast_in_dim3A_1372 : vector<16xi1>, vector<16xi32>
          %add3A_1374 = arith.addi %add3A_1356, %select_n3A_1373 : vector<16xi32>
          %slice3A_1375 = vector.extract_strided_slice %get3A_1150 {offsets = [12], sizes = [1], strides = [1]} : vector<16xi32> to vector<1xi32>
          %squeeze3A_1376 = vector.extract %slice3A_1375[0] : i32 from vector<1xi32>
          %eq3A_1377 = vector.broadcast %squeeze3A_1376 : i32 to vector<16xi32>
          %eq3A_1378 = arith.cmpi eq, %get3A_981, %eq3A_1377 : vector<16xi32>
          %slice3A_1379 = vector.extract_strided_slice %get3A_1153 {offsets = [12], sizes = [1], strides = [1]} : vector<16xi32> to vector<1xi32>
          %squeeze3A_1380 = vector.extract %slice3A_1379[0] : i32 from vector<1xi32>
          %eq3A_1381 = vector.broadcast %squeeze3A_1380 : i32 to vector<16xi32>
          %eq3A_1382 = arith.cmpi eq, %get3A_984, %eq3A_1381 : vector<16xi32>
          %and3A_1383 = arith.andi %eq3A_1378, %eq3A_1382 : vector<16xi1>
          %slice3A_1384 = vector.extract_strided_slice %get3A_1156 {offsets = [12], sizes = [1], strides = [1]} : vector<16xi32> to vector<1xi32>
          %squeeze3A_1385 = vector.extract %slice3A_1384[0] : i32 from vector<1xi32>
          %lt3A_1386 = vector.broadcast %squeeze3A_1385 : i32 to vector<16xi32>
          %lt3A_1387 = arith.cmpi slt, %lt3A_1386, %get3A_987 : vector<16xi32>
          %and3A_1388 = arith.andi %and3A_1383, %lt3A_1387 : vector<16xi1>
          %broadcast_in_dim3A_1389 = arith.constant 0 : i32
          %broadcast_in_dim3A_1390 = vector.broadcast %broadcast_in_dim3A_1389 : i32 to vector<16xi32>
          %select_n3A_1391 = arith.select %and3A_1388, %broadcast_in_dim3A_1158, %broadcast_in_dim3A_1390 : vector<16xi1>, vector<16xi32>
          %add3A_1392 = arith.addi %add3A_1374, %select_n3A_1391 : vector<16xi32>
          %slice3A_1393 = vector.extract_strided_slice %get3A_1150 {offsets = [13], sizes = [1], strides = [1]} : vector<16xi32> to vector<1xi32>
          %squeeze3A_1394 = vector.extract %slice3A_1393[0] : i32 from vector<1xi32>
          %eq3A_1395 = vector.broadcast %squeeze3A_1394 : i32 to vector<16xi32>
          %eq3A_1396 = arith.cmpi eq, %get3A_981, %eq3A_1395 : vector<16xi32>
          %slice3A_1397 = vector.extract_strided_slice %get3A_1153 {offsets = [13], sizes = [1], strides = [1]} : vector<16xi32> to vector<1xi32>
          %squeeze3A_1398 = vector.extract %slice3A_1397[0] : i32 from vector<1xi32>
          %eq3A_1399 = vector.broadcast %squeeze3A_1398 : i32 to vector<16xi32>
          %eq3A_1400 = arith.cmpi eq, %get3A_984, %eq3A_1399 : vector<16xi32>
          %and3A_1401 = arith.andi %eq3A_1396, %eq3A_1400 : vector<16xi1>
          %slice3A_1402 = vector.extract_strided_slice %get3A_1156 {offsets = [13], sizes = [1], strides = [1]} : vector<16xi32> to vector<1xi32>
          %squeeze3A_1403 = vector.extract %slice3A_1402[0] : i32 from vector<1xi32>
          %lt3A_1404 = vector.broadcast %squeeze3A_1403 : i32 to vector<16xi32>
          %lt3A_1405 = arith.cmpi slt, %lt3A_1404, %get3A_987 : vector<16xi32>
          %and3A_1406 = arith.andi %and3A_1401, %lt3A_1405 : vector<16xi1>
          %broadcast_in_dim3A_1407 = arith.constant 0 : i32
          %broadcast_in_dim3A_1408 = vector.broadcast %broadcast_in_dim3A_1407 : i32 to vector<16xi32>
          %select_n3A_1409 = arith.select %and3A_1406, %broadcast_in_dim3A_1158, %broadcast_in_dim3A_1408 : vector<16xi1>, vector<16xi32>
          %add3A_1410 = arith.addi %add3A_1392, %select_n3A_1409 : vector<16xi32>
          %slice3A_1411 = vector.extract_strided_slice %get3A_1150 {offsets = [14], sizes = [1], strides = [1]} : vector<16xi32> to vector<1xi32>
          %squeeze3A_1412 = vector.extract %slice3A_1411[0] : i32 from vector<1xi32>
          %eq3A_1413 = vector.broadcast %squeeze3A_1412 : i32 to vector<16xi32>
          %eq3A_1414 = arith.cmpi eq, %get3A_981, %eq3A_1413 : vector<16xi32>
          %slice3A_1415 = vector.extract_strided_slice %get3A_1153 {offsets = [14], sizes = [1], strides = [1]} : vector<16xi32> to vector<1xi32>
          %squeeze3A_1416 = vector.extract %slice3A_1415[0] : i32 from vector<1xi32>
          %eq3A_1417 = vector.broadcast %squeeze3A_1416 : i32 to vector<16xi32>
          %eq3A_1418 = arith.cmpi eq, %get3A_984, %eq3A_1417 : vector<16xi32>
          %and3A_1419 = arith.andi %eq3A_1414, %eq3A_1418 : vector<16xi1>
          %slice3A_1420 = vector.extract_strided_slice %get3A_1156 {offsets = [14], sizes = [1], strides = [1]} : vector<16xi32> to vector<1xi32>
          %squeeze3A_1421 = vector.extract %slice3A_1420[0] : i32 from vector<1xi32>
          %lt3A_1422 = vector.broadcast %squeeze3A_1421 : i32 to vector<16xi32>
          %lt3A_1423 = arith.cmpi slt, %lt3A_1422, %get3A_987 : vector<16xi32>
          %and3A_1424 = arith.andi %and3A_1419, %lt3A_1423 : vector<16xi1>
          %broadcast_in_dim3A_1425 = arith.constant 0 : i32
          %broadcast_in_dim3A_1426 = vector.broadcast %broadcast_in_dim3A_1425 : i32 to vector<16xi32>
          %select_n3A_1427 = arith.select %and3A_1424, %broadcast_in_dim3A_1158, %broadcast_in_dim3A_1426 : vector<16xi1>, vector<16xi32>
          %add3A_1428 = arith.addi %add3A_1410, %select_n3A_1427 : vector<16xi32>
          %slice3A_1429 = vector.extract_strided_slice %get3A_1150 {offsets = [15], sizes = [1], strides = [1]} : vector<16xi32> to vector<1xi32>
          %squeeze3A_1430 = vector.extract %slice3A_1429[0] : i32 from vector<1xi32>
          %eq3A_1431 = vector.broadcast %squeeze3A_1430 : i32 to vector<16xi32>
          %eq3A_1432 = arith.cmpi eq, %get3A_981, %eq3A_1431 : vector<16xi32>
          %slice3A_1433 = vector.extract_strided_slice %get3A_1153 {offsets = [15], sizes = [1], strides = [1]} : vector<16xi32> to vector<1xi32>
          %squeeze3A_1434 = vector.extract %slice3A_1433[0] : i32 from vector<1xi32>
          %eq3A_1435 = vector.broadcast %squeeze3A_1434 : i32 to vector<16xi32>
          %eq3A_1436 = arith.cmpi eq, %get3A_984, %eq3A_1435 : vector<16xi32>
          %and3A_1437 = arith.andi %eq3A_1432, %eq3A_1436 : vector<16xi1>
          %slice3A_1438 = vector.extract_strided_slice %get3A_1156 {offsets = [15], sizes = [1], strides = [1]} : vector<16xi32> to vector<1xi32>
          %squeeze3A_1439 = vector.extract %slice3A_1438[0] : i32 from vector<1xi32>
          %lt3A_1440 = vector.broadcast %squeeze3A_1439 : i32 to vector<16xi32>
          %lt3A_1441 = arith.cmpi slt, %lt3A_1440, %get3A_987 : vector<16xi32>
          %and3A_1442 = arith.andi %and3A_1437, %lt3A_1441 : vector<16xi1>
          %broadcast_in_dim3A_1443 = arith.constant 0 : i32
          %broadcast_in_dim3A_1444 = vector.broadcast %broadcast_in_dim3A_1443 : i32 to vector<16xi32>
          %select_n3A_1445 = arith.select %and3A_1442, %broadcast_in_dim3A_1158, %broadcast_in_dim3A_1444 : vector<16xi1>, vector<16xi32>
          %add3A_1446 = arith.addi %add3A_1428, %select_n3A_1445 : vector<16xi32>
          scf.yield %add3A_1446 : vector<16xi32>
        }
        scf.yield %while3A_1142 : vector<16xi32>
      }
      %while3A_1005 = arith.constant 1 : i32
      %while3A_1006 = scf.for %while3A_1097 = %while3A_1002 to %while3A_998 step %while3A_1005 iter_args(%while3A_1098 = %while3A_1004) -> (vector<16xi32>)  : i32 {
        %mul3A_1099 = arith.constant 16 : i32
        %mul3A_1100 = arith.muli %while3A_1097, %mul3A_1099 : i32
        %get3A_1101 = arith.index_cast %mul3A_1100 : i32 to index
        %get3A_1102 = tpu.vector_load %arg21[%get3A_1101] {strides = array<i32>} : memref<256xi32, #tpu.memory_space<vmem>>, vector<16xi32>,
        %get3A_1103 = vector.shape_cast %get3A_1102 : vector<16xi32> to vector<16xi32>
        %slice3A = vector.extract_strided_slice %get3A_1103 {offsets = [0], sizes = [1], strides = [1]} : vector<16xi32> to vector<1xi32>
        %squeeze3A = vector.extract %slice3A[0] : i32 from vector<1xi32>
        %add3A_1104 = arith.constant 15 : i32
        %add3A_1105 = arith.addi %squeeze3A, %add3A_1104 : i32
        %jit3A_1106 = arith.constant 16 : i32
        %div3A_1107 = arith.divsi %add3A_1105, %jit3A_1106 : i32
        %sign3A_1108 = arith.constant 0 : i32
        %sign3A_1109 = arith.cmpi sgt, %add3A_1105, %sign3A_1108 : i32
        %sign3A_1110 = arith.extui %sign3A_1109 : i1 to i32
        %sign3A_1111 = arith.constant 0 : i32
        %sign3A_1112 = arith.cmpi slt, %add3A_1105, %sign3A_1111 : i32
        %sign3A_1113 = arith.extui %sign3A_1112 : i1 to i32
        %sign3A_1114 = arith.subi %sign3A_1110, %sign3A_1113 : i32
        %sign3A_1115 = arith.constant 0 : i32
        %sign3A_1116 = arith.cmpi sgt, %jit3A_1106, %sign3A_1115 : i32
        %sign3A_1117 = arith.extui %sign3A_1116 : i1 to i32
        %sign3A_1118 = arith.constant 0 : i32
        %sign3A_1119 = arith.cmpi slt, %jit3A_1106, %sign3A_1118 : i32
        %sign3A_1120 = arith.extui %sign3A_1119 : i1 to i32
        %sign3A_1121 = arith.subi %sign3A_1117, %sign3A_1120 : i32
        %ne3A_1122 = arith.cmpi ne, %sign3A_1114, %sign3A_1121 : i32
        %rem3A_1123 = arith.remsi %add3A_1105, %jit3A_1106 : i32
        %ne3A_1124 = arith.constant 0 : i32
        %ne3A_1125 = arith.cmpi ne, %rem3A_1123, %ne3A_1124 : i32
        %and3A_1126 = arith.andi %ne3A_1122, %ne3A_1125 : i1
        %sub3A_1127 = arith.constant 1 : i32
        %sub3A_1128 = arith.subi %div3A_1107, %sub3A_1127 : i32
        %select_n3A_1129 = arith.select %and3A_1126, %sub3A_1128, %div3A_1107 : i32
        %mul3A_1130 = arith.constant 1040 : i32
        %mul3A_1131 = arith.muli %while3A_1097, %mul3A_1130 : i32
        %while3A_1132 = arith.constant 0 : i32
        %while3A_1133 = arith.subi %select_n3A_1129, %while3A_1132 : i32
        %while3A_1134 = arith.addi %while3A_1132, %while3A_1133 : i32
        %while3A_1135 = arith.constant 1 : i32
        %while3A_1136 = arith.divsi %while3A_1133, %while3A_1135 : i32
        %while3A_1137 = arith.muli %while3A_1136, %while3A_1135 : i32
        %while3A_1138 = arith.addi %while3A_1132, %while3A_1137 : i32
        %while3A_1139 = arith.constant 1 : i32
        %while3A_1140 = scf.for %while3A_1143 = %while3A_1132 to %while3A_1138 step %while3A_1139 iter_args(%while3A_1144 = %while3A_1098) -> (vector<16xi32>)  : i32 {
          %mul3A_1145 = arith.constant 16 : i32
          %mul3A_1146 = arith.muli %while3A_1143, %mul3A_1145 : i32
          %add3A_1147 = arith.addi %mul3A_1131, %mul3A_1146 : i32
          %get3A_1148 = arith.index_cast %add3A_1147 : i32 to index
          %get3A_1149 = tpu.vector_load %arg18[%get3A_1148] {strides = array<i32>} : memref<16640xi32, #tpu.memory_space<vmem>>, vector<16xi32>,
          %get3A_1150 = vector.shape_cast %get3A_1149 : vector<16xi32> to vector<16xi32>
          %get3A_1151 = arith.index_cast %add3A_1147 : i32 to index
          %get3A_1152 = tpu.vector_load %arg19[%get3A_1151] {strides = array<i32>} : memref<16640xi32, #tpu.memory_space<vmem>>, vector<16xi32>,
          %get3A_1153 = vector.shape_cast %get3A_1152 : vector<16xi32> to vector<16xi32>
          %get3A_1154 = arith.index_cast %add3A_1147 : i32 to index
          %get3A_1155 = tpu.vector_load %arg20[%get3A_1154] {strides = array<i32>} : memref<16640xi32, #tpu.memory_space<vmem>>, vector<16xi32>,
          %get3A_1156 = vector.shape_cast %get3A_1155 : vector<16xi32> to vector<16xi32>
          %broadcast_in_dim3A_1157 = arith.constant 1 : i32
          %broadcast_in_dim3A_1158 = vector.broadcast %broadcast_in_dim3A_1157 : i32 to vector<16xi32>
          %slice3A_1159 = vector.extract_strided_slice %get3A_1150 {offsets = [0], sizes = [1], strides = [1]} : vector<16xi32> to vector<1xi32>
          %squeeze3A_1160 = vector.extract %slice3A_1159[0] : i32 from vector<1xi32>
          %eq3A_1161 = vector.broadcast %squeeze3A_1160 : i32 to vector<16xi32>
          %eq3A_1162 = arith.cmpi eq, %get3A_981, %eq3A_1161 : vector<16xi32>
          %slice3A_1163 = vector.extract_strided_slice %get3A_1153 {offsets = [0], sizes = [1], strides = [1]} : vector<16xi32> to vector<1xi32>
          %squeeze3A_1164 = vector.extract %slice3A_1163[0] : i32 from vector<1xi32>
          %eq3A_1165 = vector.broadcast %squeeze3A_1164 : i32 to vector<16xi32>
          %eq3A_1166 = arith.cmpi eq, %get3A_984, %eq3A_1165 : vector<16xi32>
          %and3A_1167 = arith.andi %eq3A_1162, %eq3A_1166 : vector<16xi1>
          %slice3A_1168 = vector.extract_strided_slice %get3A_1156 {offsets = [0], sizes = [1], strides = [1]} : vector<16xi32> to vector<1xi32>
          %squeeze3A_1169 = vector.extract %slice3A_1168[0] : i32 from vector<1xi32>
          %lt3A_1170 = vector.broadcast %squeeze3A_1169 : i32 to vector<16xi32>
          %lt3A_1171 = arith.cmpi slt, %lt3A_1170, %get3A_987 : vector<16xi32>
          %and3A_1172 = arith.andi %and3A_1167, %lt3A_1171 : vector<16xi1>
          %broadcast_in_dim3A_1173 = arith.constant 0 : i32
          %broadcast_in_dim3A_1174 = vector.broadcast %broadcast_in_dim3A_1173 : i32 to vector<16xi32>
          %select_n3A_1175 = arith.select %and3A_1172, %broadcast_in_dim3A_1158, %broadcast_in_dim3A_1174 : vector<16xi1>, vector<16xi32>
          %add3A_1176 = arith.addi %while3A_1144, %select_n3A_1175 : vector<16xi32>
          %slice3A_1177 = vector.extract_strided_slice %get3A_1150 {offsets = [1], sizes = [1], strides = [1]} : vector<16xi32> to vector<1xi32>
          %squeeze3A_1178 = vector.extract %slice3A_1177[0] : i32 from vector<1xi32>
          %eq3A_1179 = vector.broadcast %squeeze3A_1178 : i32 to vector<16xi32>
          %eq3A_1180 = arith.cmpi eq, %get3A_981, %eq3A_1179 : vector<16xi32>
          %slice3A_1181 = vector.extract_strided_slice %get3A_1153 {offsets = [1], sizes = [1], strides = [1]} : vector<16xi32> to vector<1xi32>
          %squeeze3A_1182 = vector.extract %slice3A_1181[0] : i32 from vector<1xi32>
          %eq3A_1183 = vector.broadcast %squeeze3A_1182 : i32 to vector<16xi32>
          %eq3A_1184 = arith.cmpi eq, %get3A_984, %eq3A_1183 : vector<16xi32>
          %and3A_1185 = arith.andi %eq3A_1180, %eq3A_1184 : vector<16xi1>
          %slice3A_1186 = vector.extract_strided_slice %get3A_1156 {offsets = [1], sizes = [1], strides = [1]} : vector<16xi32> to vector<1xi32>
          %squeeze3A_1187 = vector.extract %slice3A_1186[0] : i32 from vector<1xi32>
          %lt3A_1188 = vector.broadcast %squeeze3A_1187 : i32 to vector<16xi32>
          %lt3A_1189 = arith.cmpi slt, %lt3A_1188, %get3A_987 : vector<16xi32>
          %and3A_1190 = arith.andi %and3A_1185, %lt3A_1189 : vector<16xi1>
          %broadcast_in_dim3A_1191 = arith.constant 0 : i32
          %broadcast_in_dim3A_1192 = vector.broadcast %broadcast_in_dim3A_1191 : i32 to vector<16xi32>
          %select_n3A_1193 = arith.select %and3A_1190, %broadcast_in_dim3A_1158, %broadcast_in_dim3A_1192 : vector<16xi1>, vector<16xi32>
          %add3A_1194 = arith.addi %add3A_1176, %select_n3A_1193 : vector<16xi32>
          %slice3A_1195 = vector.extract_strided_slice %get3A_1150 {offsets = [2], sizes = [1], strides = [1]} : vector<16xi32> to vector<1xi32>
          %squeeze3A_1196 = vector.extract %slice3A_1195[0] : i32 from vector<1xi32>
          %eq3A_1197 = vector.broadcast %squeeze3A_1196 : i32 to vector<16xi32>
          %eq3A_1198 = arith.cmpi eq, %get3A_981, %eq3A_1197 : vector<16xi32>
          %slice3A_1199 = vector.extract_strided_slice %get3A_1153 {offsets = [2], sizes = [1], strides = [1]} : vector<16xi32> to vector<1xi32>
          %squeeze3A_1200 = vector.extract %slice3A_1199[0] : i32 from vector<1xi32>
          %eq3A_1201 = vector.broadcast %squeeze3A_1200 : i32 to vector<16xi32>
          %eq3A_1202 = arith.cmpi eq, %get3A_984, %eq3A_1201 : vector<16xi32>
          %and3A_1203 = arith.andi %eq3A_1198, %eq3A_1202 : vector<16xi1>
          %slice3A_1204 = vector.extract_strided_slice %get3A_1156 {offsets = [2], sizes = [1], strides = [1]} : vector<16xi32> to vector<1xi32>
          %squeeze3A_1205 = vector.extract %slice3A_1204[0] : i32 from vector<1xi32>
          %lt3A_1206 = vector.broadcast %squeeze3A_1205 : i32 to vector<16xi32>
          %lt3A_1207 = arith.cmpi slt, %lt3A_1206, %get3A_987 : vector<16xi32>
          %and3A_1208 = arith.andi %and3A_1203, %lt3A_1207 : vector<16xi1>
          %broadcast_in_dim3A_1209 = arith.constant 0 : i32
          %broadcast_in_dim3A_1210 = vector.broadcast %broadcast_in_dim3A_1209 : i32 to vector<16xi32>
          %select_n3A_1211 = arith.select %and3A_1208, %broadcast_in_dim3A_1158, %broadcast_in_dim3A_1210 : vector<16xi1>, vector<16xi32>
          %add3A_1212 = arith.addi %add3A_1194, %select_n3A_1211 : vector<16xi32>
          %slice3A_1213 = vector.extract_strided_slice %get3A_1150 {offsets = [3], sizes = [1], strides = [1]} : vector<16xi32> to vector<1xi32>
          %squeeze3A_1214 = vector.extract %slice3A_1213[0] : i32 from vector<1xi32>
          %eq3A_1215 = vector.broadcast %squeeze3A_1214 : i32 to vector<16xi32>
          %eq3A_1216 = arith.cmpi eq, %get3A_981, %eq3A_1215 : vector<16xi32>
          %slice3A_1217 = vector.extract_strided_slice %get3A_1153 {offsets = [3], sizes = [1], strides = [1]} : vector<16xi32> to vector<1xi32>
          %squeeze3A_1218 = vector.extract %slice3A_1217[0] : i32 from vector<1xi32>
          %eq3A_1219 = vector.broadcast %squeeze3A_1218 : i32 to vector<16xi32>
          %eq3A_1220 = arith.cmpi eq, %get3A_984, %eq3A_1219 : vector<16xi32>
          %and3A_1221 = arith.andi %eq3A_1216, %eq3A_1220 : vector<16xi1>
          %slice3A_1222 = vector.extract_strided_slice %get3A_1156 {offsets = [3], sizes = [1], strides = [1]} : vector<16xi32> to vector<1xi32>
          %squeeze3A_1223 = vector.extract %slice3A_1222[0] : i32 from vector<1xi32>
          %lt3A_1224 = vector.broadcast %squeeze3A_1223 : i32 to vector<16xi32>
          %lt3A_1225 = arith.cmpi slt, %lt3A_1224, %get3A_987 : vector<16xi32>
          %and3A_1226 = arith.andi %and3A_1221, %lt3A_1225 : vector<16xi1>
          %broadcast_in_dim3A_1227 = arith.constant 0 : i32
          %broadcast_in_dim3A_1228 = vector.broadcast %broadcast_in_dim3A_1227 : i32 to vector<16xi32>
          %select_n3A_1229 = arith.select %and3A_1226, %broadcast_in_dim3A_1158, %broadcast_in_dim3A_1228 : vector<16xi1>, vector<16xi32>
          %add3A_1230 = arith.addi %add3A_1212, %select_n3A_1229 : vector<16xi32>
          %slice3A_1231 = vector.extract_strided_slice %get3A_1150 {offsets = [4], sizes = [1], strides = [1]} : vector<16xi32> to vector<1xi32>
          %squeeze3A_1232 = vector.extract %slice3A_1231[0] : i32 from vector<1xi32>
          %eq3A_1233 = vector.broadcast %squeeze3A_1232 : i32 to vector<16xi32>
          %eq3A_1234 = arith.cmpi eq, %get3A_981, %eq3A_1233 : vector<16xi32>
          %slice3A_1235 = vector.extract_strided_slice %get3A_1153 {offsets = [4], sizes = [1], strides = [1]} : vector<16xi32> to vector<1xi32>
          %squeeze3A_1236 = vector.extract %slice3A_1235[0] : i32 from vector<1xi32>
          %eq3A_1237 = vector.broadcast %squeeze3A_1236 : i32 to vector<16xi32>
          %eq3A_1238 = arith.cmpi eq, %get3A_984, %eq3A_1237 : vector<16xi32>
          %and3A_1239 = arith.andi %eq3A_1234, %eq3A_1238 : vector<16xi1>
          %slice3A_1240 = vector.extract_strided_slice %get3A_1156 {offsets = [4], sizes = [1], strides = [1]} : vector<16xi32> to vector<1xi32>
          %squeeze3A_1241 = vector.extract %slice3A_1240[0] : i32 from vector<1xi32>
          %lt3A_1242 = vector.broadcast %squeeze3A_1241 : i32 to vector<16xi32>
          %lt3A_1243 = arith.cmpi slt, %lt3A_1242, %get3A_987 : vector<16xi32>
          %and3A_1244 = arith.andi %and3A_1239, %lt3A_1243 : vector<16xi1>
          %broadcast_in_dim3A_1245 = arith.constant 0 : i32
          %broadcast_in_dim3A_1246 = vector.broadcast %broadcast_in_dim3A_1245 : i32 to vector<16xi32>
          %select_n3A_1247 = arith.select %and3A_1244, %broadcast_in_dim3A_1158, %broadcast_in_dim3A_1246 : vector<16xi1>, vector<16xi32>
          %add3A_1248 = arith.addi %add3A_1230, %select_n3A_1247 : vector<16xi32>
          %slice3A_1249 = vector.extract_strided_slice %get3A_1150 {offsets = [5], sizes = [1], strides = [1]} : vector<16xi32> to vector<1xi32>
          %squeeze3A_1250 = vector.extract %slice3A_1249[0] : i32 from vector<1xi32>
          %eq3A_1251 = vector.broadcast %squeeze3A_1250 : i32 to vector<16xi32>
          %eq3A_1252 = arith.cmpi eq, %get3A_981, %eq3A_1251 : vector<16xi32>
          %slice3A_1253 = vector.extract_strided_slice %get3A_1153 {offsets = [5], sizes = [1], strides = [1]} : vector<16xi32> to vector<1xi32>
          %squeeze3A_1254 = vector.extract %slice3A_1253[0] : i32 from vector<1xi32>
          %eq3A_1255 = vector.broadcast %squeeze3A_1254 : i32 to vector<16xi32>
          %eq3A_1256 = arith.cmpi eq, %get3A_984, %eq3A_1255 : vector<16xi32>
          %and3A_1257 = arith.andi %eq3A_1252, %eq3A_1256 : vector<16xi1>
          %slice3A_1258 = vector.extract_strided_slice %get3A_1156 {offsets = [5], sizes = [1], strides = [1]} : vector<16xi32> to vector<1xi32>
          %squeeze3A_1259 = vector.extract %slice3A_1258[0] : i32 from vector<1xi32>
          %lt3A_1260 = vector.broadcast %squeeze3A_1259 : i32 to vector<16xi32>
          %lt3A_1261 = arith.cmpi slt, %lt3A_1260, %get3A_987 : vector<16xi32>
          %and3A_1262 = arith.andi %and3A_1257, %lt3A_1261 : vector<16xi1>
          %broadcast_in_dim3A_1263 = arith.constant 0 : i32
          %broadcast_in_dim3A_1264 = vector.broadcast %broadcast_in_dim3A_1263 : i32 to vector<16xi32>
          %select_n3A_1265 = arith.select %and3A_1262, %broadcast_in_dim3A_1158, %broadcast_in_dim3A_1264 : vector<16xi1>, vector<16xi32>
          %add3A_1266 = arith.addi %add3A_1248, %select_n3A_1265 : vector<16xi32>
          %slice3A_1267 = vector.extract_strided_slice %get3A_1150 {offsets = [6], sizes = [1], strides = [1]} : vector<16xi32> to vector<1xi32>
          %squeeze3A_1268 = vector.extract %slice3A_1267[0] : i32 from vector<1xi32>
          %eq3A_1269 = vector.broadcast %squeeze3A_1268 : i32 to vector<16xi32>
          %eq3A_1270 = arith.cmpi eq, %get3A_981, %eq3A_1269 : vector<16xi32>
          %slice3A_1271 = vector.extract_strided_slice %get3A_1153 {offsets = [6], sizes = [1], strides = [1]} : vector<16xi32> to vector<1xi32>
          %squeeze3A_1272 = vector.extract %slice3A_1271[0] : i32 from vector<1xi32>
          %eq3A_1273 = vector.broadcast %squeeze3A_1272 : i32 to vector<16xi32>
          %eq3A_1274 = arith.cmpi eq, %get3A_984, %eq3A_1273 : vector<16xi32>
          %and3A_1275 = arith.andi %eq3A_1270, %eq3A_1274 : vector<16xi1>
          %slice3A_1276 = vector.extract_strided_slice %get3A_1156 {offsets = [6], sizes = [1], strides = [1]} : vector<16xi32> to vector<1xi32>
          %squeeze3A_1277 = vector.extract %slice3A_1276[0] : i32 from vector<1xi32>
          %lt3A_1278 = vector.broadcast %squeeze3A_1277 : i32 to vector<16xi32>
          %lt3A_1279 = arith.cmpi slt, %lt3A_1278, %get3A_987 : vector<16xi32>
          %and3A_1280 = arith.andi %and3A_1275, %lt3A_1279 : vector<16xi1>
          %broadcast_in_dim3A_1281 = arith.constant 0 : i32
          %broadcast_in_dim3A_1282 = vector.broadcast %broadcast_in_dim3A_1281 : i32 to vector<16xi32>
          %select_n3A_1283 = arith.select %and3A_1280, %broadcast_in_dim3A_1158, %broadcast_in_dim3A_1282 : vector<16xi1>, vector<16xi32>
          %add3A_1284 = arith.addi %add3A_1266, %select_n3A_1283 : vector<16xi32>
          %slice3A_1285 = vector.extract_strided_slice %get3A_1150 {offsets = [7], sizes = [1], strides = [1]} : vector<16xi32> to vector<1xi32>
          %squeeze3A_1286 = vector.extract %slice3A_1285[0] : i32 from vector<1xi32>
          %eq3A_1287 = vector.broadcast %squeeze3A_1286 : i32 to vector<16xi32>
          %eq3A_1288 = arith.cmpi eq, %get3A_981, %eq3A_1287 : vector<16xi32>
          %slice3A_1289 = vector.extract_strided_slice %get3A_1153 {offsets = [7], sizes = [1], strides = [1]} : vector<16xi32> to vector<1xi32>
          %squeeze3A_1290 = vector.extract %slice3A_1289[0] : i32 from vector<1xi32>
          %eq3A_1291 = vector.broadcast %squeeze3A_1290 : i32 to vector<16xi32>
          %eq3A_1292 = arith.cmpi eq, %get3A_984, %eq3A_1291 : vector<16xi32>
          %and3A_1293 = arith.andi %eq3A_1288, %eq3A_1292 : vector<16xi1>
          %slice3A_1294 = vector.extract_strided_slice %get3A_1156 {offsets = [7], sizes = [1], strides = [1]} : vector<16xi32> to vector<1xi32>
          %squeeze3A_1295 = vector.extract %slice3A_1294[0] : i32 from vector<1xi32>
          %lt3A_1296 = vector.broadcast %squeeze3A_1295 : i32 to vector<16xi32>
          %lt3A_1297 = arith.cmpi slt, %lt3A_1296, %get3A_987 : vector<16xi32>
          %and3A_1298 = arith.andi %and3A_1293, %lt3A_1297 : vector<16xi1>
          %broadcast_in_dim3A_1299 = arith.constant 0 : i32
          %broadcast_in_dim3A_1300 = vector.broadcast %broadcast_in_dim3A_1299 : i32 to vector<16xi32>
          %select_n3A_1301 = arith.select %and3A_1298, %broadcast_in_dim3A_1158, %broadcast_in_dim3A_1300 : vector<16xi1>, vector<16xi32>
          %add3A_1302 = arith.addi %add3A_1284, %select_n3A_1301 : vector<16xi32>
          %slice3A_1303 = vector.extract_strided_slice %get3A_1150 {offsets = [8], sizes = [1], strides = [1]} : vector<16xi32> to vector<1xi32>
          %squeeze3A_1304 = vector.extract %slice3A_1303[0] : i32 from vector<1xi32>
          %eq3A_1305 = vector.broadcast %squeeze3A_1304 : i32 to vector<16xi32>
          %eq3A_1306 = arith.cmpi eq, %get3A_981, %eq3A_1305 : vector<16xi32>
          %slice3A_1307 = vector.extract_strided_slice %get3A_1153 {offsets = [8], sizes = [1], strides = [1]} : vector<16xi32> to vector<1xi32>
          %squeeze3A_1308 = vector.extract %slice3A_1307[0] : i32 from vector<1xi32>
          %eq3A_1309 = vector.broadcast %squeeze3A_1308 : i32 to vector<16xi32>
          %eq3A_1310 = arith.cmpi eq, %get3A_984, %eq3A_1309 : vector<16xi32>
          %and3A_1311 = arith.andi %eq3A_1306, %eq3A_1310 : vector<16xi1>
          %slice3A_1312 = vector.extract_strided_slice %get3A_1156 {offsets = [8], sizes = [1], strides = [1]} : vector<16xi32> to vector<1xi32>
          %squeeze3A_1313 = vector.extract %slice3A_1312[0] : i32 from vector<1xi32>
          %lt3A_1314 = vector.broadcast %squeeze3A_1313 : i32 to vector<16xi32>
          %lt3A_1315 = arith.cmpi slt, %lt3A_1314, %get3A_987 : vector<16xi32>
          %and3A_1316 = arith.andi %and3A_1311, %lt3A_1315 : vector<16xi1>
          %broadcast_in_dim3A_1317 = arith.constant 0 : i32
          %broadcast_in_dim3A_1318 = vector.broadcast %broadcast_in_dim3A_1317 : i32 to vector<16xi32>
          %select_n3A_1319 = arith.select %and3A_1316, %broadcast_in_dim3A_1158, %broadcast_in_dim3A_1318 : vector<16xi1>, vector<16xi32>
          %add3A_1320 = arith.addi %add3A_1302, %select_n3A_1319 : vector<16xi32>
          %slice3A_1321 = vector.extract_strided_slice %get3A_1150 {offsets = [9], sizes = [1], strides = [1]} : vector<16xi32> to vector<1xi32>
          %squeeze3A_1322 = vector.extract %slice3A_1321[0] : i32 from vector<1xi32>
          %eq3A_1323 = vector.broadcast %squeeze3A_1322 : i32 to vector<16xi32>
          %eq3A_1324 = arith.cmpi eq, %get3A_981, %eq3A_1323 : vector<16xi32>
          %slice3A_1325 = vector.extract_strided_slice %get3A_1153 {offsets = [9], sizes = [1], strides = [1]} : vector<16xi32> to vector<1xi32>
          %squeeze3A_1326 = vector.extract %slice3A_1325[0] : i32 from vector<1xi32>
          %eq3A_1327 = vector.broadcast %squeeze3A_1326 : i32 to vector<16xi32>
          %eq3A_1328 = arith.cmpi eq, %get3A_984, %eq3A_1327 : vector<16xi32>
          %and3A_1329 = arith.andi %eq3A_1324, %eq3A_1328 : vector<16xi1>
          %slice3A_1330 = vector.extract_strided_slice %get3A_1156 {offsets = [9], sizes = [1], strides = [1]} : vector<16xi32> to vector<1xi32>
          %squeeze3A_1331 = vector.extract %slice3A_1330[0] : i32 from vector<1xi32>
          %lt3A_1332 = vector.broadcast %squeeze3A_1331 : i32 to vector<16xi32>
          %lt3A_1333 = arith.cmpi slt, %lt3A_1332, %get3A_987 : vector<16xi32>
          %and3A_1334 = arith.andi %and3A_1329, %lt3A_1333 : vector<16xi1>
          %broadcast_in_dim3A_1335 = arith.constant 0 : i32
          %broadcast_in_dim3A_1336 = vector.broadcast %broadcast_in_dim3A_1335 : i32 to vector<16xi32>
          %select_n3A_1337 = arith.select %and3A_1334, %broadcast_in_dim3A_1158, %broadcast_in_dim3A_1336 : vector<16xi1>, vector<16xi32>
          %add3A_1338 = arith.addi %add3A_1320, %select_n3A_1337 : vector<16xi32>
          %slice3A_1339 = vector.extract_strided_slice %get3A_1150 {offsets = [10], sizes = [1], strides = [1]} : vector<16xi32> to vector<1xi32>
          %squeeze3A_1340 = vector.extract %slice3A_1339[0] : i32 from vector<1xi32>
          %eq3A_1341 = vector.broadcast %squeeze3A_1340 : i32 to vector<16xi32>
          %eq3A_1342 = arith.cmpi eq, %get3A_981, %eq3A_1341 : vector<16xi32>
          %slice3A_1343 = vector.extract_strided_slice %get3A_1153 {offsets = [10], sizes = [1], strides = [1]} : vector<16xi32> to vector<1xi32>
          %squeeze3A_1344 = vector.extract %slice3A_1343[0] : i32 from vector<1xi32>
          %eq3A_1345 = vector.broadcast %squeeze3A_1344 : i32 to vector<16xi32>
          %eq3A_1346 = arith.cmpi eq, %get3A_984, %eq3A_1345 : vector<16xi32>
          %and3A_1347 = arith.andi %eq3A_1342, %eq3A_1346 : vector<16xi1>
          %slice3A_1348 = vector.extract_strided_slice %get3A_1156 {offsets = [10], sizes = [1], strides = [1]} : vector<16xi32> to vector<1xi32>
          %squeeze3A_1349 = vector.extract %slice3A_1348[0] : i32 from vector<1xi32>
          %lt3A_1350 = vector.broadcast %squeeze3A_1349 : i32 to vector<16xi32>
          %lt3A_1351 = arith.cmpi slt, %lt3A_1350, %get3A_987 : vector<16xi32>
          %and3A_1352 = arith.andi %and3A_1347, %lt3A_1351 : vector<16xi1>
          %broadcast_in_dim3A_1353 = arith.constant 0 : i32
          %broadcast_in_dim3A_1354 = vector.broadcast %broadcast_in_dim3A_1353 : i32 to vector<16xi32>
          %select_n3A_1355 = arith.select %and3A_1352, %broadcast_in_dim3A_1158, %broadcast_in_dim3A_1354 : vector<16xi1>, vector<16xi32>
          %add3A_1356 = arith.addi %add3A_1338, %select_n3A_1355 : vector<16xi32>
          %slice3A_1357 = vector.extract_strided_slice %get3A_1150 {offsets = [11], sizes = [1], strides = [1]} : vector<16xi32> to vector<1xi32>
          %squeeze3A_1358 = vector.extract %slice3A_1357[0] : i32 from vector<1xi32>
          %eq3A_1359 = vector.broadcast %squeeze3A_1358 : i32 to vector<16xi32>
          %eq3A_1360 = arith.cmpi eq, %get3A_981, %eq3A_1359 : vector<16xi32>
          %slice3A_1361 = vector.extract_strided_slice %get3A_1153 {offsets = [11], sizes = [1], strides = [1]} : vector<16xi32> to vector<1xi32>
          %squeeze3A_1362 = vector.extract %slice3A_1361[0] : i32 from vector<1xi32>
          %eq3A_1363 = vector.broadcast %squeeze3A_1362 : i32 to vector<16xi32>
          %eq3A_1364 = arith.cmpi eq, %get3A_984, %eq3A_1363 : vector<16xi32>
          %and3A_1365 = arith.andi %eq3A_1360, %eq3A_1364 : vector<16xi1>
          %slice3A_1366 = vector.extract_strided_slice %get3A_1156 {offsets = [11], sizes = [1], strides = [1]} : vector<16xi32> to vector<1xi32>
          %squeeze3A_1367 = vector.extract %slice3A_1366[0] : i32 from vector<1xi32>
          %lt3A_1368 = vector.broadcast %squeeze3A_1367 : i32 to vector<16xi32>
          %lt3A_1369 = arith.cmpi slt, %lt3A_1368, %get3A_987 : vector<16xi32>
          %and3A_1370 = arith.andi %and3A_1365, %lt3A_1369 : vector<16xi1>
          %broadcast_in_dim3A_1371 = arith.constant 0 : i32
          %broadcast_in_dim3A_1372 = vector.broadcast %broadcast_in_dim3A_1371 : i32 to vector<16xi32>
          %select_n3A_1373 = arith.select %and3A_1370, %broadcast_in_dim3A_1158, %broadcast_in_dim3A_1372 : vector<16xi1>, vector<16xi32>
          %add3A_1374 = arith.addi %add3A_1356, %select_n3A_1373 : vector<16xi32>
          %slice3A_1375 = vector.extract_strided_slice %get3A_1150 {offsets = [12], sizes = [1], strides = [1]} : vector<16xi32> to vector<1xi32>
          %squeeze3A_1376 = vector.extract %slice3A_1375[0] : i32 from vector<1xi32>
          %eq3A_1377 = vector.broadcast %squeeze3A_1376 : i32 to vector<16xi32>
          %eq3A_1378 = arith.cmpi eq, %get3A_981, %eq3A_1377 : vector<16xi32>
          %slice3A_1379 = vector.extract_strided_slice %get3A_1153 {offsets = [12], sizes = [1], strides = [1]} : vector<16xi32> to vector<1xi32>
          %squeeze3A_1380 = vector.extract %slice3A_1379[0] : i32 from vector<1xi32>
          %eq3A_1381 = vector.broadcast %squeeze3A_1380 : i32 to vector<16xi32>
          %eq3A_1382 = arith.cmpi eq, %get3A_984, %eq3A_1381 : vector<16xi32>
          %and3A_1383 = arith.andi %eq3A_1378, %eq3A_1382 : vector<16xi1>
          %slice3A_1384 = vector.extract_strided_slice %get3A_1156 {offsets = [12], sizes = [1], strides = [1]} : vector<16xi32> to vector<1xi32>
          %squeeze3A_1385 = vector.extract %slice3A_1384[0] : i32 from vector<1xi32>
          %lt3A_1386 = vector.broadcast %squeeze3A_1385 : i32 to vector<16xi32>
          %lt3A_1387 = arith.cmpi slt, %lt3A_1386, %get3A_987 : vector<16xi32>
          %and3A_1388 = arith.andi %and3A_1383, %lt3A_1387 : vector<16xi1>
          %broadcast_in_dim3A_1389 = arith.constant 0 : i32
          %broadcast_in_dim3A_1390 = vector.broadcast %broadcast_in_dim3A_1389 : i32 to vector<16xi32>
          %select_n3A_1391 = arith.select %and3A_1388, %broadcast_in_dim3A_1158, %broadcast_in_dim3A_1390 : vector<16xi1>, vector<16xi32>
          %add3A_1392 = arith.addi %add3A_1374, %select_n3A_1391 : vector<16xi32>
          %slice3A_1393 = vector.extract_strided_slice %get3A_1150 {offsets = [13], sizes = [1], strides = [1]} : vector<16xi32> to vector<1xi32>
          %squeeze3A_1394 = vector.extract %slice3A_1393[0] : i32 from vector<1xi32>
          %eq3A_1395 = vector.broadcast %squeeze3A_1394 : i32 to vector<16xi32>
          %eq3A_1396 = arith.cmpi eq, %get3A_981, %eq3A_1395 : vector<16xi32>
          %slice3A_1397 = vector.extract_strided_slice %get3A_1153 {offsets = [13], sizes = [1], strides = [1]} : vector<16xi32> to vector<1xi32>
          %squeeze3A_1398 = vector.extract %slice3A_1397[0] : i32 from vector<1xi32>
          %eq3A_1399 = vector.broadcast %squeeze3A_1398 : i32 to vector<16xi32>
          %eq3A_1400 = arith.cmpi eq, %get3A_984, %eq3A_1399 : vector<16xi32>
          %and3A_1401 = arith.andi %eq3A_1396, %eq3A_1400 : vector<16xi1>
          %slice3A_1402 = vector.extract_strided_slice %get3A_1156 {offsets = [13], sizes = [1], strides = [1]} : vector<16xi32> to vector<1xi32>
          %squeeze3A_1403 = vector.extract %slice3A_1402[0] : i32 from vector<1xi32>
          %lt3A_1404 = vector.broadcast %squeeze3A_1403 : i32 to vector<16xi32>
          %lt3A_1405 = arith.cmpi slt, %lt3A_1404, %get3A_987 : vector<16xi32>
          %and3A_1406 = arith.andi %and3A_1401, %lt3A_1405 : vector<16xi1>
          %broadcast_in_dim3A_1407 = arith.constant 0 : i32
          %broadcast_in_dim3A_1408 = vector.broadcast %broadcast_in_dim3A_1407 : i32 to vector<16xi32>
          %select_n3A_1409 = arith.select %and3A_1406, %broadcast_in_dim3A_1158, %broadcast_in_dim3A_1408 : vector<16xi1>, vector<16xi32>
          %add3A_1410 = arith.addi %add3A_1392, %select_n3A_1409 : vector<16xi32>
          %slice3A_1411 = vector.extract_strided_slice %get3A_1150 {offsets = [14], sizes = [1], strides = [1]} : vector<16xi32> to vector<1xi32>
          %squeeze3A_1412 = vector.extract %slice3A_1411[0] : i32 from vector<1xi32>
          %eq3A_1413 = vector.broadcast %squeeze3A_1412 : i32 to vector<16xi32>
          %eq3A_1414 = arith.cmpi eq, %get3A_981, %eq3A_1413 : vector<16xi32>
          %slice3A_1415 = vector.extract_strided_slice %get3A_1153 {offsets = [14], sizes = [1], strides = [1]} : vector<16xi32> to vector<1xi32>
          %squeeze3A_1416 = vector.extract %slice3A_1415[0] : i32 from vector<1xi32>
          %eq3A_1417 = vector.broadcast %squeeze3A_1416 : i32 to vector<16xi32>
          %eq3A_1418 = arith.cmpi eq, %get3A_984, %eq3A_1417 : vector<16xi32>
          %and3A_1419 = arith.andi %eq3A_1414, %eq3A_1418 : vector<16xi1>
          %slice3A_1420 = vector.extract_strided_slice %get3A_1156 {offsets = [14], sizes = [1], strides = [1]} : vector<16xi32> to vector<1xi32>
          %squeeze3A_1421 = vector.extract %slice3A_1420[0] : i32 from vector<1xi32>
          %lt3A_1422 = vector.broadcast %squeeze3A_1421 : i32 to vector<16xi32>
          %lt3A_1423 = arith.cmpi slt, %lt3A_1422, %get3A_987 : vector<16xi32>
          %and3A_1424 = arith.andi %and3A_1419, %lt3A_1423 : vector<16xi1>
          %broadcast_in_dim3A_1425 = arith.constant 0 : i32
          %broadcast_in_dim3A_1426 = vector.broadcast %broadcast_in_dim3A_1425 : i32 to vector<16xi32>
          %select_n3A_1427 = arith.select %and3A_1424, %broadcast_in_dim3A_1158, %broadcast_in_dim3A_1426 : vector<16xi1>, vector<16xi32>
          %add3A_1428 = arith.addi %add3A_1410, %select_n3A_1427 : vector<16xi32>
          %slice3A_1429 = vector.extract_strided_slice %get3A_1150 {offsets = [15], sizes = [1], strides = [1]} : vector<16xi32> to vector<1xi32>
          %squeeze3A_1430 = vector.extract %slice3A_1429[0] : i32 from vector<1xi32>
          %eq3A_1431 = vector.broadcast %squeeze3A_1430 : i32 to vector<16xi32>
          %eq3A_1432 = arith.cmpi eq, %get3A_981, %eq3A_1431 : vector<16xi32>
          %slice3A_1433 = vector.extract_strided_slice %get3A_1153 {offsets = [15], sizes = [1], strides = [1]} : vector<16xi32> to vector<1xi32>
          %squeeze3A_1434 = vector.extract %slice3A_1433[0] : i32 from vector<1xi32>
          %eq3A_1435 = vector.broadcast %squeeze3A_1434 : i32 to vector<16xi32>
          %eq3A_1436 = arith.cmpi eq, %get3A_984, %eq3A_1435 : vector<16xi32>
          %and3A_1437 = arith.andi %eq3A_1432, %eq3A_1436 : vector<16xi1>
          %slice3A_1438 = vector.extract_strided_slice %get3A_1156 {offsets = [15], sizes = [1], strides = [1]} : vector<16xi32> to vector<1xi32>
          %squeeze3A_1439 = vector.extract %slice3A_1438[0] : i32 from vector<1xi32>
          %lt3A_1440 = vector.broadcast %squeeze3A_1439 : i32 to vector<16xi32>
          %lt3A_1441 = arith.cmpi slt, %lt3A_1440, %get3A_987 : vector<16xi32>
          %and3A_1442 = arith.andi %and3A_1437, %lt3A_1441 : vector<16xi1>
          %broadcast_in_dim3A_1443 = arith.constant 0 : i32
          %broadcast_in_dim3A_1444 = vector.broadcast %broadcast_in_dim3A_1443 : i32 to vector<16xi32>
          %select_n3A_1445 = arith.select %and3A_1442, %broadcast_in_dim3A_1158, %broadcast_in_dim3A_1444 : vector<16xi1>, vector<16xi32>
          %add3A_1446 = arith.addi %add3A_1428, %select_n3A_1445 : vector<16xi32>
          scf.yield %add3A_1446 : vector<16xi32>
        }
        %while3A_1141 = arith.constant 1 : i32
        %while3A_1142 = scf.for %while3A_1143 = %while3A_1138 to %while3A_1134 step %while3A_1141 iter_args(%while3A_1144 = %while3A_1140) -> (vector<16xi32>)  : i32 {
          %mul3A_1145 = arith.constant 16 : i32
          %mul3A_1146 = arith.muli %while3A_1143, %mul3A_1145 : i32
          %add3A_1147 = arith.addi %mul3A_1131, %mul3A_1146 : i32
          %get3A_1148 = arith.index_cast %add3A_1147 : i32 to index
          %get3A_1149 = tpu.vector_load %arg18[%get3A_1148] {strides = array<i32>} : memref<16640xi32, #tpu.memory_space<vmem>>, vector<16xi32>,
          %get3A_1150 = vector.shape_cast %get3A_1149 : vector<16xi32> to vector<16xi32>
          %get3A_1151 = arith.index_cast %add3A_1147 : i32 to index
          %get3A_1152 = tpu.vector_load %arg19[%get3A_1151] {strides = array<i32>} : memref<16640xi32, #tpu.memory_space<vmem>>, vector<16xi32>,
          %get3A_1153 = vector.shape_cast %get3A_1152 : vector<16xi32> to vector<16xi32>
          %get3A_1154 = arith.index_cast %add3A_1147 : i32 to index
          %get3A_1155 = tpu.vector_load %arg20[%get3A_1154] {strides = array<i32>} : memref<16640xi32, #tpu.memory_space<vmem>>, vector<16xi32>,
          %get3A_1156 = vector.shape_cast %get3A_1155 : vector<16xi32> to vector<16xi32>
          %broadcast_in_dim3A_1157 = arith.constant 1 : i32
          %broadcast_in_dim3A_1158 = vector.broadcast %broadcast_in_dim3A_1157 : i32 to vector<16xi32>
          %slice3A_1159 = vector.extract_strided_slice %get3A_1150 {offsets = [0], sizes = [1], strides = [1]} : vector<16xi32> to vector<1xi32>
          %squeeze3A_1160 = vector.extract %slice3A_1159[0] : i32 from vector<1xi32>
          %eq3A_1161 = vector.broadcast %squeeze3A_1160 : i32 to vector<16xi32>
          %eq3A_1162 = arith.cmpi eq, %get3A_981, %eq3A_1161 : vector<16xi32>
          %slice3A_1163 = vector.extract_strided_slice %get3A_1153 {offsets = [0], sizes = [1], strides = [1]} : vector<16xi32> to vector<1xi32>
          %squeeze3A_1164 = vector.extract %slice3A_1163[0] : i32 from vector<1xi32>
          %eq3A_1165 = vector.broadcast %squeeze3A_1164 : i32 to vector<16xi32>
          %eq3A_1166 = arith.cmpi eq, %get3A_984, %eq3A_1165 : vector<16xi32>
          %and3A_1167 = arith.andi %eq3A_1162, %eq3A_1166 : vector<16xi1>
          %slice3A_1168 = vector.extract_strided_slice %get3A_1156 {offsets = [0], sizes = [1], strides = [1]} : vector<16xi32> to vector<1xi32>
          %squeeze3A_1169 = vector.extract %slice3A_1168[0] : i32 from vector<1xi32>
          %lt3A_1170 = vector.broadcast %squeeze3A_1169 : i32 to vector<16xi32>
          %lt3A_1171 = arith.cmpi slt, %lt3A_1170, %get3A_987 : vector<16xi32>
          %and3A_1172 = arith.andi %and3A_1167, %lt3A_1171 : vector<16xi1>
          %broadcast_in_dim3A_1173 = arith.constant 0 : i32
          %broadcast_in_dim3A_1174 = vector.broadcast %broadcast_in_dim3A_1173 : i32 to vector<16xi32>
          %select_n3A_1175 = arith.select %and3A_1172, %broadcast_in_dim3A_1158, %broadcast_in_dim3A_1174 : vector<16xi1>, vector<16xi32>
          %add3A_1176 = arith.addi %while3A_1144, %select_n3A_1175 : vector<16xi32>
          %slice3A_1177 = vector.extract_strided_slice %get3A_1150 {offsets = [1], sizes = [1], strides = [1]} : vector<16xi32> to vector<1xi32>
          %squeeze3A_1178 = vector.extract %slice3A_1177[0] : i32 from vector<1xi32>
          %eq3A_1179 = vector.broadcast %squeeze3A_1178 : i32 to vector<16xi32>
          %eq3A_1180 = arith.cmpi eq, %get3A_981, %eq3A_1179 : vector<16xi32>
          %slice3A_1181 = vector.extract_strided_slice %get3A_1153 {offsets = [1], sizes = [1], strides = [1]} : vector<16xi32> to vector<1xi32>
          %squeeze3A_1182 = vector.extract %slice3A_1181[0] : i32 from vector<1xi32>
          %eq3A_1183 = vector.broadcast %squeeze3A_1182 : i32 to vector<16xi32>
          %eq3A_1184 = arith.cmpi eq, %get3A_984, %eq3A_1183 : vector<16xi32>
          %and3A_1185 = arith.andi %eq3A_1180, %eq3A_1184 : vector<16xi1>
          %slice3A_1186 = vector.extract_strided_slice %get3A_1156 {offsets = [1], sizes = [1], strides = [1]} : vector<16xi32> to vector<1xi32>
          %squeeze3A_1187 = vector.extract %slice3A_1186[0] : i32 from vector<1xi32>
          %lt3A_1188 = vector.broadcast %squeeze3A_1187 : i32 to vector<16xi32>
          %lt3A_1189 = arith.cmpi slt, %lt3A_1188, %get3A_987 : vector<16xi32>
          %and3A_1190 = arith.andi %and3A_1185, %lt3A_1189 : vector<16xi1>
          %broadcast_in_dim3A_1191 = arith.constant 0 : i32
          %broadcast_in_dim3A_1192 = vector.broadcast %broadcast_in_dim3A_1191 : i32 to vector<16xi32>
          %select_n3A_1193 = arith.select %and3A_1190, %broadcast_in_dim3A_1158, %broadcast_in_dim3A_1192 : vector<16xi1>, vector<16xi32>
          %add3A_1194 = arith.addi %add3A_1176, %select_n3A_1193 : vector<16xi32>
          %slice3A_1195 = vector.extract_strided_slice %get3A_1150 {offsets = [2], sizes = [1], strides = [1]} : vector<16xi32> to vector<1xi32>
          %squeeze3A_1196 = vector.extract %slice3A_1195[0] : i32 from vector<1xi32>
          %eq3A_1197 = vector.broadcast %squeeze3A_1196 : i32 to vector<16xi32>
          %eq3A_1198 = arith.cmpi eq, %get3A_981, %eq3A_1197 : vector<16xi32>
          %slice3A_1199 = vector.extract_strided_slice %get3A_1153 {offsets = [2], sizes = [1], strides = [1]} : vector<16xi32> to vector<1xi32>
          %squeeze3A_1200 = vector.extract %slice3A_1199[0] : i32 from vector<1xi32>
          %eq3A_1201 = vector.broadcast %squeeze3A_1200 : i32 to vector<16xi32>
          %eq3A_1202 = arith.cmpi eq, %get3A_984, %eq3A_1201 : vector<16xi32>
          %and3A_1203 = arith.andi %eq3A_1198, %eq3A_1202 : vector<16xi1>
          %slice3A_1204 = vector.extract_strided_slice %get3A_1156 {offsets = [2], sizes = [1], strides = [1]} : vector<16xi32> to vector<1xi32>
          %squeeze3A_1205 = vector.extract %slice3A_1204[0] : i32 from vector<1xi32>
          %lt3A_1206 = vector.broadcast %squeeze3A_1205 : i32 to vector<16xi32>
          %lt3A_1207 = arith.cmpi slt, %lt3A_1206, %get3A_987 : vector<16xi32>
          %and3A_1208 = arith.andi %and3A_1203, %lt3A_1207 : vector<16xi1>
          %broadcast_in_dim3A_1209 = arith.constant 0 : i32
          %broadcast_in_dim3A_1210 = vector.broadcast %broadcast_in_dim3A_1209 : i32 to vector<16xi32>
          %select_n3A_1211 = arith.select %and3A_1208, %broadcast_in_dim3A_1158, %broadcast_in_dim3A_1210 : vector<16xi1>, vector<16xi32>
          %add3A_1212 = arith.addi %add3A_1194, %select_n3A_1211 : vector<16xi32>
          %slice3A_1213 = vector.extract_strided_slice %get3A_1150 {offsets = [3], sizes = [1], strides = [1]} : vector<16xi32> to vector<1xi32>
          %squeeze3A_1214 = vector.extract %slice3A_1213[0] : i32 from vector<1xi32>
          %eq3A_1215 = vector.broadcast %squeeze3A_1214 : i32 to vector<16xi32>
          %eq3A_1216 = arith.cmpi eq, %get3A_981, %eq3A_1215 : vector<16xi32>
          %slice3A_1217 = vector.extract_strided_slice %get3A_1153 {offsets = [3], sizes = [1], strides = [1]} : vector<16xi32> to vector<1xi32>
          %squeeze3A_1218 = vector.extract %slice3A_1217[0] : i32 from vector<1xi32>
          %eq3A_1219 = vector.broadcast %squeeze3A_1218 : i32 to vector<16xi32>
          %eq3A_1220 = arith.cmpi eq, %get3A_984, %eq3A_1219 : vector<16xi32>
          %and3A_1221 = arith.andi %eq3A_1216, %eq3A_1220 : vector<16xi1>
          %slice3A_1222 = vector.extract_strided_slice %get3A_1156 {offsets = [3], sizes = [1], strides = [1]} : vector<16xi32> to vector<1xi32>
          %squeeze3A_1223 = vector.extract %slice3A_1222[0] : i32 from vector<1xi32>
          %lt3A_1224 = vector.broadcast %squeeze3A_1223 : i32 to vector<16xi32>
          %lt3A_1225 = arith.cmpi slt, %lt3A_1224, %get3A_987 : vector<16xi32>
          %and3A_1226 = arith.andi %and3A_1221, %lt3A_1225 : vector<16xi1>
          %broadcast_in_dim3A_1227 = arith.constant 0 : i32
          %broadcast_in_dim3A_1228 = vector.broadcast %broadcast_in_dim3A_1227 : i32 to vector<16xi32>
          %select_n3A_1229 = arith.select %and3A_1226, %broadcast_in_dim3A_1158, %broadcast_in_dim3A_1228 : vector<16xi1>, vector<16xi32>
          %add3A_1230 = arith.addi %add3A_1212, %select_n3A_1229 : vector<16xi32>
          %slice3A_1231 = vector.extract_strided_slice %get3A_1150 {offsets = [4], sizes = [1], strides = [1]} : vector<16xi32> to vector<1xi32>
          %squeeze3A_1232 = vector.extract %slice3A_1231[0] : i32 from vector<1xi32>
          %eq3A_1233 = vector.broadcast %squeeze3A_1232 : i32 to vector<16xi32>
          %eq3A_1234 = arith.cmpi eq, %get3A_981, %eq3A_1233 : vector<16xi32>
          %slice3A_1235 = vector.extract_strided_slice %get3A_1153 {offsets = [4], sizes = [1], strides = [1]} : vector<16xi32> to vector<1xi32>
          %squeeze3A_1236 = vector.extract %slice3A_1235[0] : i32 from vector<1xi32>
          %eq3A_1237 = vector.broadcast %squeeze3A_1236 : i32 to vector<16xi32>
          %eq3A_1238 = arith.cmpi eq, %get3A_984, %eq3A_1237 : vector<16xi32>
          %and3A_1239 = arith.andi %eq3A_1234, %eq3A_1238 : vector<16xi1>
          %slice3A_1240 = vector.extract_strided_slice %get3A_1156 {offsets = [4], sizes = [1], strides = [1]} : vector<16xi32> to vector<1xi32>
          %squeeze3A_1241 = vector.extract %slice3A_1240[0] : i32 from vector<1xi32>
          %lt3A_1242 = vector.broadcast %squeeze3A_1241 : i32 to vector<16xi32>
          %lt3A_1243 = arith.cmpi slt, %lt3A_1242, %get3A_987 : vector<16xi32>
          %and3A_1244 = arith.andi %and3A_1239, %lt3A_1243 : vector<16xi1>
          %broadcast_in_dim3A_1245 = arith.constant 0 : i32
          %broadcast_in_dim3A_1246 = vector.broadcast %broadcast_in_dim3A_1245 : i32 to vector<16xi32>
          %select_n3A_1247 = arith.select %and3A_1244, %broadcast_in_dim3A_1158, %broadcast_in_dim3A_1246 : vector<16xi1>, vector<16xi32>
          %add3A_1248 = arith.addi %add3A_1230, %select_n3A_1247 : vector<16xi32>
          %slice3A_1249 = vector.extract_strided_slice %get3A_1150 {offsets = [5], sizes = [1], strides = [1]} : vector<16xi32> to vector<1xi32>
          %squeeze3A_1250 = vector.extract %slice3A_1249[0] : i32 from vector<1xi32>
          %eq3A_1251 = vector.broadcast %squeeze3A_1250 : i32 to vector<16xi32>
          %eq3A_1252 = arith.cmpi eq, %get3A_981, %eq3A_1251 : vector<16xi32>
          %slice3A_1253 = vector.extract_strided_slice %get3A_1153 {offsets = [5], sizes = [1], strides = [1]} : vector<16xi32> to vector<1xi32>
          %squeeze3A_1254 = vector.extract %slice3A_1253[0] : i32 from vector<1xi32>
          %eq3A_1255 = vector.broadcast %squeeze3A_1254 : i32 to vector<16xi32>
          %eq3A_1256 = arith.cmpi eq, %get3A_984, %eq3A_1255 : vector<16xi32>
          %and3A_1257 = arith.andi %eq3A_1252, %eq3A_1256 : vector<16xi1>
          %slice3A_1258 = vector.extract_strided_slice %get3A_1156 {offsets = [5], sizes = [1], strides = [1]} : vector<16xi32> to vector<1xi32>
          %squeeze3A_1259 = vector.extract %slice3A_1258[0] : i32 from vector<1xi32>
          %lt3A_1260 = vector.broadcast %squeeze3A_1259 : i32 to vector<16xi32>
          %lt3A_1261 = arith.cmpi slt, %lt3A_1260, %get3A_987 : vector<16xi32>
          %and3A_1262 = arith.andi %and3A_1257, %lt3A_1261 : vector<16xi1>
          %broadcast_in_dim3A_1263 = arith.constant 0 : i32
          %broadcast_in_dim3A_1264 = vector.broadcast %broadcast_in_dim3A_1263 : i32 to vector<16xi32>
          %select_n3A_1265 = arith.select %and3A_1262, %broadcast_in_dim3A_1158, %broadcast_in_dim3A_1264 : vector<16xi1>, vector<16xi32>
          %add3A_1266 = arith.addi %add3A_1248, %select_n3A_1265 : vector<16xi32>
          %slice3A_1267 = vector.extract_strided_slice %get3A_1150 {offsets = [6], sizes = [1], strides = [1]} : vector<16xi32> to vector<1xi32>
          %squeeze3A_1268 = vector.extract %slice3A_1267[0] : i32 from vector<1xi32>
          %eq3A_1269 = vector.broadcast %squeeze3A_1268 : i32 to vector<16xi32>
          %eq3A_1270 = arith.cmpi eq, %get3A_981, %eq3A_1269 : vector<16xi32>
          %slice3A_1271 = vector.extract_strided_slice %get3A_1153 {offsets = [6], sizes = [1], strides = [1]} : vector<16xi32> to vector<1xi32>
          %squeeze3A_1272 = vector.extract %slice3A_1271[0] : i32 from vector<1xi32>
          %eq3A_1273 = vector.broadcast %squeeze3A_1272 : i32 to vector<16xi32>
          %eq3A_1274 = arith.cmpi eq, %get3A_984, %eq3A_1273 : vector<16xi32>
          %and3A_1275 = arith.andi %eq3A_1270, %eq3A_1274 : vector<16xi1>
          %slice3A_1276 = vector.extract_strided_slice %get3A_1156 {offsets = [6], sizes = [1], strides = [1]} : vector<16xi32> to vector<1xi32>
          %squeeze3A_1277 = vector.extract %slice3A_1276[0] : i32 from vector<1xi32>
          %lt3A_1278 = vector.broadcast %squeeze3A_1277 : i32 to vector<16xi32>
          %lt3A_1279 = arith.cmpi slt, %lt3A_1278, %get3A_987 : vector<16xi32>
          %and3A_1280 = arith.andi %and3A_1275, %lt3A_1279 : vector<16xi1>
          %broadcast_in_dim3A_1281 = arith.constant 0 : i32
          %broadcast_in_dim3A_1282 = vector.broadcast %broadcast_in_dim3A_1281 : i32 to vector<16xi32>
          %select_n3A_1283 = arith.select %and3A_1280, %broadcast_in_dim3A_1158, %broadcast_in_dim3A_1282 : vector<16xi1>, vector<16xi32>
          %add3A_1284 = arith.addi %add3A_1266, %select_n3A_1283 : vector<16xi32>
          %slice3A_1285 = vector.extract_strided_slice %get3A_1150 {offsets = [7], sizes = [1], strides = [1]} : vector<16xi32> to vector<1xi32>
          %squeeze3A_1286 = vector.extract %slice3A_1285[0] : i32 from vector<1xi32>
          %eq3A_1287 = vector.broadcast %squeeze3A_1286 : i32 to vector<16xi32>
          %eq3A_1288 = arith.cmpi eq, %get3A_981, %eq3A_1287 : vector<16xi32>
          %slice3A_1289 = vector.extract_strided_slice %get3A_1153 {offsets = [7], sizes = [1], strides = [1]} : vector<16xi32> to vector<1xi32>
          %squeeze3A_1290 = vector.extract %slice3A_1289[0] : i32 from vector<1xi32>
          %eq3A_1291 = vector.broadcast %squeeze3A_1290 : i32 to vector<16xi32>
          %eq3A_1292 = arith.cmpi eq, %get3A_984, %eq3A_1291 : vector<16xi32>
          %and3A_1293 = arith.andi %eq3A_1288, %eq3A_1292 : vector<16xi1>
          %slice3A_1294 = vector.extract_strided_slice %get3A_1156 {offsets = [7], sizes = [1], strides = [1]} : vector<16xi32> to vector<1xi32>
          %squeeze3A_1295 = vector.extract %slice3A_1294[0] : i32 from vector<1xi32>
          %lt3A_1296 = vector.broadcast %squeeze3A_1295 : i32 to vector<16xi32>
          %lt3A_1297 = arith.cmpi slt, %lt3A_1296, %get3A_987 : vector<16xi32>
          %and3A_1298 = arith.andi %and3A_1293, %lt3A_1297 : vector<16xi1>
          %broadcast_in_dim3A_1299 = arith.constant 0 : i32
          %broadcast_in_dim3A_1300 = vector.broadcast %broadcast_in_dim3A_1299 : i32 to vector<16xi32>
          %select_n3A_1301 = arith.select %and3A_1298, %broadcast_in_dim3A_1158, %broadcast_in_dim3A_1300 : vector<16xi1>, vector<16xi32>
          %add3A_1302 = arith.addi %add3A_1284, %select_n3A_1301 : vector<16xi32>
          %slice3A_1303 = vector.extract_strided_slice %get3A_1150 {offsets = [8], sizes = [1], strides = [1]} : vector<16xi32> to vector<1xi32>
          %squeeze3A_1304 = vector.extract %slice3A_1303[0] : i32 from vector<1xi32>
          %eq3A_1305 = vector.broadcast %squeeze3A_1304 : i32 to vector<16xi32>
          %eq3A_1306 = arith.cmpi eq, %get3A_981, %eq3A_1305 : vector<16xi32>
          %slice3A_1307 = vector.extract_strided_slice %get3A_1153 {offsets = [8], sizes = [1], strides = [1]} : vector<16xi32> to vector<1xi32>
          %squeeze3A_1308 = vector.extract %slice3A_1307[0] : i32 from vector<1xi32>
          %eq3A_1309 = vector.broadcast %squeeze3A_1308 : i32 to vector<16xi32>
          %eq3A_1310 = arith.cmpi eq, %get3A_984, %eq3A_1309 : vector<16xi32>
          %and3A_1311 = arith.andi %eq3A_1306, %eq3A_1310 : vector<16xi1>
          %slice3A_1312 = vector.extract_strided_slice %get3A_1156 {offsets = [8], sizes = [1], strides = [1]} : vector<16xi32> to vector<1xi32>
          %squeeze3A_1313 = vector.extract %slice3A_1312[0] : i32 from vector<1xi32>
          %lt3A_1314 = vector.broadcast %squeeze3A_1313 : i32 to vector<16xi32>
          %lt3A_1315 = arith.cmpi slt, %lt3A_1314, %get3A_987 : vector<16xi32>
          %and3A_1316 = arith.andi %and3A_1311, %lt3A_1315 : vector<16xi1>
          %broadcast_in_dim3A_1317 = arith.constant 0 : i32
          %broadcast_in_dim3A_1318 = vector.broadcast %broadcast_in_dim3A_1317 : i32 to vector<16xi32>
          %select_n3A_1319 = arith.select %and3A_1316, %broadcast_in_dim3A_1158, %broadcast_in_dim3A_1318 : vector<16xi1>, vector<16xi32>
          %add3A_1320 = arith.addi %add3A_1302, %select_n3A_1319 : vector<16xi32>
          %slice3A_1321 = vector.extract_strided_slice %get3A_1150 {offsets = [9], sizes = [1], strides = [1]} : vector<16xi32> to vector<1xi32>
          %squeeze3A_1322 = vector.extract %slice3A_1321[0] : i32 from vector<1xi32>
          %eq3A_1323 = vector.broadcast %squeeze3A_1322 : i32 to vector<16xi32>
          %eq3A_1324 = arith.cmpi eq, %get3A_981, %eq3A_1323 : vector<16xi32>
          %slice3A_1325 = vector.extract_strided_slice %get3A_1153 {offsets = [9], sizes = [1], strides = [1]} : vector<16xi32> to vector<1xi32>
          %squeeze3A_1326 = vector.extract %slice3A_1325[0] : i32 from vector<1xi32>
          %eq3A_1327 = vector.broadcast %squeeze3A_1326 : i32 to vector<16xi32>
          %eq3A_1328 = arith.cmpi eq, %get3A_984, %eq3A_1327 : vector<16xi32>
          %and3A_1329 = arith.andi %eq3A_1324, %eq3A_1328 : vector<16xi1>
          %slice3A_1330 = vector.extract_strided_slice %get3A_1156 {offsets = [9], sizes = [1], strides = [1]} : vector<16xi32> to vector<1xi32>
          %squeeze3A_1331 = vector.extract %slice3A_1330[0] : i32 from vector<1xi32>
          %lt3A_1332 = vector.broadcast %squeeze3A_1331 : i32 to vector<16xi32>
          %lt3A_1333 = arith.cmpi slt, %lt3A_1332, %get3A_987 : vector<16xi32>
          %and3A_1334 = arith.andi %and3A_1329, %lt3A_1333 : vector<16xi1>
          %broadcast_in_dim3A_1335 = arith.constant 0 : i32
          %broadcast_in_dim3A_1336 = vector.broadcast %broadcast_in_dim3A_1335 : i32 to vector<16xi32>
          %select_n3A_1337 = arith.select %and3A_1334, %broadcast_in_dim3A_1158, %broadcast_in_dim3A_1336 : vector<16xi1>, vector<16xi32>
          %add3A_1338 = arith.addi %add3A_1320, %select_n3A_1337 : vector<16xi32>
          %slice3A_1339 = vector.extract_strided_slice %get3A_1150 {offsets = [10], sizes = [1], strides = [1]} : vector<16xi32> to vector<1xi32>
          %squeeze3A_1340 = vector.extract %slice3A_1339[0] : i32 from vector<1xi32>
          %eq3A_1341 = vector.broadcast %squeeze3A_1340 : i32 to vector<16xi32>
          %eq3A_1342 = arith.cmpi eq, %get3A_981, %eq3A_1341 : vector<16xi32>
          %slice3A_1343 = vector.extract_strided_slice %get3A_1153 {offsets = [10], sizes = [1], strides = [1]} : vector<16xi32> to vector<1xi32>
          %squeeze3A_1344 = vector.extract %slice3A_1343[0] : i32 from vector<1xi32>
          %eq3A_1345 = vector.broadcast %squeeze3A_1344 : i32 to vector<16xi32>
          %eq3A_1346 = arith.cmpi eq, %get3A_984, %eq3A_1345 : vector<16xi32>
          %and3A_1347 = arith.andi %eq3A_1342, %eq3A_1346 : vector<16xi1>
          %slice3A_1348 = vector.extract_strided_slice %get3A_1156 {offsets = [10], sizes = [1], strides = [1]} : vector<16xi32> to vector<1xi32>
          %squeeze3A_1349 = vector.extract %slice3A_1348[0] : i32 from vector<1xi32>
          %lt3A_1350 = vector.broadcast %squeeze3A_1349 : i32 to vector<16xi32>
          %lt3A_1351 = arith.cmpi slt, %lt3A_1350, %get3A_987 : vector<16xi32>
          %and3A_1352 = arith.andi %and3A_1347, %lt3A_1351 : vector<16xi1>
          %broadcast_in_dim3A_1353 = arith.constant 0 : i32
          %broadcast_in_dim3A_1354 = vector.broadcast %broadcast_in_dim3A_1353 : i32 to vector<16xi32>
          %select_n3A_1355 = arith.select %and3A_1352, %broadcast_in_dim3A_1158, %broadcast_in_dim3A_1354 : vector<16xi1>, vector<16xi32>
          %add3A_1356 = arith.addi %add3A_1338, %select_n3A_1355 : vector<16xi32>
          %slice3A_1357 = vector.extract_strided_slice %get3A_1150 {offsets = [11], sizes = [1], strides = [1]} : vector<16xi32> to vector<1xi32>
          %squeeze3A_1358 = vector.extract %slice3A_1357[0] : i32 from vector<1xi32>
          %eq3A_1359 = vector.broadcast %squeeze3A_1358 : i32 to vector<16xi32>
          %eq3A_1360 = arith.cmpi eq, %get3A_981, %eq3A_1359 : vector<16xi32>
          %slice3A_1361 = vector.extract_strided_slice %get3A_1153 {offsets = [11], sizes = [1], strides = [1]} : vector<16xi32> to vector<1xi32>
          %squeeze3A_1362 = vector.extract %slice3A_1361[0] : i32 from vector<1xi32>
          %eq3A_1363 = vector.broadcast %squeeze3A_1362 : i32 to vector<16xi32>
          %eq3A_1364 = arith.cmpi eq, %get3A_984, %eq3A_1363 : vector<16xi32>
          %and3A_1365 = arith.andi %eq3A_1360, %eq3A_1364 : vector<16xi1>
          %slice3A_1366 = vector.extract_strided_slice %get3A_1156 {offsets = [11], sizes = [1], strides = [1]} : vector<16xi32> to vector<1xi32>
          %squeeze3A_1367 = vector.extract %slice3A_1366[0] : i32 from vector<1xi32>
          %lt3A_1368 = vector.broadcast %squeeze3A_1367 : i32 to vector<16xi32>
          %lt3A_1369 = arith.cmpi slt, %lt3A_1368, %get3A_987 : vector<16xi32>
          %and3A_1370 = arith.andi %and3A_1365, %lt3A_1369 : vector<16xi1>
          %broadcast_in_dim3A_1371 = arith.constant 0 : i32
          %broadcast_in_dim3A_1372 = vector.broadcast %broadcast_in_dim3A_1371 : i32 to vector<16xi32>
          %select_n3A_1373 = arith.select %and3A_1370, %broadcast_in_dim3A_1158, %broadcast_in_dim3A_1372 : vector<16xi1>, vector<16xi32>
          %add3A_1374 = arith.addi %add3A_1356, %select_n3A_1373 : vector<16xi32>
          %slice3A_1375 = vector.extract_strided_slice %get3A_1150 {offsets = [12], sizes = [1], strides = [1]} : vector<16xi32> to vector<1xi32>
          %squeeze3A_1376 = vector.extract %slice3A_1375[0] : i32 from vector<1xi32>
          %eq3A_1377 = vector.broadcast %squeeze3A_1376 : i32 to vector<16xi32>
          %eq3A_1378 = arith.cmpi eq, %get3A_981, %eq3A_1377 : vector<16xi32>
          %slice3A_1379 = vector.extract_strided_slice %get3A_1153 {offsets = [12], sizes = [1], strides = [1]} : vector<16xi32> to vector<1xi32>
          %squeeze3A_1380 = vector.extract %slice3A_1379[0] : i32 from vector<1xi32>
          %eq3A_1381 = vector.broadcast %squeeze3A_1380 : i32 to vector<16xi32>
          %eq3A_1382 = arith.cmpi eq, %get3A_984, %eq3A_1381 : vector<16xi32>
          %and3A_1383 = arith.andi %eq3A_1378, %eq3A_1382 : vector<16xi1>
          %slice3A_1384 = vector.extract_strided_slice %get3A_1156 {offsets = [12], sizes = [1], strides = [1]} : vector<16xi32> to vector<1xi32>
          %squeeze3A_1385 = vector.extract %slice3A_1384[0] : i32 from vector<1xi32>
          %lt3A_1386 = vector.broadcast %squeeze3A_1385 : i32 to vector<16xi32>
          %lt3A_1387 = arith.cmpi slt, %lt3A_1386, %get3A_987 : vector<16xi32>
          %and3A_1388 = arith.andi %and3A_1383, %lt3A_1387 : vector<16xi1>
          %broadcast_in_dim3A_1389 = arith.constant 0 : i32
          %broadcast_in_dim3A_1390 = vector.broadcast %broadcast_in_dim3A_1389 : i32 to vector<16xi32>
          %select_n3A_1391 = arith.select %and3A_1388, %broadcast_in_dim3A_1158, %broadcast_in_dim3A_1390 : vector<16xi1>, vector<16xi32>
          %add3A_1392 = arith.addi %add3A_1374, %select_n3A_1391 : vector<16xi32>
          %slice3A_1393 = vector.extract_strided_slice %get3A_1150 {offsets = [13], sizes = [1], strides = [1]} : vector<16xi32> to vector<1xi32>
          %squeeze3A_1394 = vector.extract %slice3A_1393[0] : i32 from vector<1xi32>
          %eq3A_1395 = vector.broadcast %squeeze3A_1394 : i32 to vector<16xi32>
          %eq3A_1396 = arith.cmpi eq, %get3A_981, %eq3A_1395 : vector<16xi32>
          %slice3A_1397 = vector.extract_strided_slice %get3A_1153 {offsets = [13], sizes = [1], strides = [1]} : vector<16xi32> to vector<1xi32>
          %squeeze3A_1398 = vector.extract %slice3A_1397[0] : i32 from vector<1xi32>
          %eq3A_1399 = vector.broadcast %squeeze3A_1398 : i32 to vector<16xi32>
          %eq3A_1400 = arith.cmpi eq, %get3A_984, %eq3A_1399 : vector<16xi32>
          %and3A_1401 = arith.andi %eq3A_1396, %eq3A_1400 : vector<16xi1>
          %slice3A_1402 = vector.extract_strided_slice %get3A_1156 {offsets = [13], sizes = [1], strides = [1]} : vector<16xi32> to vector<1xi32>
          %squeeze3A_1403 = vector.extract %slice3A_1402[0] : i32 from vector<1xi32>
          %lt3A_1404 = vector.broadcast %squeeze3A_1403 : i32 to vector<16xi32>
          %lt3A_1405 = arith.cmpi slt, %lt3A_1404, %get3A_987 : vector<16xi32>
          %and3A_1406 = arith.andi %and3A_1401, %lt3A_1405 : vector<16xi1>
          %broadcast_in_dim3A_1407 = arith.constant 0 : i32
          %broadcast_in_dim3A_1408 = vector.broadcast %broadcast_in_dim3A_1407 : i32 to vector<16xi32>
          %select_n3A_1409 = arith.select %and3A_1406, %broadcast_in_dim3A_1158, %broadcast_in_dim3A_1408 : vector<16xi1>, vector<16xi32>
          %add3A_1410 = arith.addi %add3A_1392, %select_n3A_1409 : vector<16xi32>
          %slice3A_1411 = vector.extract_strided_slice %get3A_1150 {offsets = [14], sizes = [1], strides = [1]} : vector<16xi32> to vector<1xi32>
          %squeeze3A_1412 = vector.extract %slice3A_1411[0] : i32 from vector<1xi32>
          %eq3A_1413 = vector.broadcast %squeeze3A_1412 : i32 to vector<16xi32>
          %eq3A_1414 = arith.cmpi eq, %get3A_981, %eq3A_1413 : vector<16xi32>
          %slice3A_1415 = vector.extract_strided_slice %get3A_1153 {offsets = [14], sizes = [1], strides = [1]} : vector<16xi32> to vector<1xi32>
          %squeeze3A_1416 = vector.extract %slice3A_1415[0] : i32 from vector<1xi32>
          %eq3A_1417 = vector.broadcast %squeeze3A_1416 : i32 to vector<16xi32>
          %eq3A_1418 = arith.cmpi eq, %get3A_984, %eq3A_1417 : vector<16xi32>
          %and3A_1419 = arith.andi %eq3A_1414, %eq3A_1418 : vector<16xi1>
          %slice3A_1420 = vector.extract_strided_slice %get3A_1156 {offsets = [14], sizes = [1], strides = [1]} : vector<16xi32> to vector<1xi32>
          %squeeze3A_1421 = vector.extract %slice3A_1420[0] : i32 from vector<1xi32>
          %lt3A_1422 = vector.broadcast %squeeze3A_1421 : i32 to vector<16xi32>
          %lt3A_1423 = arith.cmpi slt, %lt3A_1422, %get3A_987 : vector<16xi32>
          %and3A_1424 = arith.andi %and3A_1419, %lt3A_1423 : vector<16xi1>
          %broadcast_in_dim3A_1425 = arith.constant 0 : i32
          %broadcast_in_dim3A_1426 = vector.broadcast %broadcast_in_dim3A_1425 : i32 to vector<16xi32>
          %select_n3A_1427 = arith.select %and3A_1424, %broadcast_in_dim3A_1158, %broadcast_in_dim3A_1426 : vector<16xi1>, vector<16xi32>
          %add3A_1428 = arith.addi %add3A_1410, %select_n3A_1427 : vector<16xi32>
          %slice3A_1429 = vector.extract_strided_slice %get3A_1150 {offsets = [15], sizes = [1], strides = [1]} : vector<16xi32> to vector<1xi32>
          %squeeze3A_1430 = vector.extract %slice3A_1429[0] : i32 from vector<1xi32>
          %eq3A_1431 = vector.broadcast %squeeze3A_1430 : i32 to vector<16xi32>
          %eq3A_1432 = arith.cmpi eq, %get3A_981, %eq3A_1431 : vector<16xi32>
          %slice3A_1433 = vector.extract_strided_slice %get3A_1153 {offsets = [15], sizes = [1], strides = [1]} : vector<16xi32> to vector<1xi32>
          %squeeze3A_1434 = vector.extract %slice3A_1433[0] : i32 from vector<1xi32>
          %eq3A_1435 = vector.broadcast %squeeze3A_1434 : i32 to vector<16xi32>
          %eq3A_1436 = arith.cmpi eq, %get3A_984, %eq3A_1435 : vector<16xi32>
          %and3A_1437 = arith.andi %eq3A_1432, %eq3A_1436 : vector<16xi1>
          %slice3A_1438 = vector.extract_strided_slice %get3A_1156 {offsets = [15], sizes = [1], strides = [1]} : vector<16xi32> to vector<1xi32>
          %squeeze3A_1439 = vector.extract %slice3A_1438[0] : i32 from vector<1xi32>
          %lt3A_1440 = vector.broadcast %squeeze3A_1439 : i32 to vector<16xi32>
          %lt3A_1441 = arith.cmpi slt, %lt3A_1440, %get3A_987 : vector<16xi32>
          %and3A_1442 = arith.andi %and3A_1437, %lt3A_1441 : vector<16xi1>
          %broadcast_in_dim3A_1443 = arith.constant 0 : i32
          %broadcast_in_dim3A_1444 = vector.broadcast %broadcast_in_dim3A_1443 : i32 to vector<16xi32>
          %select_n3A_1445 = arith.select %and3A_1442, %broadcast_in_dim3A_1158, %broadcast_in_dim3A_1444 : vector<16xi1>, vector<16xi32>
          %add3A_1446 = arith.addi %add3A_1428, %select_n3A_1445 : vector<16xi32>
          scf.yield %add3A_1446 : vector<16xi32>
        }
        scf.yield %while3A_1142 : vector<16xi32>
      }
      %add3A_1007 = arith.constant 1 : i32
      %add3A_1008 = vector.broadcast %add3A_1007 : i32 to vector<16xi32>
      %add3A_1009 = arith.addi %while3A_1006, %add3A_1008 : vector<16xi32>
      %convert_element_type3A = arith.sitofp %add3A_1009 : vector<16xi32> to vector<16xf32>
      %bitcast_convert_type3A = tpu.bitcast %convert_element_type3A : vector<16xf32> -> vector<16xi32>
      %shift_right_logical3A = arith.constant 1 : i32
      %shift_right_logical3A_1010 = vector.broadcast %shift_right_logical3A : i32 to vector<16xi32>
      %shift_right_logical3A_1011 = arith.shrui %bitcast_convert_type3A, %shift_right_logical3A_1010 : vector<16xi32>
      %sub3A_1012 = arith.constant 1597463007 : i32
      %sub3A_1013 = vector.broadcast %sub3A_1012 : i32 to vector<16xi32>
      %sub3A_1014 = arith.subi %sub3A_1013, %shift_right_logical3A_1011 : vector<16xi32>
      %bitcast_convert_type3A_1015 = tpu.bitcast %sub3A_1014 : vector<16xi32> -> vector<16xf32>
      %mul3A_1016 = arith.constant 5.000000e-01 : f32
      %mul3A_1017 = vector.broadcast %mul3A_1016 : f32 to vector<16xf32>
      %mul3A_1018 = arith.mulf %convert_element_type3A, %mul3A_1017 : vector<16xf32>
      %mul3A_1019 = arith.mulf %mul3A_1018, %bitcast_convert_type3A_1015 : vector<16xf32>
      %mul3A_1020 = arith.mulf %mul3A_1019, %bitcast_convert_type3A_1015 : vector<16xf32>
      %sub3A_1021 = arith.constant 1.500000e+00 : f32
      %sub3A_1022 = vector.broadcast %sub3A_1021 : f32 to vector<16xf32>
      %sub3A_1023 = arith.subf %sub3A_1022, %mul3A_1020 : vector<16xf32>
      %mul3A_1024 = arith.mulf %bitcast_convert_type3A_1015, %sub3A_1023 : vector<16xf32>
      %mul3A_1025 = arith.mulf %mul3A_1018, %mul3A_1024 : vector<16xf32>
      %mul3A_1026 = arith.mulf %mul3A_1025, %mul3A_1024 : vector<16xf32>
      %sub3A_1027 = arith.constant 1.500000e+00 : f32
      %sub3A_1028 = vector.broadcast %sub3A_1027 : f32 to vector<16xf32>
      %sub3A_1029 = arith.subf %sub3A_1028, %mul3A_1026 : vector<16xf32>
      %mul3A_1030 = arith.mulf %mul3A_1024, %sub3A_1029 : vector<16xf32>
      %mul3A_1031 = arith.mulf %mul3A_1018, %mul3A_1030 : vector<16xf32>
      %mul3A_1032 = arith.mulf %mul3A_1031, %mul3A_1030 : vector<16xf32>
      %sub3A_1033 = arith.constant 1.500000e+00 : f32
      %sub3A_1034 = vector.broadcast %sub3A_1033 : f32 to vector<16xf32>
      %sub3A_1035 = arith.subf %sub3A_1034, %mul3A_1032 : vector<16xf32>
      %mul3A_1036 = arith.mulf %mul3A_1030, %sub3A_1035 : vector<16xf32>
      %broadcast_in_dim3A_1037 = arith.constant 0 : i32
      %broadcast_in_dim3A_1038 = vector.broadcast %broadcast_in_dim3A_1037 : i32 to vector<16xi32>
      %add3A_1039 = arith.constant 16384 : i32
      %add3A_1040 = vector.broadcast %add3A_1039 : i32 to vector<16xi32>
      %add3A_1041 = arith.addi %broadcast_in_dim3A_1038, %add3A_1040 : vector<16xi32>
      %select_n3A_1042 = arith.select %lt3A_992, %get3A_987, %add3A_1041 : vector<16xi1>, vector<16xi32>
      %mul3A_1043 = arith.constant 16 : i32
      %mul3A_1044 = arith.muli %while3A_976, %mul3A_1043 : i32
      %swap3A_1045 = arith.index_cast %mul3A_1044 : i32 to index
      %swap3A_1046 = tpu.vector_load %arg10[%swap3A_1045] {strides = array<i32>} : memref<1024xf32, #tpu.memory_space<vmem>>, vector<16xf32>,
      %swap3A_1047 = vector.shape_cast %swap3A_1046 : vector<16xf32> to vector<16xf32>
      %swap3A_1048 = vector.shape_cast %mul3A_1036 : vector<16xf32> to vector<16xf32>
      tpu.vector_store %arg10[%swap3A_1045], %swap3A_1048 {strides = array<i32>} : memref<1024xf32, #tpu.memory_space<vmem>>, vector<16xf32>,
      %jit3A_1049 = arith.constant 8 : i64
      %convert_element_type3A_1050 = arith.trunci %jit3A_1049 : i64 to i32
      %div3A_1051 = arith.divsi %while3A_976, %convert_element_type3A_1050 : i32
      %sign3A_1052 = arith.constant 0 : i32
      %sign3A_1053 = arith.cmpi sgt, %while3A_976, %sign3A_1052 : i32
      %sign3A_1054 = arith.extui %sign3A_1053 : i1 to i32
      %sign3A_1055 = arith.constant 0 : i32
      %sign3A_1056 = arith.cmpi slt, %while3A_976, %sign3A_1055 : i32
      %sign3A_1057 = arith.extui %sign3A_1056 : i1 to i32
      %sign3A_1058 = arith.subi %sign3A_1054, %sign3A_1057 : i32
      %sign3A_1059 = arith.constant 0 : i32
      %sign3A_1060 = arith.cmpi sgt, %convert_element_type3A_1050, %sign3A_1059 : i32
      %sign3A_1061 = arith.extui %sign3A_1060 : i1 to i32
      %sign3A_1062 = arith.constant 0 : i32
      %sign3A_1063 = arith.cmpi slt, %convert_element_type3A_1050, %sign3A_1062 : i32
      %sign3A_1064 = arith.extui %sign3A_1063 : i1 to i32
      %sign3A_1065 = arith.subi %sign3A_1061, %sign3A_1064 : i32
      %ne3A_1066 = arith.cmpi ne, %sign3A_1058, %sign3A_1065 : i32
      %rem3A_1067 = arith.remsi %while3A_976, %convert_element_type3A_1050 : i32
      %ne3A_1068 = arith.constant 0 : i32
      %ne3A_1069 = arith.cmpi ne, %rem3A_1067, %ne3A_1068 : i32
      %and3A_1070 = arith.andi %ne3A_1066, %ne3A_1069 : i1
      %sub3A_1071 = arith.constant 1 : i32
      %sub3A_1072 = arith.subi %div3A_1051, %sub3A_1071 : i32
      %select_n3A_1073 = arith.select %and3A_1070, %sub3A_1072, %div3A_1051 : i32
      %jit3A_1074 = arith.constant 8 : i64
      %convert_element_type3A_1075 = arith.trunci %jit3A_1074 : i64 to i32
      %eq3A = arith.constant 0 : i32
      %eq3A_1076 = arith.cmpi eq, %convert_element_type3A_1075, %eq3A : i32
      %jit3A_1077 = arith.constant 1 : i32
      %select_n3A_1078 = arith.select %eq3A_1076, %jit3A_1077, %convert_element_type3A_1075 : i32
      %rem3A_1079 = arith.remsi %while3A_976, %select_n3A_1078 : i32
      %ne3A_1080 = arith.constant 0 : i32
      %ne3A_1081 = arith.cmpi ne, %rem3A_1079, %ne3A_1080 : i32
      %lt3A_1082 = arith.constant 0 : i32
      %lt3A_1083 = arith.cmpi slt, %rem3A_1079, %lt3A_1082 : i32
      %lt3A_1084 = arith.constant 0 : i32
      %lt3A_1085 = arith.cmpi slt, %select_n3A_1078, %lt3A_1084 : i32
      %ne3A_1086 = arith.xori %lt3A_1083, %lt3A_1085 : i1
      %and3A_1087 = arith.andi %ne3A_1086, %ne3A_1081 : i1
      %add3A_1088 = arith.addi %rem3A_1079, %select_n3A_1078 : i32
      %select_n3A_1089 = arith.select %and3A_1087, %add3A_1088, %rem3A_1079 : i32
      %mul3A_1090 = arith.constant 16 : i32
      %mul3A_1091 = arith.muli %select_n3A_1089, %mul3A_1090 : i32
      %swap3A_1092 = arith.index_cast %select_n3A_1073 : i32 to index
      %swap3A_1093 = arith.index_cast %mul3A_1091 : i32 to index
      %swap3A_1094 = tpu.vector_load %arg13[%swap3A_1092, %swap3A_1093] {strides = array<i32>} : memref<8x128xi32, #tpu.memory_space<vmem>>, vector<1x16xi32>,
      %swap3A_1095 = vector.shape_cast %swap3A_1094 : vector<1x16xi32> to vector<16xi32>
      %swap3A_1096 = vector.shape_cast %select_n3A_1042 : vector<16xi32> to vector<1x16xi32>
      tpu.vector_store %arg13[%swap3A_1092, %swap3A_1093], %swap3A_1096 {strides = array<i32>} : memref<8x128xi32, #tpu.memory_space<vmem>>, vector<1x16xi32>,
    }
    %while3A_845 = arith.constant 1 : i32
    scf.for %while3A_976 = %while3A_843 to %while3A_839 step %while3A_845  : i32 {
      %mul3A_977 = arith.constant 16 : i32
      %mul3A_978 = arith.muli %while3A_976, %mul3A_977 : i32
      %add3A_979 = arith.addi %mul3A_2, %mul3A_978 : i32
      %get3A = arith.index_cast %add3A_979 : i32 to index
      %get3A_980 = tpu.vector_load %arg18[%get3A] {strides = array<i32>} : memref<16640xi32, #tpu.memory_space<vmem>>, vector<16xi32>,
      %get3A_981 = vector.shape_cast %get3A_980 : vector<16xi32> to vector<16xi32>
      %get3A_982 = arith.index_cast %add3A_979 : i32 to index
      %get3A_983 = tpu.vector_load %arg19[%get3A_982] {strides = array<i32>} : memref<16640xi32, #tpu.memory_space<vmem>>, vector<16xi32>,
      %get3A_984 = vector.shape_cast %get3A_983 : vector<16xi32> to vector<16xi32>
      %get3A_985 = arith.index_cast %add3A_979 : i32 to index
      %get3A_986 = tpu.vector_load %arg20[%get3A_985] {strides = array<i32>} : memref<16640xi32, #tpu.memory_space<vmem>>, vector<16xi32>,
      %get3A_987 = vector.shape_cast %get3A_986 : vector<16xi32> to vector<16xi32>
      %mul3A_988 = arith.constant 16 : i32
      %mul3A_989 = arith.muli %while3A_976, %mul3A_988 : i32
      %add3A_990 = vector.broadcast %mul3A_989 : i32 to vector<16xi32>
      %add3A_991 = arith.addi %add3A_990, %iota3A : vector<16xi32>
      %lt3A = vector.broadcast %while3A_422 : i32 to vector<16xi32>
      %lt3A_992 = arith.cmpi slt, %add3A_991, %lt3A : vector<16xi32>
      %broadcast_in_dim3A_993 = arith.constant 0 : i32
      %broadcast_in_dim3A_994 = vector.broadcast %broadcast_in_dim3A_993 : i32 to vector<16xi32>
      %while3A_995 = arith.constant 0 : i32
      %while3A_996 = arith.constant 16 : i32
      %while3A_997 = arith.subi %while3A_996, %while3A_995 : i32
      %while3A_998 = arith.addi %while3A_995, %while3A_997 : i32
      %while3A_999 = arith.constant 1 : i32
      %while3A_1000 = arith.divsi %while3A_997, %while3A_999 : i32
      %while3A_1001 = arith.muli %while3A_1000, %while3A_999 : i32
      %while3A_1002 = arith.addi %while3A_995, %while3A_1001 : i32
      %while3A_1003 = arith.constant 1 : i32
      %while3A_1004 = scf.for %while3A_1097 = %while3A_995 to %while3A_1002 step %while3A_1003 iter_args(%while3A_1098 = %broadcast_in_dim3A_994) -> (vector<16xi32>)  : i32 {
        %mul3A_1099 = arith.constant 16 : i32
        %mul3A_1100 = arith.muli %while3A_1097, %mul3A_1099 : i32
        %get3A_1101 = arith.index_cast %mul3A_1100 : i32 to index
        %get3A_1102 = tpu.vector_load %arg21[%get3A_1101] {strides = array<i32>} : memref<256xi32, #tpu.memory_space<vmem>>, vector<16xi32>,
        %get3A_1103 = vector.shape_cast %get3A_1102 : vector<16xi32> to vector<16xi32>
        %slice3A = vector.extract_strided_slice %get3A_1103 {offsets = [0], sizes = [1], strides = [1]} : vector<16xi32> to vector<1xi32>
        %squeeze3A = vector.extract %slice3A[0] : i32 from vector<1xi32>
        %add3A_1104 = arith.constant 15 : i32
        %add3A_1105 = arith.addi %squeeze3A, %add3A_1104 : i32
        %jit3A_1106 = arith.constant 16 : i32
        %div3A_1107 = arith.divsi %add3A_1105, %jit3A_1106 : i32
        %sign3A_1108 = arith.constant 0 : i32
        %sign3A_1109 = arith.cmpi sgt, %add3A_1105, %sign3A_1108 : i32
        %sign3A_1110 = arith.extui %sign3A_1109 : i1 to i32
        %sign3A_1111 = arith.constant 0 : i32
        %sign3A_1112 = arith.cmpi slt, %add3A_1105, %sign3A_1111 : i32
        %sign3A_1113 = arith.extui %sign3A_1112 : i1 to i32
        %sign3A_1114 = arith.subi %sign3A_1110, %sign3A_1113 : i32
        %sign3A_1115 = arith.constant 0 : i32
        %sign3A_1116 = arith.cmpi sgt, %jit3A_1106, %sign3A_1115 : i32
        %sign3A_1117 = arith.extui %sign3A_1116 : i1 to i32
        %sign3A_1118 = arith.constant 0 : i32
        %sign3A_1119 = arith.cmpi slt, %jit3A_1106, %sign3A_1118 : i32
        %sign3A_1120 = arith.extui %sign3A_1119 : i1 to i32
        %sign3A_1121 = arith.subi %sign3A_1117, %sign3A_1120 : i32
        %ne3A_1122 = arith.cmpi ne, %sign3A_1114, %sign3A_1121 : i32
        %rem3A_1123 = arith.remsi %add3A_1105, %jit3A_1106 : i32
        %ne3A_1124 = arith.constant 0 : i32
        %ne3A_1125 = arith.cmpi ne, %rem3A_1123, %ne3A_1124 : i32
        %and3A_1126 = arith.andi %ne3A_1122, %ne3A_1125 : i1
        %sub3A_1127 = arith.constant 1 : i32
        %sub3A_1128 = arith.subi %div3A_1107, %sub3A_1127 : i32
        %select_n3A_1129 = arith.select %and3A_1126, %sub3A_1128, %div3A_1107 : i32
        %mul3A_1130 = arith.constant 1040 : i32
        %mul3A_1131 = arith.muli %while3A_1097, %mul3A_1130 : i32
        %while3A_1132 = arith.constant 0 : i32
        %while3A_1133 = arith.subi %select_n3A_1129, %while3A_1132 : i32
        %while3A_1134 = arith.addi %while3A_1132, %while3A_1133 : i32
        %while3A_1135 = arith.constant 1 : i32
        %while3A_1136 = arith.divsi %while3A_1133, %while3A_1135 : i32
        %while3A_1137 = arith.muli %while3A_1136, %while3A_1135 : i32
        %while3A_1138 = arith.addi %while3A_1132, %while3A_1137 : i32
        %while3A_1139 = arith.constant 1 : i32
        %while3A_1140 = scf.for %while3A_1143 = %while3A_1132 to %while3A_1138 step %while3A_1139 iter_args(%while3A_1144 = %while3A_1098) -> (vector<16xi32>)  : i32 {
          %mul3A_1145 = arith.constant 16 : i32
          %mul3A_1146 = arith.muli %while3A_1143, %mul3A_1145 : i32
          %add3A_1147 = arith.addi %mul3A_1131, %mul3A_1146 : i32
          %get3A_1148 = arith.index_cast %add3A_1147 : i32 to index
          %get3A_1149 = tpu.vector_load %arg18[%get3A_1148] {strides = array<i32>} : memref<16640xi32, #tpu.memory_space<vmem>>, vector<16xi32>,
          %get3A_1150 = vector.shape_cast %get3A_1149 : vector<16xi32> to vector<16xi32>
          %get3A_1151 = arith.index_cast %add3A_1147 : i32 to index
          %get3A_1152 = tpu.vector_load %arg19[%get3A_1151] {strides = array<i32>} : memref<16640xi32, #tpu.memory_space<vmem>>, vector<16xi32>,
          %get3A_1153 = vector.shape_cast %get3A_1152 : vector<16xi32> to vector<16xi32>
          %get3A_1154 = arith.index_cast %add3A_1147 : i32 to index
          %get3A_1155 = tpu.vector_load %arg20[%get3A_1154] {strides = array<i32>} : memref<16640xi32, #tpu.memory_space<vmem>>, vector<16xi32>,
          %get3A_1156 = vector.shape_cast %get3A_1155 : vector<16xi32> to vector<16xi32>
          %broadcast_in_dim3A_1157 = arith.constant 1 : i32
          %broadcast_in_dim3A_1158 = vector.broadcast %broadcast_in_dim3A_1157 : i32 to vector<16xi32>
          %slice3A_1159 = vector.extract_strided_slice %get3A_1150 {offsets = [0], sizes = [1], strides = [1]} : vector<16xi32> to vector<1xi32>
          %squeeze3A_1160 = vector.extract %slice3A_1159[0] : i32 from vector<1xi32>
          %eq3A_1161 = vector.broadcast %squeeze3A_1160 : i32 to vector<16xi32>
          %eq3A_1162 = arith.cmpi eq, %get3A_981, %eq3A_1161 : vector<16xi32>
          %slice3A_1163 = vector.extract_strided_slice %get3A_1153 {offsets = [0], sizes = [1], strides = [1]} : vector<16xi32> to vector<1xi32>
          %squeeze3A_1164 = vector.extract %slice3A_1163[0] : i32 from vector<1xi32>
          %eq3A_1165 = vector.broadcast %squeeze3A_1164 : i32 to vector<16xi32>
          %eq3A_1166 = arith.cmpi eq, %get3A_984, %eq3A_1165 : vector<16xi32>
          %and3A_1167 = arith.andi %eq3A_1162, %eq3A_1166 : vector<16xi1>
          %slice3A_1168 = vector.extract_strided_slice %get3A_1156 {offsets = [0], sizes = [1], strides = [1]} : vector<16xi32> to vector<1xi32>
          %squeeze3A_1169 = vector.extract %slice3A_1168[0] : i32 from vector<1xi32>
          %lt3A_1170 = vector.broadcast %squeeze3A_1169 : i32 to vector<16xi32>
          %lt3A_1171 = arith.cmpi slt, %lt3A_1170, %get3A_987 : vector<16xi32>
          %and3A_1172 = arith.andi %and3A_1167, %lt3A_1171 : vector<16xi1>
          %broadcast_in_dim3A_1173 = arith.constant 0 : i32
          %broadcast_in_dim3A_1174 = vector.broadcast %broadcast_in_dim3A_1173 : i32 to vector<16xi32>
          %select_n3A_1175 = arith.select %and3A_1172, %broadcast_in_dim3A_1158, %broadcast_in_dim3A_1174 : vector<16xi1>, vector<16xi32>
          %add3A_1176 = arith.addi %while3A_1144, %select_n3A_1175 : vector<16xi32>
          %slice3A_1177 = vector.extract_strided_slice %get3A_1150 {offsets = [1], sizes = [1], strides = [1]} : vector<16xi32> to vector<1xi32>
          %squeeze3A_1178 = vector.extract %slice3A_1177[0] : i32 from vector<1xi32>
          %eq3A_1179 = vector.broadcast %squeeze3A_1178 : i32 to vector<16xi32>
          %eq3A_1180 = arith.cmpi eq, %get3A_981, %eq3A_1179 : vector<16xi32>
          %slice3A_1181 = vector.extract_strided_slice %get3A_1153 {offsets = [1], sizes = [1], strides = [1]} : vector<16xi32> to vector<1xi32>
          %squeeze3A_1182 = vector.extract %slice3A_1181[0] : i32 from vector<1xi32>
          %eq3A_1183 = vector.broadcast %squeeze3A_1182 : i32 to vector<16xi32>
          %eq3A_1184 = arith.cmpi eq, %get3A_984, %eq3A_1183 : vector<16xi32>
          %and3A_1185 = arith.andi %eq3A_1180, %eq3A_1184 : vector<16xi1>
          %slice3A_1186 = vector.extract_strided_slice %get3A_1156 {offsets = [1], sizes = [1], strides = [1]} : vector<16xi32> to vector<1xi32>
          %squeeze3A_1187 = vector.extract %slice3A_1186[0] : i32 from vector<1xi32>
          %lt3A_1188 = vector.broadcast %squeeze3A_1187 : i32 to vector<16xi32>
          %lt3A_1189 = arith.cmpi slt, %lt3A_1188, %get3A_987 : vector<16xi32>
          %and3A_1190 = arith.andi %and3A_1185, %lt3A_1189 : vector<16xi1>
          %broadcast_in_dim3A_1191 = arith.constant 0 : i32
          %broadcast_in_dim3A_1192 = vector.broadcast %broadcast_in_dim3A_1191 : i32 to vector<16xi32>
          %select_n3A_1193 = arith.select %and3A_1190, %broadcast_in_dim3A_1158, %broadcast_in_dim3A_1192 : vector<16xi1>, vector<16xi32>
          %add3A_1194 = arith.addi %add3A_1176, %select_n3A_1193 : vector<16xi32>
          %slice3A_1195 = vector.extract_strided_slice %get3A_1150 {offsets = [2], sizes = [1], strides = [1]} : vector<16xi32> to vector<1xi32>
          %squeeze3A_1196 = vector.extract %slice3A_1195[0] : i32 from vector<1xi32>
          %eq3A_1197 = vector.broadcast %squeeze3A_1196 : i32 to vector<16xi32>
          %eq3A_1198 = arith.cmpi eq, %get3A_981, %eq3A_1197 : vector<16xi32>
          %slice3A_1199 = vector.extract_strided_slice %get3A_1153 {offsets = [2], sizes = [1], strides = [1]} : vector<16xi32> to vector<1xi32>
          %squeeze3A_1200 = vector.extract %slice3A_1199[0] : i32 from vector<1xi32>
          %eq3A_1201 = vector.broadcast %squeeze3A_1200 : i32 to vector<16xi32>
          %eq3A_1202 = arith.cmpi eq, %get3A_984, %eq3A_1201 : vector<16xi32>
          %and3A_1203 = arith.andi %eq3A_1198, %eq3A_1202 : vector<16xi1>
          %slice3A_1204 = vector.extract_strided_slice %get3A_1156 {offsets = [2], sizes = [1], strides = [1]} : vector<16xi32> to vector<1xi32>
          %squeeze3A_1205 = vector.extract %slice3A_1204[0] : i32 from vector<1xi32>
          %lt3A_1206 = vector.broadcast %squeeze3A_1205 : i32 to vector<16xi32>
          %lt3A_1207 = arith.cmpi slt, %lt3A_1206, %get3A_987 : vector<16xi32>
          %and3A_1208 = arith.andi %and3A_1203, %lt3A_1207 : vector<16xi1>
          %broadcast_in_dim3A_1209 = arith.constant 0 : i32
          %broadcast_in_dim3A_1210 = vector.broadcast %broadcast_in_dim3A_1209 : i32 to vector<16xi32>
          %select_n3A_1211 = arith.select %and3A_1208, %broadcast_in_dim3A_1158, %broadcast_in_dim3A_1210 : vector<16xi1>, vector<16xi32>
          %add3A_1212 = arith.addi %add3A_1194, %select_n3A_1211 : vector<16xi32>
          %slice3A_1213 = vector.extract_strided_slice %get3A_1150 {offsets = [3], sizes = [1], strides = [1]} : vector<16xi32> to vector<1xi32>
          %squeeze3A_1214 = vector.extract %slice3A_1213[0] : i32 from vector<1xi32>
          %eq3A_1215 = vector.broadcast %squeeze3A_1214 : i32 to vector<16xi32>
          %eq3A_1216 = arith.cmpi eq, %get3A_981, %eq3A_1215 : vector<16xi32>
          %slice3A_1217 = vector.extract_strided_slice %get3A_1153 {offsets = [3], sizes = [1], strides = [1]} : vector<16xi32> to vector<1xi32>
          %squeeze3A_1218 = vector.extract %slice3A_1217[0] : i32 from vector<1xi32>
          %eq3A_1219 = vector.broadcast %squeeze3A_1218 : i32 to vector<16xi32>
          %eq3A_1220 = arith.cmpi eq, %get3A_984, %eq3A_1219 : vector<16xi32>
          %and3A_1221 = arith.andi %eq3A_1216, %eq3A_1220 : vector<16xi1>
          %slice3A_1222 = vector.extract_strided_slice %get3A_1156 {offsets = [3], sizes = [1], strides = [1]} : vector<16xi32> to vector<1xi32>
          %squeeze3A_1223 = vector.extract %slice3A_1222[0] : i32 from vector<1xi32>
          %lt3A_1224 = vector.broadcast %squeeze3A_1223 : i32 to vector<16xi32>
          %lt3A_1225 = arith.cmpi slt, %lt3A_1224, %get3A_987 : vector<16xi32>
          %and3A_1226 = arith.andi %and3A_1221, %lt3A_1225 : vector<16xi1>
          %broadcast_in_dim3A_1227 = arith.constant 0 : i32
          %broadcast_in_dim3A_1228 = vector.broadcast %broadcast_in_dim3A_1227 : i32 to vector<16xi32>
          %select_n3A_1229 = arith.select %and3A_1226, %broadcast_in_dim3A_1158, %broadcast_in_dim3A_1228 : vector<16xi1>, vector<16xi32>
          %add3A_1230 = arith.addi %add3A_1212, %select_n3A_1229 : vector<16xi32>
          %slice3A_1231 = vector.extract_strided_slice %get3A_1150 {offsets = [4], sizes = [1], strides = [1]} : vector<16xi32> to vector<1xi32>
          %squeeze3A_1232 = vector.extract %slice3A_1231[0] : i32 from vector<1xi32>
          %eq3A_1233 = vector.broadcast %squeeze3A_1232 : i32 to vector<16xi32>
          %eq3A_1234 = arith.cmpi eq, %get3A_981, %eq3A_1233 : vector<16xi32>
          %slice3A_1235 = vector.extract_strided_slice %get3A_1153 {offsets = [4], sizes = [1], strides = [1]} : vector<16xi32> to vector<1xi32>
          %squeeze3A_1236 = vector.extract %slice3A_1235[0] : i32 from vector<1xi32>
          %eq3A_1237 = vector.broadcast %squeeze3A_1236 : i32 to vector<16xi32>
          %eq3A_1238 = arith.cmpi eq, %get3A_984, %eq3A_1237 : vector<16xi32>
          %and3A_1239 = arith.andi %eq3A_1234, %eq3A_1238 : vector<16xi1>
          %slice3A_1240 = vector.extract_strided_slice %get3A_1156 {offsets = [4], sizes = [1], strides = [1]} : vector<16xi32> to vector<1xi32>
          %squeeze3A_1241 = vector.extract %slice3A_1240[0] : i32 from vector<1xi32>
          %lt3A_1242 = vector.broadcast %squeeze3A_1241 : i32 to vector<16xi32>
          %lt3A_1243 = arith.cmpi slt, %lt3A_1242, %get3A_987 : vector<16xi32>
          %and3A_1244 = arith.andi %and3A_1239, %lt3A_1243 : vector<16xi1>
          %broadcast_in_dim3A_1245 = arith.constant 0 : i32
          %broadcast_in_dim3A_1246 = vector.broadcast %broadcast_in_dim3A_1245 : i32 to vector<16xi32>
          %select_n3A_1247 = arith.select %and3A_1244, %broadcast_in_dim3A_1158, %broadcast_in_dim3A_1246 : vector<16xi1>, vector<16xi32>
          %add3A_1248 = arith.addi %add3A_1230, %select_n3A_1247 : vector<16xi32>
          %slice3A_1249 = vector.extract_strided_slice %get3A_1150 {offsets = [5], sizes = [1], strides = [1]} : vector<16xi32> to vector<1xi32>
          %squeeze3A_1250 = vector.extract %slice3A_1249[0] : i32 from vector<1xi32>
          %eq3A_1251 = vector.broadcast %squeeze3A_1250 : i32 to vector<16xi32>
          %eq3A_1252 = arith.cmpi eq, %get3A_981, %eq3A_1251 : vector<16xi32>
          %slice3A_1253 = vector.extract_strided_slice %get3A_1153 {offsets = [5], sizes = [1], strides = [1]} : vector<16xi32> to vector<1xi32>
          %squeeze3A_1254 = vector.extract %slice3A_1253[0] : i32 from vector<1xi32>
          %eq3A_1255 = vector.broadcast %squeeze3A_1254 : i32 to vector<16xi32>
          %eq3A_1256 = arith.cmpi eq, %get3A_984, %eq3A_1255 : vector<16xi32>
          %and3A_1257 = arith.andi %eq3A_1252, %eq3A_1256 : vector<16xi1>
          %slice3A_1258 = vector.extract_strided_slice %get3A_1156 {offsets = [5], sizes = [1], strides = [1]} : vector<16xi32> to vector<1xi32>
          %squeeze3A_1259 = vector.extract %slice3A_1258[0] : i32 from vector<1xi32>
          %lt3A_1260 = vector.broadcast %squeeze3A_1259 : i32 to vector<16xi32>
          %lt3A_1261 = arith.cmpi slt, %lt3A_1260, %get3A_987 : vector<16xi32>
          %and3A_1262 = arith.andi %and3A_1257, %lt3A_1261 : vector<16xi1>
          %broadcast_in_dim3A_1263 = arith.constant 0 : i32
          %broadcast_in_dim3A_1264 = vector.broadcast %broadcast_in_dim3A_1263 : i32 to vector<16xi32>
          %select_n3A_1265 = arith.select %and3A_1262, %broadcast_in_dim3A_1158, %broadcast_in_dim3A_1264 : vector<16xi1>, vector<16xi32>
          %add3A_1266 = arith.addi %add3A_1248, %select_n3A_1265 : vector<16xi32>
          %slice3A_1267 = vector.extract_strided_slice %get3A_1150 {offsets = [6], sizes = [1], strides = [1]} : vector<16xi32> to vector<1xi32>
          %squeeze3A_1268 = vector.extract %slice3A_1267[0] : i32 from vector<1xi32>
          %eq3A_1269 = vector.broadcast %squeeze3A_1268 : i32 to vector<16xi32>
          %eq3A_1270 = arith.cmpi eq, %get3A_981, %eq3A_1269 : vector<16xi32>
          %slice3A_1271 = vector.extract_strided_slice %get3A_1153 {offsets = [6], sizes = [1], strides = [1]} : vector<16xi32> to vector<1xi32>
          %squeeze3A_1272 = vector.extract %slice3A_1271[0] : i32 from vector<1xi32>
          %eq3A_1273 = vector.broadcast %squeeze3A_1272 : i32 to vector<16xi32>
          %eq3A_1274 = arith.cmpi eq, %get3A_984, %eq3A_1273 : vector<16xi32>
          %and3A_1275 = arith.andi %eq3A_1270, %eq3A_1274 : vector<16xi1>
          %slice3A_1276 = vector.extract_strided_slice %get3A_1156 {offsets = [6], sizes = [1], strides = [1]} : vector<16xi32> to vector<1xi32>
          %squeeze3A_1277 = vector.extract %slice3A_1276[0] : i32 from vector<1xi32>
          %lt3A_1278 = vector.broadcast %squeeze3A_1277 : i32 to vector<16xi32>
          %lt3A_1279 = arith.cmpi slt, %lt3A_1278, %get3A_987 : vector<16xi32>
          %and3A_1280 = arith.andi %and3A_1275, %lt3A_1279 : vector<16xi1>
          %broadcast_in_dim3A_1281 = arith.constant 0 : i32
          %broadcast_in_dim3A_1282 = vector.broadcast %broadcast_in_dim3A_1281 : i32 to vector<16xi32>
          %select_n3A_1283 = arith.select %and3A_1280, %broadcast_in_dim3A_1158, %broadcast_in_dim3A_1282 : vector<16xi1>, vector<16xi32>
          %add3A_1284 = arith.addi %add3A_1266, %select_n3A_1283 : vector<16xi32>
          %slice3A_1285 = vector.extract_strided_slice %get3A_1150 {offsets = [7], sizes = [1], strides = [1]} : vector<16xi32> to vector<1xi32>
          %squeeze3A_1286 = vector.extract %slice3A_1285[0] : i32 from vector<1xi32>
          %eq3A_1287 = vector.broadcast %squeeze3A_1286 : i32 to vector<16xi32>
          %eq3A_1288 = arith.cmpi eq, %get3A_981, %eq3A_1287 : vector<16xi32>
          %slice3A_1289 = vector.extract_strided_slice %get3A_1153 {offsets = [7], sizes = [1], strides = [1]} : vector<16xi32> to vector<1xi32>
          %squeeze3A_1290 = vector.extract %slice3A_1289[0] : i32 from vector<1xi32>
          %eq3A_1291 = vector.broadcast %squeeze3A_1290 : i32 to vector<16xi32>
          %eq3A_1292 = arith.cmpi eq, %get3A_984, %eq3A_1291 : vector<16xi32>
          %and3A_1293 = arith.andi %eq3A_1288, %eq3A_1292 : vector<16xi1>
          %slice3A_1294 = vector.extract_strided_slice %get3A_1156 {offsets = [7], sizes = [1], strides = [1]} : vector<16xi32> to vector<1xi32>
          %squeeze3A_1295 = vector.extract %slice3A_1294[0] : i32 from vector<1xi32>
          %lt3A_1296 = vector.broadcast %squeeze3A_1295 : i32 to vector<16xi32>
          %lt3A_1297 = arith.cmpi slt, %lt3A_1296, %get3A_987 : vector<16xi32>
          %and3A_1298 = arith.andi %and3A_1293, %lt3A_1297 : vector<16xi1>
          %broadcast_in_dim3A_1299 = arith.constant 0 : i32
          %broadcast_in_dim3A_1300 = vector.broadcast %broadcast_in_dim3A_1299 : i32 to vector<16xi32>
          %select_n3A_1301 = arith.select %and3A_1298, %broadcast_in_dim3A_1158, %broadcast_in_dim3A_1300 : vector<16xi1>, vector<16xi32>
          %add3A_1302 = arith.addi %add3A_1284, %select_n3A_1301 : vector<16xi32>
          %slice3A_1303 = vector.extract_strided_slice %get3A_1150 {offsets = [8], sizes = [1], strides = [1]} : vector<16xi32> to vector<1xi32>
          %squeeze3A_1304 = vector.extract %slice3A_1303[0] : i32 from vector<1xi32>
          %eq3A_1305 = vector.broadcast %squeeze3A_1304 : i32 to vector<16xi32>
          %eq3A_1306 = arith.cmpi eq, %get3A_981, %eq3A_1305 : vector<16xi32>
          %slice3A_1307 = vector.extract_strided_slice %get3A_1153 {offsets = [8], sizes = [1], strides = [1]} : vector<16xi32> to vector<1xi32>
          %squeeze3A_1308 = vector.extract %slice3A_1307[0] : i32 from vector<1xi32>
          %eq3A_1309 = vector.broadcast %squeeze3A_1308 : i32 to vector<16xi32>
          %eq3A_1310 = arith.cmpi eq, %get3A_984, %eq3A_1309 : vector<16xi32>
          %and3A_1311 = arith.andi %eq3A_1306, %eq3A_1310 : vector<16xi1>
          %slice3A_1312 = vector.extract_strided_slice %get3A_1156 {offsets = [8], sizes = [1], strides = [1]} : vector<16xi32> to vector<1xi32>
          %squeeze3A_1313 = vector.extract %slice3A_1312[0] : i32 from vector<1xi32>
          %lt3A_1314 = vector.broadcast %squeeze3A_1313 : i32 to vector<16xi32>
          %lt3A_1315 = arith.cmpi slt, %lt3A_1314, %get3A_987 : vector<16xi32>
          %and3A_1316 = arith.andi %and3A_1311, %lt3A_1315 : vector<16xi1>
          %broadcast_in_dim3A_1317 = arith.constant 0 : i32
          %broadcast_in_dim3A_1318 = vector.broadcast %broadcast_in_dim3A_1317 : i32 to vector<16xi32>
          %select_n3A_1319 = arith.select %and3A_1316, %broadcast_in_dim3A_1158, %broadcast_in_dim3A_1318 : vector<16xi1>, vector<16xi32>
          %add3A_1320 = arith.addi %add3A_1302, %select_n3A_1319 : vector<16xi32>
          %slice3A_1321 = vector.extract_strided_slice %get3A_1150 {offsets = [9], sizes = [1], strides = [1]} : vector<16xi32> to vector<1xi32>
          %squeeze3A_1322 = vector.extract %slice3A_1321[0] : i32 from vector<1xi32>
          %eq3A_1323 = vector.broadcast %squeeze3A_1322 : i32 to vector<16xi32>
          %eq3A_1324 = arith.cmpi eq, %get3A_981, %eq3A_1323 : vector<16xi32>
          %slice3A_1325 = vector.extract_strided_slice %get3A_1153 {offsets = [9], sizes = [1], strides = [1]} : vector<16xi32> to vector<1xi32>
          %squeeze3A_1326 = vector.extract %slice3A_1325[0] : i32 from vector<1xi32>
          %eq3A_1327 = vector.broadcast %squeeze3A_1326 : i32 to vector<16xi32>
          %eq3A_1328 = arith.cmpi eq, %get3A_984, %eq3A_1327 : vector<16xi32>
          %and3A_1329 = arith.andi %eq3A_1324, %eq3A_1328 : vector<16xi1>
          %slice3A_1330 = vector.extract_strided_slice %get3A_1156 {offsets = [9], sizes = [1], strides = [1]} : vector<16xi32> to vector<1xi32>
          %squeeze3A_1331 = vector.extract %slice3A_1330[0] : i32 from vector<1xi32>
          %lt3A_1332 = vector.broadcast %squeeze3A_1331 : i32 to vector<16xi32>
          %lt3A_1333 = arith.cmpi slt, %lt3A_1332, %get3A_987 : vector<16xi32>
          %and3A_1334 = arith.andi %and3A_1329, %lt3A_1333 : vector<16xi1>
          %broadcast_in_dim3A_1335 = arith.constant 0 : i32
          %broadcast_in_dim3A_1336 = vector.broadcast %broadcast_in_dim3A_1335 : i32 to vector<16xi32>
          %select_n3A_1337 = arith.select %and3A_1334, %broadcast_in_dim3A_1158, %broadcast_in_dim3A_1336 : vector<16xi1>, vector<16xi32>
          %add3A_1338 = arith.addi %add3A_1320, %select_n3A_1337 : vector<16xi32>
          %slice3A_1339 = vector.extract_strided_slice %get3A_1150 {offsets = [10], sizes = [1], strides = [1]} : vector<16xi32> to vector<1xi32>
          %squeeze3A_1340 = vector.extract %slice3A_1339[0] : i32 from vector<1xi32>
          %eq3A_1341 = vector.broadcast %squeeze3A_1340 : i32 to vector<16xi32>
          %eq3A_1342 = arith.cmpi eq, %get3A_981, %eq3A_1341 : vector<16xi32>
          %slice3A_1343 = vector.extract_strided_slice %get3A_1153 {offsets = [10], sizes = [1], strides = [1]} : vector<16xi32> to vector<1xi32>
          %squeeze3A_1344 = vector.extract %slice3A_1343[0] : i32 from vector<1xi32>
          %eq3A_1345 = vector.broadcast %squeeze3A_1344 : i32 to vector<16xi32>
          %eq3A_1346 = arith.cmpi eq, %get3A_984, %eq3A_1345 : vector<16xi32>
          %and3A_1347 = arith.andi %eq3A_1342, %eq3A_1346 : vector<16xi1>
          %slice3A_1348 = vector.extract_strided_slice %get3A_1156 {offsets = [10], sizes = [1], strides = [1]} : vector<16xi32> to vector<1xi32>
          %squeeze3A_1349 = vector.extract %slice3A_1348[0] : i32 from vector<1xi32>
          %lt3A_1350 = vector.broadcast %squeeze3A_1349 : i32 to vector<16xi32>
          %lt3A_1351 = arith.cmpi slt, %lt3A_1350, %get3A_987 : vector<16xi32>
          %and3A_1352 = arith.andi %and3A_1347, %lt3A_1351 : vector<16xi1>
          %broadcast_in_dim3A_1353 = arith.constant 0 : i32
          %broadcast_in_dim3A_1354 = vector.broadcast %broadcast_in_dim3A_1353 : i32 to vector<16xi32>
          %select_n3A_1355 = arith.select %and3A_1352, %broadcast_in_dim3A_1158, %broadcast_in_dim3A_1354 : vector<16xi1>, vector<16xi32>
          %add3A_1356 = arith.addi %add3A_1338, %select_n3A_1355 : vector<16xi32>
          %slice3A_1357 = vector.extract_strided_slice %get3A_1150 {offsets = [11], sizes = [1], strides = [1]} : vector<16xi32> to vector<1xi32>
          %squeeze3A_1358 = vector.extract %slice3A_1357[0] : i32 from vector<1xi32>
          %eq3A_1359 = vector.broadcast %squeeze3A_1358 : i32 to vector<16xi32>
          %eq3A_1360 = arith.cmpi eq, %get3A_981, %eq3A_1359 : vector<16xi32>
          %slice3A_1361 = vector.extract_strided_slice %get3A_1153 {offsets = [11], sizes = [1], strides = [1]} : vector<16xi32> to vector<1xi32>
          %squeeze3A_1362 = vector.extract %slice3A_1361[0] : i32 from vector<1xi32>
          %eq3A_1363 = vector.broadcast %squeeze3A_1362 : i32 to vector<16xi32>
          %eq3A_1364 = arith.cmpi eq, %get3A_984, %eq3A_1363 : vector<16xi32>
          %and3A_1365 = arith.andi %eq3A_1360, %eq3A_1364 : vector<16xi1>
          %slice3A_1366 = vector.extract_strided_slice %get3A_1156 {offsets = [11], sizes = [1], strides = [1]} : vector<16xi32> to vector<1xi32>
          %squeeze3A_1367 = vector.extract %slice3A_1366[0] : i32 from vector<1xi32>
          %lt3A_1368 = vector.broadcast %squeeze3A_1367 : i32 to vector<16xi32>
          %lt3A_1369 = arith.cmpi slt, %lt3A_1368, %get3A_987 : vector<16xi32>
          %and3A_1370 = arith.andi %and3A_1365, %lt3A_1369 : vector<16xi1>
          %broadcast_in_dim3A_1371 = arith.constant 0 : i32
          %broadcast_in_dim3A_1372 = vector.broadcast %broadcast_in_dim3A_1371 : i32 to vector<16xi32>
          %select_n3A_1373 = arith.select %and3A_1370, %broadcast_in_dim3A_1158, %broadcast_in_dim3A_1372 : vector<16xi1>, vector<16xi32>
          %add3A_1374 = arith.addi %add3A_1356, %select_n3A_1373 : vector<16xi32>
          %slice3A_1375 = vector.extract_strided_slice %get3A_1150 {offsets = [12], sizes = [1], strides = [1]} : vector<16xi32> to vector<1xi32>
          %squeeze3A_1376 = vector.extract %slice3A_1375[0] : i32 from vector<1xi32>
          %eq3A_1377 = vector.broadcast %squeeze3A_1376 : i32 to vector<16xi32>
          %eq3A_1378 = arith.cmpi eq, %get3A_981, %eq3A_1377 : vector<16xi32>
          %slice3A_1379 = vector.extract_strided_slice %get3A_1153 {offsets = [12], sizes = [1], strides = [1]} : vector<16xi32> to vector<1xi32>
          %squeeze3A_1380 = vector.extract %slice3A_1379[0] : i32 from vector<1xi32>
          %eq3A_1381 = vector.broadcast %squeeze3A_1380 : i32 to vector<16xi32>
          %eq3A_1382 = arith.cmpi eq, %get3A_984, %eq3A_1381 : vector<16xi32>
          %and3A_1383 = arith.andi %eq3A_1378, %eq3A_1382 : vector<16xi1>
          %slice3A_1384 = vector.extract_strided_slice %get3A_1156 {offsets = [12], sizes = [1], strides = [1]} : vector<16xi32> to vector<1xi32>
          %squeeze3A_1385 = vector.extract %slice3A_1384[0] : i32 from vector<1xi32>
          %lt3A_1386 = vector.broadcast %squeeze3A_1385 : i32 to vector<16xi32>
          %lt3A_1387 = arith.cmpi slt, %lt3A_1386, %get3A_987 : vector<16xi32>
          %and3A_1388 = arith.andi %and3A_1383, %lt3A_1387 : vector<16xi1>
          %broadcast_in_dim3A_1389 = arith.constant 0 : i32
          %broadcast_in_dim3A_1390 = vector.broadcast %broadcast_in_dim3A_1389 : i32 to vector<16xi32>
          %select_n3A_1391 = arith.select %and3A_1388, %broadcast_in_dim3A_1158, %broadcast_in_dim3A_1390 : vector<16xi1>, vector<16xi32>
          %add3A_1392 = arith.addi %add3A_1374, %select_n3A_1391 : vector<16xi32>
          %slice3A_1393 = vector.extract_strided_slice %get3A_1150 {offsets = [13], sizes = [1], strides = [1]} : vector<16xi32> to vector<1xi32>
          %squeeze3A_1394 = vector.extract %slice3A_1393[0] : i32 from vector<1xi32>
          %eq3A_1395 = vector.broadcast %squeeze3A_1394 : i32 to vector<16xi32>
          %eq3A_1396 = arith.cmpi eq, %get3A_981, %eq3A_1395 : vector<16xi32>
          %slice3A_1397 = vector.extract_strided_slice %get3A_1153 {offsets = [13], sizes = [1], strides = [1]} : vector<16xi32> to vector<1xi32>
          %squeeze3A_1398 = vector.extract %slice3A_1397[0] : i32 from vector<1xi32>
          %eq3A_1399 = vector.broadcast %squeeze3A_1398 : i32 to vector<16xi32>
          %eq3A_1400 = arith.cmpi eq, %get3A_984, %eq3A_1399 : vector<16xi32>
          %and3A_1401 = arith.andi %eq3A_1396, %eq3A_1400 : vector<16xi1>
          %slice3A_1402 = vector.extract_strided_slice %get3A_1156 {offsets = [13], sizes = [1], strides = [1]} : vector<16xi32> to vector<1xi32>
          %squeeze3A_1403 = vector.extract %slice3A_1402[0] : i32 from vector<1xi32>
          %lt3A_1404 = vector.broadcast %squeeze3A_1403 : i32 to vector<16xi32>
          %lt3A_1405 = arith.cmpi slt, %lt3A_1404, %get3A_987 : vector<16xi32>
          %and3A_1406 = arith.andi %and3A_1401, %lt3A_1405 : vector<16xi1>
          %broadcast_in_dim3A_1407 = arith.constant 0 : i32
          %broadcast_in_dim3A_1408 = vector.broadcast %broadcast_in_dim3A_1407 : i32 to vector<16xi32>
          %select_n3A_1409 = arith.select %and3A_1406, %broadcast_in_dim3A_1158, %broadcast_in_dim3A_1408 : vector<16xi1>, vector<16xi32>
          %add3A_1410 = arith.addi %add3A_1392, %select_n3A_1409 : vector<16xi32>
          %slice3A_1411 = vector.extract_strided_slice %get3A_1150 {offsets = [14], sizes = [1], strides = [1]} : vector<16xi32> to vector<1xi32>
          %squeeze3A_1412 = vector.extract %slice3A_1411[0] : i32 from vector<1xi32>
          %eq3A_1413 = vector.broadcast %squeeze3A_1412 : i32 to vector<16xi32>
          %eq3A_1414 = arith.cmpi eq, %get3A_981, %eq3A_1413 : vector<16xi32>
          %slice3A_1415 = vector.extract_strided_slice %get3A_1153 {offsets = [14], sizes = [1], strides = [1]} : vector<16xi32> to vector<1xi32>
          %squeeze3A_1416 = vector.extract %slice3A_1415[0] : i32 from vector<1xi32>
          %eq3A_1417 = vector.broadcast %squeeze3A_1416 : i32 to vector<16xi32>
          %eq3A_1418 = arith.cmpi eq, %get3A_984, %eq3A_1417 : vector<16xi32>
          %and3A_1419 = arith.andi %eq3A_1414, %eq3A_1418 : vector<16xi1>
          %slice3A_1420 = vector.extract_strided_slice %get3A_1156 {offsets = [14], sizes = [1], strides = [1]} : vector<16xi32> to vector<1xi32>
          %squeeze3A_1421 = vector.extract %slice3A_1420[0] : i32 from vector<1xi32>
          %lt3A_1422 = vector.broadcast %squeeze3A_1421 : i32 to vector<16xi32>
          %lt3A_1423 = arith.cmpi slt, %lt3A_1422, %get3A_987 : vector<16xi32>
          %and3A_1424 = arith.andi %and3A_1419, %lt3A_1423 : vector<16xi1>
          %broadcast_in_dim3A_1425 = arith.constant 0 : i32
          %broadcast_in_dim3A_1426 = vector.broadcast %broadcast_in_dim3A_1425 : i32 to vector<16xi32>
          %select_n3A_1427 = arith.select %and3A_1424, %broadcast_in_dim3A_1158, %broadcast_in_dim3A_1426 : vector<16xi1>, vector<16xi32>
          %add3A_1428 = arith.addi %add3A_1410, %select_n3A_1427 : vector<16xi32>
          %slice3A_1429 = vector.extract_strided_slice %get3A_1150 {offsets = [15], sizes = [1], strides = [1]} : vector<16xi32> to vector<1xi32>
          %squeeze3A_1430 = vector.extract %slice3A_1429[0] : i32 from vector<1xi32>
          %eq3A_1431 = vector.broadcast %squeeze3A_1430 : i32 to vector<16xi32>
          %eq3A_1432 = arith.cmpi eq, %get3A_981, %eq3A_1431 : vector<16xi32>
          %slice3A_1433 = vector.extract_strided_slice %get3A_1153 {offsets = [15], sizes = [1], strides = [1]} : vector<16xi32> to vector<1xi32>
          %squeeze3A_1434 = vector.extract %slice3A_1433[0] : i32 from vector<1xi32>
          %eq3A_1435 = vector.broadcast %squeeze3A_1434 : i32 to vector<16xi32>
          %eq3A_1436 = arith.cmpi eq, %get3A_984, %eq3A_1435 : vector<16xi32>
          %and3A_1437 = arith.andi %eq3A_1432, %eq3A_1436 : vector<16xi1>
          %slice3A_1438 = vector.extract_strided_slice %get3A_1156 {offsets = [15], sizes = [1], strides = [1]} : vector<16xi32> to vector<1xi32>
          %squeeze3A_1439 = vector.extract %slice3A_1438[0] : i32 from vector<1xi32>
          %lt3A_1440 = vector.broadcast %squeeze3A_1439 : i32 to vector<16xi32>
          %lt3A_1441 = arith.cmpi slt, %lt3A_1440, %get3A_987 : vector<16xi32>
          %and3A_1442 = arith.andi %and3A_1437, %lt3A_1441 : vector<16xi1>
          %broadcast_in_dim3A_1443 = arith.constant 0 : i32
          %broadcast_in_dim3A_1444 = vector.broadcast %broadcast_in_dim3A_1443 : i32 to vector<16xi32>
          %select_n3A_1445 = arith.select %and3A_1442, %broadcast_in_dim3A_1158, %broadcast_in_dim3A_1444 : vector<16xi1>, vector<16xi32>
          %add3A_1446 = arith.addi %add3A_1428, %select_n3A_1445 : vector<16xi32>
          scf.yield %add3A_1446 : vector<16xi32>
        }
        %while3A_1141 = arith.constant 1 : i32
        %while3A_1142 = scf.for %while3A_1143 = %while3A_1138 to %while3A_1134 step %while3A_1141 iter_args(%while3A_1144 = %while3A_1140) -> (vector<16xi32>)  : i32 {
          %mul3A_1145 = arith.constant 16 : i32
          %mul3A_1146 = arith.muli %while3A_1143, %mul3A_1145 : i32
          %add3A_1147 = arith.addi %mul3A_1131, %mul3A_1146 : i32
          %get3A_1148 = arith.index_cast %add3A_1147 : i32 to index
          %get3A_1149 = tpu.vector_load %arg18[%get3A_1148] {strides = array<i32>} : memref<16640xi32, #tpu.memory_space<vmem>>, vector<16xi32>,
          %get3A_1150 = vector.shape_cast %get3A_1149 : vector<16xi32> to vector<16xi32>
          %get3A_1151 = arith.index_cast %add3A_1147 : i32 to index
          %get3A_1152 = tpu.vector_load %arg19[%get3A_1151] {strides = array<i32>} : memref<16640xi32, #tpu.memory_space<vmem>>, vector<16xi32>,
          %get3A_1153 = vector.shape_cast %get3A_1152 : vector<16xi32> to vector<16xi32>
          %get3A_1154 = arith.index_cast %add3A_1147 : i32 to index
          %get3A_1155 = tpu.vector_load %arg20[%get3A_1154] {strides = array<i32>} : memref<16640xi32, #tpu.memory_space<vmem>>, vector<16xi32>,
          %get3A_1156 = vector.shape_cast %get3A_1155 : vector<16xi32> to vector<16xi32>
          %broadcast_in_dim3A_1157 = arith.constant 1 : i32
          %broadcast_in_dim3A_1158 = vector.broadcast %broadcast_in_dim3A_1157 : i32 to vector<16xi32>
          %slice3A_1159 = vector.extract_strided_slice %get3A_1150 {offsets = [0], sizes = [1], strides = [1]} : vector<16xi32> to vector<1xi32>
          %squeeze3A_1160 = vector.extract %slice3A_1159[0] : i32 from vector<1xi32>
          %eq3A_1161 = vector.broadcast %squeeze3A_1160 : i32 to vector<16xi32>
          %eq3A_1162 = arith.cmpi eq, %get3A_981, %eq3A_1161 : vector<16xi32>
          %slice3A_1163 = vector.extract_strided_slice %get3A_1153 {offsets = [0], sizes = [1], strides = [1]} : vector<16xi32> to vector<1xi32>
          %squeeze3A_1164 = vector.extract %slice3A_1163[0] : i32 from vector<1xi32>
          %eq3A_1165 = vector.broadcast %squeeze3A_1164 : i32 to vector<16xi32>
          %eq3A_1166 = arith.cmpi eq, %get3A_984, %eq3A_1165 : vector<16xi32>
          %and3A_1167 = arith.andi %eq3A_1162, %eq3A_1166 : vector<16xi1>
          %slice3A_1168 = vector.extract_strided_slice %get3A_1156 {offsets = [0], sizes = [1], strides = [1]} : vector<16xi32> to vector<1xi32>
          %squeeze3A_1169 = vector.extract %slice3A_1168[0] : i32 from vector<1xi32>
          %lt3A_1170 = vector.broadcast %squeeze3A_1169 : i32 to vector<16xi32>
          %lt3A_1171 = arith.cmpi slt, %lt3A_1170, %get3A_987 : vector<16xi32>
          %and3A_1172 = arith.andi %and3A_1167, %lt3A_1171 : vector<16xi1>
          %broadcast_in_dim3A_1173 = arith.constant 0 : i32
          %broadcast_in_dim3A_1174 = vector.broadcast %broadcast_in_dim3A_1173 : i32 to vector<16xi32>
          %select_n3A_1175 = arith.select %and3A_1172, %broadcast_in_dim3A_1158, %broadcast_in_dim3A_1174 : vector<16xi1>, vector<16xi32>
          %add3A_1176 = arith.addi %while3A_1144, %select_n3A_1175 : vector<16xi32>
          %slice3A_1177 = vector.extract_strided_slice %get3A_1150 {offsets = [1], sizes = [1], strides = [1]} : vector<16xi32> to vector<1xi32>
          %squeeze3A_1178 = vector.extract %slice3A_1177[0] : i32 from vector<1xi32>
          %eq3A_1179 = vector.broadcast %squeeze3A_1178 : i32 to vector<16xi32>
          %eq3A_1180 = arith.cmpi eq, %get3A_981, %eq3A_1179 : vector<16xi32>
          %slice3A_1181 = vector.extract_strided_slice %get3A_1153 {offsets = [1], sizes = [1], strides = [1]} : vector<16xi32> to vector<1xi32>
          %squeeze3A_1182 = vector.extract %slice3A_1181[0] : i32 from vector<1xi32>
          %eq3A_1183 = vector.broadcast %squeeze3A_1182 : i32 to vector<16xi32>
          %eq3A_1184 = arith.cmpi eq, %get3A_984, %eq3A_1183 : vector<16xi32>
          %and3A_1185 = arith.andi %eq3A_1180, %eq3A_1184 : vector<16xi1>
          %slice3A_1186 = vector.extract_strided_slice %get3A_1156 {offsets = [1], sizes = [1], strides = [1]} : vector<16xi32> to vector<1xi32>
          %squeeze3A_1187 = vector.extract %slice3A_1186[0] : i32 from vector<1xi32>
          %lt3A_1188 = vector.broadcast %squeeze3A_1187 : i32 to vector<16xi32>
          %lt3A_1189 = arith.cmpi slt, %lt3A_1188, %get3A_987 : vector<16xi32>
          %and3A_1190 = arith.andi %and3A_1185, %lt3A_1189 : vector<16xi1>
          %broadcast_in_dim3A_1191 = arith.constant 0 : i32
          %broadcast_in_dim3A_1192 = vector.broadcast %broadcast_in_dim3A_1191 : i32 to vector<16xi32>
          %select_n3A_1193 = arith.select %and3A_1190, %broadcast_in_dim3A_1158, %broadcast_in_dim3A_1192 : vector<16xi1>, vector<16xi32>
          %add3A_1194 = arith.addi %add3A_1176, %select_n3A_1193 : vector<16xi32>
          %slice3A_1195 = vector.extract_strided_slice %get3A_1150 {offsets = [2], sizes = [1], strides = [1]} : vector<16xi32> to vector<1xi32>
          %squeeze3A_1196 = vector.extract %slice3A_1195[0] : i32 from vector<1xi32>
          %eq3A_1197 = vector.broadcast %squeeze3A_1196 : i32 to vector<16xi32>
          %eq3A_1198 = arith.cmpi eq, %get3A_981, %eq3A_1197 : vector<16xi32>
          %slice3A_1199 = vector.extract_strided_slice %get3A_1153 {offsets = [2], sizes = [1], strides = [1]} : vector<16xi32> to vector<1xi32>
          %squeeze3A_1200 = vector.extract %slice3A_1199[0] : i32 from vector<1xi32>
          %eq3A_1201 = vector.broadcast %squeeze3A_1200 : i32 to vector<16xi32>
          %eq3A_1202 = arith.cmpi eq, %get3A_984, %eq3A_1201 : vector<16xi32>
          %and3A_1203 = arith.andi %eq3A_1198, %eq3A_1202 : vector<16xi1>
          %slice3A_1204 = vector.extract_strided_slice %get3A_1156 {offsets = [2], sizes = [1], strides = [1]} : vector<16xi32> to vector<1xi32>
          %squeeze3A_1205 = vector.extract %slice3A_1204[0] : i32 from vector<1xi32>
          %lt3A_1206 = vector.broadcast %squeeze3A_1205 : i32 to vector<16xi32>
          %lt3A_1207 = arith.cmpi slt, %lt3A_1206, %get3A_987 : vector<16xi32>
          %and3A_1208 = arith.andi %and3A_1203, %lt3A_1207 : vector<16xi1>
          %broadcast_in_dim3A_1209 = arith.constant 0 : i32
          %broadcast_in_dim3A_1210 = vector.broadcast %broadcast_in_dim3A_1209 : i32 to vector<16xi32>
          %select_n3A_1211 = arith.select %and3A_1208, %broadcast_in_dim3A_1158, %broadcast_in_dim3A_1210 : vector<16xi1>, vector<16xi32>
          %add3A_1212 = arith.addi %add3A_1194, %select_n3A_1211 : vector<16xi32>
          %slice3A_1213 = vector.extract_strided_slice %get3A_1150 {offsets = [3], sizes = [1], strides = [1]} : vector<16xi32> to vector<1xi32>
          %squeeze3A_1214 = vector.extract %slice3A_1213[0] : i32 from vector<1xi32>
          %eq3A_1215 = vector.broadcast %squeeze3A_1214 : i32 to vector<16xi32>
          %eq3A_1216 = arith.cmpi eq, %get3A_981, %eq3A_1215 : vector<16xi32>
          %slice3A_1217 = vector.extract_strided_slice %get3A_1153 {offsets = [3], sizes = [1], strides = [1]} : vector<16xi32> to vector<1xi32>
          %squeeze3A_1218 = vector.extract %slice3A_1217[0] : i32 from vector<1xi32>
          %eq3A_1219 = vector.broadcast %squeeze3A_1218 : i32 to vector<16xi32>
          %eq3A_1220 = arith.cmpi eq, %get3A_984, %eq3A_1219 : vector<16xi32>
          %and3A_1221 = arith.andi %eq3A_1216, %eq3A_1220 : vector<16xi1>
          %slice3A_1222 = vector.extract_strided_slice %get3A_1156 {offsets = [3], sizes = [1], strides = [1]} : vector<16xi32> to vector<1xi32>
          %squeeze3A_1223 = vector.extract %slice3A_1222[0] : i32 from vector<1xi32>
          %lt3A_1224 = vector.broadcast %squeeze3A_1223 : i32 to vector<16xi32>
          %lt3A_1225 = arith.cmpi slt, %lt3A_1224, %get3A_987 : vector<16xi32>
          %and3A_1226 = arith.andi %and3A_1221, %lt3A_1225 : vector<16xi1>
          %broadcast_in_dim3A_1227 = arith.constant 0 : i32
          %broadcast_in_dim3A_1228 = vector.broadcast %broadcast_in_dim3A_1227 : i32 to vector<16xi32>
          %select_n3A_1229 = arith.select %and3A_1226, %broadcast_in_dim3A_1158, %broadcast_in_dim3A_1228 : vector<16xi1>, vector<16xi32>
          %add3A_1230 = arith.addi %add3A_1212, %select_n3A_1229 : vector<16xi32>
          %slice3A_1231 = vector.extract_strided_slice %get3A_1150 {offsets = [4], sizes = [1], strides = [1]} : vector<16xi32> to vector<1xi32>
          %squeeze3A_1232 = vector.extract %slice3A_1231[0] : i32 from vector<1xi32>
          %eq3A_1233 = vector.broadcast %squeeze3A_1232 : i32 to vector<16xi32>
          %eq3A_1234 = arith.cmpi eq, %get3A_981, %eq3A_1233 : vector<16xi32>
          %slice3A_1235 = vector.extract_strided_slice %get3A_1153 {offsets = [4], sizes = [1], strides = [1]} : vector<16xi32> to vector<1xi32>
          %squeeze3A_1236 = vector.extract %slice3A_1235[0] : i32 from vector<1xi32>
          %eq3A_1237 = vector.broadcast %squeeze3A_1236 : i32 to vector<16xi32>
          %eq3A_1238 = arith.cmpi eq, %get3A_984, %eq3A_1237 : vector<16xi32>
          %and3A_1239 = arith.andi %eq3A_1234, %eq3A_1238 : vector<16xi1>
          %slice3A_1240 = vector.extract_strided_slice %get3A_1156 {offsets = [4], sizes = [1], strides = [1]} : vector<16xi32> to vector<1xi32>
          %squeeze3A_1241 = vector.extract %slice3A_1240[0] : i32 from vector<1xi32>
          %lt3A_1242 = vector.broadcast %squeeze3A_1241 : i32 to vector<16xi32>
          %lt3A_1243 = arith.cmpi slt, %lt3A_1242, %get3A_987 : vector<16xi32>
          %and3A_1244 = arith.andi %and3A_1239, %lt3A_1243 : vector<16xi1>
          %broadcast_in_dim3A_1245 = arith.constant 0 : i32
          %broadcast_in_dim3A_1246 = vector.broadcast %broadcast_in_dim3A_1245 : i32 to vector<16xi32>
          %select_n3A_1247 = arith.select %and3A_1244, %broadcast_in_dim3A_1158, %broadcast_in_dim3A_1246 : vector<16xi1>, vector<16xi32>
          %add3A_1248 = arith.addi %add3A_1230, %select_n3A_1247 : vector<16xi32>
          %slice3A_1249 = vector.extract_strided_slice %get3A_1150 {offsets = [5], sizes = [1], strides = [1]} : vector<16xi32> to vector<1xi32>
          %squeeze3A_1250 = vector.extract %slice3A_1249[0] : i32 from vector<1xi32>
          %eq3A_1251 = vector.broadcast %squeeze3A_1250 : i32 to vector<16xi32>
          %eq3A_1252 = arith.cmpi eq, %get3A_981, %eq3A_1251 : vector<16xi32>
          %slice3A_1253 = vector.extract_strided_slice %get3A_1153 {offsets = [5], sizes = [1], strides = [1]} : vector<16xi32> to vector<1xi32>
          %squeeze3A_1254 = vector.extract %slice3A_1253[0] : i32 from vector<1xi32>
          %eq3A_1255 = vector.broadcast %squeeze3A_1254 : i32 to vector<16xi32>
          %eq3A_1256 = arith.cmpi eq, %get3A_984, %eq3A_1255 : vector<16xi32>
          %and3A_1257 = arith.andi %eq3A_1252, %eq3A_1256 : vector<16xi1>
          %slice3A_1258 = vector.extract_strided_slice %get3A_1156 {offsets = [5], sizes = [1], strides = [1]} : vector<16xi32> to vector<1xi32>
          %squeeze3A_1259 = vector.extract %slice3A_1258[0] : i32 from vector<1xi32>
          %lt3A_1260 = vector.broadcast %squeeze3A_1259 : i32 to vector<16xi32>
          %lt3A_1261 = arith.cmpi slt, %lt3A_1260, %get3A_987 : vector<16xi32>
          %and3A_1262 = arith.andi %and3A_1257, %lt3A_1261 : vector<16xi1>
          %broadcast_in_dim3A_1263 = arith.constant 0 : i32
          %broadcast_in_dim3A_1264 = vector.broadcast %broadcast_in_dim3A_1263 : i32 to vector<16xi32>
          %select_n3A_1265 = arith.select %and3A_1262, %broadcast_in_dim3A_1158, %broadcast_in_dim3A_1264 : vector<16xi1>, vector<16xi32>
          %add3A_1266 = arith.addi %add3A_1248, %select_n3A_1265 : vector<16xi32>
          %slice3A_1267 = vector.extract_strided_slice %get3A_1150 {offsets = [6], sizes = [1], strides = [1]} : vector<16xi32> to vector<1xi32>
          %squeeze3A_1268 = vector.extract %slice3A_1267[0] : i32 from vector<1xi32>
          %eq3A_1269 = vector.broadcast %squeeze3A_1268 : i32 to vector<16xi32>
          %eq3A_1270 = arith.cmpi eq, %get3A_981, %eq3A_1269 : vector<16xi32>
          %slice3A_1271 = vector.extract_strided_slice %get3A_1153 {offsets = [6], sizes = [1], strides = [1]} : vector<16xi32> to vector<1xi32>
          %squeeze3A_1272 = vector.extract %slice3A_1271[0] : i32 from vector<1xi32>
          %eq3A_1273 = vector.broadcast %squeeze3A_1272 : i32 to vector<16xi32>
          %eq3A_1274 = arith.cmpi eq, %get3A_984, %eq3A_1273 : vector<16xi32>
          %and3A_1275 = arith.andi %eq3A_1270, %eq3A_1274 : vector<16xi1>
          %slice3A_1276 = vector.extract_strided_slice %get3A_1156 {offsets = [6], sizes = [1], strides = [1]} : vector<16xi32> to vector<1xi32>
          %squeeze3A_1277 = vector.extract %slice3A_1276[0] : i32 from vector<1xi32>
          %lt3A_1278 = vector.broadcast %squeeze3A_1277 : i32 to vector<16xi32>
          %lt3A_1279 = arith.cmpi slt, %lt3A_1278, %get3A_987 : vector<16xi32>
          %and3A_1280 = arith.andi %and3A_1275, %lt3A_1279 : vector<16xi1>
          %broadcast_in_dim3A_1281 = arith.constant 0 : i32
          %broadcast_in_dim3A_1282 = vector.broadcast %broadcast_in_dim3A_1281 : i32 to vector<16xi32>
          %select_n3A_1283 = arith.select %and3A_1280, %broadcast_in_dim3A_1158, %broadcast_in_dim3A_1282 : vector<16xi1>, vector<16xi32>
          %add3A_1284 = arith.addi %add3A_1266, %select_n3A_1283 : vector<16xi32>
          %slice3A_1285 = vector.extract_strided_slice %get3A_1150 {offsets = [7], sizes = [1], strides = [1]} : vector<16xi32> to vector<1xi32>
          %squeeze3A_1286 = vector.extract %slice3A_1285[0] : i32 from vector<1xi32>
          %eq3A_1287 = vector.broadcast %squeeze3A_1286 : i32 to vector<16xi32>
          %eq3A_1288 = arith.cmpi eq, %get3A_981, %eq3A_1287 : vector<16xi32>
          %slice3A_1289 = vector.extract_strided_slice %get3A_1153 {offsets = [7], sizes = [1], strides = [1]} : vector<16xi32> to vector<1xi32>
          %squeeze3A_1290 = vector.extract %slice3A_1289[0] : i32 from vector<1xi32>
          %eq3A_1291 = vector.broadcast %squeeze3A_1290 : i32 to vector<16xi32>
          %eq3A_1292 = arith.cmpi eq, %get3A_984, %eq3A_1291 : vector<16xi32>
          %and3A_1293 = arith.andi %eq3A_1288, %eq3A_1292 : vector<16xi1>
          %slice3A_1294 = vector.extract_strided_slice %get3A_1156 {offsets = [7], sizes = [1], strides = [1]} : vector<16xi32> to vector<1xi32>
          %squeeze3A_1295 = vector.extract %slice3A_1294[0] : i32 from vector<1xi32>
          %lt3A_1296 = vector.broadcast %squeeze3A_1295 : i32 to vector<16xi32>
          %lt3A_1297 = arith.cmpi slt, %lt3A_1296, %get3A_987 : vector<16xi32>
          %and3A_1298 = arith.andi %and3A_1293, %lt3A_1297 : vector<16xi1>
          %broadcast_in_dim3A_1299 = arith.constant 0 : i32
          %broadcast_in_dim3A_1300 = vector.broadcast %broadcast_in_dim3A_1299 : i32 to vector<16xi32>
          %select_n3A_1301 = arith.select %and3A_1298, %broadcast_in_dim3A_1158, %broadcast_in_dim3A_1300 : vector<16xi1>, vector<16xi32>
          %add3A_1302 = arith.addi %add3A_1284, %select_n3A_1301 : vector<16xi32>
          %slice3A_1303 = vector.extract_strided_slice %get3A_1150 {offsets = [8], sizes = [1], strides = [1]} : vector<16xi32> to vector<1xi32>
          %squeeze3A_1304 = vector.extract %slice3A_1303[0] : i32 from vector<1xi32>
          %eq3A_1305 = vector.broadcast %squeeze3A_1304 : i32 to vector<16xi32>
          %eq3A_1306 = arith.cmpi eq, %get3A_981, %eq3A_1305 : vector<16xi32>
          %slice3A_1307 = vector.extract_strided_slice %get3A_1153 {offsets = [8], sizes = [1], strides = [1]} : vector<16xi32> to vector<1xi32>
          %squeeze3A_1308 = vector.extract %slice3A_1307[0] : i32 from vector<1xi32>
          %eq3A_1309 = vector.broadcast %squeeze3A_1308 : i32 to vector<16xi32>
          %eq3A_1310 = arith.cmpi eq, %get3A_984, %eq3A_1309 : vector<16xi32>
          %and3A_1311 = arith.andi %eq3A_1306, %eq3A_1310 : vector<16xi1>
          %slice3A_1312 = vector.extract_strided_slice %get3A_1156 {offsets = [8], sizes = [1], strides = [1]} : vector<16xi32> to vector<1xi32>
          %squeeze3A_1313 = vector.extract %slice3A_1312[0] : i32 from vector<1xi32>
          %lt3A_1314 = vector.broadcast %squeeze3A_1313 : i32 to vector<16xi32>
          %lt3A_1315 = arith.cmpi slt, %lt3A_1314, %get3A_987 : vector<16xi32>
          %and3A_1316 = arith.andi %and3A_1311, %lt3A_1315 : vector<16xi1>
          %broadcast_in_dim3A_1317 = arith.constant 0 : i32
          %broadcast_in_dim3A_1318 = vector.broadcast %broadcast_in_dim3A_1317 : i32 to vector<16xi32>
          %select_n3A_1319 = arith.select %and3A_1316, %broadcast_in_dim3A_1158, %broadcast_in_dim3A_1318 : vector<16xi1>, vector<16xi32>
          %add3A_1320 = arith.addi %add3A_1302, %select_n3A_1319 : vector<16xi32>
          %slice3A_1321 = vector.extract_strided_slice %get3A_1150 {offsets = [9], sizes = [1], strides = [1]} : vector<16xi32> to vector<1xi32>
          %squeeze3A_1322 = vector.extract %slice3A_1321[0] : i32 from vector<1xi32>
          %eq3A_1323 = vector.broadcast %squeeze3A_1322 : i32 to vector<16xi32>
          %eq3A_1324 = arith.cmpi eq, %get3A_981, %eq3A_1323 : vector<16xi32>
          %slice3A_1325 = vector.extract_strided_slice %get3A_1153 {offsets = [9], sizes = [1], strides = [1]} : vector<16xi32> to vector<1xi32>
          %squeeze3A_1326 = vector.extract %slice3A_1325[0] : i32 from vector<1xi32>
          %eq3A_1327 = vector.broadcast %squeeze3A_1326 : i32 to vector<16xi32>
          %eq3A_1328 = arith.cmpi eq, %get3A_984, %eq3A_1327 : vector<16xi32>
          %and3A_1329 = arith.andi %eq3A_1324, %eq3A_1328 : vector<16xi1>
          %slice3A_1330 = vector.extract_strided_slice %get3A_1156 {offsets = [9], sizes = [1], strides = [1]} : vector<16xi32> to vector<1xi32>
          %squeeze3A_1331 = vector.extract %slice3A_1330[0] : i32 from vector<1xi32>
          %lt3A_1332 = vector.broadcast %squeeze3A_1331 : i32 to vector<16xi32>
          %lt3A_1333 = arith.cmpi slt, %lt3A_1332, %get3A_987 : vector<16xi32>
          %and3A_1334 = arith.andi %and3A_1329, %lt3A_1333 : vector<16xi1>
          %broadcast_in_dim3A_1335 = arith.constant 0 : i32
          %broadcast_in_dim3A_1336 = vector.broadcast %broadcast_in_dim3A_1335 : i32 to vector<16xi32>
          %select_n3A_1337 = arith.select %and3A_1334, %broadcast_in_dim3A_1158, %broadcast_in_dim3A_1336 : vector<16xi1>, vector<16xi32>
          %add3A_1338 = arith.addi %add3A_1320, %select_n3A_1337 : vector<16xi32>
          %slice3A_1339 = vector.extract_strided_slice %get3A_1150 {offsets = [10], sizes = [1], strides = [1]} : vector<16xi32> to vector<1xi32>
          %squeeze3A_1340 = vector.extract %slice3A_1339[0] : i32 from vector<1xi32>
          %eq3A_1341 = vector.broadcast %squeeze3A_1340 : i32 to vector<16xi32>
          %eq3A_1342 = arith.cmpi eq, %get3A_981, %eq3A_1341 : vector<16xi32>
          %slice3A_1343 = vector.extract_strided_slice %get3A_1153 {offsets = [10], sizes = [1], strides = [1]} : vector<16xi32> to vector<1xi32>
          %squeeze3A_1344 = vector.extract %slice3A_1343[0] : i32 from vector<1xi32>
          %eq3A_1345 = vector.broadcast %squeeze3A_1344 : i32 to vector<16xi32>
          %eq3A_1346 = arith.cmpi eq, %get3A_984, %eq3A_1345 : vector<16xi32>
          %and3A_1347 = arith.andi %eq3A_1342, %eq3A_1346 : vector<16xi1>
          %slice3A_1348 = vector.extract_strided_slice %get3A_1156 {offsets = [10], sizes = [1], strides = [1]} : vector<16xi32> to vector<1xi32>
          %squeeze3A_1349 = vector.extract %slice3A_1348[0] : i32 from vector<1xi32>
          %lt3A_1350 = vector.broadcast %squeeze3A_1349 : i32 to vector<16xi32>
          %lt3A_1351 = arith.cmpi slt, %lt3A_1350, %get3A_987 : vector<16xi32>
          %and3A_1352 = arith.andi %and3A_1347, %lt3A_1351 : vector<16xi1>
          %broadcast_in_dim3A_1353 = arith.constant 0 : i32
          %broadcast_in_dim3A_1354 = vector.broadcast %broadcast_in_dim3A_1353 : i32 to vector<16xi32>
          %select_n3A_1355 = arith.select %and3A_1352, %broadcast_in_dim3A_1158, %broadcast_in_dim3A_1354 : vector<16xi1>, vector<16xi32>
          %add3A_1356 = arith.addi %add3A_1338, %select_n3A_1355 : vector<16xi32>
          %slice3A_1357 = vector.extract_strided_slice %get3A_1150 {offsets = [11], sizes = [1], strides = [1]} : vector<16xi32> to vector<1xi32>
          %squeeze3A_1358 = vector.extract %slice3A_1357[0] : i32 from vector<1xi32>
          %eq3A_1359 = vector.broadcast %squeeze3A_1358 : i32 to vector<16xi32>
          %eq3A_1360 = arith.cmpi eq, %get3A_981, %eq3A_1359 : vector<16xi32>
          %slice3A_1361 = vector.extract_strided_slice %get3A_1153 {offsets = [11], sizes = [1], strides = [1]} : vector<16xi32> to vector<1xi32>
          %squeeze3A_1362 = vector.extract %slice3A_1361[0] : i32 from vector<1xi32>
          %eq3A_1363 = vector.broadcast %squeeze3A_1362 : i32 to vector<16xi32>
          %eq3A_1364 = arith.cmpi eq, %get3A_984, %eq3A_1363 : vector<16xi32>
          %and3A_1365 = arith.andi %eq3A_1360, %eq3A_1364 : vector<16xi1>
          %slice3A_1366 = vector.extract_strided_slice %get3A_1156 {offsets = [11], sizes = [1], strides = [1]} : vector<16xi32> to vector<1xi32>
          %squeeze3A_1367 = vector.extract %slice3A_1366[0] : i32 from vector<1xi32>
          %lt3A_1368 = vector.broadcast %squeeze3A_1367 : i32 to vector<16xi32>
          %lt3A_1369 = arith.cmpi slt, %lt3A_1368, %get3A_987 : vector<16xi32>
          %and3A_1370 = arith.andi %and3A_1365, %lt3A_1369 : vector<16xi1>
          %broadcast_in_dim3A_1371 = arith.constant 0 : i32
          %broadcast_in_dim3A_1372 = vector.broadcast %broadcast_in_dim3A_1371 : i32 to vector<16xi32>
          %select_n3A_1373 = arith.select %and3A_1370, %broadcast_in_dim3A_1158, %broadcast_in_dim3A_1372 : vector<16xi1>, vector<16xi32>
          %add3A_1374 = arith.addi %add3A_1356, %select_n3A_1373 : vector<16xi32>
          %slice3A_1375 = vector.extract_strided_slice %get3A_1150 {offsets = [12], sizes = [1], strides = [1]} : vector<16xi32> to vector<1xi32>
          %squeeze3A_1376 = vector.extract %slice3A_1375[0] : i32 from vector<1xi32>
          %eq3A_1377 = vector.broadcast %squeeze3A_1376 : i32 to vector<16xi32>
          %eq3A_1378 = arith.cmpi eq, %get3A_981, %eq3A_1377 : vector<16xi32>
          %slice3A_1379 = vector.extract_strided_slice %get3A_1153 {offsets = [12], sizes = [1], strides = [1]} : vector<16xi32> to vector<1xi32>
          %squeeze3A_1380 = vector.extract %slice3A_1379[0] : i32 from vector<1xi32>
          %eq3A_1381 = vector.broadcast %squeeze3A_1380 : i32 to vector<16xi32>
          %eq3A_1382 = arith.cmpi eq, %get3A_984, %eq3A_1381 : vector<16xi32>
          %and3A_1383 = arith.andi %eq3A_1378, %eq3A_1382 : vector<16xi1>
          %slice3A_1384 = vector.extract_strided_slice %get3A_1156 {offsets = [12], sizes = [1], strides = [1]} : vector<16xi32> to vector<1xi32>
          %squeeze3A_1385 = vector.extract %slice3A_1384[0] : i32 from vector<1xi32>
          %lt3A_1386 = vector.broadcast %squeeze3A_1385 : i32 to vector<16xi32>
          %lt3A_1387 = arith.cmpi slt, %lt3A_1386, %get3A_987 : vector<16xi32>
          %and3A_1388 = arith.andi %and3A_1383, %lt3A_1387 : vector<16xi1>
          %broadcast_in_dim3A_1389 = arith.constant 0 : i32
          %broadcast_in_dim3A_1390 = vector.broadcast %broadcast_in_dim3A_1389 : i32 to vector<16xi32>
          %select_n3A_1391 = arith.select %and3A_1388, %broadcast_in_dim3A_1158, %broadcast_in_dim3A_1390 : vector<16xi1>, vector<16xi32>
          %add3A_1392 = arith.addi %add3A_1374, %select_n3A_1391 : vector<16xi32>
          %slice3A_1393 = vector.extract_strided_slice %get3A_1150 {offsets = [13], sizes = [1], strides = [1]} : vector<16xi32> to vector<1xi32>
          %squeeze3A_1394 = vector.extract %slice3A_1393[0] : i32 from vector<1xi32>
          %eq3A_1395 = vector.broadcast %squeeze3A_1394 : i32 to vector<16xi32>
          %eq3A_1396 = arith.cmpi eq, %get3A_981, %eq3A_1395 : vector<16xi32>
          %slice3A_1397 = vector.extract_strided_slice %get3A_1153 {offsets = [13], sizes = [1], strides = [1]} : vector<16xi32> to vector<1xi32>
          %squeeze3A_1398 = vector.extract %slice3A_1397[0] : i32 from vector<1xi32>
          %eq3A_1399 = vector.broadcast %squeeze3A_1398 : i32 to vector<16xi32>
          %eq3A_1400 = arith.cmpi eq, %get3A_984, %eq3A_1399 : vector<16xi32>
          %and3A_1401 = arith.andi %eq3A_1396, %eq3A_1400 : vector<16xi1>
          %slice3A_1402 = vector.extract_strided_slice %get3A_1156 {offsets = [13], sizes = [1], strides = [1]} : vector<16xi32> to vector<1xi32>
          %squeeze3A_1403 = vector.extract %slice3A_1402[0] : i32 from vector<1xi32>
          %lt3A_1404 = vector.broadcast %squeeze3A_1403 : i32 to vector<16xi32>
          %lt3A_1405 = arith.cmpi slt, %lt3A_1404, %get3A_987 : vector<16xi32>
          %and3A_1406 = arith.andi %and3A_1401, %lt3A_1405 : vector<16xi1>
          %broadcast_in_dim3A_1407 = arith.constant 0 : i32
          %broadcast_in_dim3A_1408 = vector.broadcast %broadcast_in_dim3A_1407 : i32 to vector<16xi32>
          %select_n3A_1409 = arith.select %and3A_1406, %broadcast_in_dim3A_1158, %broadcast_in_dim3A_1408 : vector<16xi1>, vector<16xi32>
          %add3A_1410 = arith.addi %add3A_1392, %select_n3A_1409 : vector<16xi32>
          %slice3A_1411 = vector.extract_strided_slice %get3A_1150 {offsets = [14], sizes = [1], strides = [1]} : vector<16xi32> to vector<1xi32>
          %squeeze3A_1412 = vector.extract %slice3A_1411[0] : i32 from vector<1xi32>
          %eq3A_1413 = vector.broadcast %squeeze3A_1412 : i32 to vector<16xi32>
          %eq3A_1414 = arith.cmpi eq, %get3A_981, %eq3A_1413 : vector<16xi32>
          %slice3A_1415 = vector.extract_strided_slice %get3A_1153 {offsets = [14], sizes = [1], strides = [1]} : vector<16xi32> to vector<1xi32>
          %squeeze3A_1416 = vector.extract %slice3A_1415[0] : i32 from vector<1xi32>
          %eq3A_1417 = vector.broadcast %squeeze3A_1416 : i32 to vector<16xi32>
          %eq3A_1418 = arith.cmpi eq, %get3A_984, %eq3A_1417 : vector<16xi32>
          %and3A_1419 = arith.andi %eq3A_1414, %eq3A_1418 : vector<16xi1>
          %slice3A_1420 = vector.extract_strided_slice %get3A_1156 {offsets = [14], sizes = [1], strides = [1]} : vector<16xi32> to vector<1xi32>
          %squeeze3A_1421 = vector.extract %slice3A_1420[0] : i32 from vector<1xi32>
          %lt3A_1422 = vector.broadcast %squeeze3A_1421 : i32 to vector<16xi32>
          %lt3A_1423 = arith.cmpi slt, %lt3A_1422, %get3A_987 : vector<16xi32>
          %and3A_1424 = arith.andi %and3A_1419, %lt3A_1423 : vector<16xi1>
          %broadcast_in_dim3A_1425 = arith.constant 0 : i32
          %broadcast_in_dim3A_1426 = vector.broadcast %broadcast_in_dim3A_1425 : i32 to vector<16xi32>
          %select_n3A_1427 = arith.select %and3A_1424, %broadcast_in_dim3A_1158, %broadcast_in_dim3A_1426 : vector<16xi1>, vector<16xi32>
          %add3A_1428 = arith.addi %add3A_1410, %select_n3A_1427 : vector<16xi32>
          %slice3A_1429 = vector.extract_strided_slice %get3A_1150 {offsets = [15], sizes = [1], strides = [1]} : vector<16xi32> to vector<1xi32>
          %squeeze3A_1430 = vector.extract %slice3A_1429[0] : i32 from vector<1xi32>
          %eq3A_1431 = vector.broadcast %squeeze3A_1430 : i32 to vector<16xi32>
          %eq3A_1432 = arith.cmpi eq, %get3A_981, %eq3A_1431 : vector<16xi32>
          %slice3A_1433 = vector.extract_strided_slice %get3A_1153 {offsets = [15], sizes = [1], strides = [1]} : vector<16xi32> to vector<1xi32>
          %squeeze3A_1434 = vector.extract %slice3A_1433[0] : i32 from vector<1xi32>
          %eq3A_1435 = vector.broadcast %squeeze3A_1434 : i32 to vector<16xi32>
          %eq3A_1436 = arith.cmpi eq, %get3A_984, %eq3A_1435 : vector<16xi32>
          %and3A_1437 = arith.andi %eq3A_1432, %eq3A_1436 : vector<16xi1>
          %slice3A_1438 = vector.extract_strided_slice %get3A_1156 {offsets = [15], sizes = [1], strides = [1]} : vector<16xi32> to vector<1xi32>
          %squeeze3A_1439 = vector.extract %slice3A_1438[0] : i32 from vector<1xi32>
          %lt3A_1440 = vector.broadcast %squeeze3A_1439 : i32 to vector<16xi32>
          %lt3A_1441 = arith.cmpi slt, %lt3A_1440, %get3A_987 : vector<16xi32>
          %and3A_1442 = arith.andi %and3A_1437, %lt3A_1441 : vector<16xi1>
          %broadcast_in_dim3A_1443 = arith.constant 0 : i32
          %broadcast_in_dim3A_1444 = vector.broadcast %broadcast_in_dim3A_1443 : i32 to vector<16xi32>
          %select_n3A_1445 = arith.select %and3A_1442, %broadcast_in_dim3A_1158, %broadcast_in_dim3A_1444 : vector<16xi1>, vector<16xi32>
          %add3A_1446 = arith.addi %add3A_1428, %select_n3A_1445 : vector<16xi32>
          scf.yield %add3A_1446 : vector<16xi32>
        }
        scf.yield %while3A_1142 : vector<16xi32>
      }
      %while3A_1005 = arith.constant 1 : i32
      %while3A_1006 = scf.for %while3A_1097 = %while3A_1002 to %while3A_998 step %while3A_1005 iter_args(%while3A_1098 = %while3A_1004) -> (vector<16xi32>)  : i32 {
        %mul3A_1099 = arith.constant 16 : i32
        %mul3A_1100 = arith.muli %while3A_1097, %mul3A_1099 : i32
        %get3A_1101 = arith.index_cast %mul3A_1100 : i32 to index
        %get3A_1102 = tpu.vector_load %arg21[%get3A_1101] {strides = array<i32>} : memref<256xi32, #tpu.memory_space<vmem>>, vector<16xi32>,
        %get3A_1103 = vector.shape_cast %get3A_1102 : vector<16xi32> to vector<16xi32>
        %slice3A = vector.extract_strided_slice %get3A_1103 {offsets = [0], sizes = [1], strides = [1]} : vector<16xi32> to vector<1xi32>
        %squeeze3A = vector.extract %slice3A[0] : i32 from vector<1xi32>
        %add3A_1104 = arith.constant 15 : i32
        %add3A_1105 = arith.addi %squeeze3A, %add3A_1104 : i32
        %jit3A_1106 = arith.constant 16 : i32
        %div3A_1107 = arith.divsi %add3A_1105, %jit3A_1106 : i32
        %sign3A_1108 = arith.constant 0 : i32
        %sign3A_1109 = arith.cmpi sgt, %add3A_1105, %sign3A_1108 : i32
        %sign3A_1110 = arith.extui %sign3A_1109 : i1 to i32
        %sign3A_1111 = arith.constant 0 : i32
        %sign3A_1112 = arith.cmpi slt, %add3A_1105, %sign3A_1111 : i32
        %sign3A_1113 = arith.extui %sign3A_1112 : i1 to i32
        %sign3A_1114 = arith.subi %sign3A_1110, %sign3A_1113 : i32
        %sign3A_1115 = arith.constant 0 : i32
        %sign3A_1116 = arith.cmpi sgt, %jit3A_1106, %sign3A_1115 : i32
        %sign3A_1117 = arith.extui %sign3A_1116 : i1 to i32
        %sign3A_1118 = arith.constant 0 : i32
        %sign3A_1119 = arith.cmpi slt, %jit3A_1106, %sign3A_1118 : i32
        %sign3A_1120 = arith.extui %sign3A_1119 : i1 to i32
        %sign3A_1121 = arith.subi %sign3A_1117, %sign3A_1120 : i32
        %ne3A_1122 = arith.cmpi ne, %sign3A_1114, %sign3A_1121 : i32
        %rem3A_1123 = arith.remsi %add3A_1105, %jit3A_1106 : i32
        %ne3A_1124 = arith.constant 0 : i32
        %ne3A_1125 = arith.cmpi ne, %rem3A_1123, %ne3A_1124 : i32
        %and3A_1126 = arith.andi %ne3A_1122, %ne3A_1125 : i1
        %sub3A_1127 = arith.constant 1 : i32
        %sub3A_1128 = arith.subi %div3A_1107, %sub3A_1127 : i32
        %select_n3A_1129 = arith.select %and3A_1126, %sub3A_1128, %div3A_1107 : i32
        %mul3A_1130 = arith.constant 1040 : i32
        %mul3A_1131 = arith.muli %while3A_1097, %mul3A_1130 : i32
        %while3A_1132 = arith.constant 0 : i32
        %while3A_1133 = arith.subi %select_n3A_1129, %while3A_1132 : i32
        %while3A_1134 = arith.addi %while3A_1132, %while3A_1133 : i32
        %while3A_1135 = arith.constant 1 : i32
        %while3A_1136 = arith.divsi %while3A_1133, %while3A_1135 : i32
        %while3A_1137 = arith.muli %while3A_1136, %while3A_1135 : i32
        %while3A_1138 = arith.addi %while3A_1132, %while3A_1137 : i32
        %while3A_1139 = arith.constant 1 : i32
        %while3A_1140 = scf.for %while3A_1143 = %while3A_1132 to %while3A_1138 step %while3A_1139 iter_args(%while3A_1144 = %while3A_1098) -> (vector<16xi32>)  : i32 {
          %mul3A_1145 = arith.constant 16 : i32
          %mul3A_1146 = arith.muli %while3A_1143, %mul3A_1145 : i32
          %add3A_1147 = arith.addi %mul3A_1131, %mul3A_1146 : i32
          %get3A_1148 = arith.index_cast %add3A_1147 : i32 to index
          %get3A_1149 = tpu.vector_load %arg18[%get3A_1148] {strides = array<i32>} : memref<16640xi32, #tpu.memory_space<vmem>>, vector<16xi32>,
          %get3A_1150 = vector.shape_cast %get3A_1149 : vector<16xi32> to vector<16xi32>
          %get3A_1151 = arith.index_cast %add3A_1147 : i32 to index
          %get3A_1152 = tpu.vector_load %arg19[%get3A_1151] {strides = array<i32>} : memref<16640xi32, #tpu.memory_space<vmem>>, vector<16xi32>,
          %get3A_1153 = vector.shape_cast %get3A_1152 : vector<16xi32> to vector<16xi32>
          %get3A_1154 = arith.index_cast %add3A_1147 : i32 to index
          %get3A_1155 = tpu.vector_load %arg20[%get3A_1154] {strides = array<i32>} : memref<16640xi32, #tpu.memory_space<vmem>>, vector<16xi32>,
          %get3A_1156 = vector.shape_cast %get3A_1155 : vector<16xi32> to vector<16xi32>
          %broadcast_in_dim3A_1157 = arith.constant 1 : i32
          %broadcast_in_dim3A_1158 = vector.broadcast %broadcast_in_dim3A_1157 : i32 to vector<16xi32>
          %slice3A_1159 = vector.extract_strided_slice %get3A_1150 {offsets = [0], sizes = [1], strides = [1]} : vector<16xi32> to vector<1xi32>
          %squeeze3A_1160 = vector.extract %slice3A_1159[0] : i32 from vector<1xi32>
          %eq3A_1161 = vector.broadcast %squeeze3A_1160 : i32 to vector<16xi32>
          %eq3A_1162 = arith.cmpi eq, %get3A_981, %eq3A_1161 : vector<16xi32>
          %slice3A_1163 = vector.extract_strided_slice %get3A_1153 {offsets = [0], sizes = [1], strides = [1]} : vector<16xi32> to vector<1xi32>
          %squeeze3A_1164 = vector.extract %slice3A_1163[0] : i32 from vector<1xi32>
          %eq3A_1165 = vector.broadcast %squeeze3A_1164 : i32 to vector<16xi32>
          %eq3A_1166 = arith.cmpi eq, %get3A_984, %eq3A_1165 : vector<16xi32>
          %and3A_1167 = arith.andi %eq3A_1162, %eq3A_1166 : vector<16xi1>
          %slice3A_1168 = vector.extract_strided_slice %get3A_1156 {offsets = [0], sizes = [1], strides = [1]} : vector<16xi32> to vector<1xi32>
          %squeeze3A_1169 = vector.extract %slice3A_1168[0] : i32 from vector<1xi32>
          %lt3A_1170 = vector.broadcast %squeeze3A_1169 : i32 to vector<16xi32>
          %lt3A_1171 = arith.cmpi slt, %lt3A_1170, %get3A_987 : vector<16xi32>
          %and3A_1172 = arith.andi %and3A_1167, %lt3A_1171 : vector<16xi1>
          %broadcast_in_dim3A_1173 = arith.constant 0 : i32
          %broadcast_in_dim3A_1174 = vector.broadcast %broadcast_in_dim3A_1173 : i32 to vector<16xi32>
          %select_n3A_1175 = arith.select %and3A_1172, %broadcast_in_dim3A_1158, %broadcast_in_dim3A_1174 : vector<16xi1>, vector<16xi32>
          %add3A_1176 = arith.addi %while3A_1144, %select_n3A_1175 : vector<16xi32>
          %slice3A_1177 = vector.extract_strided_slice %get3A_1150 {offsets = [1], sizes = [1], strides = [1]} : vector<16xi32> to vector<1xi32>
          %squeeze3A_1178 = vector.extract %slice3A_1177[0] : i32 from vector<1xi32>
          %eq3A_1179 = vector.broadcast %squeeze3A_1178 : i32 to vector<16xi32>
          %eq3A_1180 = arith.cmpi eq, %get3A_981, %eq3A_1179 : vector<16xi32>
          %slice3A_1181 = vector.extract_strided_slice %get3A_1153 {offsets = [1], sizes = [1], strides = [1]} : vector<16xi32> to vector<1xi32>
          %squeeze3A_1182 = vector.extract %slice3A_1181[0] : i32 from vector<1xi32>
          %eq3A_1183 = vector.broadcast %squeeze3A_1182 : i32 to vector<16xi32>
          %eq3A_1184 = arith.cmpi eq, %get3A_984, %eq3A_1183 : vector<16xi32>
          %and3A_1185 = arith.andi %eq3A_1180, %eq3A_1184 : vector<16xi1>
          %slice3A_1186 = vector.extract_strided_slice %get3A_1156 {offsets = [1], sizes = [1], strides = [1]} : vector<16xi32> to vector<1xi32>
          %squeeze3A_1187 = vector.extract %slice3A_1186[0] : i32 from vector<1xi32>
          %lt3A_1188 = vector.broadcast %squeeze3A_1187 : i32 to vector<16xi32>
          %lt3A_1189 = arith.cmpi slt, %lt3A_1188, %get3A_987 : vector<16xi32>
          %and3A_1190 = arith.andi %and3A_1185, %lt3A_1189 : vector<16xi1>
          %broadcast_in_dim3A_1191 = arith.constant 0 : i32
          %broadcast_in_dim3A_1192 = vector.broadcast %broadcast_in_dim3A_1191 : i32 to vector<16xi32>
          %select_n3A_1193 = arith.select %and3A_1190, %broadcast_in_dim3A_1158, %broadcast_in_dim3A_1192 : vector<16xi1>, vector<16xi32>
          %add3A_1194 = arith.addi %add3A_1176, %select_n3A_1193 : vector<16xi32>
          %slice3A_1195 = vector.extract_strided_slice %get3A_1150 {offsets = [2], sizes = [1], strides = [1]} : vector<16xi32> to vector<1xi32>
          %squeeze3A_1196 = vector.extract %slice3A_1195[0] : i32 from vector<1xi32>
          %eq3A_1197 = vector.broadcast %squeeze3A_1196 : i32 to vector<16xi32>
          %eq3A_1198 = arith.cmpi eq, %get3A_981, %eq3A_1197 : vector<16xi32>
          %slice3A_1199 = vector.extract_strided_slice %get3A_1153 {offsets = [2], sizes = [1], strides = [1]} : vector<16xi32> to vector<1xi32>
          %squeeze3A_1200 = vector.extract %slice3A_1199[0] : i32 from vector<1xi32>
          %eq3A_1201 = vector.broadcast %squeeze3A_1200 : i32 to vector<16xi32>
          %eq3A_1202 = arith.cmpi eq, %get3A_984, %eq3A_1201 : vector<16xi32>
          %and3A_1203 = arith.andi %eq3A_1198, %eq3A_1202 : vector<16xi1>
          %slice3A_1204 = vector.extract_strided_slice %get3A_1156 {offsets = [2], sizes = [1], strides = [1]} : vector<16xi32> to vector<1xi32>
          %squeeze3A_1205 = vector.extract %slice3A_1204[0] : i32 from vector<1xi32>
          %lt3A_1206 = vector.broadcast %squeeze3A_1205 : i32 to vector<16xi32>
          %lt3A_1207 = arith.cmpi slt, %lt3A_1206, %get3A_987 : vector<16xi32>
          %and3A_1208 = arith.andi %and3A_1203, %lt3A_1207 : vector<16xi1>
          %broadcast_in_dim3A_1209 = arith.constant 0 : i32
          %broadcast_in_dim3A_1210 = vector.broadcast %broadcast_in_dim3A_1209 : i32 to vector<16xi32>
          %select_n3A_1211 = arith.select %and3A_1208, %broadcast_in_dim3A_1158, %broadcast_in_dim3A_1210 : vector<16xi1>, vector<16xi32>
          %add3A_1212 = arith.addi %add3A_1194, %select_n3A_1211 : vector<16xi32>
          %slice3A_1213 = vector.extract_strided_slice %get3A_1150 {offsets = [3], sizes = [1], strides = [1]} : vector<16xi32> to vector<1xi32>
          %squeeze3A_1214 = vector.extract %slice3A_1213[0] : i32 from vector<1xi32>
          %eq3A_1215 = vector.broadcast %squeeze3A_1214 : i32 to vector<16xi32>
          %eq3A_1216 = arith.cmpi eq, %get3A_981, %eq3A_1215 : vector<16xi32>
          %slice3A_1217 = vector.extract_strided_slice %get3A_1153 {offsets = [3], sizes = [1], strides = [1]} : vector<16xi32> to vector<1xi32>
          %squeeze3A_1218 = vector.extract %slice3A_1217[0] : i32 from vector<1xi32>
          %eq3A_1219 = vector.broadcast %squeeze3A_1218 : i32 to vector<16xi32>
          %eq3A_1220 = arith.cmpi eq, %get3A_984, %eq3A_1219 : vector<16xi32>
          %and3A_1221 = arith.andi %eq3A_1216, %eq3A_1220 : vector<16xi1>
          %slice3A_1222 = vector.extract_strided_slice %get3A_1156 {offsets = [3], sizes = [1], strides = [1]} : vector<16xi32> to vector<1xi32>
          %squeeze3A_1223 = vector.extract %slice3A_1222[0] : i32 from vector<1xi32>
          %lt3A_1224 = vector.broadcast %squeeze3A_1223 : i32 to vector<16xi32>
          %lt3A_1225 = arith.cmpi slt, %lt3A_1224, %get3A_987 : vector<16xi32>
          %and3A_1226 = arith.andi %and3A_1221, %lt3A_1225 : vector<16xi1>
          %broadcast_in_dim3A_1227 = arith.constant 0 : i32
          %broadcast_in_dim3A_1228 = vector.broadcast %broadcast_in_dim3A_1227 : i32 to vector<16xi32>
          %select_n3A_1229 = arith.select %and3A_1226, %broadcast_in_dim3A_1158, %broadcast_in_dim3A_1228 : vector<16xi1>, vector<16xi32>
          %add3A_1230 = arith.addi %add3A_1212, %select_n3A_1229 : vector<16xi32>
          %slice3A_1231 = vector.extract_strided_slice %get3A_1150 {offsets = [4], sizes = [1], strides = [1]} : vector<16xi32> to vector<1xi32>
          %squeeze3A_1232 = vector.extract %slice3A_1231[0] : i32 from vector<1xi32>
          %eq3A_1233 = vector.broadcast %squeeze3A_1232 : i32 to vector<16xi32>
          %eq3A_1234 = arith.cmpi eq, %get3A_981, %eq3A_1233 : vector<16xi32>
          %slice3A_1235 = vector.extract_strided_slice %get3A_1153 {offsets = [4], sizes = [1], strides = [1]} : vector<16xi32> to vector<1xi32>
          %squeeze3A_1236 = vector.extract %slice3A_1235[0] : i32 from vector<1xi32>
          %eq3A_1237 = vector.broadcast %squeeze3A_1236 : i32 to vector<16xi32>
          %eq3A_1238 = arith.cmpi eq, %get3A_984, %eq3A_1237 : vector<16xi32>
          %and3A_1239 = arith.andi %eq3A_1234, %eq3A_1238 : vector<16xi1>
          %slice3A_1240 = vector.extract_strided_slice %get3A_1156 {offsets = [4], sizes = [1], strides = [1]} : vector<16xi32> to vector<1xi32>
          %squeeze3A_1241 = vector.extract %slice3A_1240[0] : i32 from vector<1xi32>
          %lt3A_1242 = vector.broadcast %squeeze3A_1241 : i32 to vector<16xi32>
          %lt3A_1243 = arith.cmpi slt, %lt3A_1242, %get3A_987 : vector<16xi32>
          %and3A_1244 = arith.andi %and3A_1239, %lt3A_1243 : vector<16xi1>
          %broadcast_in_dim3A_1245 = arith.constant 0 : i32
          %broadcast_in_dim3A_1246 = vector.broadcast %broadcast_in_dim3A_1245 : i32 to vector<16xi32>
          %select_n3A_1247 = arith.select %and3A_1244, %broadcast_in_dim3A_1158, %broadcast_in_dim3A_1246 : vector<16xi1>, vector<16xi32>
          %add3A_1248 = arith.addi %add3A_1230, %select_n3A_1247 : vector<16xi32>
          %slice3A_1249 = vector.extract_strided_slice %get3A_1150 {offsets = [5], sizes = [1], strides = [1]} : vector<16xi32> to vector<1xi32>
          %squeeze3A_1250 = vector.extract %slice3A_1249[0] : i32 from vector<1xi32>
          %eq3A_1251 = vector.broadcast %squeeze3A_1250 : i32 to vector<16xi32>
          %eq3A_1252 = arith.cmpi eq, %get3A_981, %eq3A_1251 : vector<16xi32>
          %slice3A_1253 = vector.extract_strided_slice %get3A_1153 {offsets = [5], sizes = [1], strides = [1]} : vector<16xi32> to vector<1xi32>
          %squeeze3A_1254 = vector.extract %slice3A_1253[0] : i32 from vector<1xi32>
          %eq3A_1255 = vector.broadcast %squeeze3A_1254 : i32 to vector<16xi32>
          %eq3A_1256 = arith.cmpi eq, %get3A_984, %eq3A_1255 : vector<16xi32>
          %and3A_1257 = arith.andi %eq3A_1252, %eq3A_1256 : vector<16xi1>
          %slice3A_1258 = vector.extract_strided_slice %get3A_1156 {offsets = [5], sizes = [1], strides = [1]} : vector<16xi32> to vector<1xi32>
          %squeeze3A_1259 = vector.extract %slice3A_1258[0] : i32 from vector<1xi32>
          %lt3A_1260 = vector.broadcast %squeeze3A_1259 : i32 to vector<16xi32>
          %lt3A_1261 = arith.cmpi slt, %lt3A_1260, %get3A_987 : vector<16xi32>
          %and3A_1262 = arith.andi %and3A_1257, %lt3A_1261 : vector<16xi1>
          %broadcast_in_dim3A_1263 = arith.constant 0 : i32
          %broadcast_in_dim3A_1264 = vector.broadcast %broadcast_in_dim3A_1263 : i32 to vector<16xi32>
          %select_n3A_1265 = arith.select %and3A_1262, %broadcast_in_dim3A_1158, %broadcast_in_dim3A_1264 : vector<16xi1>, vector<16xi32>
          %add3A_1266 = arith.addi %add3A_1248, %select_n3A_1265 : vector<16xi32>
          %slice3A_1267 = vector.extract_strided_slice %get3A_1150 {offsets = [6], sizes = [1], strides = [1]} : vector<16xi32> to vector<1xi32>
          %squeeze3A_1268 = vector.extract %slice3A_1267[0] : i32 from vector<1xi32>
          %eq3A_1269 = vector.broadcast %squeeze3A_1268 : i32 to vector<16xi32>
          %eq3A_1270 = arith.cmpi eq, %get3A_981, %eq3A_1269 : vector<16xi32>
          %slice3A_1271 = vector.extract_strided_slice %get3A_1153 {offsets = [6], sizes = [1], strides = [1]} : vector<16xi32> to vector<1xi32>
          %squeeze3A_1272 = vector.extract %slice3A_1271[0] : i32 from vector<1xi32>
          %eq3A_1273 = vector.broadcast %squeeze3A_1272 : i32 to vector<16xi32>
          %eq3A_1274 = arith.cmpi eq, %get3A_984, %eq3A_1273 : vector<16xi32>
          %and3A_1275 = arith.andi %eq3A_1270, %eq3A_1274 : vector<16xi1>
          %slice3A_1276 = vector.extract_strided_slice %get3A_1156 {offsets = [6], sizes = [1], strides = [1]} : vector<16xi32> to vector<1xi32>
          %squeeze3A_1277 = vector.extract %slice3A_1276[0] : i32 from vector<1xi32>
          %lt3A_1278 = vector.broadcast %squeeze3A_1277 : i32 to vector<16xi32>
          %lt3A_1279 = arith.cmpi slt, %lt3A_1278, %get3A_987 : vector<16xi32>
          %and3A_1280 = arith.andi %and3A_1275, %lt3A_1279 : vector<16xi1>
          %broadcast_in_dim3A_1281 = arith.constant 0 : i32
          %broadcast_in_dim3A_1282 = vector.broadcast %broadcast_in_dim3A_1281 : i32 to vector<16xi32>
          %select_n3A_1283 = arith.select %and3A_1280, %broadcast_in_dim3A_1158, %broadcast_in_dim3A_1282 : vector<16xi1>, vector<16xi32>
          %add3A_1284 = arith.addi %add3A_1266, %select_n3A_1283 : vector<16xi32>
          %slice3A_1285 = vector.extract_strided_slice %get3A_1150 {offsets = [7], sizes = [1], strides = [1]} : vector<16xi32> to vector<1xi32>
          %squeeze3A_1286 = vector.extract %slice3A_1285[0] : i32 from vector<1xi32>
          %eq3A_1287 = vector.broadcast %squeeze3A_1286 : i32 to vector<16xi32>
          %eq3A_1288 = arith.cmpi eq, %get3A_981, %eq3A_1287 : vector<16xi32>
          %slice3A_1289 = vector.extract_strided_slice %get3A_1153 {offsets = [7], sizes = [1], strides = [1]} : vector<16xi32> to vector<1xi32>
          %squeeze3A_1290 = vector.extract %slice3A_1289[0] : i32 from vector<1xi32>
          %eq3A_1291 = vector.broadcast %squeeze3A_1290 : i32 to vector<16xi32>
          %eq3A_1292 = arith.cmpi eq, %get3A_984, %eq3A_1291 : vector<16xi32>
          %and3A_1293 = arith.andi %eq3A_1288, %eq3A_1292 : vector<16xi1>
          %slice3A_1294 = vector.extract_strided_slice %get3A_1156 {offsets = [7], sizes = [1], strides = [1]} : vector<16xi32> to vector<1xi32>
          %squeeze3A_1295 = vector.extract %slice3A_1294[0] : i32 from vector<1xi32>
          %lt3A_1296 = vector.broadcast %squeeze3A_1295 : i32 to vector<16xi32>
          %lt3A_1297 = arith.cmpi slt, %lt3A_1296, %get3A_987 : vector<16xi32>
          %and3A_1298 = arith.andi %and3A_1293, %lt3A_1297 : vector<16xi1>
          %broadcast_in_dim3A_1299 = arith.constant 0 : i32
          %broadcast_in_dim3A_1300 = vector.broadcast %broadcast_in_dim3A_1299 : i32 to vector<16xi32>
          %select_n3A_1301 = arith.select %and3A_1298, %broadcast_in_dim3A_1158, %broadcast_in_dim3A_1300 : vector<16xi1>, vector<16xi32>
          %add3A_1302 = arith.addi %add3A_1284, %select_n3A_1301 : vector<16xi32>
          %slice3A_1303 = vector.extract_strided_slice %get3A_1150 {offsets = [8], sizes = [1], strides = [1]} : vector<16xi32> to vector<1xi32>
          %squeeze3A_1304 = vector.extract %slice3A_1303[0] : i32 from vector<1xi32>
          %eq3A_1305 = vector.broadcast %squeeze3A_1304 : i32 to vector<16xi32>
          %eq3A_1306 = arith.cmpi eq, %get3A_981, %eq3A_1305 : vector<16xi32>
          %slice3A_1307 = vector.extract_strided_slice %get3A_1153 {offsets = [8], sizes = [1], strides = [1]} : vector<16xi32> to vector<1xi32>
          %squeeze3A_1308 = vector.extract %slice3A_1307[0] : i32 from vector<1xi32>
          %eq3A_1309 = vector.broadcast %squeeze3A_1308 : i32 to vector<16xi32>
          %eq3A_1310 = arith.cmpi eq, %get3A_984, %eq3A_1309 : vector<16xi32>
          %and3A_1311 = arith.andi %eq3A_1306, %eq3A_1310 : vector<16xi1>
          %slice3A_1312 = vector.extract_strided_slice %get3A_1156 {offsets = [8], sizes = [1], strides = [1]} : vector<16xi32> to vector<1xi32>
          %squeeze3A_1313 = vector.extract %slice3A_1312[0] : i32 from vector<1xi32>
          %lt3A_1314 = vector.broadcast %squeeze3A_1313 : i32 to vector<16xi32>
          %lt3A_1315 = arith.cmpi slt, %lt3A_1314, %get3A_987 : vector<16xi32>
          %and3A_1316 = arith.andi %and3A_1311, %lt3A_1315 : vector<16xi1>
          %broadcast_in_dim3A_1317 = arith.constant 0 : i32
          %broadcast_in_dim3A_1318 = vector.broadcast %broadcast_in_dim3A_1317 : i32 to vector<16xi32>
          %select_n3A_1319 = arith.select %and3A_1316, %broadcast_in_dim3A_1158, %broadcast_in_dim3A_1318 : vector<16xi1>, vector<16xi32>
          %add3A_1320 = arith.addi %add3A_1302, %select_n3A_1319 : vector<16xi32>
          %slice3A_1321 = vector.extract_strided_slice %get3A_1150 {offsets = [9], sizes = [1], strides = [1]} : vector<16xi32> to vector<1xi32>
          %squeeze3A_1322 = vector.extract %slice3A_1321[0] : i32 from vector<1xi32>
          %eq3A_1323 = vector.broadcast %squeeze3A_1322 : i32 to vector<16xi32>
          %eq3A_1324 = arith.cmpi eq, %get3A_981, %eq3A_1323 : vector<16xi32>
          %slice3A_1325 = vector.extract_strided_slice %get3A_1153 {offsets = [9], sizes = [1], strides = [1]} : vector<16xi32> to vector<1xi32>
          %squeeze3A_1326 = vector.extract %slice3A_1325[0] : i32 from vector<1xi32>
          %eq3A_1327 = vector.broadcast %squeeze3A_1326 : i32 to vector<16xi32>
          %eq3A_1328 = arith.cmpi eq, %get3A_984, %eq3A_1327 : vector<16xi32>
          %and3A_1329 = arith.andi %eq3A_1324, %eq3A_1328 : vector<16xi1>
          %slice3A_1330 = vector.extract_strided_slice %get3A_1156 {offsets = [9], sizes = [1], strides = [1]} : vector<16xi32> to vector<1xi32>
          %squeeze3A_1331 = vector.extract %slice3A_1330[0] : i32 from vector<1xi32>
          %lt3A_1332 = vector.broadcast %squeeze3A_1331 : i32 to vector<16xi32>
          %lt3A_1333 = arith.cmpi slt, %lt3A_1332, %get3A_987 : vector<16xi32>
          %and3A_1334 = arith.andi %and3A_1329, %lt3A_1333 : vector<16xi1>
          %broadcast_in_dim3A_1335 = arith.constant 0 : i32
          %broadcast_in_dim3A_1336 = vector.broadcast %broadcast_in_dim3A_1335 : i32 to vector<16xi32>
          %select_n3A_1337 = arith.select %and3A_1334, %broadcast_in_dim3A_1158, %broadcast_in_dim3A_1336 : vector<16xi1>, vector<16xi32>
          %add3A_1338 = arith.addi %add3A_1320, %select_n3A_1337 : vector<16xi32>
          %slice3A_1339 = vector.extract_strided_slice %get3A_1150 {offsets = [10], sizes = [1], strides = [1]} : vector<16xi32> to vector<1xi32>
          %squeeze3A_1340 = vector.extract %slice3A_1339[0] : i32 from vector<1xi32>
          %eq3A_1341 = vector.broadcast %squeeze3A_1340 : i32 to vector<16xi32>
          %eq3A_1342 = arith.cmpi eq, %get3A_981, %eq3A_1341 : vector<16xi32>
          %slice3A_1343 = vector.extract_strided_slice %get3A_1153 {offsets = [10], sizes = [1], strides = [1]} : vector<16xi32> to vector<1xi32>
          %squeeze3A_1344 = vector.extract %slice3A_1343[0] : i32 from vector<1xi32>
          %eq3A_1345 = vector.broadcast %squeeze3A_1344 : i32 to vector<16xi32>
          %eq3A_1346 = arith.cmpi eq, %get3A_984, %eq3A_1345 : vector<16xi32>
          %and3A_1347 = arith.andi %eq3A_1342, %eq3A_1346 : vector<16xi1>
          %slice3A_1348 = vector.extract_strided_slice %get3A_1156 {offsets = [10], sizes = [1], strides = [1]} : vector<16xi32> to vector<1xi32>
          %squeeze3A_1349 = vector.extract %slice3A_1348[0] : i32 from vector<1xi32>
          %lt3A_1350 = vector.broadcast %squeeze3A_1349 : i32 to vector<16xi32>
          %lt3A_1351 = arith.cmpi slt, %lt3A_1350, %get3A_987 : vector<16xi32>
          %and3A_1352 = arith.andi %and3A_1347, %lt3A_1351 : vector<16xi1>
          %broadcast_in_dim3A_1353 = arith.constant 0 : i32
          %broadcast_in_dim3A_1354 = vector.broadcast %broadcast_in_dim3A_1353 : i32 to vector<16xi32>
          %select_n3A_1355 = arith.select %and3A_1352, %broadcast_in_dim3A_1158, %broadcast_in_dim3A_1354 : vector<16xi1>, vector<16xi32>
          %add3A_1356 = arith.addi %add3A_1338, %select_n3A_1355 : vector<16xi32>
          %slice3A_1357 = vector.extract_strided_slice %get3A_1150 {offsets = [11], sizes = [1], strides = [1]} : vector<16xi32> to vector<1xi32>
          %squeeze3A_1358 = vector.extract %slice3A_1357[0] : i32 from vector<1xi32>
          %eq3A_1359 = vector.broadcast %squeeze3A_1358 : i32 to vector<16xi32>
          %eq3A_1360 = arith.cmpi eq, %get3A_981, %eq3A_1359 : vector<16xi32>
          %slice3A_1361 = vector.extract_strided_slice %get3A_1153 {offsets = [11], sizes = [1], strides = [1]} : vector<16xi32> to vector<1xi32>
          %squeeze3A_1362 = vector.extract %slice3A_1361[0] : i32 from vector<1xi32>
          %eq3A_1363 = vector.broadcast %squeeze3A_1362 : i32 to vector<16xi32>
          %eq3A_1364 = arith.cmpi eq, %get3A_984, %eq3A_1363 : vector<16xi32>
          %and3A_1365 = arith.andi %eq3A_1360, %eq3A_1364 : vector<16xi1>
          %slice3A_1366 = vector.extract_strided_slice %get3A_1156 {offsets = [11], sizes = [1], strides = [1]} : vector<16xi32> to vector<1xi32>
          %squeeze3A_1367 = vector.extract %slice3A_1366[0] : i32 from vector<1xi32>
          %lt3A_1368 = vector.broadcast %squeeze3A_1367 : i32 to vector<16xi32>
          %lt3A_1369 = arith.cmpi slt, %lt3A_1368, %get3A_987 : vector<16xi32>
          %and3A_1370 = arith.andi %and3A_1365, %lt3A_1369 : vector<16xi1>
          %broadcast_in_dim3A_1371 = arith.constant 0 : i32
          %broadcast_in_dim3A_1372 = vector.broadcast %broadcast_in_dim3A_1371 : i32 to vector<16xi32>
          %select_n3A_1373 = arith.select %and3A_1370, %broadcast_in_dim3A_1158, %broadcast_in_dim3A_1372 : vector<16xi1>, vector<16xi32>
          %add3A_1374 = arith.addi %add3A_1356, %select_n3A_1373 : vector<16xi32>
          %slice3A_1375 = vector.extract_strided_slice %get3A_1150 {offsets = [12], sizes = [1], strides = [1]} : vector<16xi32> to vector<1xi32>
          %squeeze3A_1376 = vector.extract %slice3A_1375[0] : i32 from vector<1xi32>
          %eq3A_1377 = vector.broadcast %squeeze3A_1376 : i32 to vector<16xi32>
          %eq3A_1378 = arith.cmpi eq, %get3A_981, %eq3A_1377 : vector<16xi32>
          %slice3A_1379 = vector.extract_strided_slice %get3A_1153 {offsets = [12], sizes = [1], strides = [1]} : vector<16xi32> to vector<1xi32>
          %squeeze3A_1380 = vector.extract %slice3A_1379[0] : i32 from vector<1xi32>
          %eq3A_1381 = vector.broadcast %squeeze3A_1380 : i32 to vector<16xi32>
          %eq3A_1382 = arith.cmpi eq, %get3A_984, %eq3A_1381 : vector<16xi32>
          %and3A_1383 = arith.andi %eq3A_1378, %eq3A_1382 : vector<16xi1>
          %slice3A_1384 = vector.extract_strided_slice %get3A_1156 {offsets = [12], sizes = [1], strides = [1]} : vector<16xi32> to vector<1xi32>
          %squeeze3A_1385 = vector.extract %slice3A_1384[0] : i32 from vector<1xi32>
          %lt3A_1386 = vector.broadcast %squeeze3A_1385 : i32 to vector<16xi32>
          %lt3A_1387 = arith.cmpi slt, %lt3A_1386, %get3A_987 : vector<16xi32>
          %and3A_1388 = arith.andi %and3A_1383, %lt3A_1387 : vector<16xi1>
          %broadcast_in_dim3A_1389 = arith.constant 0 : i32
          %broadcast_in_dim3A_1390 = vector.broadcast %broadcast_in_dim3A_1389 : i32 to vector<16xi32>
          %select_n3A_1391 = arith.select %and3A_1388, %broadcast_in_dim3A_1158, %broadcast_in_dim3A_1390 : vector<16xi1>, vector<16xi32>
          %add3A_1392 = arith.addi %add3A_1374, %select_n3A_1391 : vector<16xi32>
          %slice3A_1393 = vector.extract_strided_slice %get3A_1150 {offsets = [13], sizes = [1], strides = [1]} : vector<16xi32> to vector<1xi32>
          %squeeze3A_1394 = vector.extract %slice3A_1393[0] : i32 from vector<1xi32>
          %eq3A_1395 = vector.broadcast %squeeze3A_1394 : i32 to vector<16xi32>
          %eq3A_1396 = arith.cmpi eq, %get3A_981, %eq3A_1395 : vector<16xi32>
          %slice3A_1397 = vector.extract_strided_slice %get3A_1153 {offsets = [13], sizes = [1], strides = [1]} : vector<16xi32> to vector<1xi32>
          %squeeze3A_1398 = vector.extract %slice3A_1397[0] : i32 from vector<1xi32>
          %eq3A_1399 = vector.broadcast %squeeze3A_1398 : i32 to vector<16xi32>
          %eq3A_1400 = arith.cmpi eq, %get3A_984, %eq3A_1399 : vector<16xi32>
          %and3A_1401 = arith.andi %eq3A_1396, %eq3A_1400 : vector<16xi1>
          %slice3A_1402 = vector.extract_strided_slice %get3A_1156 {offsets = [13], sizes = [1], strides = [1]} : vector<16xi32> to vector<1xi32>
          %squeeze3A_1403 = vector.extract %slice3A_1402[0] : i32 from vector<1xi32>
          %lt3A_1404 = vector.broadcast %squeeze3A_1403 : i32 to vector<16xi32>
          %lt3A_1405 = arith.cmpi slt, %lt3A_1404, %get3A_987 : vector<16xi32>
          %and3A_1406 = arith.andi %and3A_1401, %lt3A_1405 : vector<16xi1>
          %broadcast_in_dim3A_1407 = arith.constant 0 : i32
          %broadcast_in_dim3A_1408 = vector.broadcast %broadcast_in_dim3A_1407 : i32 to vector<16xi32>
          %select_n3A_1409 = arith.select %and3A_1406, %broadcast_in_dim3A_1158, %broadcast_in_dim3A_1408 : vector<16xi1>, vector<16xi32>
          %add3A_1410 = arith.addi %add3A_1392, %select_n3A_1409 : vector<16xi32>
          %slice3A_1411 = vector.extract_strided_slice %get3A_1150 {offsets = [14], sizes = [1], strides = [1]} : vector<16xi32> to vector<1xi32>
          %squeeze3A_1412 = vector.extract %slice3A_1411[0] : i32 from vector<1xi32>
          %eq3A_1413 = vector.broadcast %squeeze3A_1412 : i32 to vector<16xi32>
          %eq3A_1414 = arith.cmpi eq, %get3A_981, %eq3A_1413 : vector<16xi32>
          %slice3A_1415 = vector.extract_strided_slice %get3A_1153 {offsets = [14], sizes = [1], strides = [1]} : vector<16xi32> to vector<1xi32>
          %squeeze3A_1416 = vector.extract %slice3A_1415[0] : i32 from vector<1xi32>
          %eq3A_1417 = vector.broadcast %squeeze3A_1416 : i32 to vector<16xi32>
          %eq3A_1418 = arith.cmpi eq, %get3A_984, %eq3A_1417 : vector<16xi32>
          %and3A_1419 = arith.andi %eq3A_1414, %eq3A_1418 : vector<16xi1>
          %slice3A_1420 = vector.extract_strided_slice %get3A_1156 {offsets = [14], sizes = [1], strides = [1]} : vector<16xi32> to vector<1xi32>
          %squeeze3A_1421 = vector.extract %slice3A_1420[0] : i32 from vector<1xi32>
          %lt3A_1422 = vector.broadcast %squeeze3A_1421 : i32 to vector<16xi32>
          %lt3A_1423 = arith.cmpi slt, %lt3A_1422, %get3A_987 : vector<16xi32>
          %and3A_1424 = arith.andi %and3A_1419, %lt3A_1423 : vector<16xi1>
          %broadcast_in_dim3A_1425 = arith.constant 0 : i32
          %broadcast_in_dim3A_1426 = vector.broadcast %broadcast_in_dim3A_1425 : i32 to vector<16xi32>
          %select_n3A_1427 = arith.select %and3A_1424, %broadcast_in_dim3A_1158, %broadcast_in_dim3A_1426 : vector<16xi1>, vector<16xi32>
          %add3A_1428 = arith.addi %add3A_1410, %select_n3A_1427 : vector<16xi32>
          %slice3A_1429 = vector.extract_strided_slice %get3A_1150 {offsets = [15], sizes = [1], strides = [1]} : vector<16xi32> to vector<1xi32>
          %squeeze3A_1430 = vector.extract %slice3A_1429[0] : i32 from vector<1xi32>
          %eq3A_1431 = vector.broadcast %squeeze3A_1430 : i32 to vector<16xi32>
          %eq3A_1432 = arith.cmpi eq, %get3A_981, %eq3A_1431 : vector<16xi32>
          %slice3A_1433 = vector.extract_strided_slice %get3A_1153 {offsets = [15], sizes = [1], strides = [1]} : vector<16xi32> to vector<1xi32>
          %squeeze3A_1434 = vector.extract %slice3A_1433[0] : i32 from vector<1xi32>
          %eq3A_1435 = vector.broadcast %squeeze3A_1434 : i32 to vector<16xi32>
          %eq3A_1436 = arith.cmpi eq, %get3A_984, %eq3A_1435 : vector<16xi32>
          %and3A_1437 = arith.andi %eq3A_1432, %eq3A_1436 : vector<16xi1>
          %slice3A_1438 = vector.extract_strided_slice %get3A_1156 {offsets = [15], sizes = [1], strides = [1]} : vector<16xi32> to vector<1xi32>
          %squeeze3A_1439 = vector.extract %slice3A_1438[0] : i32 from vector<1xi32>
          %lt3A_1440 = vector.broadcast %squeeze3A_1439 : i32 to vector<16xi32>
          %lt3A_1441 = arith.cmpi slt, %lt3A_1440, %get3A_987 : vector<16xi32>
          %and3A_1442 = arith.andi %and3A_1437, %lt3A_1441 : vector<16xi1>
          %broadcast_in_dim3A_1443 = arith.constant 0 : i32
          %broadcast_in_dim3A_1444 = vector.broadcast %broadcast_in_dim3A_1443 : i32 to vector<16xi32>
          %select_n3A_1445 = arith.select %and3A_1442, %broadcast_in_dim3A_1158, %broadcast_in_dim3A_1444 : vector<16xi1>, vector<16xi32>
          %add3A_1446 = arith.addi %add3A_1428, %select_n3A_1445 : vector<16xi32>
          scf.yield %add3A_1446 : vector<16xi32>
        }
        %while3A_1141 = arith.constant 1 : i32
        %while3A_1142 = scf.for %while3A_1143 = %while3A_1138 to %while3A_1134 step %while3A_1141 iter_args(%while3A_1144 = %while3A_1140) -> (vector<16xi32>)  : i32 {
          %mul3A_1145 = arith.constant 16 : i32
          %mul3A_1146 = arith.muli %while3A_1143, %mul3A_1145 : i32
          %add3A_1147 = arith.addi %mul3A_1131, %mul3A_1146 : i32
          %get3A_1148 = arith.index_cast %add3A_1147 : i32 to index
          %get3A_1149 = tpu.vector_load %arg18[%get3A_1148] {strides = array<i32>} : memref<16640xi32, #tpu.memory_space<vmem>>, vector<16xi32>,
          %get3A_1150 = vector.shape_cast %get3A_1149 : vector<16xi32> to vector<16xi32>
          %get3A_1151 = arith.index_cast %add3A_1147 : i32 to index
          %get3A_1152 = tpu.vector_load %arg19[%get3A_1151] {strides = array<i32>} : memref<16640xi32, #tpu.memory_space<vmem>>, vector<16xi32>,
          %get3A_1153 = vector.shape_cast %get3A_1152 : vector<16xi32> to vector<16xi32>
          %get3A_1154 = arith.index_cast %add3A_1147 : i32 to index
          %get3A_1155 = tpu.vector_load %arg20[%get3A_1154] {strides = array<i32>} : memref<16640xi32, #tpu.memory_space<vmem>>, vector<16xi32>,
          %get3A_1156 = vector.shape_cast %get3A_1155 : vector<16xi32> to vector<16xi32>
          %broadcast_in_dim3A_1157 = arith.constant 1 : i32
          %broadcast_in_dim3A_1158 = vector.broadcast %broadcast_in_dim3A_1157 : i32 to vector<16xi32>
          %slice3A_1159 = vector.extract_strided_slice %get3A_1150 {offsets = [0], sizes = [1], strides = [1]} : vector<16xi32> to vector<1xi32>
          %squeeze3A_1160 = vector.extract %slice3A_1159[0] : i32 from vector<1xi32>
          %eq3A_1161 = vector.broadcast %squeeze3A_1160 : i32 to vector<16xi32>
          %eq3A_1162 = arith.cmpi eq, %get3A_981, %eq3A_1161 : vector<16xi32>
          %slice3A_1163 = vector.extract_strided_slice %get3A_1153 {offsets = [0], sizes = [1], strides = [1]} : vector<16xi32> to vector<1xi32>
          %squeeze3A_1164 = vector.extract %slice3A_1163[0] : i32 from vector<1xi32>
          %eq3A_1165 = vector.broadcast %squeeze3A_1164 : i32 to vector<16xi32>
          %eq3A_1166 = arith.cmpi eq, %get3A_984, %eq3A_1165 : vector<16xi32>
          %and3A_1167 = arith.andi %eq3A_1162, %eq3A_1166 : vector<16xi1>
          %slice3A_1168 = vector.extract_strided_slice %get3A_1156 {offsets = [0], sizes = [1], strides = [1]} : vector<16xi32> to vector<1xi32>
          %squeeze3A_1169 = vector.extract %slice3A_1168[0] : i32 from vector<1xi32>
          %lt3A_1170 = vector.broadcast %squeeze3A_1169 : i32 to vector<16xi32>
          %lt3A_1171 = arith.cmpi slt, %lt3A_1170, %get3A_987 : vector<16xi32>
          %and3A_1172 = arith.andi %and3A_1167, %lt3A_1171 : vector<16xi1>
          %broadcast_in_dim3A_1173 = arith.constant 0 : i32
          %broadcast_in_dim3A_1174 = vector.broadcast %broadcast_in_dim3A_1173 : i32 to vector<16xi32>
          %select_n3A_1175 = arith.select %and3A_1172, %broadcast_in_dim3A_1158, %broadcast_in_dim3A_1174 : vector<16xi1>, vector<16xi32>
          %add3A_1176 = arith.addi %while3A_1144, %select_n3A_1175 : vector<16xi32>
          %slice3A_1177 = vector.extract_strided_slice %get3A_1150 {offsets = [1], sizes = [1], strides = [1]} : vector<16xi32> to vector<1xi32>
          %squeeze3A_1178 = vector.extract %slice3A_1177[0] : i32 from vector<1xi32>
          %eq3A_1179 = vector.broadcast %squeeze3A_1178 : i32 to vector<16xi32>
          %eq3A_1180 = arith.cmpi eq, %get3A_981, %eq3A_1179 : vector<16xi32>
          %slice3A_1181 = vector.extract_strided_slice %get3A_1153 {offsets = [1], sizes = [1], strides = [1]} : vector<16xi32> to vector<1xi32>
          %squeeze3A_1182 = vector.extract %slice3A_1181[0] : i32 from vector<1xi32>
          %eq3A_1183 = vector.broadcast %squeeze3A_1182 : i32 to vector<16xi32>
          %eq3A_1184 = arith.cmpi eq, %get3A_984, %eq3A_1183 : vector<16xi32>
          %and3A_1185 = arith.andi %eq3A_1180, %eq3A_1184 : vector<16xi1>
          %slice3A_1186 = vector.extract_strided_slice %get3A_1156 {offsets = [1], sizes = [1], strides = [1]} : vector<16xi32> to vector<1xi32>
          %squeeze3A_1187 = vector.extract %slice3A_1186[0] : i32 from vector<1xi32>
          %lt3A_1188 = vector.broadcast %squeeze3A_1187 : i32 to vector<16xi32>
          %lt3A_1189 = arith.cmpi slt, %lt3A_1188, %get3A_987 : vector<16xi32>
          %and3A_1190 = arith.andi %and3A_1185, %lt3A_1189 : vector<16xi1>
          %broadcast_in_dim3A_1191 = arith.constant 0 : i32
          %broadcast_in_dim3A_1192 = vector.broadcast %broadcast_in_dim3A_1191 : i32 to vector<16xi32>
          %select_n3A_1193 = arith.select %and3A_1190, %broadcast_in_dim3A_1158, %broadcast_in_dim3A_1192 : vector<16xi1>, vector<16xi32>
          %add3A_1194 = arith.addi %add3A_1176, %select_n3A_1193 : vector<16xi32>
          %slice3A_1195 = vector.extract_strided_slice %get3A_1150 {offsets = [2], sizes = [1], strides = [1]} : vector<16xi32> to vector<1xi32>
          %squeeze3A_1196 = vector.extract %slice3A_1195[0] : i32 from vector<1xi32>
          %eq3A_1197 = vector.broadcast %squeeze3A_1196 : i32 to vector<16xi32>
          %eq3A_1198 = arith.cmpi eq, %get3A_981, %eq3A_1197 : vector<16xi32>
          %slice3A_1199 = vector.extract_strided_slice %get3A_1153 {offsets = [2], sizes = [1], strides = [1]} : vector<16xi32> to vector<1xi32>
          %squeeze3A_1200 = vector.extract %slice3A_1199[0] : i32 from vector<1xi32>
          %eq3A_1201 = vector.broadcast %squeeze3A_1200 : i32 to vector<16xi32>
          %eq3A_1202 = arith.cmpi eq, %get3A_984, %eq3A_1201 : vector<16xi32>
          %and3A_1203 = arith.andi %eq3A_1198, %eq3A_1202 : vector<16xi1>
          %slice3A_1204 = vector.extract_strided_slice %get3A_1156 {offsets = [2], sizes = [1], strides = [1]} : vector<16xi32> to vector<1xi32>
          %squeeze3A_1205 = vector.extract %slice3A_1204[0] : i32 from vector<1xi32>
          %lt3A_1206 = vector.broadcast %squeeze3A_1205 : i32 to vector<16xi32>
          %lt3A_1207 = arith.cmpi slt, %lt3A_1206, %get3A_987 : vector<16xi32>
          %and3A_1208 = arith.andi %and3A_1203, %lt3A_1207 : vector<16xi1>
          %broadcast_in_dim3A_1209 = arith.constant 0 : i32
          %broadcast_in_dim3A_1210 = vector.broadcast %broadcast_in_dim3A_1209 : i32 to vector<16xi32>
          %select_n3A_1211 = arith.select %and3A_1208, %broadcast_in_dim3A_1158, %broadcast_in_dim3A_1210 : vector<16xi1>, vector<16xi32>
          %add3A_1212 = arith.addi %add3A_1194, %select_n3A_1211 : vector<16xi32>
          %slice3A_1213 = vector.extract_strided_slice %get3A_1150 {offsets = [3], sizes = [1], strides = [1]} : vector<16xi32> to vector<1xi32>
          %squeeze3A_1214 = vector.extract %slice3A_1213[0] : i32 from vector<1xi32>
          %eq3A_1215 = vector.broadcast %squeeze3A_1214 : i32 to vector<16xi32>
          %eq3A_1216 = arith.cmpi eq, %get3A_981, %eq3A_1215 : vector<16xi32>
          %slice3A_1217 = vector.extract_strided_slice %get3A_1153 {offsets = [3], sizes = [1], strides = [1]} : vector<16xi32> to vector<1xi32>
          %squeeze3A_1218 = vector.extract %slice3A_1217[0] : i32 from vector<1xi32>
          %eq3A_1219 = vector.broadcast %squeeze3A_1218 : i32 to vector<16xi32>
          %eq3A_1220 = arith.cmpi eq, %get3A_984, %eq3A_1219 : vector<16xi32>
          %and3A_1221 = arith.andi %eq3A_1216, %eq3A_1220 : vector<16xi1>
          %slice3A_1222 = vector.extract_strided_slice %get3A_1156 {offsets = [3], sizes = [1], strides = [1]} : vector<16xi32> to vector<1xi32>
          %squeeze3A_1223 = vector.extract %slice3A_1222[0] : i32 from vector<1xi32>
          %lt3A_1224 = vector.broadcast %squeeze3A_1223 : i32 to vector<16xi32>
          %lt3A_1225 = arith.cmpi slt, %lt3A_1224, %get3A_987 : vector<16xi32>
          %and3A_1226 = arith.andi %and3A_1221, %lt3A_1225 : vector<16xi1>
          %broadcast_in_dim3A_1227 = arith.constant 0 : i32
          %broadcast_in_dim3A_1228 = vector.broadcast %broadcast_in_dim3A_1227 : i32 to vector<16xi32>
          %select_n3A_1229 = arith.select %and3A_1226, %broadcast_in_dim3A_1158, %broadcast_in_dim3A_1228 : vector<16xi1>, vector<16xi32>
          %add3A_1230 = arith.addi %add3A_1212, %select_n3A_1229 : vector<16xi32>
          %slice3A_1231 = vector.extract_strided_slice %get3A_1150 {offsets = [4], sizes = [1], strides = [1]} : vector<16xi32> to vector<1xi32>
          %squeeze3A_1232 = vector.extract %slice3A_1231[0] : i32 from vector<1xi32>
          %eq3A_1233 = vector.broadcast %squeeze3A_1232 : i32 to vector<16xi32>
          %eq3A_1234 = arith.cmpi eq, %get3A_981, %eq3A_1233 : vector<16xi32>
          %slice3A_1235 = vector.extract_strided_slice %get3A_1153 {offsets = [4], sizes = [1], strides = [1]} : vector<16xi32> to vector<1xi32>
          %squeeze3A_1236 = vector.extract %slice3A_1235[0] : i32 from vector<1xi32>
          %eq3A_1237 = vector.broadcast %squeeze3A_1236 : i32 to vector<16xi32>
          %eq3A_1238 = arith.cmpi eq, %get3A_984, %eq3A_1237 : vector<16xi32>
          %and3A_1239 = arith.andi %eq3A_1234, %eq3A_1238 : vector<16xi1>
          %slice3A_1240 = vector.extract_strided_slice %get3A_1156 {offsets = [4], sizes = [1], strides = [1]} : vector<16xi32> to vector<1xi32>
          %squeeze3A_1241 = vector.extract %slice3A_1240[0] : i32 from vector<1xi32>
          %lt3A_1242 = vector.broadcast %squeeze3A_1241 : i32 to vector<16xi32>
          %lt3A_1243 = arith.cmpi slt, %lt3A_1242, %get3A_987 : vector<16xi32>
          %and3A_1244 = arith.andi %and3A_1239, %lt3A_1243 : vector<16xi1>
          %broadcast_in_dim3A_1245 = arith.constant 0 : i32
          %broadcast_in_dim3A_1246 = vector.broadcast %broadcast_in_dim3A_1245 : i32 to vector<16xi32>
          %select_n3A_1247 = arith.select %and3A_1244, %broadcast_in_dim3A_1158, %broadcast_in_dim3A_1246 : vector<16xi1>, vector<16xi32>
          %add3A_1248 = arith.addi %add3A_1230, %select_n3A_1247 : vector<16xi32>
          %slice3A_1249 = vector.extract_strided_slice %get3A_1150 {offsets = [5], sizes = [1], strides = [1]} : vector<16xi32> to vector<1xi32>
          %squeeze3A_1250 = vector.extract %slice3A_1249[0] : i32 from vector<1xi32>
          %eq3A_1251 = vector.broadcast %squeeze3A_1250 : i32 to vector<16xi32>
          %eq3A_1252 = arith.cmpi eq, %get3A_981, %eq3A_1251 : vector<16xi32>
          %slice3A_1253 = vector.extract_strided_slice %get3A_1153 {offsets = [5], sizes = [1], strides = [1]} : vector<16xi32> to vector<1xi32>
          %squeeze3A_1254 = vector.extract %slice3A_1253[0] : i32 from vector<1xi32>
          %eq3A_1255 = vector.broadcast %squeeze3A_1254 : i32 to vector<16xi32>
          %eq3A_1256 = arith.cmpi eq, %get3A_984, %eq3A_1255 : vector<16xi32>
          %and3A_1257 = arith.andi %eq3A_1252, %eq3A_1256 : vector<16xi1>
          %slice3A_1258 = vector.extract_strided_slice %get3A_1156 {offsets = [5], sizes = [1], strides = [1]} : vector<16xi32> to vector<1xi32>
          %squeeze3A_1259 = vector.extract %slice3A_1258[0] : i32 from vector<1xi32>
          %lt3A_1260 = vector.broadcast %squeeze3A_1259 : i32 to vector<16xi32>
          %lt3A_1261 = arith.cmpi slt, %lt3A_1260, %get3A_987 : vector<16xi32>
          %and3A_1262 = arith.andi %and3A_1257, %lt3A_1261 : vector<16xi1>
          %broadcast_in_dim3A_1263 = arith.constant 0 : i32
          %broadcast_in_dim3A_1264 = vector.broadcast %broadcast_in_dim3A_1263 : i32 to vector<16xi32>
          %select_n3A_1265 = arith.select %and3A_1262, %broadcast_in_dim3A_1158, %broadcast_in_dim3A_1264 : vector<16xi1>, vector<16xi32>
          %add3A_1266 = arith.addi %add3A_1248, %select_n3A_1265 : vector<16xi32>
          %slice3A_1267 = vector.extract_strided_slice %get3A_1150 {offsets = [6], sizes = [1], strides = [1]} : vector<16xi32> to vector<1xi32>
          %squeeze3A_1268 = vector.extract %slice3A_1267[0] : i32 from vector<1xi32>
          %eq3A_1269 = vector.broadcast %squeeze3A_1268 : i32 to vector<16xi32>
          %eq3A_1270 = arith.cmpi eq, %get3A_981, %eq3A_1269 : vector<16xi32>
          %slice3A_1271 = vector.extract_strided_slice %get3A_1153 {offsets = [6], sizes = [1], strides = [1]} : vector<16xi32> to vector<1xi32>
          %squeeze3A_1272 = vector.extract %slice3A_1271[0] : i32 from vector<1xi32>
          %eq3A_1273 = vector.broadcast %squeeze3A_1272 : i32 to vector<16xi32>
          %eq3A_1274 = arith.cmpi eq, %get3A_984, %eq3A_1273 : vector<16xi32>
          %and3A_1275 = arith.andi %eq3A_1270, %eq3A_1274 : vector<16xi1>
          %slice3A_1276 = vector.extract_strided_slice %get3A_1156 {offsets = [6], sizes = [1], strides = [1]} : vector<16xi32> to vector<1xi32>
          %squeeze3A_1277 = vector.extract %slice3A_1276[0] : i32 from vector<1xi32>
          %lt3A_1278 = vector.broadcast %squeeze3A_1277 : i32 to vector<16xi32>
          %lt3A_1279 = arith.cmpi slt, %lt3A_1278, %get3A_987 : vector<16xi32>
          %and3A_1280 = arith.andi %and3A_1275, %lt3A_1279 : vector<16xi1>
          %broadcast_in_dim3A_1281 = arith.constant 0 : i32
          %broadcast_in_dim3A_1282 = vector.broadcast %broadcast_in_dim3A_1281 : i32 to vector<16xi32>
          %select_n3A_1283 = arith.select %and3A_1280, %broadcast_in_dim3A_1158, %broadcast_in_dim3A_1282 : vector<16xi1>, vector<16xi32>
          %add3A_1284 = arith.addi %add3A_1266, %select_n3A_1283 : vector<16xi32>
          %slice3A_1285 = vector.extract_strided_slice %get3A_1150 {offsets = [7], sizes = [1], strides = [1]} : vector<16xi32> to vector<1xi32>
          %squeeze3A_1286 = vector.extract %slice3A_1285[0] : i32 from vector<1xi32>
          %eq3A_1287 = vector.broadcast %squeeze3A_1286 : i32 to vector<16xi32>
          %eq3A_1288 = arith.cmpi eq, %get3A_981, %eq3A_1287 : vector<16xi32>
          %slice3A_1289 = vector.extract_strided_slice %get3A_1153 {offsets = [7], sizes = [1], strides = [1]} : vector<16xi32> to vector<1xi32>
          %squeeze3A_1290 = vector.extract %slice3A_1289[0] : i32 from vector<1xi32>
          %eq3A_1291 = vector.broadcast %squeeze3A_1290 : i32 to vector<16xi32>
          %eq3A_1292 = arith.cmpi eq, %get3A_984, %eq3A_1291 : vector<16xi32>
          %and3A_1293 = arith.andi %eq3A_1288, %eq3A_1292 : vector<16xi1>
          %slice3A_1294 = vector.extract_strided_slice %get3A_1156 {offsets = [7], sizes = [1], strides = [1]} : vector<16xi32> to vector<1xi32>
          %squeeze3A_1295 = vector.extract %slice3A_1294[0] : i32 from vector<1xi32>
          %lt3A_1296 = vector.broadcast %squeeze3A_1295 : i32 to vector<16xi32>
          %lt3A_1297 = arith.cmpi slt, %lt3A_1296, %get3A_987 : vector<16xi32>
          %and3A_1298 = arith.andi %and3A_1293, %lt3A_1297 : vector<16xi1>
          %broadcast_in_dim3A_1299 = arith.constant 0 : i32
          %broadcast_in_dim3A_1300 = vector.broadcast %broadcast_in_dim3A_1299 : i32 to vector<16xi32>
          %select_n3A_1301 = arith.select %and3A_1298, %broadcast_in_dim3A_1158, %broadcast_in_dim3A_1300 : vector<16xi1>, vector<16xi32>
          %add3A_1302 = arith.addi %add3A_1284, %select_n3A_1301 : vector<16xi32>
          %slice3A_1303 = vector.extract_strided_slice %get3A_1150 {offsets = [8], sizes = [1], strides = [1]} : vector<16xi32> to vector<1xi32>
          %squeeze3A_1304 = vector.extract %slice3A_1303[0] : i32 from vector<1xi32>
          %eq3A_1305 = vector.broadcast %squeeze3A_1304 : i32 to vector<16xi32>
          %eq3A_1306 = arith.cmpi eq, %get3A_981, %eq3A_1305 : vector<16xi32>
          %slice3A_1307 = vector.extract_strided_slice %get3A_1153 {offsets = [8], sizes = [1], strides = [1]} : vector<16xi32> to vector<1xi32>
          %squeeze3A_1308 = vector.extract %slice3A_1307[0] : i32 from vector<1xi32>
          %eq3A_1309 = vector.broadcast %squeeze3A_1308 : i32 to vector<16xi32>
          %eq3A_1310 = arith.cmpi eq, %get3A_984, %eq3A_1309 : vector<16xi32>
          %and3A_1311 = arith.andi %eq3A_1306, %eq3A_1310 : vector<16xi1>
          %slice3A_1312 = vector.extract_strided_slice %get3A_1156 {offsets = [8], sizes = [1], strides = [1]} : vector<16xi32> to vector<1xi32>
          %squeeze3A_1313 = vector.extract %slice3A_1312[0] : i32 from vector<1xi32>
          %lt3A_1314 = vector.broadcast %squeeze3A_1313 : i32 to vector<16xi32>
          %lt3A_1315 = arith.cmpi slt, %lt3A_1314, %get3A_987 : vector<16xi32>
          %and3A_1316 = arith.andi %and3A_1311, %lt3A_1315 : vector<16xi1>
          %broadcast_in_dim3A_1317 = arith.constant 0 : i32
          %broadcast_in_dim3A_1318 = vector.broadcast %broadcast_in_dim3A_1317 : i32 to vector<16xi32>
          %select_n3A_1319 = arith.select %and3A_1316, %broadcast_in_dim3A_1158, %broadcast_in_dim3A_1318 : vector<16xi1>, vector<16xi32>
          %add3A_1320 = arith.addi %add3A_1302, %select_n3A_1319 : vector<16xi32>
          %slice3A_1321 = vector.extract_strided_slice %get3A_1150 {offsets = [9], sizes = [1], strides = [1]} : vector<16xi32> to vector<1xi32>
          %squeeze3A_1322 = vector.extract %slice3A_1321[0] : i32 from vector<1xi32>
          %eq3A_1323 = vector.broadcast %squeeze3A_1322 : i32 to vector<16xi32>
          %eq3A_1324 = arith.cmpi eq, %get3A_981, %eq3A_1323 : vector<16xi32>
          %slice3A_1325 = vector.extract_strided_slice %get3A_1153 {offsets = [9], sizes = [1], strides = [1]} : vector<16xi32> to vector<1xi32>
          %squeeze3A_1326 = vector.extract %slice3A_1325[0] : i32 from vector<1xi32>
          %eq3A_1327 = vector.broadcast %squeeze3A_1326 : i32 to vector<16xi32>
          %eq3A_1328 = arith.cmpi eq, %get3A_984, %eq3A_1327 : vector<16xi32>
          %and3A_1329 = arith.andi %eq3A_1324, %eq3A_1328 : vector<16xi1>
          %slice3A_1330 = vector.extract_strided_slice %get3A_1156 {offsets = [9], sizes = [1], strides = [1]} : vector<16xi32> to vector<1xi32>
          %squeeze3A_1331 = vector.extract %slice3A_1330[0] : i32 from vector<1xi32>
          %lt3A_1332 = vector.broadcast %squeeze3A_1331 : i32 to vector<16xi32>
          %lt3A_1333 = arith.cmpi slt, %lt3A_1332, %get3A_987 : vector<16xi32>
          %and3A_1334 = arith.andi %and3A_1329, %lt3A_1333 : vector<16xi1>
          %broadcast_in_dim3A_1335 = arith.constant 0 : i32
          %broadcast_in_dim3A_1336 = vector.broadcast %broadcast_in_dim3A_1335 : i32 to vector<16xi32>
          %select_n3A_1337 = arith.select %and3A_1334, %broadcast_in_dim3A_1158, %broadcast_in_dim3A_1336 : vector<16xi1>, vector<16xi32>
          %add3A_1338 = arith.addi %add3A_1320, %select_n3A_1337 : vector<16xi32>
          %slice3A_1339 = vector.extract_strided_slice %get3A_1150 {offsets = [10], sizes = [1], strides = [1]} : vector<16xi32> to vector<1xi32>
          %squeeze3A_1340 = vector.extract %slice3A_1339[0] : i32 from vector<1xi32>
          %eq3A_1341 = vector.broadcast %squeeze3A_1340 : i32 to vector<16xi32>
          %eq3A_1342 = arith.cmpi eq, %get3A_981, %eq3A_1341 : vector<16xi32>
          %slice3A_1343 = vector.extract_strided_slice %get3A_1153 {offsets = [10], sizes = [1], strides = [1]} : vector<16xi32> to vector<1xi32>
          %squeeze3A_1344 = vector.extract %slice3A_1343[0] : i32 from vector<1xi32>
          %eq3A_1345 = vector.broadcast %squeeze3A_1344 : i32 to vector<16xi32>
          %eq3A_1346 = arith.cmpi eq, %get3A_984, %eq3A_1345 : vector<16xi32>
          %and3A_1347 = arith.andi %eq3A_1342, %eq3A_1346 : vector<16xi1>
          %slice3A_1348 = vector.extract_strided_slice %get3A_1156 {offsets = [10], sizes = [1], strides = [1]} : vector<16xi32> to vector<1xi32>
          %squeeze3A_1349 = vector.extract %slice3A_1348[0] : i32 from vector<1xi32>
          %lt3A_1350 = vector.broadcast %squeeze3A_1349 : i32 to vector<16xi32>
          %lt3A_1351 = arith.cmpi slt, %lt3A_1350, %get3A_987 : vector<16xi32>
          %and3A_1352 = arith.andi %and3A_1347, %lt3A_1351 : vector<16xi1>
          %broadcast_in_dim3A_1353 = arith.constant 0 : i32
          %broadcast_in_dim3A_1354 = vector.broadcast %broadcast_in_dim3A_1353 : i32 to vector<16xi32>
          %select_n3A_1355 = arith.select %and3A_1352, %broadcast_in_dim3A_1158, %broadcast_in_dim3A_1354 : vector<16xi1>, vector<16xi32>
          %add3A_1356 = arith.addi %add3A_1338, %select_n3A_1355 : vector<16xi32>
          %slice3A_1357 = vector.extract_strided_slice %get3A_1150 {offsets = [11], sizes = [1], strides = [1]} : vector<16xi32> to vector<1xi32>
          %squeeze3A_1358 = vector.extract %slice3A_1357[0] : i32 from vector<1xi32>
          %eq3A_1359 = vector.broadcast %squeeze3A_1358 : i32 to vector<16xi32>
          %eq3A_1360 = arith.cmpi eq, %get3A_981, %eq3A_1359 : vector<16xi32>
          %slice3A_1361 = vector.extract_strided_slice %get3A_1153 {offsets = [11], sizes = [1], strides = [1]} : vector<16xi32> to vector<1xi32>
          %squeeze3A_1362 = vector.extract %slice3A_1361[0] : i32 from vector<1xi32>
          %eq3A_1363 = vector.broadcast %squeeze3A_1362 : i32 to vector<16xi32>
          %eq3A_1364 = arith.cmpi eq, %get3A_984, %eq3A_1363 : vector<16xi32>
          %and3A_1365 = arith.andi %eq3A_1360, %eq3A_1364 : vector<16xi1>
          %slice3A_1366 = vector.extract_strided_slice %get3A_1156 {offsets = [11], sizes = [1], strides = [1]} : vector<16xi32> to vector<1xi32>
          %squeeze3A_1367 = vector.extract %slice3A_1366[0] : i32 from vector<1xi32>
          %lt3A_1368 = vector.broadcast %squeeze3A_1367 : i32 to vector<16xi32>
          %lt3A_1369 = arith.cmpi slt, %lt3A_1368, %get3A_987 : vector<16xi32>
          %and3A_1370 = arith.andi %and3A_1365, %lt3A_1369 : vector<16xi1>
          %broadcast_in_dim3A_1371 = arith.constant 0 : i32
          %broadcast_in_dim3A_1372 = vector.broadcast %broadcast_in_dim3A_1371 : i32 to vector<16xi32>
          %select_n3A_1373 = arith.select %and3A_1370, %broadcast_in_dim3A_1158, %broadcast_in_dim3A_1372 : vector<16xi1>, vector<16xi32>
          %add3A_1374 = arith.addi %add3A_1356, %select_n3A_1373 : vector<16xi32>
          %slice3A_1375 = vector.extract_strided_slice %get3A_1150 {offsets = [12], sizes = [1], strides = [1]} : vector<16xi32> to vector<1xi32>
          %squeeze3A_1376 = vector.extract %slice3A_1375[0] : i32 from vector<1xi32>
          %eq3A_1377 = vector.broadcast %squeeze3A_1376 : i32 to vector<16xi32>
          %eq3A_1378 = arith.cmpi eq, %get3A_981, %eq3A_1377 : vector<16xi32>
          %slice3A_1379 = vector.extract_strided_slice %get3A_1153 {offsets = [12], sizes = [1], strides = [1]} : vector<16xi32> to vector<1xi32>
          %squeeze3A_1380 = vector.extract %slice3A_1379[0] : i32 from vector<1xi32>
          %eq3A_1381 = vector.broadcast %squeeze3A_1380 : i32 to vector<16xi32>
          %eq3A_1382 = arith.cmpi eq, %get3A_984, %eq3A_1381 : vector<16xi32>
          %and3A_1383 = arith.andi %eq3A_1378, %eq3A_1382 : vector<16xi1>
          %slice3A_1384 = vector.extract_strided_slice %get3A_1156 {offsets = [12], sizes = [1], strides = [1]} : vector<16xi32> to vector<1xi32>
          %squeeze3A_1385 = vector.extract %slice3A_1384[0] : i32 from vector<1xi32>
          %lt3A_1386 = vector.broadcast %squeeze3A_1385 : i32 to vector<16xi32>
          %lt3A_1387 = arith.cmpi slt, %lt3A_1386, %get3A_987 : vector<16xi32>
          %and3A_1388 = arith.andi %and3A_1383, %lt3A_1387 : vector<16xi1>
          %broadcast_in_dim3A_1389 = arith.constant 0 : i32
          %broadcast_in_dim3A_1390 = vector.broadcast %broadcast_in_dim3A_1389 : i32 to vector<16xi32>
          %select_n3A_1391 = arith.select %and3A_1388, %broadcast_in_dim3A_1158, %broadcast_in_dim3A_1390 : vector<16xi1>, vector<16xi32>
          %add3A_1392 = arith.addi %add3A_1374, %select_n3A_1391 : vector<16xi32>
          %slice3A_1393 = vector.extract_strided_slice %get3A_1150 {offsets = [13], sizes = [1], strides = [1]} : vector<16xi32> to vector<1xi32>
          %squeeze3A_1394 = vector.extract %slice3A_1393[0] : i32 from vector<1xi32>
          %eq3A_1395 = vector.broadcast %squeeze3A_1394 : i32 to vector<16xi32>
          %eq3A_1396 = arith.cmpi eq, %get3A_981, %eq3A_1395 : vector<16xi32>
          %slice3A_1397 = vector.extract_strided_slice %get3A_1153 {offsets = [13], sizes = [1], strides = [1]} : vector<16xi32> to vector<1xi32>
          %squeeze3A_1398 = vector.extract %slice3A_1397[0] : i32 from vector<1xi32>
          %eq3A_1399 = vector.broadcast %squeeze3A_1398 : i32 to vector<16xi32>
          %eq3A_1400 = arith.cmpi eq, %get3A_984, %eq3A_1399 : vector<16xi32>
          %and3A_1401 = arith.andi %eq3A_1396, %eq3A_1400 : vector<16xi1>
          %slice3A_1402 = vector.extract_strided_slice %get3A_1156 {offsets = [13], sizes = [1], strides = [1]} : vector<16xi32> to vector<1xi32>
          %squeeze3A_1403 = vector.extract %slice3A_1402[0] : i32 from vector<1xi32>
          %lt3A_1404 = vector.broadcast %squeeze3A_1403 : i32 to vector<16xi32>
          %lt3A_1405 = arith.cmpi slt, %lt3A_1404, %get3A_987 : vector<16xi32>
          %and3A_1406 = arith.andi %and3A_1401, %lt3A_1405 : vector<16xi1>
          %broadcast_in_dim3A_1407 = arith.constant 0 : i32
          %broadcast_in_dim3A_1408 = vector.broadcast %broadcast_in_dim3A_1407 : i32 to vector<16xi32>
          %select_n3A_1409 = arith.select %and3A_1406, %broadcast_in_dim3A_1158, %broadcast_in_dim3A_1408 : vector<16xi1>, vector<16xi32>
          %add3A_1410 = arith.addi %add3A_1392, %select_n3A_1409 : vector<16xi32>
          %slice3A_1411 = vector.extract_strided_slice %get3A_1150 {offsets = [14], sizes = [1], strides = [1]} : vector<16xi32> to vector<1xi32>
          %squeeze3A_1412 = vector.extract %slice3A_1411[0] : i32 from vector<1xi32>
          %eq3A_1413 = vector.broadcast %squeeze3A_1412 : i32 to vector<16xi32>
          %eq3A_1414 = arith.cmpi eq, %get3A_981, %eq3A_1413 : vector<16xi32>
          %slice3A_1415 = vector.extract_strided_slice %get3A_1153 {offsets = [14], sizes = [1], strides = [1]} : vector<16xi32> to vector<1xi32>
          %squeeze3A_1416 = vector.extract %slice3A_1415[0] : i32 from vector<1xi32>
          %eq3A_1417 = vector.broadcast %squeeze3A_1416 : i32 to vector<16xi32>
          %eq3A_1418 = arith.cmpi eq, %get3A_984, %eq3A_1417 : vector<16xi32>
          %and3A_1419 = arith.andi %eq3A_1414, %eq3A_1418 : vector<16xi1>
          %slice3A_1420 = vector.extract_strided_slice %get3A_1156 {offsets = [14], sizes = [1], strides = [1]} : vector<16xi32> to vector<1xi32>
          %squeeze3A_1421 = vector.extract %slice3A_1420[0] : i32 from vector<1xi32>
          %lt3A_1422 = vector.broadcast %squeeze3A_1421 : i32 to vector<16xi32>
          %lt3A_1423 = arith.cmpi slt, %lt3A_1422, %get3A_987 : vector<16xi32>
          %and3A_1424 = arith.andi %and3A_1419, %lt3A_1423 : vector<16xi1>
          %broadcast_in_dim3A_1425 = arith.constant 0 : i32
          %broadcast_in_dim3A_1426 = vector.broadcast %broadcast_in_dim3A_1425 : i32 to vector<16xi32>
          %select_n3A_1427 = arith.select %and3A_1424, %broadcast_in_dim3A_1158, %broadcast_in_dim3A_1426 : vector<16xi1>, vector<16xi32>
          %add3A_1428 = arith.addi %add3A_1410, %select_n3A_1427 : vector<16xi32>
          %slice3A_1429 = vector.extract_strided_slice %get3A_1150 {offsets = [15], sizes = [1], strides = [1]} : vector<16xi32> to vector<1xi32>
          %squeeze3A_1430 = vector.extract %slice3A_1429[0] : i32 from vector<1xi32>
          %eq3A_1431 = vector.broadcast %squeeze3A_1430 : i32 to vector<16xi32>
          %eq3A_1432 = arith.cmpi eq, %get3A_981, %eq3A_1431 : vector<16xi32>
          %slice3A_1433 = vector.extract_strided_slice %get3A_1153 {offsets = [15], sizes = [1], strides = [1]} : vector<16xi32> to vector<1xi32>
          %squeeze3A_1434 = vector.extract %slice3A_1433[0] : i32 from vector<1xi32>
          %eq3A_1435 = vector.broadcast %squeeze3A_1434 : i32 to vector<16xi32>
          %eq3A_1436 = arith.cmpi eq, %get3A_984, %eq3A_1435 : vector<16xi32>
          %and3A_1437 = arith.andi %eq3A_1432, %eq3A_1436 : vector<16xi1>
          %slice3A_1438 = vector.extract_strided_slice %get3A_1156 {offsets = [15], sizes = [1], strides = [1]} : vector<16xi32> to vector<1xi32>
          %squeeze3A_1439 = vector.extract %slice3A_1438[0] : i32 from vector<1xi32>
          %lt3A_1440 = vector.broadcast %squeeze3A_1439 : i32 to vector<16xi32>
          %lt3A_1441 = arith.cmpi slt, %lt3A_1440, %get3A_987 : vector<16xi32>
          %and3A_1442 = arith.andi %and3A_1437, %lt3A_1441 : vector<16xi1>
          %broadcast_in_dim3A_1443 = arith.constant 0 : i32
          %broadcast_in_dim3A_1444 = vector.broadcast %broadcast_in_dim3A_1443 : i32 to vector<16xi32>
          %select_n3A_1445 = arith.select %and3A_1442, %broadcast_in_dim3A_1158, %broadcast_in_dim3A_1444 : vector<16xi1>, vector<16xi32>
          %add3A_1446 = arith.addi %add3A_1428, %select_n3A_1445 : vector<16xi32>
          scf.yield %add3A_1446 : vector<16xi32>
        }
        scf.yield %while3A_1142 : vector<16xi32>
      }
      %add3A_1007 = arith.constant 1 : i32
      %add3A_1008 = vector.broadcast %add3A_1007 : i32 to vector<16xi32>
      %add3A_1009 = arith.addi %while3A_1006, %add3A_1008 : vector<16xi32>
      %convert_element_type3A = arith.sitofp %add3A_1009 : vector<16xi32> to vector<16xf32>
      %bitcast_convert_type3A = tpu.bitcast %convert_element_type3A : vector<16xf32> -> vector<16xi32>
      %shift_right_logical3A = arith.constant 1 : i32
      %shift_right_logical3A_1010 = vector.broadcast %shift_right_logical3A : i32 to vector<16xi32>
      %shift_right_logical3A_1011 = arith.shrui %bitcast_convert_type3A, %shift_right_logical3A_1010 : vector<16xi32>
      %sub3A_1012 = arith.constant 1597463007 : i32
      %sub3A_1013 = vector.broadcast %sub3A_1012 : i32 to vector<16xi32>
      %sub3A_1014 = arith.subi %sub3A_1013, %shift_right_logical3A_1011 : vector<16xi32>
      %bitcast_convert_type3A_1015 = tpu.bitcast %sub3A_1014 : vector<16xi32> -> vector<16xf32>
      %mul3A_1016 = arith.constant 5.000000e-01 : f32
      %mul3A_1017 = vector.broadcast %mul3A_1016 : f32 to vector<16xf32>
      %mul3A_1018 = arith.mulf %convert_element_type3A, %mul3A_1017 : vector<16xf32>
      %mul3A_1019 = arith.mulf %mul3A_1018, %bitcast_convert_type3A_1015 : vector<16xf32>
      %mul3A_1020 = arith.mulf %mul3A_1019, %bitcast_convert_type3A_1015 : vector<16xf32>
      %sub3A_1021 = arith.constant 1.500000e+00 : f32
      %sub3A_1022 = vector.broadcast %sub3A_1021 : f32 to vector<16xf32>
      %sub3A_1023 = arith.subf %sub3A_1022, %mul3A_1020 : vector<16xf32>
      %mul3A_1024 = arith.mulf %bitcast_convert_type3A_1015, %sub3A_1023 : vector<16xf32>
      %mul3A_1025 = arith.mulf %mul3A_1018, %mul3A_1024 : vector<16xf32>
      %mul3A_1026 = arith.mulf %mul3A_1025, %mul3A_1024 : vector<16xf32>
      %sub3A_1027 = arith.constant 1.500000e+00 : f32
      %sub3A_1028 = vector.broadcast %sub3A_1027 : f32 to vector<16xf32>
      %sub3A_1029 = arith.subf %sub3A_1028, %mul3A_1026 : vector<16xf32>
      %mul3A_1030 = arith.mulf %mul3A_1024, %sub3A_1029 : vector<16xf32>
      %mul3A_1031 = arith.mulf %mul3A_1018, %mul3A_1030 : vector<16xf32>
      %mul3A_1032 = arith.mulf %mul3A_1031, %mul3A_1030 : vector<16xf32>
      %sub3A_1033 = arith.constant 1.500000e+00 : f32
      %sub3A_1034 = vector.broadcast %sub3A_1033 : f32 to vector<16xf32>
      %sub3A_1035 = arith.subf %sub3A_1034, %mul3A_1032 : vector<16xf32>
      %mul3A_1036 = arith.mulf %mul3A_1030, %sub3A_1035 : vector<16xf32>
      %broadcast_in_dim3A_1037 = arith.constant 0 : i32
      %broadcast_in_dim3A_1038 = vector.broadcast %broadcast_in_dim3A_1037 : i32 to vector<16xi32>
      %add3A_1039 = arith.constant 16384 : i32
      %add3A_1040 = vector.broadcast %add3A_1039 : i32 to vector<16xi32>
      %add3A_1041 = arith.addi %broadcast_in_dim3A_1038, %add3A_1040 : vector<16xi32>
      %select_n3A_1042 = arith.select %lt3A_992, %get3A_987, %add3A_1041 : vector<16xi1>, vector<16xi32>
      %mul3A_1043 = arith.constant 16 : i32
      %mul3A_1044 = arith.muli %while3A_976, %mul3A_1043 : i32
      %swap3A_1045 = arith.index_cast %mul3A_1044 : i32 to index
      %swap3A_1046 = tpu.vector_load %arg10[%swap3A_1045] {strides = array<i32>} : memref<1024xf32, #tpu.memory_space<vmem>>, vector<16xf32>,
      %swap3A_1047 = vector.shape_cast %swap3A_1046 : vector<16xf32> to vector<16xf32>
      %swap3A_1048 = vector.shape_cast %mul3A_1036 : vector<16xf32> to vector<16xf32>
      tpu.vector_store %arg10[%swap3A_1045], %swap3A_1048 {strides = array<i32>} : memref<1024xf32, #tpu.memory_space<vmem>>, vector<16xf32>,
      %jit3A_1049 = arith.constant 8 : i64
      %convert_element_type3A_1050 = arith.trunci %jit3A_1049 : i64 to i32
      %div3A_1051 = arith.divsi %while3A_976, %convert_element_type3A_1050 : i32
      %sign3A_1052 = arith.constant 0 : i32
      %sign3A_1053 = arith.cmpi sgt, %while3A_976, %sign3A_1052 : i32
      %sign3A_1054 = arith.extui %sign3A_1053 : i1 to i32
      %sign3A_1055 = arith.constant 0 : i32
      %sign3A_1056 = arith.cmpi slt, %while3A_976, %sign3A_1055 : i32
      %sign3A_1057 = arith.extui %sign3A_1056 : i1 to i32
      %sign3A_1058 = arith.subi %sign3A_1054, %sign3A_1057 : i32
      %sign3A_1059 = arith.constant 0 : i32
      %sign3A_1060 = arith.cmpi sgt, %convert_element_type3A_1050, %sign3A_1059 : i32
      %sign3A_1061 = arith.extui %sign3A_1060 : i1 to i32
      %sign3A_1062 = arith.constant 0 : i32
      %sign3A_1063 = arith.cmpi slt, %convert_element_type3A_1050, %sign3A_1062 : i32
      %sign3A_1064 = arith.extui %sign3A_1063 : i1 to i32
      %sign3A_1065 = arith.subi %sign3A_1061, %sign3A_1064 : i32
      %ne3A_1066 = arith.cmpi ne, %sign3A_1058, %sign3A_1065 : i32
      %rem3A_1067 = arith.remsi %while3A_976, %convert_element_type3A_1050 : i32
      %ne3A_1068 = arith.constant 0 : i32
      %ne3A_1069 = arith.cmpi ne, %rem3A_1067, %ne3A_1068 : i32
      %and3A_1070 = arith.andi %ne3A_1066, %ne3A_1069 : i1
      %sub3A_1071 = arith.constant 1 : i32
      %sub3A_1072 = arith.subi %div3A_1051, %sub3A_1071 : i32
      %select_n3A_1073 = arith.select %and3A_1070, %sub3A_1072, %div3A_1051 : i32
      %jit3A_1074 = arith.constant 8 : i64
      %convert_element_type3A_1075 = arith.trunci %jit3A_1074 : i64 to i32
      %eq3A = arith.constant 0 : i32
      %eq3A_1076 = arith.cmpi eq, %convert_element_type3A_1075, %eq3A : i32
      %jit3A_1077 = arith.constant 1 : i32
      %select_n3A_1078 = arith.select %eq3A_1076, %jit3A_1077, %convert_element_type3A_1075 : i32
      %rem3A_1079 = arith.remsi %while3A_976, %select_n3A_1078 : i32
      %ne3A_1080 = arith.constant 0 : i32
      %ne3A_1081 = arith.cmpi ne, %rem3A_1079, %ne3A_1080 : i32
      %lt3A_1082 = arith.constant 0 : i32
      %lt3A_1083 = arith.cmpi slt, %rem3A_1079, %lt3A_1082 : i32
      %lt3A_1084 = arith.constant 0 : i32
      %lt3A_1085 = arith.cmpi slt, %select_n3A_1078, %lt3A_1084 : i32
      %ne3A_1086 = arith.xori %lt3A_1083, %lt3A_1085 : i1
      %and3A_1087 = arith.andi %ne3A_1086, %ne3A_1081 : i1
      %add3A_1088 = arith.addi %rem3A_1079, %select_n3A_1078 : i32
      %select_n3A_1089 = arith.select %and3A_1087, %add3A_1088, %rem3A_1079 : i32
      %mul3A_1090 = arith.constant 16 : i32
      %mul3A_1091 = arith.muli %select_n3A_1089, %mul3A_1090 : i32
      %swap3A_1092 = arith.index_cast %select_n3A_1073 : i32 to index
      %swap3A_1093 = arith.index_cast %mul3A_1091 : i32 to index
      %swap3A_1094 = tpu.vector_load %arg13[%swap3A_1092, %swap3A_1093] {strides = array<i32>} : memref<8x128xi32, #tpu.memory_space<vmem>>, vector<1x16xi32>,
      %swap3A_1095 = vector.shape_cast %swap3A_1094 : vector<1x16xi32> to vector<16xi32>
      %swap3A_1096 = vector.shape_cast %select_n3A_1042 : vector<16xi32> to vector<1x16xi32>
      tpu.vector_store %arg13[%swap3A_1092, %swap3A_1093], %swap3A_1096 {strides = array<i32>} : memref<8x128xi32, #tpu.memory_space<vmem>>, vector<1x16xi32>,
    }
    %dma_wait3A_846 = tpu.memref_slice %arg27[%mul3A_0] : memref<16400xf32, #tpu.memory_space<vmem_shared>> -> memref<1024xf32, #tpu.memory_space<vmem_shared>>
    %dma_wait3A_847 = tpu.memref_slice %arg27[%mul3A_0] : memref<16400xf32, #tpu.memory_space<vmem_shared>> -> memref<1024xf32, #tpu.memory_space<vmem_shared>>
    tpu.wait_dma2 semaphore(%arg28 : memref<!tpu.dma_semaphore, #tpu.memory_space<semaphore_mem>>) src(%arg9 : memref<1024xf32, #tpu.memory_space<vmem>>) dst(%dma_wait3A_847 : memref<1024xf32, #tpu.memory_space<vmem_shared>>)
    %dma_start3A_848 = arith.constant 0 : i32
    %dma_start3A_849 = arith.constant 0 : i32
    %dma_start3A_850 = tpu.memref_slice %arg10[%dma_start3A_849] : memref<1024xf32, #tpu.memory_space<vmem>> -> memref<128xf32, #tpu.memory_space<vmem>>
    %dma_start3A_851 = arith.constant 0 : i32
    %dma_start3A_852 = tpu.memref_slice %arg13[%dma_start3A_848, %dma_start3A_851] : memref<8x128xi32, #tpu.memory_space<vmem>> -> memref<1x128xi32, #tpu.memory_space<vmem>>
    %dma_start3A_853 = tpu.memref_squeeze %dma_start3A_852 : memref<1x128xi32, #tpu.memory_space<vmem>> -> memref<128xi32, #tpu.memory_space<vmem>>
    %dma_start3A_854 = arith.constant 0 : i32
    %dma_start3A_855 = tpu.memref_slice %arg27[%dma_start3A_854] : memref<16400xf32, #tpu.memory_space<vmem_shared>> -> memref<16400xf32, #tpu.memory_space<vmem_shared>>
    tpu.enqueue_indirect_dma source(%dma_start3A_850 : memref<128xf32, #tpu.memory_space<vmem>>) target(%dma_start3A_855 : memref<16400xf32, #tpu.memory_space<vmem_shared>>) offsets(%dma_start3A_853 : memref<128xi32, #tpu.memory_space<vmem>>) semaphore(%arg30 : memref<!tpu.dma_semaphore, #tpu.memory_space<semaphore_mem>>)
    %dma_start3A_856 = arith.constant 1 : i32
    %dma_start3A_857 = arith.constant 128 : i32
    %dma_start3A_858 = tpu.memref_slice %arg10[%dma_start3A_857] : memref<1024xf32, #tpu.memory_space<vmem>> -> memref<128xf32, #tpu.memory_space<vmem>>
    %dma_start3A_859 = arith.constant 0 : i32
    %dma_start3A_860 = tpu.memref_slice %arg13[%dma_start3A_856, %dma_start3A_859] : memref<8x128xi32, #tpu.memory_space<vmem>> -> memref<1x128xi32, #tpu.memory_space<vmem>>
    %dma_start3A_861 = tpu.memref_squeeze %dma_start3A_860 : memref<1x128xi32, #tpu.memory_space<vmem>> -> memref<128xi32, #tpu.memory_space<vmem>>
    %dma_start3A_862 = arith.constant 0 : i32
    %dma_start3A_863 = tpu.memref_slice %arg27[%dma_start3A_862] : memref<16400xf32, #tpu.memory_space<vmem_shared>> -> memref<16400xf32, #tpu.memory_space<vmem_shared>>
    tpu.enqueue_indirect_dma source(%dma_start3A_858 : memref<128xf32, #tpu.memory_space<vmem>>) target(%dma_start3A_863 : memref<16400xf32, #tpu.memory_space<vmem_shared>>) offsets(%dma_start3A_861 : memref<128xi32, #tpu.memory_space<vmem>>) semaphore(%arg30 : memref<!tpu.dma_semaphore, #tpu.memory_space<semaphore_mem>>)
    %dma_start3A_864 = arith.constant 2 : i32
    %dma_start3A_865 = arith.constant 256 : i32
    %dma_start3A_866 = tpu.memref_slice %arg10[%dma_start3A_865] : memref<1024xf32, #tpu.memory_space<vmem>> -> memref<128xf32, #tpu.memory_space<vmem>>
    %dma_start3A_867 = arith.constant 0 : i32
    %dma_start3A_868 = tpu.memref_slice %arg13[%dma_start3A_864, %dma_start3A_867] : memref<8x128xi32, #tpu.memory_space<vmem>> -> memref<1x128xi32, #tpu.memory_space<vmem>>
    %dma_start3A_869 = tpu.memref_squeeze %dma_start3A_868 : memref<1x128xi32, #tpu.memory_space<vmem>> -> memref<128xi32, #tpu.memory_space<vmem>>
    %dma_start3A_870 = arith.constant 0 : i32
    %dma_start3A_871 = tpu.memref_slice %arg27[%dma_start3A_870] : memref<16400xf32, #tpu.memory_space<vmem_shared>> -> memref<16400xf32, #tpu.memory_space<vmem_shared>>
    tpu.enqueue_indirect_dma source(%dma_start3A_866 : memref<128xf32, #tpu.memory_space<vmem>>) target(%dma_start3A_871 : memref<16400xf32, #tpu.memory_space<vmem_shared>>) offsets(%dma_start3A_869 : memref<128xi32, #tpu.memory_space<vmem>>) semaphore(%arg30 : memref<!tpu.dma_semaphore, #tpu.memory_space<semaphore_mem>>)
    %dma_start3A_872 = arith.constant 3 : i32
    %dma_start3A_873 = arith.constant 384 : i32
    %dma_start3A_874 = tpu.memref_slice %arg10[%dma_start3A_873] : memref<1024xf32, #tpu.memory_space<vmem>> -> memref<128xf32, #tpu.memory_space<vmem>>
    %dma_start3A_875 = arith.constant 0 : i32
    %dma_start3A_876 = tpu.memref_slice %arg13[%dma_start3A_872, %dma_start3A_875] : memref<8x128xi32, #tpu.memory_space<vmem>> -> memref<1x128xi32, #tpu.memory_space<vmem>>
    %dma_start3A_877 = tpu.memref_squeeze %dma_start3A_876 : memref<1x128xi32, #tpu.memory_space<vmem>> -> memref<128xi32, #tpu.memory_space<vmem>>
    %dma_start3A_878 = arith.constant 0 : i32
    %dma_start3A_879 = tpu.memref_slice %arg27[%dma_start3A_878] : memref<16400xf32, #tpu.memory_space<vmem_shared>> -> memref<16400xf32, #tpu.memory_space<vmem_shared>>
    tpu.enqueue_indirect_dma source(%dma_start3A_874 : memref<128xf32, #tpu.memory_space<vmem>>) target(%dma_start3A_879 : memref<16400xf32, #tpu.memory_space<vmem_shared>>) offsets(%dma_start3A_877 : memref<128xi32, #tpu.memory_space<vmem>>) semaphore(%arg30 : memref<!tpu.dma_semaphore, #tpu.memory_space<semaphore_mem>>)
    %dma_start3A_880 = arith.constant 4 : i32
    %dma_start3A_881 = arith.constant 512 : i32
    %dma_start3A_882 = tpu.memref_slice %arg10[%dma_start3A_881] : memref<1024xf32, #tpu.memory_space<vmem>> -> memref<128xf32, #tpu.memory_space<vmem>>
    %dma_start3A_883 = arith.constant 0 : i32
    %dma_start3A_884 = tpu.memref_slice %arg13[%dma_start3A_880, %dma_start3A_883] : memref<8x128xi32, #tpu.memory_space<vmem>> -> memref<1x128xi32, #tpu.memory_space<vmem>>
    %dma_start3A_885 = tpu.memref_squeeze %dma_start3A_884 : memref<1x128xi32, #tpu.memory_space<vmem>> -> memref<128xi32, #tpu.memory_space<vmem>>
    %dma_start3A_886 = arith.constant 0 : i32
    %dma_start3A_887 = tpu.memref_slice %arg27[%dma_start3A_886] : memref<16400xf32, #tpu.memory_space<vmem_shared>> -> memref<16400xf32, #tpu.memory_space<vmem_shared>>
    tpu.enqueue_indirect_dma source(%dma_start3A_882 : memref<128xf32, #tpu.memory_space<vmem>>) target(%dma_start3A_887 : memref<16400xf32, #tpu.memory_space<vmem_shared>>) offsets(%dma_start3A_885 : memref<128xi32, #tpu.memory_space<vmem>>) semaphore(%arg30 : memref<!tpu.dma_semaphore, #tpu.memory_space<semaphore_mem>>)
    %dma_start3A_888 = arith.constant 5 : i32
    %dma_start3A_889 = arith.constant 640 : i32
    %dma_start3A_890 = tpu.memref_slice %arg10[%dma_start3A_889] : memref<1024xf32, #tpu.memory_space<vmem>> -> memref<128xf32, #tpu.memory_space<vmem>>
    %dma_start3A_891 = arith.constant 0 : i32
    %dma_start3A_892 = tpu.memref_slice %arg13[%dma_start3A_888, %dma_start3A_891] : memref<8x128xi32, #tpu.memory_space<vmem>> -> memref<1x128xi32, #tpu.memory_space<vmem>>
    %dma_start3A_893 = tpu.memref_squeeze %dma_start3A_892 : memref<1x128xi32, #tpu.memory_space<vmem>> -> memref<128xi32, #tpu.memory_space<vmem>>
    %dma_start3A_894 = arith.constant 0 : i32
    %dma_start3A_895 = tpu.memref_slice %arg27[%dma_start3A_894] : memref<16400xf32, #tpu.memory_space<vmem_shared>> -> memref<16400xf32, #tpu.memory_space<vmem_shared>>
    tpu.enqueue_indirect_dma source(%dma_start3A_890 : memref<128xf32, #tpu.memory_space<vmem>>) target(%dma_start3A_895 : memref<16400xf32, #tpu.memory_space<vmem_shared>>) offsets(%dma_start3A_893 : memref<128xi32, #tpu.memory_space<vmem>>) semaphore(%arg30 : memref<!tpu.dma_semaphore, #tpu.memory_space<semaphore_mem>>)
    %dma_start3A_896 = arith.constant 6 : i32
    %dma_start3A_897 = arith.constant 768 : i32
    %dma_start3A_898 = tpu.memref_slice %arg10[%dma_start3A_897] : memref<1024xf32, #tpu.memory_space<vmem>> -> memref<128xf32, #tpu.memory_space<vmem>>
    %dma_start3A_899 = arith.constant 0 : i32
    %dma_start3A_900 = tpu.memref_slice %arg13[%dma_start3A_896, %dma_start3A_899] : memref<8x128xi32, #tpu.memory_space<vmem>> -> memref<1x128xi32, #tpu.memory_space<vmem>>
    %dma_start3A_901 = tpu.memref_squeeze %dma_start3A_900 : memref<1x128xi32, #tpu.memory_space<vmem>> -> memref<128xi32, #tpu.memory_space<vmem>>
    %dma_start3A_902 = arith.constant 0 : i32
    %dma_start3A_903 = tpu.memref_slice %arg27[%dma_start3A_902] : memref<16400xf32, #tpu.memory_space<vmem_shared>> -> memref<16400xf32, #tpu.memory_space<vmem_shared>>
    tpu.enqueue_indirect_dma source(%dma_start3A_898 : memref<128xf32, #tpu.memory_space<vmem>>) target(%dma_start3A_903 : memref<16400xf32, #tpu.memory_space<vmem_shared>>) offsets(%dma_start3A_901 : memref<128xi32, #tpu.memory_space<vmem>>) semaphore(%arg30 : memref<!tpu.dma_semaphore, #tpu.memory_space<semaphore_mem>>)
    %dma_start3A_904 = arith.constant 7 : i32
    %dma_start3A_905 = arith.constant 896 : i32
    %dma_start3A_906 = tpu.memref_slice %arg10[%dma_start3A_905] : memref<1024xf32, #tpu.memory_space<vmem>> -> memref<128xf32, #tpu.memory_space<vmem>>
    %dma_start3A_907 = arith.constant 0 : i32
    %dma_start3A_908 = tpu.memref_slice %arg13[%dma_start3A_904, %dma_start3A_907] : memref<8x128xi32, #tpu.memory_space<vmem>> -> memref<1x128xi32, #tpu.memory_space<vmem>>
    %dma_start3A_909 = tpu.memref_squeeze %dma_start3A_908 : memref<1x128xi32, #tpu.memory_space<vmem>> -> memref<128xi32, #tpu.memory_space<vmem>>
    %dma_start3A_910 = arith.constant 0 : i32
    %dma_start3A_911 = tpu.memref_slice %arg27[%dma_start3A_910] : memref<16400xf32, #tpu.memory_space<vmem_shared>> -> memref<16400xf32, #tpu.memory_space<vmem_shared>>
    tpu.enqueue_indirect_dma source(%dma_start3A_906 : memref<128xf32, #tpu.memory_space<vmem>>) target(%dma_start3A_911 : memref<16400xf32, #tpu.memory_space<vmem_shared>>) offsets(%dma_start3A_909 : memref<128xi32, #tpu.memory_space<vmem>>) semaphore(%arg30 : memref<!tpu.dma_semaphore, #tpu.memory_space<semaphore_mem>>)
    %dma_wait3A_912 = arith.constant 0 : i32
    %dma_wait3A_913 = arith.constant 0 : i32
    %dma_wait3A_914 = tpu.memref_slice %arg10[%dma_wait3A_913] : memref<1024xf32, #tpu.memory_space<vmem>> -> memref<128xf32, #tpu.memory_space<vmem>>
    %dma_wait3A_915 = arith.constant 0 : i32
    %dma_wait3A_916 = tpu.memref_slice %arg13[%dma_wait3A_912, %dma_wait3A_915] : memref<8x128xi32, #tpu.memory_space<vmem>> -> memref<1x128xi32, #tpu.memory_space<vmem>>
    %dma_wait3A_917 = tpu.memref_squeeze %dma_wait3A_916 : memref<1x128xi32, #tpu.memory_space<vmem>> -> memref<128xi32, #tpu.memory_space<vmem>>
    %dma_wait3A_918 = arith.constant 0 : i32
    %dma_wait3A_919 = tpu.memref_slice %arg27[%dma_wait3A_918] : memref<16400xf32, #tpu.memory_space<vmem_shared>> -> memref<16400xf32, #tpu.memory_space<vmem_shared>>
    tpu.wait_indirect_dma semaphore(%arg30 : memref<!tpu.dma_semaphore, #tpu.memory_space<semaphore_mem>>) src(%dma_wait3A_914 : memref<128xf32, #tpu.memory_space<vmem>>) dst(%dma_wait3A_919 : memref<16400xf32, #tpu.memory_space<vmem_shared>>)
    %dma_wait3A_920 = arith.constant 1 : i32
    %dma_wait3A_921 = arith.constant 128 : i32
    %dma_wait3A_922 = tpu.memref_slice %arg10[%dma_wait3A_921] : memref<1024xf32, #tpu.memory_space<vmem>> -> memref<128xf32, #tpu.memory_space<vmem>>
    %dma_wait3A_923 = arith.constant 0 : i32
    %dma_wait3A_924 = tpu.memref_slice %arg13[%dma_wait3A_920, %dma_wait3A_923] : memref<8x128xi32, #tpu.memory_space<vmem>> -> memref<1x128xi32, #tpu.memory_space<vmem>>
    %dma_wait3A_925 = tpu.memref_squeeze %dma_wait3A_924 : memref<1x128xi32, #tpu.memory_space<vmem>> -> memref<128xi32, #tpu.memory_space<vmem>>
    %dma_wait3A_926 = arith.constant 0 : i32
    %dma_wait3A_927 = tpu.memref_slice %arg27[%dma_wait3A_926] : memref<16400xf32, #tpu.memory_space<vmem_shared>> -> memref<16400xf32, #tpu.memory_space<vmem_shared>>
    tpu.wait_indirect_dma semaphore(%arg30 : memref<!tpu.dma_semaphore, #tpu.memory_space<semaphore_mem>>) src(%dma_wait3A_922 : memref<128xf32, #tpu.memory_space<vmem>>) dst(%dma_wait3A_927 : memref<16400xf32, #tpu.memory_space<vmem_shared>>)
    %dma_wait3A_928 = arith.constant 2 : i32
    %dma_wait3A_929 = arith.constant 256 : i32
    %dma_wait3A_930 = tpu.memref_slice %arg10[%dma_wait3A_929] : memref<1024xf32, #tpu.memory_space<vmem>> -> memref<128xf32, #tpu.memory_space<vmem>>
    %dma_wait3A_931 = arith.constant 0 : i32
    %dma_wait3A_932 = tpu.memref_slice %arg13[%dma_wait3A_928, %dma_wait3A_931] : memref<8x128xi32, #tpu.memory_space<vmem>> -> memref<1x128xi32, #tpu.memory_space<vmem>>
    %dma_wait3A_933 = tpu.memref_squeeze %dma_wait3A_932 : memref<1x128xi32, #tpu.memory_space<vmem>> -> memref<128xi32, #tpu.memory_space<vmem>>
    %dma_wait3A_934 = arith.constant 0 : i32
    %dma_wait3A_935 = tpu.memref_slice %arg27[%dma_wait3A_934] : memref<16400xf32, #tpu.memory_space<vmem_shared>> -> memref<16400xf32, #tpu.memory_space<vmem_shared>>
    tpu.wait_indirect_dma semaphore(%arg30 : memref<!tpu.dma_semaphore, #tpu.memory_space<semaphore_mem>>) src(%dma_wait3A_930 : memref<128xf32, #tpu.memory_space<vmem>>) dst(%dma_wait3A_935 : memref<16400xf32, #tpu.memory_space<vmem_shared>>)
    %dma_wait3A_936 = arith.constant 3 : i32
    %dma_wait3A_937 = arith.constant 384 : i32
    %dma_wait3A_938 = tpu.memref_slice %arg10[%dma_wait3A_937] : memref<1024xf32, #tpu.memory_space<vmem>> -> memref<128xf32, #tpu.memory_space<vmem>>
    %dma_wait3A_939 = arith.constant 0 : i32
    %dma_wait3A_940 = tpu.memref_slice %arg13[%dma_wait3A_936, %dma_wait3A_939] : memref<8x128xi32, #tpu.memory_space<vmem>> -> memref<1x128xi32, #tpu.memory_space<vmem>>
    %dma_wait3A_941 = tpu.memref_squeeze %dma_wait3A_940 : memref<1x128xi32, #tpu.memory_space<vmem>> -> memref<128xi32, #tpu.memory_space<vmem>>
    %dma_wait3A_942 = arith.constant 0 : i32
    %dma_wait3A_943 = tpu.memref_slice %arg27[%dma_wait3A_942] : memref<16400xf32, #tpu.memory_space<vmem_shared>> -> memref<16400xf32, #tpu.memory_space<vmem_shared>>
    tpu.wait_indirect_dma semaphore(%arg30 : memref<!tpu.dma_semaphore, #tpu.memory_space<semaphore_mem>>) src(%dma_wait3A_938 : memref<128xf32, #tpu.memory_space<vmem>>) dst(%dma_wait3A_943 : memref<16400xf32, #tpu.memory_space<vmem_shared>>)
    %dma_wait3A_944 = arith.constant 4 : i32
    %dma_wait3A_945 = arith.constant 512 : i32
    %dma_wait3A_946 = tpu.memref_slice %arg10[%dma_wait3A_945] : memref<1024xf32, #tpu.memory_space<vmem>> -> memref<128xf32, #tpu.memory_space<vmem>>
    %dma_wait3A_947 = arith.constant 0 : i32
    %dma_wait3A_948 = tpu.memref_slice %arg13[%dma_wait3A_944, %dma_wait3A_947] : memref<8x128xi32, #tpu.memory_space<vmem>> -> memref<1x128xi32, #tpu.memory_space<vmem>>
    %dma_wait3A_949 = tpu.memref_squeeze %dma_wait3A_948 : memref<1x128xi32, #tpu.memory_space<vmem>> -> memref<128xi32, #tpu.memory_space<vmem>>
    %dma_wait3A_950 = arith.constant 0 : i32
    %dma_wait3A_951 = tpu.memref_slice %arg27[%dma_wait3A_950] : memref<16400xf32, #tpu.memory_space<vmem_shared>> -> memref<16400xf32, #tpu.memory_space<vmem_shared>>
    tpu.wait_indirect_dma semaphore(%arg30 : memref<!tpu.dma_semaphore, #tpu.memory_space<semaphore_mem>>) src(%dma_wait3A_946 : memref<128xf32, #tpu.memory_space<vmem>>) dst(%dma_wait3A_951 : memref<16400xf32, #tpu.memory_space<vmem_shared>>)
    %dma_wait3A_952 = arith.constant 5 : i32
    %dma_wait3A_953 = arith.constant 640 : i32
    %dma_wait3A_954 = tpu.memref_slice %arg10[%dma_wait3A_953] : memref<1024xf32, #tpu.memory_space<vmem>> -> memref<128xf32, #tpu.memory_space<vmem>>
    %dma_wait3A_955 = arith.constant 0 : i32
    %dma_wait3A_956 = tpu.memref_slice %arg13[%dma_wait3A_952, %dma_wait3A_955] : memref<8x128xi32, #tpu.memory_space<vmem>> -> memref<1x128xi32, #tpu.memory_space<vmem>>
    %dma_wait3A_957 = tpu.memref_squeeze %dma_wait3A_956 : memref<1x128xi32, #tpu.memory_space<vmem>> -> memref<128xi32, #tpu.memory_space<vmem>>
    %dma_wait3A_958 = arith.constant 0 : i32
    %dma_wait3A_959 = tpu.memref_slice %arg27[%dma_wait3A_958] : memref<16400xf32, #tpu.memory_space<vmem_shared>> -> memref<16400xf32, #tpu.memory_space<vmem_shared>>
    tpu.wait_indirect_dma semaphore(%arg30 : memref<!tpu.dma_semaphore, #tpu.memory_space<semaphore_mem>>) src(%dma_wait3A_954 : memref<128xf32, #tpu.memory_space<vmem>>) dst(%dma_wait3A_959 : memref<16400xf32, #tpu.memory_space<vmem_shared>>)
    %dma_wait3A_960 = arith.constant 6 : i32
    %dma_wait3A_961 = arith.constant 768 : i32
    %dma_wait3A_962 = tpu.memref_slice %arg10[%dma_wait3A_961] : memref<1024xf32, #tpu.memory_space<vmem>> -> memref<128xf32, #tpu.memory_space<vmem>>
    %dma_wait3A_963 = arith.constant 0 : i32
    %dma_wait3A_964 = tpu.memref_slice %arg13[%dma_wait3A_960, %dma_wait3A_963] : memref<8x128xi32, #tpu.memory_space<vmem>> -> memref<1x128xi32, #tpu.memory_space<vmem>>
    %dma_wait3A_965 = tpu.memref_squeeze %dma_wait3A_964 : memref<1x128xi32, #tpu.memory_space<vmem>> -> memref<128xi32, #tpu.memory_space<vmem>>
    %dma_wait3A_966 = arith.constant 0 : i32
    %dma_wait3A_967 = tpu.memref_slice %arg27[%dma_wait3A_966] : memref<16400xf32, #tpu.memory_space<vmem_shared>> -> memref<16400xf32, #tpu.memory_space<vmem_shared>>
    tpu.wait_indirect_dma semaphore(%arg30 : memref<!tpu.dma_semaphore, #tpu.memory_space<semaphore_mem>>) src(%dma_wait3A_962 : memref<128xf32, #tpu.memory_space<vmem>>) dst(%dma_wait3A_967 : memref<16400xf32, #tpu.memory_space<vmem_shared>>)
    %dma_wait3A_968 = arith.constant 7 : i32
    %dma_wait3A_969 = arith.constant 896 : i32
    %dma_wait3A_970 = tpu.memref_slice %arg10[%dma_wait3A_969] : memref<1024xf32, #tpu.memory_space<vmem>> -> memref<128xf32, #tpu.memory_space<vmem>>
    %dma_wait3A_971 = arith.constant 0 : i32
    %dma_wait3A_972 = tpu.memref_slice %arg13[%dma_wait3A_968, %dma_wait3A_971] : memref<8x128xi32, #tpu.memory_space<vmem>> -> memref<1x128xi32, #tpu.memory_space<vmem>>
    %dma_wait3A_973 = tpu.memref_squeeze %dma_wait3A_972 : memref<1x128xi32, #tpu.memory_space<vmem>> -> memref<128xi32, #tpu.memory_space<vmem>>
    %dma_wait3A_974 = arith.constant 0 : i32
    %dma_wait3A_975 = tpu.memref_slice %arg27[%dma_wait3A_974] : memref<16400xf32, #tpu.memory_space<vmem_shared>> -> memref<16400xf32, #tpu.memory_space<vmem_shared>>
    tpu.wait_indirect_dma semaphore(%arg30 : memref<!tpu.dma_semaphore, #tpu.memory_space<semaphore_mem>>) src(%dma_wait3A_970 : memref<128xf32, #tpu.memory_space<vmem>>) dst(%dma_wait3A_975 : memref<16400xf32, #tpu.memory_space<vmem_shared>>)
    "tpu.region"() ({
      %run_scoped3A = tpu.sem_alloc : memref<!tpu.dma_semaphore, #tpu.memory_space<semaphore_mem>>
      %dma_start3A_976 = tpu.memref_slice %arg4[%mul3A_0] : memref<16384xf32, #tpu.memory_space<hbm>> -> memref<1024xf32, #tpu.memory_space<hbm>>
      %dma_start3A_977 = tpu.memref_slice %arg27[%mul3A_0] : memref<16400xf32, #tpu.memory_space<vmem_shared>> -> memref<1024xf32, #tpu.memory_space<vmem_shared>>
      tpu.enqueue_dma source(%dma_start3A_977 : memref<1024xf32, #tpu.memory_space<vmem_shared>>) target(%dma_start3A_976 : memref<1024xf32, #tpu.memory_space<hbm>>) target_semaphore(%run_scoped3A : memref<!tpu.dma_semaphore, #tpu.memory_space<semaphore_mem>>)
      %dma_wait3A_978 = tpu.memref_slice %arg4[%mul3A_0] : memref<16384xf32, #tpu.memory_space<hbm>> -> memref<1024xf32, #tpu.memory_space<hbm>>
      %dma_wait3A_979 = tpu.memref_slice %arg27[%mul3A_0] : memref<16400xf32, #tpu.memory_space<vmem_shared>> -> memref<1024xf32, #tpu.memory_space<vmem_shared>>
      tpu.wait_dma2 semaphore(%run_scoped3A : memref<!tpu.dma_semaphore, #tpu.memory_space<semaphore_mem>>) src(%dma_wait3A_979 : memref<1024xf32, #tpu.memory_space<vmem_shared>>) dst(%dma_wait3A_978 : memref<1024xf32, #tpu.memory_space<hbm>>)
      tpu.yield
    }) : () -> ()
    return
  }
}

module attributes {stable_mosaic.version = 14 : i64} {
  func.func @_hash_body(%arg0: memref<16384x128xf32, #tpu.memory_space<vmem>>, %arg1: memref<128x32xf32, #tpu.memory_space<vmem>>, %arg2: memref<16384xi32, #tpu.memory_space<vmem>>) attributes {dimension_semantics = [], scalar_prefetch = 0 : i64, scratch_operands = 0 : i64, tpu.core_type = #tpu.core_type<tc>} {
    %get3A = arith.constant 0 : index
    %get3A_0 = arith.constant 0 : index
    %get3A_1 = vector.load %arg0[%get3A, %get3A_0] : memref<16384x128xf32, #tpu.memory_space<vmem>>, vector<16384x128xf32>
    %reduce_sum3A = arith.constant dense<0.000000e+00> : vector<128xf32>
    %reduce_sum3A_2 = vector.multi_reduction <add>, %get3A_1, %reduce_sum3A [0] : vector<16384x128xf32> to vector<128xf32>
    %broadcast_in_dim3A = vector.shape_cast %reduce_sum3A_2 : vector<128xf32> to vector<1x128xf32>
    %reshape3A = vector.shape_cast %broadcast_in_dim3A : vector<1x128xf32> to vector<128x1xf32>
    %mul3A = arith.mulf %get3A_1, %get3A_1 : vector<16384x128xf32>
    %reduce_sum3A_3 = arith.constant dense<0.000000e+00> : vector<128xf32>
    %reduce_sum3A_4 = vector.multi_reduction <add>, %mul3A, %reduce_sum3A_3 [0] : vector<16384x128xf32> to vector<128xf32>
    %broadcast_in_dim3A_5 = vector.shape_cast %reduce_sum3A_4 : vector<128xf32> to vector<1x128xf32>
    %reshape3A_6 = vector.shape_cast %broadcast_in_dim3A_5 : vector<1x128xf32> to vector<128x1xf32>
    %div3A = arith.constant 1.638400e+04 : f32
    %div3A_7 = vector.broadcast %div3A : f32 to vector<128x1xf32>
    %div3A_8 = arith.divf %reshape3A, %div3A_7 : vector<128x1xf32>
    %mul3A_9 = arith.mulf %reshape3A, %div3A_8 : vector<128x1xf32>
    %sub3A = arith.subf %reshape3A_6, %mul3A_9 : vector<128x1xf32>
    %sub3A_10 = arith.constant 1.638400e+04 : f32
    %sub3A_11 = arith.constant 1.000000e+00 : f32
    %sub3A_12 = arith.subf %sub3A_10, %sub3A_11 : f32
    %div3A_13 = vector.broadcast %sub3A_12 : f32 to vector<128x1xf32>
    %div3A_14 = arith.divf %sub3A, %div3A_13 : vector<128x1xf32>
    %add3A = arith.constant 9.99999974E-5 : f32
    %add3A_15 = arith.constant 1.638400e+04 : f32
    %add3A_16 = arith.addf %add3A, %add3A_15 : f32
    %mul3A_17 = arith.constant 1.638400e+04 : f32
    %mul3A_18 = vector.broadcast %mul3A_17 : f32 to vector<128x1xf32>
    %mul3A_19 = arith.mulf %div3A_8, %mul3A_18 : vector<128x1xf32>
    %div3A_20 = vector.broadcast %add3A_16 : f32 to vector<128x1xf32>
    %div3A_21 = arith.divf %mul3A_19, %div3A_20 : vector<128x1xf32>
    %mul3A_22 = arith.constant 1.638400e+04 : f32
    %mul3A_23 = vector.broadcast %mul3A_22 : f32 to vector<128x1xf32>
    %mul3A_24 = arith.mulf %div3A_14, %mul3A_23 : vector<128x1xf32>
    %add3A_25 = arith.constant 9.99999974E-5 : f32
    %add3A_26 = vector.broadcast %add3A_25 : f32 to vector<128x1xf32>
    %add3A_27 = arith.addf %add3A_26, %mul3A_24 : vector<128x1xf32>
    %mul3A_28 = arith.mulf %div3A_8, %div3A_8 : vector<128x1xf32>
    %mul3A_29 = arith.constant 9.99999974E-5 : f32
    %mul3A_30 = vector.broadcast %mul3A_29 : f32 to vector<128x1xf32>
    %mul3A_31 = arith.mulf %mul3A_28, %mul3A_30 : vector<128x1xf32>
    %mul3A_32 = arith.constant 1.638400e+04 : f32
    %mul3A_33 = vector.broadcast %mul3A_32 : f32 to vector<128x1xf32>
    %mul3A_34 = arith.mulf %mul3A_31, %mul3A_33 : vector<128x1xf32>
    %div3A_35 = vector.broadcast %add3A_16 : f32 to vector<128x1xf32>
    %div3A_36 = arith.divf %mul3A_34, %div3A_35 : vector<128x1xf32>
    %add3A_37 = arith.addf %add3A_27, %div3A_36 : vector<128x1xf32>
    %div3A_38 = vector.broadcast %add3A_16 : f32 to vector<128x1xf32>
    %div3A_39 = arith.divf %add3A_37, %div3A_38 : vector<128x1xf32>
    %add3A_40 = arith.constant 9.99999993E-9 : f32
    %add3A_41 = vector.broadcast %add3A_40 : f32 to vector<128x1xf32>
    %add3A_42 = arith.addf %div3A_39, %add3A_41 : vector<128x1xf32>
    %sqrt3A = math.sqrt %add3A_42 : vector<128x1xf32>
    %get3A_43 = arith.constant 0 : index
    %get3A_44 = arith.constant 0 : index
    %get3A_45 = vector.load %arg1[%get3A_43, %get3A_44] : memref<128x32xf32, #tpu.memory_space<vmem>>, vector<128x32xf32>
    %div3A_46 = vector.broadcast %sqrt3A : vector<128x1xf32> to vector<128x32xf32>
    %div3A_47 = arith.divf %get3A_45, %div3A_46 : vector<128x32xf32>
    %dot_general3A = arith.constant dense<0.000000e+00> : vector<32x1xf32>
    %dot_general3A_48 = tpu.matmul %div3A_47, %div3A_21, %dot_general3A {dimension_numbers = #tpu.dot_dimension_numbers<[0], [0], [1], [1], [0, 1, 1, 1], [], []>, precision = #tpu.contract_precision<fp32>, transpose_lhs_hint = false} : vector<128x32xf32>, vector<128x1xf32>, vector<32x1xf32> -> vector<32x1xf32>
    %dot_general3A_49 = arith.constant dense<0.000000e+00> : vector<32x16384xf32>
    %dot_general3A_50 = tpu.matmul %div3A_47, %get3A_1, %dot_general3A_49 {dimension_numbers = #tpu.dot_dimension_numbers<[0], [1], [1], [0], [0, 1, 1, 0], [], []>, precision = #tpu.contract_precision<fp32>, transpose_lhs_hint = false} : vector<128x32xf32>, vector<16384x128xf32>, vector<32x16384xf32> -> vector<32x16384xf32>
    %gt3A = vector.broadcast %dot_general3A_48 : vector<32x1xf32> to vector<32x16384xf32>
    %gt3A_51 = arith.cmpf ogt, %dot_general3A_50, %gt3A : vector<32x16384xf32>
    %convert_element_type3A = arith.extui %gt3A_51 : vector<32x16384xi1> to vector<32x16384xi32>
    %iota3A = tpu.iota {dimensions = array<i32: 0>} : vector<32x1xi32>
    %shift_left3A = vector.broadcast %iota3A : vector<32x1xi32> to vector<32x16384xi32>
    %shift_left3A_52 = arith.shli %convert_element_type3A, %shift_left3A : vector<32x16384xi32>
    %reduce_sum3A_53 = arith.constant dense<0> : vector<16384xi32>
    %reduce_sum3A_54 = vector.multi_reduction <add>, %shift_left3A_52, %reduce_sum3A_53 [0] : vector<32x16384xi32> to vector<16384xi32>
    %swap3A = arith.constant 0 : index
    %swap3A_55 = vector.load %arg2[%swap3A] : memref<16384xi32, #tpu.memory_space<vmem>>, vector<16384xi32>
    tpu.vector_store %arg2[%swap3A], %reduce_sum3A_54 {strides = array<i32>} : memref<16384xi32, #tpu.memory_space<vmem>>, vector<16384xi32>,
    return
  }
}

</mosaic_0001>

<sc_bundles>
// kernel: kernel.4.cloned.1.call-start
scs
__scs_entry_jumppad:
0x0: {  	(pc) =	sbr.rel $0x88, $3  }
0x1: {  	(tag) =	ssettag $0x0;
	lr =	simm.s32 $0x1  }
0x2: {  	[smem:$0x3F9E] =	sst lr;
	_ =	strace $0xD0000000  }
0x3: {  	_ = 	snop  }
0x4: {  	_ = 	snop  }
0x5: {  	_ = 	snop  }
0x6: {  	_ = 	snop  }
0x7: {  	_ = 	snop  }
__scs_overlays_trampoline_lowered:
0x8: {  	[smem:$0x3FAD] =	sst s0  }
0x9: {  	[smem:$0x3FAE] =	sst s1  }
0xa: {  	[smem:$0x3FAF] =	sst s2  }
0xb: {  	[smem:$0x3FB0] =	sst s3  }
0xc: {  	[smem:$0x3FB1] =	sst s4  }
0xd: {  	[smem:$0x3FB2] =	sst s5  }
0xe: {  	[smem:$0x3FB3] =	sst s6  }
0xf: {  	[smem:$0x3FB4] =	sst s7  }
0x10: {  	[smem:$0x3FB5] =	sst s8  }
0x11: {  	[smem:$0x3FB6] =	sst s9;
	s0 =	simm.s32 @!p0 $0x0  }
0x12: {  	s1 =	sld [smem:$0x3F9C];
	s0 =	simm.s32 @p0 $0x1  }
0x13: {  	[smem:$0x3FB7] =	sst s0;
	s0 =	simm.s32 @!p1 $0x0  }
0x14: {  	s2 =	sld [smem:$0x3F9B];
	s0 =	simm.s32 @p1 $0x1  }
0x15: {  	[smem:$0x3FB8] =	sst s0;
	s0 =	simm.s32 @!p2 $0x0  }
0x16: {  	s3 =	sld [smem:$0x3FDB];
	s0 =	simm.s32 @p2 $0x1  }
0x17: {  	s4 =	simm.s32 $0x1BF5;
	[smem:$0x3FBA] =	sst s0  }
0x18: {  	s0 =	sld [smem:$0x3F9D];
	_ =	swait.ge [sflag:s4], $0x0  }
0x19: {  	s7 =	sld [smem:$0x3F9E]  }
0x1a: {  	s8 =	sadd.s32 $0xFFFFE003, lr  }
0x1b: {  	s9 =	sadd.s32 $0xFFFFFEF7, lr;
	s5 =	simm.s32 $0xFFFFFFFF;
	p2 =	slt.u32 s8, $0xFFFFF086  }
0x1c: {  	p1 =	slt.u32 s9, $0xF7A;
	s5 =	simm.s32 @!p2 $0x0  }
0x1d: {  	s5 =	simm.s32 @p1 $0x1;
	p0 =	seq.s32 s7, s2  }
0x1e: {  	s7 =	smul.u32 @!p0 $0xF7A, s2;
	p2 =	seq.s32 @!p0 s5, $0x0  }
0x1f: {  	s9 =	smul.u32 $0xF7A, s1;
	s8 =	simm.s32 @!p0 $0x1BF5;
	p2 =	por !p2, p0  }
0x20: {  	[sflag:s8] =	ssyncset.s32 @!p0 $0xFFFFF086;
	s6 =	sadd.s32 @!p0 s3, s7;
	s7 =	simm.s32 @!p0 $0x108  }
0x21: {  	s3 =	sadd.s32 s3, s9;
	s6 =	sadd.s32 @!p0 $0x88, s6;
	s7 =	simm.s32 @p2 $0x1082  }
0x22: {  	[simem:s7], [sflag:s8] =	dma.local @!p0 [hbm:s6], $0xF7A  }
0x23: {  	s9 =	sor.u32 $0xD0000000, s2;
	s6 =	simm.s32 $0x108;
	_ =	swait.ge @!p0 [sflag:s8], $0x0  }
0x24: {  	s3 =	sadd.s32 $0x88, s3;
	s6 =	simm.s32 @!p1 $0x1082;
	[sflag:s4] =	ssyncset.s32 $0xFFFFF086  }
0x25: {  	[simem:s6], [sflag:s4] =	dma.local [hbm:s3], $0xF7A  }
0x26: {  	[smem:$0x3F9E] =	sst s1;
	(tag) =	ssettag s2;
	_ =	strace s9  }
0x27: {  	s1 =	sld [smem:$0x3FAE]  }
0x28: {  	s2 =	sld [smem:$0x3FAF]  }
0x29: {  	s4 =	sld [smem:$0x3FB1]  }
0x2a: {  	p0 =	seq.s32 s5, $0x0;
	s5 =	sld [smem:$0x3FB2]  }
0x2b: {  	s6 =	sld [smem:$0x3FB3]  }
0x2c: {  	s7 =	sld [smem:$0x3FB4]  }
0x2d: {  	s3 =	simm.s32 $0x108;
	s8 =	sld [smem:$0x3FB5]  }
0x2e: {  	s3 =	simm.s32 @!p0 $0x1082;
	s9 =	sld [smem:$0x3FB6]  }
0x2f: {  	lr =	sadd.s32 s0, s3;
	s0 =	sld [smem:$0x3FAD]  }
0x30: {  	s3 =	sld [smem:$0x3FB0]  }
0x31: {  	[smem:$0x3FB9] =	sst s10  }
0x32: {  	s10 =	sld [smem:$0x3FB7];
	_ =	sdelay $0x3  }
0x33: {  	p0 =	seq.s32 s10, $0x1;
	s10 =	sld [smem:$0x3FB9];
	_ =	sdelay $0x3  }
0x34: {  	[smem:$0x3FB9] =	sst s10  }
0x35: {  	s10 =	sld [smem:$0x3FB8];
	_ =	sdelay $0x3  }
0x36: {  	p1 =	seq.s32 s10, $0x1;
	s10 =	sld [smem:$0x3FB9];
	_ =	sdelay $0x3  }
0x37: {  	[smem:$0x3FB9] =	sst s10  }
0x38: {  	s10 =	sld [smem:$0x3FBA]  }
0x39: {  	_ = 	snop;
	(pc) =	sbr.ind lr, $3  }
0x3a: {  	_ = 	snop  }
0x3b: {  	_ = 	snop  }
0x3c: {  	p2 =	seq.s32 s10, $0x1;
	s10 =	sld [smem:$0x3FB9]  }
0x3d: {  	_ =	shalt  }
0x3e: {  	_ =	shalt  }
0x3f: {  	_ =	shalt  }
0x40: {  	_ =	shalt  }
0x41: {  	_ =	shalt  }
0x42: {  	_ =	shalt  }
0x43: {  	_ =	shalt  }
0x44: {  	_ =	shalt  }
0x45: {  	_ =	shalt  }
0x46: {  	_ =	shalt  }
0x47: {  	_ =	shalt  }
0x48: {  	_ =	shalt  }
0x49: {  	_ =	shalt  }
0x4a: {  	_ =	shalt  }
0x4b: {  	_ =	shalt  }
0x4c: {  	_ =	shalt  }
0x4d: {  	_ =	shalt  }
0x4e: {  	_ =	shalt  }
0x4f: {  	_ =	shalt  }
0x50: {  	_ =	shalt  }
0x51: {  	_ =	shalt  }
0x52: {  	_ =	shalt  }
0x53: {  	_ =	shalt  }
0x54: {  	_ =	shalt  }
0x55: {  	_ =	shalt  }
0x56: {  	_ =	shalt  }
0x57: {  	_ =	shalt  }
0x58: {  	_ =	shalt  }
0x59: {  	_ =	shalt  }
0x5a: {  	_ =	shalt  }
0x5b: {  	_ =	shalt  }
0x5c: {  	_ =	shalt  }
0x5d: {  	_ =	shalt  }
0x5e: {  	_ =	shalt  }
0x5f: {  	_ =	shalt  }
0x60: {  	_ =	shalt  }
0x61: {  	_ =	shalt  }
0x62: {  	_ =	shalt  }
0x63: {  	_ =	shalt  }
0x64: {  	_ =	shalt  }
0x65: {  	_ =	shalt  }
0x66: {  	_ =	shalt  }
0x67: {  	_ =	shalt  }
0x68: {  	_ =	shalt  }
0x69: {  	_ =	shalt  }
0x6a: {  	_ =	shalt  }
0x6b: {  	_ =	shalt  }
0x6c: {  	_ =	shalt  }
0x6d: {  	_ =	shalt  }
0x6e: {  	_ =	shalt  }
0x6f: {  	_ =	shalt  }
0x70: {  	_ =	shalt  }
0x71: {  	_ =	shalt  }
0x72: {  	_ =	shalt  }
0x73: {  	_ =	shalt  }
0x74: {  	_ =	shalt  }
0x75: {  	_ =	shalt  }
0x76: {  	_ =	shalt  }
0x77: {  	_ =	shalt  }
0x78: {  	_ =	shalt  }
0x79: {  	_ =	shalt  }
0x7a: {  	_ =	shalt  }
0x7b: {  	_ =	shalt  }
0x7c: {  	_ =	shalt  }
0x7d: {  	_ =	shalt  }
0x7e: {  	_ =	shalt  }
0x7f: {  	_ =	shalt  }
0x80: {  	_ =	shalt  }
0x81: {  	_ =	shalt  }
0x82: {  	_ =	shalt  }
0x83: {  	_ =	shalt  }
0x84: {  	_ =	shalt  }
0x85: {  	_ =	shalt  }
0x86: {  	_ =	shalt  }
0x87: {  	_ =	shalt  }
.Lfunc_end0:
.L_simem_size_0:
called_computation_lowered:
.L_overlay_start_0:
0x88: {  	s0 =	sld [smem:$0x3FD9]  }
0x89: {  	s1 =	sld [smem:$0x3FFE];
	_ =	sdelay $0x3  }
0x8a: {  	s0 =	sadd.s32 s1, s0  }
0x8b: {  	[smem:$0x3FC5] =	sst s0  }
0x8c: {  	_ = 	snop  }
0x8d: {  	s0 =	sld [smem:$0x3FD0];
	(tm) =	ssettm $0x1  }
0x8e: {  	s16 =	sld [smem:$0x3FFB];
	_ =	sdelay $0x3  }
0x8f: {  	_ =	strace s16  }
0x90: {  	s1 =	sld [smem:$0x3FFC];
	_ =	sdelay $0x3  }
0x91: {  	_ =	strace s1  }
0x92: {  	s1 =	sld [smem:$0x3FFD];
	_ =	sdelay $0x3  }
0x93: {  	_ =	strace s1  }
0x94: {  	_ =	strace $0x8FFFFFFF  }
0x95: {  	s17 =	sld [smem:$0x3FDB];
	_ =	sdelay $0x1  }
0x96: {  	s2 =	simm.s32 $_scs_section_size  }
0x97: {  	s3 =	simm.s32 $_size__tile_overlayer_lowered;
	s4 =	simm.s32 $_tile_overlayer_lowered  }
0x98: {  	s20 =	simm.s32 $0x1BFF;
	s19 =	sshll.u32 s4, $0x1;
	s1 =	sadd.s32 s2, s17  }
0x99: {  	s5 =	simm.s32 $0x0;
	s18 =	sshll.u32 s3, $0x1;
	s3 =	sadd.s32 s19, s1  }
0x9a: {  	[timem:s5], [sflag:s20] =	dma.local [hbm:s3], s18  }
0x9b: {  	_ =	swait.ge [sflag:s20], s18  }
0x9c: {  	s2 =	ssub.s32 $0x0, s18;
	[sflag:s20] =	ssyncset.done $0x0  }
0x9d: {  	[sflag:s20] =	ssyncadd.s32 s2;
	_ =	sdelay $0x1  }
0x9e: {  	s21 =	simm.s32 $0x1B8B  }
0x9f: {  	_ =	swait.ge [sflag:s21], $0x1  }
0xa0: {  	[sflag:s21] =	ssyncset.done $0x0  }
0xa1: {  	s23 =	simm.s32 $0x1B8E;
	s22 =	sld [smem:$0x3FFE];
	[sflag:s21] =	ssyncadd.s32 $0xFFFFFFFF  }
0xa2: {  	s24 =	simm.s32 $execute0_lowered;
	[smem:$0x3FD2] =	sst s23  }
0xa3: {  	s3 =	sshll.u32 s24, $0x1;
	_ =	strace $0x80000046;
	[dreg:$0x1] =	wrdreg $0xFFFFFFFF  }
0xa4: {  	s25 =	simm.s32 $_size_execute0_lowered;
	s1 =	sadd.s32 s1, s3;
	[dreg:$0x0] =	wrdreg $0x0  }
0xa5: {  	s3 =	sshll.u32 s25, $0x1;
	[dreg:$0x2] =	wrdreg s1  }
0xa6: {  	[dreg:$0x3] =	wrdreg s3  }
0xa7: {  	[dreg:$0x4] =	wrdreg $0xC0  }
0xa8: {  	_ =	task [dreg:s5], $0x5FFFF  }
0xa9: {  	[dreg:$0x1] =	wrdreg $0xFFFFFFFF  }
0xaa: {  	[dreg:$0x0] =	wrdreg $0x60  }
0xab: {  	[dreg:$0x2] =	wrdreg s22  }
0xac: {  	[dreg:$0x3] =	wrdreg s0  }
0xad: {  	[dreg:$0x4] =	wrdreg $0xF5800  }
0xae: {  	[dreg:$0x5] =	wrdreg $0x179900  }
0xaf: {  	[dreg:$0x6] =	wrdreg $0x181C00  }
0xb0: {  	[dreg:$0x7] =	wrdreg $0x175800  }
0xb1: {  	[dreg:$0x8] =	wrdreg $0x17DA00  }
0xb2: {  	[dreg:$0x9] =	wrdreg $0x181B00  }
0xb3: {  	[dreg:$0xa] =	wrdreg $0x9  }
0xb4: {  	_ =	task.clear_ibuf [dreg:s5], $0xBFFFF;
	_ =	strace $0x90000046  }
0xb5: {  	s26 =	simm.s32 $0x9;
	_ =	strace $0x80000048  }
0xb6: {  	_ =	swait.ge [sflag:s26], $0x1  }
0xb7: {  	[sflag:s26] =	ssyncadd.s32 $0xFFFFFFFF  }
0xb8: {  	_ =	strace $0x90000048  }
0xb9: {  	_ =	sfence  }
0xba: {  	s28 =	sld [smem:$0x0];
	_ =	sdelay $0x1  }
0xbb: {  	s29 =	srdreg.scid  }
0xbc: {  	s30 =	sshll.u32 s29, $0xD;
	s31 =	sshrl.u32 s29, $0x2  }
0xbd: {  	s2 =	sand.u32 $0x4000, s30;
	s1 =	sand.u32 $0x1, s29;
	s0 =	sadd.s32 s31, s28  }
0xbe: {  	s1 =	sor.u32 s2, s1;
	s0 =	sshll.u32 s0, $0x11  }
0xbf: {  	s0 =	sor.u32 s0, s1  }
0xc0: {  	s0 =	sadd.s32 $0x8F2B, s0  }
0xc1: {  	[sflag:s0] =	ssyncadd.remote.s32 $0x1  }
0xc2: {  	_ =	sfence.sel $0xFFFF  }
0xc3: {  	[dreg:$0x0] =	wrdreg $0xFFFFFFFF;
	(pc) =	sbr.abs _section_cstart, $3  }
0xc4: {  	[dreg:$0x1] =	wrdreg $0xFFFFFFFF  }
0xc5: {  	_ =	task.clear_ibuf [dreg:s5], $0x2FFFF;
	_ =	strace $0x9FFFFFFF  }
0xc6: {  	(tm) =	ssettm $0x7FFFFFFF  }
0xc7: {  	_ =	shalt  }
tec
execute0_lowered:
.L_overlay_start_1:
0x0: {  	(tag) =	ssettag $0x1  }
0x1: {  	s11 =	rddreg [dreg:$0x0]  }
0x2: {  	s4 =	rddreg [dreg:$0x1]  }
0x3: {  	s6 =	rddreg [dreg:$0x2]  }
0x4: {  	s7 =	rddreg [dreg:$0x3]  }
0x5: {  	s2 =	rddreg [dreg:$0x4]  }
0x6: {  	s10 =	rddreg [dreg:$0x5]  }
0x7: {  	s9 =	rddreg [dreg:$0x6];
	s1 =	stileid.u32  }
0x8: {  	s8 =	rddreg [dreg:$0x7];
	s3 =	simm.s32 $0x0;
	s5 =	sshll.u32 s1, $0x7  }
0x9: {  	[smem:$0x7FF] =	sst s3;
	s11 =	sadd.s32 s5, s11  }
0xa: {  	s0 =	rddreg [dreg:$0x8];
	_ =	strace $0x80000047;
	s12 =	sadd.s32 $0x1000, s11  }
0xb: {  	[tilespmem:s3], [sflag:$0x1] =	stream.linear.gather [hbm4b:s12+s3], $0x400, $0x38;
	[tilespmem:$0x185C8] =	vst v63  }
0xc: {  	s31 =	simm.s32 $0x400;
	s11 =	sadd.s32 $0x800, s11  }
0xd: {  	v0 =	vimm.s32 $0x1;
	[tilespmem:s31], [sflag:$0x1] =	stream.linear.gather [hbm4b:s11+s3], $0x400, $0x38;
	[tilespmem:$0x185C8] =	vst v63  }
0xe: {  	[tilespmem:$0x2400] =	vst v0  }
0xf: {  	[tilespmem:$0x2410] =	vst v0  }
0x10: {  	[tilespmem:$0x2420] =	vst v0  }
0x11: {  	[tilespmem:$0x2430] =	vst v0  }
0x12: {  	[tilespmem:$0x2440] =	vst v0  }
0x13: {  	[tilespmem:$0x2450] =	vst v0  }
0x14: {  	[tilespmem:$0x2460] =	vst v0  }
0x15: {  	[tilespmem:$0x2470] =	vst v0;
	v0 =	vimm.s32 $0x0  }
.LBB2_1:
0x16: {  	p0 =	sne.s32 s3, $0x1FC0  }
.Ltmp0:
0x17: {  	_ = 	snop;
	(pc) =	sbr.rel @p0 .LBB2_1-.Ltmp0, $3  }
0x18: {  	_ =	sdelay $0x1  }
0x19: {  	s11 =	sshra.s32 s3, $0x2  }
0x1a: {  	s3 =	sadd.s32 $0x40, s3;
	[tilespmem:s11+$0x2480] =	vst v0  }
0x1b: {  	v0 =	vimm.s32 $0xFFFFFFFF;
	s3 =	simm.s32 $0x40;
	s11 =	simm.s32 $0x0  }
.LBB2_3:
0x1c: {  	p0 =	sne.s32 s3, $0x1000;
	[tilespmem:s11+$0x2C80] =	vst v0;
	s11 =	smov.u32 s3;
	s3 =	sadd.s32 $0x40, s3  }
.Ltmp1:
0x1d: {  	(pc) =	sbr.rel @p0 .LBB2_3-.Ltmp1, $2  }
0x1e: {  	_ =	sdelay $0x2  }
0x1f: {  	s11 =	sshra.s32 s11, $0x2  }
0x20: {  	s3 =	sshll.u32 s1, $0xF  }
0x21: {  	[tilespmem:s11+$0x2C80] =	vst v0;
	s16 =	simm.s32 $0x2480;
	s3 =	sadd.s32 s3, s6  }
0x22: {  	[spmem:s3] =	stream.linear.scatter [tilespmem:s16], [sflag:$0x2], $0x800, $0x38;
	[tilespmem:$0x185C8] =	vst v63  }
0x23: {  	s12 =	sadd.s32 $0x800, s3  }
0x24: {  	[spmem:s12] =	stream.linear.scatter [tilespmem:s16], [sflag:$0x2], $0x800, $0x38;
	[tilespmem:$0x185C8] =	vst v63  }
0x25: {  	s17 =	sadd.s32 $0x1000, s3  }
0x26: {  	[spmem:s17] =	stream.linear.scatter [tilespmem:s16], [sflag:$0x2], $0x800, $0x38;
	[tilespmem:$0x185C8] =	vst v63  }
0x27: {  	s18 =	sadd.s32 $0x1800, s3  }
0x28: {  	[spmem:s18] =	stream.linear.scatter [tilespmem:s16], [sflag:$0x2], $0x800, $0x38;
	[tilespmem:$0x185C8] =	vst v63  }
0x29: {  	s19 =	sadd.s32 $0x2000, s3  }
0x2a: {  	[spmem:s19] =	stream.linear.scatter [tilespmem:s16], [sflag:$0x2], $0x800, $0x38;
	[tilespmem:$0x185C8] =	vst v63  }
0x2b: {  	s20 =	sadd.s32 $0x2800, s3  }
0x2c: {  	[spmem:s20] =	stream.linear.scatter [tilespmem:s16], [sflag:$0x2], $0x800, $0x38;
	[tilespmem:$0x185C8] =	vst v63  }
0x2d: {  	s21 =	sadd.s32 $0x3000, s3  }
0x2e: {  	[spmem:s21] =	stream.linear.scatter [tilespmem:s16], [sflag:$0x2], $0x800, $0x38;
	[tilespmem:$0x185C8] =	vst v63  }
0x2f: {  	s22 =	sadd.s32 $0x3800, s3  }
0x30: {  	[spmem:s22] =	stream.linear.scatter [tilespmem:s16], [sflag:$0x2], $0x800, $0x38;
	[tilespmem:$0x185C8] =	vst v63  }
0x31: {  	s23 =	sadd.s32 $0x4000, s3  }
0x32: {  	[spmem:s23] =	stream.linear.scatter [tilespmem:s16], [sflag:$0x2], $0x800, $0x38;
	[tilespmem:$0x185C8] =	vst v63  }
0x33: {  	s24 =	sadd.s32 $0x4800, s3  }
0x34: {  	[spmem:s24] =	stream.linear.scatter [tilespmem:s16], [sflag:$0x2], $0x800, $0x38;
	[tilespmem:$0x185C8] =	vst v63  }
0x35: {  	s25 =	sadd.s32 $0x5000, s3  }
0x36: {  	[spmem:s25] =	stream.linear.scatter [tilespmem:s16], [sflag:$0x2], $0x800, $0x38;
	[tilespmem:$0x185C8] =	vst v63  }
0x37: {  	s26 =	sadd.s32 $0x5800, s3  }
0x38: {  	[spmem:s26] =	stream.linear.scatter [tilespmem:s16], [sflag:$0x2], $0x800, $0x38;
	[tilespmem:$0x185C8] =	vst v63  }
0x39: {  	s28 =	sadd.s32 $0x6000, s3  }
0x3a: {  	[spmem:s28] =	stream.linear.scatter [tilespmem:s16], [sflag:$0x2], $0x800, $0x38;
	[tilespmem:$0x185C8] =	vst v63  }
0x3b: {  	s29 =	sadd.s32 $0x6800, s3  }
0x3c: {  	[spmem:s29] =	stream.linear.scatter [tilespmem:s16], [sflag:$0x2], $0x800, $0x38;
	[tilespmem:$0x185C8] =	vst v63  }
0x3d: {  	s30 =	sadd.s32 $0x7000, s3  }
0x3e: {  	[spmem:s30] =	stream.linear.scatter [tilespmem:s16], [sflag:$0x2], $0x800, $0x38;
	[tilespmem:$0x185C8] =	vst v63  }
0x3f: {  	s31 =	simm.s32 $0x1;
	s3 =	sadd.s32 $0x7800, s3  }
0x40: {  	[spmem:s3] =	stream.linear.scatter [tilespmem:s16], [sflag:$0x2], $0x800, $0x38;
	[tilespmem:$0x185C8] =	vst v63  }
0x41: {  	_ =	swait.ge [sflag:s31], $0x400  }
0x42: {  	[sflag:s31] =	ssyncset.done $0x0  }
0x43: {  	[sflag:s31] =	ssyncadd.s32 $0xFFFFFC00  }
0x44: {  	_ =	swait.ge [sflag:s31], $0x400  }
0x45: {  	[sflag:s31] =	ssyncset.done $0x0  }
0x46: {  	s11 =	simm.s32 $0x0;
	[sflag:s31] =	ssyncadd.s32 $0xFFFFFC00  }
0x47: {  	v3 =	vld [tilespmem:s11+$0x400]  }
0x48: {  	v0 =	vlaneseq.u32;
	s3 =	sshll.u32 s1, $0xA  }
0x49: {  	v2 =	vor.u32 s3, v0;
	v4 =	vld [tilespmem:s11+$0x0]  }
0x4a: {  	v1 =	vimm.f32 $1.000000000e+00;
	[tilespmem:s11+$0x800] =	vst v2  }
0x4b: {  	[tilespmem:s11+$0x1000] =	vst v1;
	v2 =	vimm.s32 $0x4000  }
0x4c: {  	s12 =	simm.s32 $0x10;
	[tilespmem:s11+$0x2000] =	vst v2;
	v5 =	vmul.u32 $0x9E3779B9, v3  }
0x4d: {  	s14 =	sadd.s32 $0x10, s3;
	v3 =	vld [tilespmem:s12+$0x400]  }
0x4e: {  	v6 =	vor.u32 s14, v0;
	v4 =	vxor.u32 v4, v5  }
0x4f: {  	[tilespmem:s12+$0x800] =	vst v6;
	v5 =	vmul.u32 $0x85EBCA6B, v4;
	v4 =	vld [tilespmem:s12+$0x0]  }
0x50: {  	[tilespmem:s12+$0x1000] =	vst v1  }
0x51: {  	s13 =	simm.s32 $0x80;
	s14 =	sadd.s32 $0x10, s14;
	[tilespmem:s12+$0x2000] =	vst v2;
	v5 =	vshrl.u32 v5, $0xD  }
.LBB2_5:
0x52: {  	s15 =	sshra.s32 s13, $0x2;
	v6 =	vor.u32 s14, v0;
	p0 =	sne.s32 s13, $0xFC0;
	s13 =	sadd.s32 $0x40, s13;
	v7 =	vmul.u32 $0x9E3779B9, v3;
	[tilespmem:s11+$0x1800] =	vst v5  }
.Ltmp2:
0x53: {  	s11 =	smov.u32 s12;
	v3 =	vld [tilespmem:s15+$0x400];
	[tilespmem:s15+$0x800] =	vst v6;
	s12 =	smov.u32 s15;
	(pc) =	sbr.rel @p0 .LBB2_5-.Ltmp2, $3  }
0x54: {  	[tilespmem:s12+$0x1000] =	vst v1;
	v5 =	vxor.u32 v4, v7  }
0x55: {  	v4 =	vld [tilespmem:s12+$0x0];
	[tilespmem:s12+$0x2000] =	vst v2;
	v5 =	vmul.u32 $0x85EBCA6B, v5;
	_ =	sdelay $0x1  }
0x56: {  	s14 =	sadd.s32 $0x10, s14;
	v5 =	vshrl.u32 v5, $0xD  }
0x57: {  	v0 =	vmul.u32 $0x9E3779B9, v3;
	_ =	sdelay $0x1  }
0x58: {  	v0 =	vxor.u32 v4, v0  }
0x59: {  	v0 =	vmul.u32 $0x85EBCA6B, v0  }
0x5a: {  	s15 =	smul.u32 $0x410, s1  }
0x5b: {  	[tilespmem:s11+$0x1800] =	vst v5;
	v0 =	vshrl.u32 v0, $0xD  }
0x5c: {  	s26 =	simm.s32 $0x2C80;
	s25 =	sadd.s32 s15, s7;
	[tilespmem:s12+$0x1800] =	vst v0  }
0x5d: {  	[spmem:s25] =	stream.linear.scatter [tilespmem:s26], [sflag:$0x1], $0x410, $0x38;
	[tilespmem:$0x185C8] =	vst v63  }
0x5e: {  	s3 =	sadd.s32 s3, s2;
	s28 =	simm.s32 $0x1000;
	s29 =	simm.s32 $0x2  }
0x5f: {  	[spmem:s3] =	stream.linear.scatter [tilespmem:s28], [sflag:$0x1], $0x400, $0x38;
	[tilespmem:$0x185C8] =	vst v63  }
0x60: {  	_ =	swait.ge [sflag:s29], $0x800  }
0x61: {  	[sflag:s29] =	ssyncset.done $0x0  }
0x62: {  	[sflag:s29] =	ssyncadd.s32 $0xFFFFF800  }
0x63: {  	_ =	swait.ge [sflag:s29], $0x800  }
0x64: {  	[sflag:s29] =	ssyncset.done $0x0  }
0x65: {  	[sflag:s29] =	ssyncadd.s32 $0xFFFFF800  }
0x66: {  	_ =	swait.ge [sflag:s29], $0x800  }
0x67: {  	[sflag:s29] =	ssyncset.done $0x0  }
0x68: {  	[sflag:s29] =	ssyncadd.s32 $0xFFFFF800  }
0x69: {  	_ =	swait.ge [sflag:s29], $0x800  }
0x6a: {  	[sflag:s29] =	ssyncset.done $0x0  }
0x6b: {  	[sflag:s29] =	ssyncadd.s32 $0xFFFFF800  }
0x6c: {  	_ =	swait.ge [sflag:s29], $0x800  }
0x6d: {  	[sflag:s29] =	ssyncset.done $0x0  }
0x6e: {  	[sflag:s29] =	ssyncadd.s32 $0xFFFFF800  }
0x6f: {  	_ =	swait.ge [sflag:s29], $0x800  }
0x70: {  	[sflag:s29] =	ssyncset.done $0x0  }
0x71: {  	[sflag:s29] =	ssyncadd.s32 $0xFFFFF800  }
0x72: {  	_ =	swait.ge [sflag:s29], $0x800  }
0x73: {  	[sflag:s29] =	ssyncset.done $0x0  }
0x74: {  	[sflag:s29] =	ssyncadd.s32 $0xFFFFF800  }
0x75: {  	_ =	swait.ge [sflag:s29], $0x800  }
0x76: {  	[sflag:s29] =	ssyncset.done $0x0  }
0x77: {  	[sflag:s29] =	ssyncadd.s32 $0xFFFFF800  }
0x78: {  	_ =	swait.ge [sflag:s29], $0x800  }
0x79: {  	[sflag:s29] =	ssyncset.done $0x0  }
0x7a: {  	[sflag:s29] =	ssyncadd.s32 $0xFFFFF800  }
0x7b: {  	_ =	swait.ge [sflag:s29], $0x800  }
0x7c: {  	[sflag:s29] =	ssyncset.done $0x0  }
0x7d: {  	[sflag:s29] =	ssyncadd.s32 $0xFFFFF800  }
0x7e: {  	_ =	swait.ge [sflag:s29], $0x800  }
0x7f: {  	[sflag:s29] =	ssyncset.done $0x0  }
0x80: {  	[sflag:s29] =	ssyncadd.s32 $0xFFFFF800  }
0x81: {  	_ =	swait.ge [sflag:s29], $0x800  }
0x82: {  	[sflag:s29] =	ssyncset.done $0x0  }
0x83: {  	[sflag:s29] =	ssyncadd.s32 $0xFFFFF800  }
0x84: {  	_ =	swait.ge [sflag:s29], $0x800  }
0x85: {  	[sflag:s29] =	ssyncset.done $0x0  }
0x86: {  	[sflag:s29] =	ssyncadd.s32 $0xFFFFF800  }
0x87: {  	_ =	swait.ge [sflag:s29], $0x800  }
0x88: {  	[sflag:s29] =	ssyncset.done $0x0  }
0x89: {  	[sflag:s29] =	ssyncadd.s32 $0xFFFFF800  }
0x8a: {  	_ =	swait.ge [sflag:s29], $0x800  }
0x8b: {  	[sflag:s29] =	ssyncset.done $0x0  }
0x8c: {  	[sflag:s29] =	ssyncadd.s32 $0xFFFFF800  }
0x8d: {  	_ =	swait.ge [sflag:s29], $0x800  }
0x8e: {  	[sflag:s29] =	ssyncset.done $0x0  }
0x8f: {  	s13 =	simm.s32 $0x1800;
	[sflag:s29] =	ssyncadd.s32 $0xFFFFF800  }
0x90: {  	s30 =	simm.s32 $0x2400;
	s12 =	simm.s32 $0x80;
	[bflag:$0x0] =	sbarrier.arrive $0xFFFF  }
0x91: {  	[spmem:s6] =	stream.indirect.scatter.add.s32 [tilespmem:s30], [sflag:$0x3], $0x1, s13, s12, $0xb8;
	[tilespmem:$0x185C8] =	vst v63  }
0x92: {  	s14 =	simm.s32 $0x1880  }
0x93: {  	[spmem:s6] =	stream.indirect.scatter.add.s32 [tilespmem:s30], [sflag:$0x3], $0x1, s14, s12, $0xb8;
	[tilespmem:$0x185C8] =	vst v63  }
0x94: {  	s16 =	simm.s32 $0x1900  }
0x95: {  	[spmem:s6] =	stream.indirect.scatter.add.s32 [tilespmem:s30], [sflag:$0x3], $0x1, s16, s12, $0xb8;
	[tilespmem:$0x185C8] =	vst v63  }
0x96: {  	s17 =	simm.s32 $0x1980  }
0x97: {  	[spmem:s6] =	stream.indirect.scatter.add.s32 [tilespmem:s30], [sflag:$0x3], $0x1, s17, s12, $0xb8;
	[tilespmem:$0x185C8] =	vst v63  }
0x98: {  	s18 =	simm.s32 $0x1A00  }
0x99: {  	[spmem:s6] =	stream.indirect.scatter.add.s32 [tilespmem:s30], [sflag:$0x3], $0x1, s18, s12, $0xb8;
	[tilespmem:$0x185C8] =	vst v63  }
0x9a: {  	s19 =	simm.s32 $0x1A80  }
0x9b: {  	[spmem:s6] =	stream.indirect.scatter.add.s32 [tilespmem:s30], [sflag:$0x3], $0x1, s19, s12, $0xb8;
	[tilespmem:$0x185C8] =	vst v63  }
0x9c: {  	s20 =	simm.s32 $0x1B00  }
0x9d: {  	[spmem:s6] =	stream.indirect.scatter.add.s32 [tilespmem:s30], [sflag:$0x3], $0x1, s20, s12, $0xb8;
	[tilespmem:$0x185C8] =	vst v63  }
0x9e: {  	s21 =	simm.s32 $0x1B80;
	s31 =	simm.s32 $0x3  }
0x9f: {  	[spmem:s6] =	stream.indirect.scatter.add.s32 [tilespmem:s30], [sflag:$0x3], $0x1, s21, s12, $0xb8;
	[tilespmem:$0x185C8] =	vst v63  }
0xa0: {  	_ =	swait.ge [sflag:s31], $0x80  }
0xa1: {  	[sflag:s31] =	ssyncset.done $0x0  }
0xa2: {  	[sflag:s31] =	ssyncadd.s32 $0xFFFFFF80  }
0xa3: {  	_ =	swait.ge [sflag:s31], $0x80  }
0xa4: {  	[sflag:s31] =	ssyncset.done $0x0  }
0xa5: {  	[sflag:s31] =	ssyncadd.s32 $0xFFFFFF80  }
0xa6: {  	_ =	swait.ge [sflag:s31], $0x80  }
0xa7: {  	[sflag:s31] =	ssyncset.done $0x0  }
0xa8: {  	[sflag:s31] =	ssyncadd.s32 $0xFFFFFF80  }
0xa9: {  	_ =	swait.ge [sflag:s31], $0x80  }
0xaa: {  	[sflag:s31] =	ssyncset.done $0x0  }
0xab: {  	[sflag:s31] =	ssyncadd.s32 $0xFFFFFF80  }
0xac: {  	_ =	swait.ge [sflag:s31], $0x80  }
0xad: {  	[sflag:s31] =	ssyncset.done $0x0  }
0xae: {  	[sflag:s31] =	ssyncadd.s32 $0xFFFFFF80  }
0xaf: {  	_ =	swait.ge [sflag:s31], $0x80  }
0xb0: {  	[sflag:s31] =	ssyncset.done $0x0  }
0xb1: {  	[sflag:s31] =	ssyncadd.s32 $0xFFFFFF80  }
0xb2: {  	_ =	swait.ge [sflag:s31], $0x80  }
0xb3: {  	[sflag:s31] =	ssyncset.done $0x0  }
0xb4: {  	[sflag:s31] =	ssyncadd.s32 $0xFFFFFF80  }
0xb5: {  	_ =	swait.ge [sflag:s31], $0x80  }
0xb6: {  	[sflag:s31] =	ssyncset.done $0x0  }
0xb7: {  	[sflag:s31] =	ssyncadd.s32 $0xFFFFFF80  }
0xb8: {  	s22 =	simm.s32 $0xC00;
	[bflag:$0x0] =	sbarrier.arrive $0xFFFF  }
0xb9: {  	[tilespmem:s22], [sflag:$0x3] =	stream.indirect.gather [spmem:s6], $0x1, s13, s12, $0xb8;
	[tilespmem:$0x185C8] =	vst v63  }
0xba: {  	s22 =	simm.s32 $0xC80  }
0xbb: {  	[tilespmem:s22], [sflag:$0x3] =	stream.indirect.gather [spmem:s6], $0x1, s14, s12, $0xb8;
	[tilespmem:$0x185C8] =	vst v63  }
0xbc: {  	s23 =	simm.s32 $0xD00  }
0xbd: {  	[tilespmem:s23], [sflag:$0x3] =	stream.indirect.gather [spmem:s6], $0x1, s16, s12, $0xb8;
	[tilespmem:$0x185C8] =	vst v63  }
0xbe: {  	s24 =	simm.s32 $0xD80  }
0xbf: {  	[tilespmem:s24], [sflag:$0x3] =	stream.indirect.gather [spmem:s6], $0x1, s17, s12, $0xb8;
	[tilespmem:$0x185C8] =	vst v63  }
0xc0: {  	s25 =	simm.s32 $0xE00  }
0xc1: {  	[tilespmem:s25], [sflag:$0x3] =	stream.indirect.gather [spmem:s6], $0x1, s18, s12, $0xb8;
	[tilespmem:$0x185C8] =	vst v63  }
0xc2: {  	s26 =	simm.s32 $0xE80  }
0xc3: {  	[tilespmem:s26], [sflag:$0x3] =	stream.indirect.gather [spmem:s6], $0x1, s19, s12, $0xb8;
	[tilespmem:$0x185C8] =	vst v63  }
0xc4: {  	s28 =	simm.s32 $0xF00  }
0xc5: {  	[tilespmem:s28], [sflag:$0x3] =	stream.indirect.gather [spmem:s6], $0x1, s20, s12, $0xb8;
	[tilespmem:$0x185C8] =	vst v63  }
0xc6: {  	s29 =	simm.s32 $0xF80  }
0xc7: {  	[tilespmem:s29], [sflag:$0x3] =	stream.indirect.gather [spmem:s6], $0x1, s21, s12, $0xb8;
	[tilespmem:$0x185C8] =	vst v63  }
0xc8: {  	_ =	swait.ge [sflag:s31], $0x80  }
0xc9: {  	[sflag:s31] =	ssyncset.done $0x0  }
0xca: {  	[sflag:s31] =	ssyncadd.s32 $0xFFFFFF80  }
0xcb: {  	_ =	swait.ge [sflag:s31], $0x80  }
0xcc: {  	[sflag:s31] =	ssyncset.done $0x0  }
0xcd: {  	[sflag:s31] =	ssyncadd.s32 $0xFFFFFF80  }
0xce: {  	_ =	swait.ge [sflag:s31], $0x80  }
0xcf: {  	[sflag:s31] =	ssyncset.done $0x0  }
0xd0: {  	[sflag:s31] =	ssyncadd.s32 $0xFFFFFF80  }
0xd1: {  	_ =	swait.ge [sflag:s31], $0x80  }
0xd2: {  	[sflag:s31] =	ssyncset.done $0x0  }
0xd3: {  	[sflag:s31] =	ssyncadd.s32 $0xFFFFFF80  }
0xd4: {  	_ =	swait.ge [sflag:s31], $0x80  }
0xd5: {  	[sflag:s31] =	ssyncset.done $0x0  }
0xd6: {  	[sflag:s31] =	ssyncadd.s32 $0xFFFFFF80  }
0xd7: {  	_ =	swait.ge [sflag:s31], $0x80  }
0xd8: {  	[sflag:s31] =	ssyncset.done $0x0  }
0xd9: {  	[sflag:s31] =	ssyncadd.s32 $0xFFFFFF80  }
0xda: {  	_ =	swait.ge [sflag:s31], $0x80  }
0xdb: {  	[sflag:s31] =	ssyncset.done $0x0  }
0xdc: {  	[sflag:s31] =	ssyncadd.s32 $0xFFFFFF80  }
0xdd: {  	_ =	swait.ge [sflag:s31], $0x80  }
0xde: {  	s11 =	simm.s32 $0x0;
	[sflag:s31] =	ssyncset.done $0x0  }
0xdf: {  	s30 =	sadd.s32 $0x40F, s15;
	[sflag:s31] =	ssyncadd.s32 $0xFFFFFF80;
	s31 =	simm.s32 $0x0  }
0xe0: {  	v1 =	vimm.s32 $0x0;
	v2 =	vlaneseq.u32;
	v0 =	vmov s30;
	s13 =	simm.s32 $0x0;
	s12 =	simm.s32 $0x10;
	s6 =	simm.s32 $0x0;
	v3 =	vld [tilespmem:s31+$0xC00]  }
.LBB2_7:
0xe1: {  	p0 =	sne.s32 s12, $0x3F0;
	_ =	sdelay $0x3  }
0xe2: {  	vm0 =	vgt.s32 v3, $0x1  }
0xe3: {  	v3 =	vsel vm0, $0x1, v1  }
0xe4: {  	(v2sf) =	vpush v3, $0x0  }
0xe5: {  	(v2sf) =	vpush v3, $0x1  }
0xe6: {  	(v2sf) =	vpush v3, $0x2  }
0xe7: {  	(v2sf) =	vpush v3, $0x3  }
0xe8: {  	(v2sf) =	vpush v3, $0x4  }
0xe9: {  	(v2sf) =	vpush v3, $0x5  }
0xea: {  	(v2sf) =	vpush v3, $0x6  }
0xeb: {  	(v2sf) =	vpush v3, $0x7  }
0xec: {  	(v2sf) =	vpush v3, $0x8  }
0xed: {  	(v2sf) =	vpush v3, $0x9  }
0xee: {  	(v2sf) =	vpush v3, $0xA  }
0xef: {  	(v2sf) =	vpush v3, $0xB  }
0xf0: {  	(v2sf) =	vpush v3, $0xC  }
0xf1: {  	(v2sf) =	vpush v3, $0xD  }
0xf2: {  	(v2sf) =	vpush v3, $0xE  }
0xf3: {  	v4 =	vbroadcast v3, $0x0;
	s14 =	spop (v2sf);
	(v2sf) =	vpush v3, $0xF  }
0xf4: {  	vm1 =	veq.s32 v2, $0x0;
	s16 =	spop (v2sf)  }
0xf5: {  	vm2 =	veq.s32 v2, $0x2;
	v3 =	vsel vm1, $0x0, v4;
	s14 =	sadd.s32 s16, s14;
	s16 =	spop (v2sf)  }
0xf6: {  	vm3 =	veq.s32 v2, $0x3;
	v3 =	vsel vm2, s14, v3;
	s14 =	sadd.s32 s16, s14;
	s16 =	spop (v2sf)  }
0xf7: {  	vm4 =	veq.s32 v2, $0x4;
	v3 =	vsel vm3, s14, v3;
	s14 =	sadd.s32 s16, s14;
	s16 =	spop (v2sf)  }
0xf8: {  	vm5 =	veq.s32 v2, $0x5;
	v3 =	vsel vm4, s14, v3;
	s14 =	sadd.s32 s16, s14;
	s16 =	spop (v2sf)  }
0xf9: {  	vm6 =	veq.s32 v2, $0x6;
	v3 =	vsel vm5, s14, v3;
	s14 =	sadd.s32 s16, s14;
	s16 =	spop (v2sf)  }
0xfa: {  	vm7 =	veq.s32 v2, $0x7;
	v3 =	vsel vm6, s14, v3;
	s14 =	sadd.s32 s16, s14;
	s16 =	spop (v2sf)  }
0xfb: {  	vm8 =	veq.s32 v2, $0x8;
	v3 =	vsel vm7, s14, v3;
	s14 =	sadd.s32 s16, s14;
	s16 =	spop (v2sf)  }
0xfc: {  	vm9 =	veq.s32 v2, $0x9;
	v3 =	vsel vm8, s14, v3;
	s14 =	sadd.s32 s16, s14;
	s16 =	spop (v2sf)  }
0xfd: {  	vm10 =	veq.s32 v2, $0xA;
	v3 =	vsel vm9, s14, v3;
	s14 =	sadd.s32 s16, s14;
	s16 =	spop (v2sf)  }
0xfe: {  	vm11 =	veq.s32 v2, $0xB;
	v3 =	vsel vm10, s14, v3;
	s14 =	sadd.s32 s16, s14;
	s16 =	spop (v2sf)  }
0xff: {  	vm12 =	veq.s32 v2, $0xC;
	v3 =	vsel vm11, s14, v3;
	s14 =	sadd.s32 s16, s14;
	s16 =	spop (v2sf)  }
0x100: {  	vm13 =	veq.s32 v2, $0xD;
	v3 =	vsel vm12, s14, v3;
	s14 =	sadd.s32 s16, s14;
	s16 =	spop (v2sf)  }
0x101: {  	vm14 =	veq.s32 v2, $0xE;
	v3 =	vsel vm13, s14, v3;
	s14 =	sadd.s32 s16, s14;
	s16 =	spop (v2sf)  }
0x102: {  	vm15 =	veq.s32 v2, $0xF;
	s17 =	sadd.s32 s15, s13;
	v3 =	vsel vm14, s14, v3;
	s14 =	sadd.s32 s16, s14;
	s16 =	spop (v2sf)  }
.Ltmp3:
0x103: {  	s18 =	sand.u32 $0xE00, s6;
	v3 =	vsel vm15, s14, v3;
	s13 =	sadd.s32 s13, s16;
	(pc) =	sbr.rel @p0 .LBB2_7-.Ltmp3, $4  }
0x104: {  	s11 =	sand.u32 $0x70, s11;
	s16 =	sshrl.u32 s18, $0x2;
	v3 =	vadd.s32 s17, v3;
	s13 =	sadd.s32 s14, s13  }
0x105: {  	s6 =	sadd.s32 $0x40, s6;
	s14 =	sor.u32 s11, s16;
	s11 =	smov.u32 s12;
	v3 =	vsel vm0, v3, v0  }
0x106: {  	s16 =	sshra.s32 s6, $0x2;
	[tilespmem:s14+$0x1C00] =	vst v3  }
0x107: {  	s12 =	sadd.s32 $0x10, s12;
	v3 =	vld [tilespmem:s16+$0xC00]  }
0x108: {  	_ =	sdelay $0x3  }
0x109: {  	vm0 =	vgt.s32 v3, $0x1  }
0x10a: {  	v1 =	vsel vm0, $0x1, v1  }
0x10b: {  	(v2sf) =	vpush v1, $0x0  }
0x10c: {  	(v2sf) =	vpush v1, $0x1  }
0x10d: {  	(v2sf) =	vpush v1, $0x2  }
0x10e: {  	(v2sf) =	vpush v1, $0x3  }
0x10f: {  	(v2sf) =	vpush v1, $0x4  }
0x110: {  	(v2sf) =	vpush v1, $0x5  }
0x111: {  	(v2sf) =	vpush v1, $0x6  }
0x112: {  	(v2sf) =	vpush v1, $0x7  }
0x113: {  	(v2sf) =	vpush v1, $0x8  }
0x114: {  	(v2sf) =	vpush v1, $0x9  }
0x115: {  	(v2sf) =	vpush v1, $0xA  }
0x116: {  	(v2sf) =	vpush v1, $0xB  }
0x117: {  	(v2sf) =	vpush v1, $0xC  }
0x118: {  	(v2sf) =	vpush v1, $0xD  }
0x119: {  	(v2sf) =	vpush v1, $0xE  }
0x11a: {  	v2 =	vbroadcast v1, $0x0;
	s12 =	spop (v2sf)  }
0x11b: {  	s14 =	spop (v2sf)  }
0x11c: {  	v2 =	vsel vm1, $0x0, v2;
	s12 =	sadd.s32 s14, s12;
	s30 =	spop (v2sf)  }
0x11d: {  	v2 =	vsel vm2, s12, v2;
	s12 =	sadd.s32 s30, s12;
	s31 =	spop (v2sf)  }
0x11e: {  	(v2sf) =	vpush v1, $0xF;
	v1 =	vsel vm3, s12, v2;
	s12 =	sadd.s32 s31, s12;
	s16 =	spop (v2sf)  }
0x11f: {  	v1 =	vsel vm4, s12, v1;
	s12 =	sadd.s32 s16, s12;
	s17 =	spop (v2sf)  }
0x120: {  	v1 =	vsel vm5, s12, v1;
	s12 =	sadd.s32 s17, s12;
	s18 =	spop (v2sf)  }
0x121: {  	v1 =	vsel vm6, s12, v1;
	s12 =	sadd.s32 s18, s12;
	s19 =	spop (v2sf)  }
0x122: {  	v1 =	vsel vm7, s12, v1;
	s12 =	sadd.s32 s19, s12;
	s20 =	spop (v2sf)  }
0x123: {  	v1 =	vsel vm8, s12, v1;
	s12 =	sadd.s32 s20, s12;
	s21 =	spop (v2sf)  }
0x124: {  	v1 =	vsel vm9, s12, v1;
	s12 =	sadd.s32 s21, s12;
	s22 =	spop (v2sf)  }
0x125: {  	v1 =	vsel vm10, s12, v1;
	s12 =	sadd.s32 s22, s12;
	s23 =	spop (v2sf)  }
0x126: {  	v1 =	vsel vm11, s12, v1;
	s12 =	sadd.s32 s23, s12;
	s24 =	spop (v2sf)  }
0x127: {  	v1 =	vsel vm12, s12, v1;
	s12 =	sadd.s32 s24, s12;
	s25 =	spop (v2sf)  }
0x128: {  	v1 =	vsel vm13, s12, v1;
	s12 =	sadd.s32 s25, s12;
	s26 =	spop (v2sf)  }
0x129: {  	v1 =	vsel vm14, s12, v1;
	s14 =	sadd.s32 s26, s12  }
0x12a: {  	s28 =	sadd.s32 s15, s13;
	s6 =	sand.u32 $0xE00, s6;
	v1 =	vsel vm15, s14, v1  }
0x12b: {  	s11 =	sand.u32 $0x70, s11;
	s6 =	sshrl.u32 s6, $0x2;
	v1 =	vadd.s32 s28, v1  }
0x12c: {  	s6 =	sor.u32 s11, s6;
	v0 =	vsel vm0, v1, v0  }
0x12d: {  	s11 =	simm.s32 $0x1;
	s16 =	spop (v2sf);
	[tilespmem:s6+$0x1C00] =	vst v0  }
0x12e: {  	_ =	swait.ge [sflag:s11], $0x410  }
0x12f: {  	s17 =	simm.s32 $0x1C00;
	[sflag:s11] =	ssyncset.done $0x0  }
0x130: {  	s12 =	simm.s32 $0x0;
	s6 =	simm.s32 $0x80;
	[sflag:s11] =	ssyncadd.s32 $0xFFFFFBF0  }
0x131: {  	[spmem:s10] =	stream.indirect.scatter [tilespmem:s12], [sflag:$0x3], $0x1, s17, s6, $0xb8;
	[tilespmem:$0x185C8] =	vst v63  }
0x132: {  	s18 =	simm.s32 $0x400  }
0x133: {  	[spmem:s7] =	stream.indirect.scatter [tilespmem:s18], [sflag:$0x3], $0x1, s17, s6, $0xb8;
	[tilespmem:$0x185C8] =	vst v63  }
0x134: {  	s29 =	simm.s32 $0x800  }
0x135: {  	[spmem:s9] =	stream.indirect.scatter [tilespmem:s29], [sflag:$0x3], $0x1, s17, s6, $0xb8;
	[tilespmem:$0x185C8] =	vst v63  }
0x136: {  	s30 =	simm.s32 $0x1C80  }
0x137: {  	[spmem:s10] =	stream.indirect.scatter [tilespmem:s6], [sflag:$0x3], $0x1, s30, s6, $0xb8;
	[tilespmem:$0x185C8] =	vst v63  }
0x138: {  	s31 =	simm.s32 $0x480  }
0x139: {  	[spmem:s7] =	stream.indirect.scatter [tilespmem:s31], [sflag:$0x3], $0x1, s30, s6, $0xb8;
	[tilespmem:$0x185C8] =	vst v63  }
0x13a: {  	s19 =	simm.s32 $0x880  }
0x13b: {  	[spmem:s9] =	stream.indirect.scatter [tilespmem:s19], [sflag:$0x3], $0x1, s30, s6, $0xb8;
	[tilespmem:$0x185C8] =	vst v63  }
0x13c: {  	s20 =	simm.s32 $0x1D00;
	s21 =	simm.s32 $0x100  }
0x13d: {  	[spmem:s10] =	stream.indirect.scatter [tilespmem:s21], [sflag:$0x3], $0x1, s20, s6, $0xb8;
	[tilespmem:$0x185C8] =	vst v63  }
0x13e: {  	s22 =	simm.s32 $0x500  }
0x13f: {  	[spmem:s7] =	stream.indirect.scatter [tilespmem:s22], [sflag:$0x3], $0x1, s20, s6, $0xb8;
	[tilespmem:$0x185C8] =	vst v63  }
0x140: {  	s23 =	simm.s32 $0x900  }
0x141: {  	[spmem:s9] =	stream.indirect.scatter [tilespmem:s23], [sflag:$0x3], $0x1, s20, s6, $0xb8;
	[tilespmem:$0x185C8] =	vst v63  }
0x142: {  	s24 =	simm.s32 $0x1D80;
	s25 =	simm.s32 $0x180  }
0x143: {  	[spmem:s10] =	stream.indirect.scatter [tilespmem:s25], [sflag:$0x3], $0x1, s24, s6, $0xb8;
	[tilespmem:$0x185C8] =	vst v63  }
0x144: {  	s26 =	simm.s32 $0x580  }
0x145: {  	[spmem:s7] =	stream.indirect.scatter [tilespmem:s26], [sflag:$0x3], $0x1, s24, s6, $0xb8;
	[tilespmem:$0x185C8] =	vst v63  }
0x146: {  	s28 =	simm.s32 $0x980  }
0x147: {  	[spmem:s9] =	stream.indirect.scatter [tilespmem:s28], [sflag:$0x3], $0x1, s24, s6, $0xb8;
	[tilespmem:$0x185C8] =	vst v63  }
0x148: {  	s29 =	simm.s32 $0x1E00;
	s30 =	simm.s32 $0x200  }
0x149: {  	[spmem:s10] =	stream.indirect.scatter [tilespmem:s30], [sflag:$0x3], $0x1, s29, s6, $0xb8;
	[tilespmem:$0x185C8] =	vst v63  }
0x14a: {  	s31 =	simm.s32 $0x600  }
0x14b: {  	[spmem:s7] =	stream.indirect.scatter [tilespmem:s31], [sflag:$0x3], $0x1, s29, s6, $0xb8;
	[tilespmem:$0x185C8] =	vst v63  }
0x14c: {  	s19 =	simm.s32 $0xA00  }
0x14d: {  	[spmem:s9] =	stream.indirect.scatter [tilespmem:s19], [sflag:$0x3], $0x1, s29, s6, $0xb8;
	[tilespmem:$0x185C8] =	vst v63  }
0x14e: {  	s21 =	simm.s32 $0x280;
	s20 =	simm.s32 $0x1E80  }
0x14f: {  	[spmem:s10] =	stream.indirect.scatter [tilespmem:s21], [sflag:$0x3], $0x1, s20, s6, $0xb8;
	[tilespmem:$0x185C8] =	vst v63  }
0x150: {  	s22 =	simm.s32 $0x680  }
0x151: {  	[spmem:s7] =	stream.indirect.scatter [tilespmem:s22], [sflag:$0x3], $0x1, s20, s6, $0xb8;
	[tilespmem:$0x185C8] =	vst v63  }
0x152: {  	s23 =	simm.s32 $0xA80  }
0x153: {  	[spmem:s9] =	stream.indirect.scatter [tilespmem:s23], [sflag:$0x3], $0x1, s20, s6, $0xb8;
	[tilespmem:$0x185C8] =	vst v63  }
0x154: {  	s25 =	simm.s32 $0x300;
	s24 =	simm.s32 $0x1F00  }
0x155: {  	[spmem:s10] =	stream.indirect.scatter [tilespmem:s25], [sflag:$0x3], $0x1, s24, s6, $0xb8;
	[tilespmem:$0x185C8] =	vst v63  }
0x156: {  	s26 =	simm.s32 $0x700  }
0x157: {  	[spmem:s7] =	stream.indirect.scatter [tilespmem:s26], [sflag:$0x3], $0x1, s24, s6, $0xb8;
	[tilespmem:$0x185C8] =	vst v63  }
0x158: {  	s28 =	simm.s32 $0xB00  }
0x159: {  	[spmem:s9] =	stream.indirect.scatter [tilespmem:s28], [sflag:$0x3], $0x1, s24, s6, $0xb8;
	[tilespmem:$0x185C8] =	vst v63  }
0x15a: {  	s30 =	simm.s32 $0x380;
	s29 =	simm.s32 $0x1F80  }
0x15b: {  	[spmem:s10] =	stream.indirect.scatter [tilespmem:s30], [sflag:$0x3], $0x1, s29, s6, $0xb8;
	[tilespmem:$0x185C8] =	vst v63  }
0x15c: {  	s18 =	simm.s32 $0x780;
	s31 =	sadd.s32 s13, s16  }
0x15d: {  	[spmem:s7] =	stream.indirect.scatter [tilespmem:s18], [sflag:$0x3], $0x1, s29, s6, $0xb8;
	[tilespmem:$0x185C8] =	vst v63  }
0x15e: {  	s19 =	sadd.s32 s14, s31;
	s20 =	simm.s32 $0xB80  }
0x15f: {  	v0 =	vmov s19;
	[spmem:s9] =	stream.indirect.scatter [tilespmem:s20], [sflag:$0x3], $0x1, s29, s6, $0xb8;
	[tilespmem:$0x185C8] =	vst v63  }
0x160: {  	s13 =	simm.s32 $0x3;
	[tilespmem:$0x3100] =	vst v0  }
0x161: {  	_ =	swait.ge [sflag:s13], $0x80  }
0x162: {  	[sflag:s13] =	ssyncset.done $0x0  }
0x163: {  	[sflag:s13] =	ssyncadd.s32 $0xFFFFFF80  }
0x164: {  	_ =	swait.ge [sflag:s13], $0x80  }
0x165: {  	[sflag:s13] =	ssyncset.done $0x0  }
0x166: {  	[sflag:s13] =	ssyncadd.s32 $0xFFFFFF80  }
0x167: {  	_ =	swait.ge [sflag:s13], $0x80  }
0x168: {  	[sflag:s13] =	ssyncset.done $0x0  }
0x169: {  	[sflag:s13] =	ssyncadd.s32 $0xFFFFFF80  }
0x16a: {  	_ =	swait.ge [sflag:s13], $0x80  }
0x16b: {  	[sflag:s13] =	ssyncset.done $0x0  }
0x16c: {  	[sflag:s13] =	ssyncadd.s32 $0xFFFFFF80  }
0x16d: {  	_ =	swait.ge [sflag:s13], $0x80  }
0x16e: {  	[sflag:s13] =	ssyncset.done $0x0  }
0x16f: {  	[sflag:s13] =	ssyncadd.s32 $0xFFFFFF80  }
0x170: {  	_ =	swait.ge [sflag:s13], $0x80  }
0x171: {  	[sflag:s13] =	ssyncset.done $0x0  }
0x172: {  	[sflag:s13] =	ssyncadd.s32 $0xFFFFFF80  }
0x173: {  	_ =	swait.ge [sflag:s13], $0x80  }
0x174: {  	[sflag:s13] =	ssyncset.done $0x0  }
0x175: {  	[sflag:s13] =	ssyncadd.s32 $0xFFFFFF80  }
0x176: {  	_ =	swait.ge [sflag:s13], $0x80  }
0x177: {  	[sflag:s13] =	ssyncset.done $0x0  }
0x178: {  	[sflag:s13] =	ssyncadd.s32 $0xFFFFFF80  }
0x179: {  	_ =	swait.ge [sflag:s13], $0x80  }
0x17a: {  	[sflag:s13] =	ssyncset.done $0x0  }
0x17b: {  	[sflag:s13] =	ssyncadd.s32 $0xFFFFFF80  }
0x17c: {  	_ =	swait.ge [sflag:s13], $0x80  }
0x17d: {  	[sflag:s13] =	ssyncset.done $0x0  }
0x17e: {  	[sflag:s13] =	ssyncadd.s32 $0xFFFFFF80  }
0x17f: {  	_ =	swait.ge [sflag:s13], $0x80  }
0x180: {  	[sflag:s13] =	ssyncset.done $0x0  }
0x181: {  	[sflag:s13] =	ssyncadd.s32 $0xFFFFFF80  }
0x182: {  	_ =	swait.ge [sflag:s13], $0x80  }
0x183: {  	[sflag:s13] =	ssyncset.done $0x0  }
0x184: {  	[sflag:s13] =	ssyncadd.s32 $0xFFFFFF80  }
0x185: {  	_ =	swait.ge [sflag:s13], $0x80  }
0x186: {  	[sflag:s13] =	ssyncset.done $0x0  }
0x187: {  	[sflag:s13] =	ssyncadd.s32 $0xFFFFFF80  }
0x188: {  	_ =	swait.ge [sflag:s13], $0x80  }
0x189: {  	[sflag:s13] =	ssyncset.done $0x0  }
0x18a: {  	[sflag:s13] =	ssyncadd.s32 $0xFFFFFF80  }
0x18b: {  	_ =	swait.ge [sflag:s13], $0x80  }
0x18c: {  	[sflag:s13] =	ssyncset.done $0x0  }
0x18d: {  	[sflag:s13] =	ssyncadd.s32 $0xFFFFFF80  }
0x18e: {  	_ =	swait.ge [sflag:s13], $0x80  }
0x18f: {  	[sflag:s13] =	ssyncset.done $0x0  }
0x190: {  	[sflag:s13] =	ssyncadd.s32 $0xFFFFFF80  }
0x191: {  	_ =	swait.ge [sflag:s13], $0x80  }
0x192: {  	[sflag:s13] =	ssyncset.done $0x0  }
0x193: {  	[sflag:s13] =	ssyncadd.s32 $0xFFFFFF80  }
0x194: {  	_ =	swait.ge [sflag:s13], $0x80  }
0x195: {  	[sflag:s13] =	ssyncset.done $0x0  }
0x196: {  	[sflag:s13] =	ssyncadd.s32 $0xFFFFFF80  }
0x197: {  	_ =	swait.ge [sflag:s13], $0x80  }
0x198: {  	[sflag:s13] =	ssyncset.done $0x0  }
0x199: {  	[sflag:s13] =	ssyncadd.s32 $0xFFFFFF80  }
0x19a: {  	_ =	swait.ge [sflag:s13], $0x80  }
0x19b: {  	[sflag:s13] =	ssyncset.done $0x0  }
0x19c: {  	[sflag:s13] =	ssyncadd.s32 $0xFFFFFF80  }
0x19d: {  	_ =	swait.ge [sflag:s13], $0x80  }
0x19e: {  	[sflag:s13] =	ssyncset.done $0x0  }
0x19f: {  	[sflag:s13] =	ssyncadd.s32 $0xFFFFFF80  }
0x1a0: {  	_ =	swait.ge [sflag:s13], $0x80  }
0x1a1: {  	[sflag:s13] =	ssyncset.done $0x0  }
0x1a2: {  	[sflag:s13] =	ssyncadd.s32 $0xFFFFFF80  }
0x1a3: {  	_ =	swait.ge [sflag:s13], $0x80  }
0x1a4: {  	[sflag:s13] =	ssyncset.done $0x0  }
0x1a5: {  	[sflag:s13] =	ssyncadd.s32 $0xFFFFFF80  }
0x1a6: {  	_ =	swait.ge [sflag:s13], $0x80  }
0x1a7: {  	s21 =	sshll.u32 s1, $0x4;
	[sflag:s13] =	ssyncset.done $0x0  }
0x1a8: {  	s14 =	sadd.s32 s21, s8;
	s22 =	simm.s32 $0x3100;
	[sflag:s13] =	ssyncadd.s32 $0xFFFFFF80  }
0x1a9: {  	[spmem:s14] =	stream.linear.scatter [tilespmem:s22], [sflag:$0x4], $0x10, $0x38;
	[tilespmem:$0x185C8] =	vst v63  }
0x1aa: {  	s14 =	simm.s32 $0x4  }
0x1ab: {  	_ =	swait.ge [sflag:s14], $0x10  }
0x1ac: {  	[sflag:s14] =	ssyncset.done $0x0  }
0x1ad: {  	[sflag:s14] =	ssyncadd.s32 $0xFFFFFFF0  }
0x1ae: {  	s23 =	simm.s32 $0x3180;
	[bflag:$0x0] =	sbarrier.arrive $0xFFFF  }
0x1af: {  	[tilespmem:s23], [sflag:$0x3] =	stream.linear.gather [spmem:s10], $0x4100, $0x38;
	[tilespmem:$0x185C8] =	vst v63  }
0x1b0: {  	s24 =	simm.s32 $0x7280  }
0x1b1: {  	[tilespmem:s24], [sflag:$0x3] =	stream.linear.gather [spmem:s7], $0x4100, $0x38;
	[tilespmem:$0x185C8] =	vst v63  }
0x1b2: {  	s25 =	simm.s32 $0xB380;
	s28 =	sadd.s32 $0xF, s19  }
0x1b3: {  	[tilespmem:s25], [sflag:$0x3] =	stream.linear.gather [spmem:s9], $0x4100, $0x38;
	[tilespmem:$0x185C8] =	vst v63  }
0x1b4: {  	s26 =	simm.s32 $0xF480;
	s29 =	sand.u32 $0xF, s28  }
0x1b5: {  	[tilespmem:s26], [sflag:$0x3] =	stream.linear.gather [spmem:s8], $0x100, $0x38;
	[tilespmem:$0x185C8] =	vst v63  }
0x1b6: {  	p0 =	slt.s32 s28, $0x1;
	p1 =	sne.s32 s29, $0x0;
	_ =	swait.ge [sflag:s13], $0x4100  }
0x1b7: {  	s30 =	sshra.s32 s28, $0x1F;
	p0 =	por !p0, !p1;
	[sflag:s13] =	ssyncset.done $0x0  }
0x1b8: {  	s31 =	sshrl.u32 s30, $0x1C;
	p0 =	por !p0, !p0;
	[sflag:s13] =	ssyncadd.s32 $0xFFFFBF00  }
0x1b9: {  	s7 =	sadd.s32 s31, s28;
	s8 =	simm.s32 $0x1;
	_ =	swait.ge [sflag:s13], $0x4100  }
0x1ba: {  	s7 =	sshra.s32 s7, $0x4;
	s8 =	simm.s32 @!p0 $0x0;
	[sflag:s13] =	ssyncset.done $0x0  }
0x1bb: {  	s7 =	ssub.s32 s7, s8;
	[sflag:s13] =	ssyncadd.s32 $0xFFFFBF00  }
0x1bc: {  	p0 =	slt.s32 s7, $0x1;
	_ =	swait.ge [sflag:s13], $0x4100  }
.Ltmp4:
0x1bd: {  	[sflag:s13] =	ssyncset.done $0x0;
	(pc) =	sbr.rel @p0 .LBB2_17-.Ltmp4, $4  }
0x1be: {  	[sflag:s13] =	ssyncadd.s32 $0xFFFFBF00  }
0x1bf: {  	_ =	swait.ge [sflag:s13], $0x100  }
0x1c0: {  	[sflag:s13] =	ssyncset.done $0x0  }
0x1c1: {  	s4 =	sadd.s32 s4, s5;
	[sflag:s13] =	ssyncadd.s32 $0xFFFFFF00  }
.Ltmp5:
0x1c2: {  	(pc) =	sbr.rel .LBB2_10-.Ltmp5, $2  }
0x1c3: {  	_ =	sdelay $0x2  }
0x1c4: {  	v1 =	vimm.s32 $0x0;
	v2 =	vlaneseq.u32;
	v3 =	vmov s15  }
.LBB2_16:
0x1c5: {  	v5 =	vadd.s32 $0x1, v7  }
0x1c6: {  	v5 =	vcvt.s32.f32 v5;
	_ =	sdelay $0x1  }
0x1c7: {  	v6 =	vshrl.u32 v5, $0x1;
	v5 =	vmul.f32 $5.000000000e-01, v5  }
0x1c8: {  	v6 =	vsub.s32 $0x5F3759DF, v6  }
0x1c9: {  	v62 =	vmul.f32 v6, v5;
	_ =	sdelay $0x1  }
0x1ca: {  	v7 =	vmul.f32 v6, v62;
	_ =	sdelay $0x1  }
0x1cb: {  	v7 =	vsub.f32 $1.500000000e+00, v7;
	_ =	sdelay $0x1  }
0x1cc: {  	v6 =	vmul.f32 v6, v7;
	_ =	sdelay $0x1  }
0x1cd: {  	v7 =	vmul.f32 v6, v5;
	_ =	sdelay $0x1  }
0x1ce: {  	v7 =	vmul.f32 v7, v6;
	_ =	sdelay $0x1  }
0x1cf: {  	v7 =	vsub.f32 $1.500000000e+00, v7;
	_ =	sdelay $0x1  }
0x1d0: {  	v6 =	vmul.f32 v7, v6;
	_ =	sdelay $0x1  }
0x1d1: {  	v5 =	vmul.f32 v6, v5;
	_ =	sdelay $0x1  }
0x1d2: {  	v5 =	vmul.f32 v5, v6  }
0x1d3: {  	s8 =	sshll.u32 s12, $0x6;
	s12 =	sadd.s32 $0x1, s12  }
0x1d4: {  	p0 =	sne.s32 s12, s7;
	v5 =	vsub.f32 $1.500000000e+00, v5  }
.Ltmp6:
0x1d5: {  	_ = 	snop;
	(pc) =	sbr.rel @!p0 .LBB2_17-.Ltmp6, $4  }
0x1d6: {  	v63 =	vor.u32 s5, v2;
	s8 =	sshra.s32 s8, $0x2;
	v5 =	vmul.f32 v5, v6  }
0x1d7: {  	s9 =	sand.u32 $0x70, s5;
	vm0 =	vlt.s32 v63, v0;
	s8 =	sand.u32 $0xFFFFFF80, s8  }
0x1d8: {  	v4 =	vnsel vm0, $0x4000, v4;
	s31 =	sor.u32 s9, s8;
	[tilespmem:s5+$0x1400] =	vst v5  }
0x1d9: {  	[tilespmem:s31+$0x2000] =	vst v4  }
.LBB2_10:
0x1da: {  	_ =	sdelay $0x2  }
.Ltmp7:
0x1db: {  	s5 =	sshll.u32 s12, $0x4;
	(pc) =	sbr.rel .LBB2_11-.Ltmp7, $3  }
0x1dc: {  	v6 =	vld.idx.msk [tilespmem:v3+s5+$0x7280 ss:$0x1], $0xffff;
	_ =	sdelay $0x1  }
0x1dd: {  	s8 =	simm.s32 $0x0;
	v5 =	vld.idx.msk [tilespmem:v3+s5+$0x3180 ss:$0x1], $0xffff  }
0x1de: {  	s9 =	simm.s32 $0x3180;
	s10 =	simm.s32 $0x7280;
	s15 =	simm.s32 $0xB380;
	v7 =	vimm.s32 $0x0;
	v4 =	vld.idx.msk [tilespmem:v3+s5+$0xB380 ss:$0x1], $0xffff  }
.LBB2_14:
0x1df: {  	v7 =	vadd.s32 v17, v16;
	v8 =	vsel vm3, $0x1, v1  }
0x1e0: {  	v7 =	vadd.s32 v8, v7;
	v8 =	vsel vm1, $0x1, v1  }
0x1e1: {  	v7 =	vadd.s32 v8, v7  }
0x1e2: {  	vm12 =	veq.s32 v6, v13;
	v7 =	vadd.s32 v14, v7  }
0x1e3: {  	vm13 =	veq.s32 v5, v15;
	vm14 =	vlt.s32 v9, v4;
	v7 =	vadd.s32 v11, v7  }
0x1e4: {  	vm1 =	vmand vm13, vm12;
	v8 =	vsel vm2, $0x1, v1;
	v7 =	vadd.s32 v12, v7  }
0x1e5: {  	v63 =	vsel vm0, $0x1, v1;
	vm15 =	vmand vm1, vm14;
	v7 =	vadd.s32 v8, v7  }
0x1e6: {  	v8 =	vsel vm15, $0x1, v1;
	v7 =	vadd.s32 v63, v7  }
0x1e7: {  	v7 =	vadd.s32 v8, v7  }
.LBB2_15:
0x1e8: {  	s8 =	sadd.s32 $0x1, s8  }
0x1e9: {  	p0 =	sne.s32 s8, $0x10  }
.Ltmp8:
0x1ea: {  	_ = 	snop;
	(pc) =	sbr.rel @!p0 .LBB2_16-.Ltmp8, $2  }
0x1eb: {  	_ =	sdelay $0x2  }
0x1ec: {  	s9 =	sadd.s32 $0x410, s9;
	s10 =	sadd.s32 $0x410, s10;
	s15 =	sadd.s32 $0x410, s15  }
.LBB2_11:
0x1ed: {  	s16 =	sshll.u32 s8, $0x4  }
0x1ee: {  	s16 =	sand.u32 $0x3FFFFFF0, s16  }
0x1ef: {  	v8 =	vld [tilespmem:s16+$0xF480];
	_ =	sdelay $0x4  }
0x1f0: {  	(v2sf) =	vpush v8, $0x0;
	_ =	sdelay $0xe  }
0x1f1: {  	s30 =	spop (v2sf)  }
0x1f2: {  	s16 =	sadd.s32 $0xF, s30  }
0x1f3: {  	s17 =	sand.u32 $0xF, s16  }
0x1f4: {  	s31 =	sshra.s32 s16, $0x1F;
	p1 =	slt.s32 s16, $0x1;
	p0 =	sne.s32 s17, $0x0  }
0x1f5: {  	s17 =	sshrl.u32 s31, $0x1C;
	p0 =	por !p1, !p0  }
0x1f6: {  	s16 =	sadd.s32 s17, s16;
	s17 =	simm.s32 $0x1;
	p0 =	por !p0, !p0  }
0x1f7: {  	s16 =	sshra.s32 s16, $0x4;
	s17 =	simm.s32 @!p0 $0x0  }
0x1f8: {  	s16 =	ssub.s32 s16, s17  }
0x1f9: {  	p0 =	slt.s32 s16, $0x1  }
.Ltmp9:
0x1fa: {  	_ = 	snop;
	(pc) =	sbr.rel @p0 .LBB2_15-.Ltmp9, $1  }
0x1fb: {  	_ =	sdelay $0x3  }
0x1fc: {  	v10 =	vld [tilespmem:s10+$0x0]  }
0x1fd: {  	v8 =	vld [tilespmem:s15+$0x0];
	_ =	sdelay $0x2  }
0x1fe: {  	v9 =	vld [tilespmem:s9+$0x0]  }
0x1ff: {  	v11 =	vbroadcast v10, $0x2;
	v12 =	vbroadcast v10, $0xE  }
0x200: {  	v13 =	vbroadcast v8, $0x0;
	v14 =	vbroadcast v8, $0xE  }
0x201: {  	v15 =	vbroadcast v10, $0x1;
	v16 =	vbroadcast v8, $0x5  }
0x202: {  	v17 =	vbroadcast v10, $0xC;
	v18 =	vbroadcast v10, $0xD  }
0x203: {  	v19 =	vbroadcast v8, $0x6;
	v20 =	vbroadcast v9, $0x2  }
0x204: {  	v21 =	vbroadcast v8, $0xC;
	v53 =	vbroadcast v8, $0x1  }
0x205: {  	v22 =	vbroadcast v8, $0x3;
	v54 =	vbroadcast v10, $0x3  }
0x206: {  	v23 =	vbroadcast v9, $0x3;
	v55 =	vbroadcast v9, $0x4  }
0x207: {  	v56 =	vbroadcast v9, $0xA;
	v57 =	vbroadcast v9, $0x5  }
0x208: {  	v24 =	vbroadcast v8, $0x4;
	v25 =	vbroadcast v10, $0x4  }
0x209: {  	v58 =	vbroadcast v10, $0x5;
	v59 =	vbroadcast v8, $0xA  }
0x20a: {  	v60 =	vbroadcast v9, $0x7;
	v61 =	vbroadcast v9, $0xC  }
0x20b: {  	v63 =	vbroadcast v8, $0x7;
	vm2 =	veq.s32 v6, v11;
	v11 =	vbroadcast v9, $0x0  }
0x20c: {  	vm3 =	veq.s32 v6, v15;
	v15 =	vbroadcast v9, $0x1;
	vm0 =	vlt.s32 v16, v4  }
0x20d: {  	v16 =	vbroadcast v10, $0x0;
	vm4 =	vlt.s32 v13, v4;
	v13 =	vbroadcast v9, $0x8  }
0x20e: {  	vm14 =	veq.s32 v5, v20;
	vm9 =	veq.s32 v5, v55;
	vm10 =	veq.s32 v5, v56  }
0x20f: {  	vm1 =	veq.s32 v5, v11;
	v11 =	vbroadcast v9, $0x6;
	vm6 =	veq.s32 v6, v16  }
0x210: {  	v16 =	vbroadcast v10, $0x6;
	vm13 =	veq.s32 v5, v15;
	vm6 =	vmand vm1, vm6  }
0x211: {  	vm1 =	veq.s32 v5, v13;
	v13 =	vbroadcast v8, $0x2;
	vm3 =	vmand vm13, vm3  }
0x212: {  	vm13 =	veq.s32 v6, v17;
	v17 =	vbroadcast v8, $0xD;
	vm5 =	veq.s32 v5, v11  }
0x213: {  	v11 =	vbroadcast v10, $0xB;
	vm4 =	vmand vm6, vm4;
	vm6 =	vmand vm14, vm2  }
0x214: {  	vm2 =	veq.s32 v6, v16;
	v16 =	vbroadcast v10, $0x8;
	vm14 =	vlt.s32 v21, v4  }
0x215: {  	v15 =	vsel vm4, $0x1, v1;
	vm4 =	vlt.s32 v13, v4;
	v13 =	vbroadcast v10, $0xA  }
0x216: {  	vm5 =	vmand vm5, vm2;
	vm4 =	vmand vm6, vm4;
	vm15 =	veq.s32 v6, v16  }
0x217: {  	v7 =	vadd.s32 v15, v7;
	v15 =	vbroadcast v8, $0x8;
	vm2 =	veq.s32 v6, v13  }
0x218: {  	v13 =	vsel vm4, $0x1, v1;
	vm4 =	vlt.s32 v53, v4;
	vm1 =	vmand vm1, vm15  }
0x219: {  	vm15 =	veq.s32 v6, v12;
	vm3 =	vmand vm3, vm4;
	vm4 =	vlt.s32 v19, v4  }
0x21a: {  	v19 =	vbroadcast v9, $0xB;
	vm2 =	vmand vm10, vm2;
	v16 =	vsel vm3, $0x1, v1  }
0x21b: {  	vm3 =	vmand vm5, vm4;
	vm4 =	veq.s32 v6, v54;
	vm5 =	veq.s32 v5, v23  }
0x21c: {  	vm4 =	vmand vm5, vm4;
	vm5 =	vlt.s32 v22, v4;
	v26 =	vsel vm3, $0x1, v1  }
0x21d: {  	vm3 =	veq.s32 v6, v25;
	vm11 =	veq.s32 v5, v19;
	v19 =	vbroadcast v10, $0x7  }
0x21e: {  	v7 =	vadd.s32 v16, v7;
	vm4 =	vmand vm4, vm5;
	vm3 =	vmand vm9, vm3  }
0x21f: {  	vm5 =	veq.s32 v6, v58;
	v7 =	vadd.s32 v13, v7;
	v13 =	vbroadcast v10, $0xF  }
0x220: {  	v27 =	vsel vm4, $0x1, v1;
	vm4 =	vlt.s32 v24, v4;
	vm12 =	veq.s32 v6, v19  }
0x221: {  	vm3 =	vmand vm3, vm4;
	vm4 =	veq.s32 v6, v11;
	v11 =	vbroadcast v8, $0xB  }
0x222: {  	v7 =	vadd.s32 v27, v7;
	vm6 =	vmand vm11, vm4;
	vm4 =	veq.s32 v5, v57  }
0x223: {  	v19 =	vsel vm3, $0x1, v1;
	vm5 =	vmand vm4, vm5;
	vm4 =	vlt.s32 v59, v4  }
0x224: {  	vm3 =	veq.s32 v6, v18;
	vm4 =	vmand vm2, vm4;
	vm2 =	vlt.s32 v11, v4  }
0x225: {  	v18 =	vbroadcast v9, $0xD;
	vm0 =	vmand vm5, vm0;
	vm2 =	vmand vm6, vm2  }
0x226: {  	vm5 =	veq.s32 v5, v60;
	v11 =	vsel vm2, $0x1, v1;
	vm2 =	veq.s32 v5, v61  }
0x227: {  	v7 =	vadd.s32 v19, v7;
	vm5 =	vmand vm5, vm12;
	vm2 =	vmand vm2, vm13  }
0x228: {  	v62 =	vsel vm0, $0x1, v1;
	vm0 =	vlt.s32 v17, v4;
	vm2 =	vmand vm2, vm14  }
0x229: {  	v17 =	vbroadcast v10, $0x9;
	v12 =	vsel vm2, $0x1, v1;
	vm2 =	veq.s32 v5, v18  }
0x22a: {  	v7 =	vadd.s32 v62, v7;
	vm2 =	vmand vm2, vm3;
	vm3 =	vlt.s32 v63, v4  }
0x22b: {  	vm2 =	vmand vm2, vm0;
	vm0 =	veq.s32 v6, v17;
	v17 =	vbroadcast v9, $0x9  }
0x22c: {  	p0 =	sne.s32 s16, $0x1;
	v18 =	vbroadcast v9, $0xE;
	vm5 =	vmand vm5, vm3;
	vm3 =	vlt.s32 v15, v4  }
.Ltmp10:
0x22d: {  	v15 =	vbroadcast v8, $0x9;
	vm3 =	vmand vm1, vm3;
	vm1 =	veq.s32 v5, v17;
	(pc) =	sbr.rel @!p0 .LBB2_14-.Ltmp10, $4  }
0x22e: {  	v16 =	vadd.s32 v26, v7;
	vm0 =	vmand vm1, vm0;
	vm1 =	veq.s32 v5, v18  }
0x22f: {  	v17 =	vsel vm5, $0x1, v1;
	vm6 =	vmand vm1, vm15;
	vm1 =	vlt.s32 v15, v4  }
0x230: {  	s16 =	sadd.s32 $0xFFFFFFFF, s16;
	v15 =	vbroadcast v9, $0xF;
	vm1 =	vmand vm0, vm1;
	vm0 =	vlt.s32 v14, v4  }
0x231: {  	s17 =	sadd.s32 $0x10, s9;
	s18 =	sadd.s32 $0x10, s10;
	s19 =	smov.u32 s15;
	v9 =	vbroadcast v8, $0xF;
	v14 =	vsel vm4, $0x1, v1;
	vm0 =	vmand vm6, vm0  }
.LBB2_13:
0x232: {  	v10 =	vld [tilespmem:s18+$0x0]  }
0x233: {  	v16 =	vadd.s32 v17, v16;
	vm4 =	veq.s32 v6, v13;
	v13 =	vsel vm3, $0x1, v1  }
0x234: {  	v8 =	vld [tilespmem:s17+$0x0];
	v13 =	vadd.s32 v13, v16;
	v16 =	vsel vm1, $0x1, v1  }
0x235: {  	s19 =	sadd.s32 $0x10, s19;
	v17 =	vsel vm2, $0x1, v1;
	v13 =	vadd.s32 v16, v13  }
0x236: {  	v18 =	vsel vm0, $0x1, v1;
	v7 =	vld [tilespmem:s19+$0x0];
	vm1 =	vlt.s32 v9, v4;
	v9 =	vadd.s32 v14, v13  }
0x237: {  	v9 =	vadd.s32 v11, v9;
	v13 =	vbroadcast v10, $0x2;
	v14 =	vbroadcast v10, $0xE  }
0x238: {  	v12 =	vadd.s32 v12, v9;
	v16 =	vbroadcast v10, $0x1;
	v9 =	vbroadcast v10, $0xC  }
0x239: {  	vm0 =	veq.s32 v5, v15;
	v19 =	vbroadcast v8, $0x0;
	v20 =	vbroadcast v8, $0xC  }
0x23a: {  	vm0 =	vmand vm0, vm4;
	v60 =	vbroadcast v8, $0x5;
	v61 =	vbroadcast v10, $0x7  }
0x23b: {  	vm0 =	vmand vm0, vm1;
	v24 =	vbroadcast v10, $0x4;
	v11 =	vbroadcast v7, $0x0  }
0x23c: {  	v15 =	vbroadcast v7, $0xE;
	v12 =	vadd.s32 v17, v12;
	v17 =	vsel vm0, $0x1, v1  }
0x23d: {  	v23 =	vbroadcast v7, $0x4;
	v63 =	vbroadcast v7, $0xA;
	vm5 =	veq.s32 v6, v13  }
0x23e: {  	v13 =	vbroadcast v7, $0x5;
	vm9 =	veq.s32 v6, v16;
	v12 =	vadd.s32 v18, v12  }
0x23f: {  	v16 =	vbroadcast v8, $0x1;
	vm11 =	veq.s32 v5, v19;
	v18 =	vbroadcast v10, $0xB  }
0x240: {  	v19 =	vbroadcast v7, $0x6;
	v12 =	vadd.s32 v17, v12;
	vm7 =	vlt.s32 v11, v4  }
0x241: {  	v11 =	vbroadcast v8, $0x8;
	v17 =	vbroadcast v10, $0x0;
	vm3 =	vlt.s32 v63, v4  }
0x242: {  	vm0 =	vlt.s32 v13, v4;
	v13 =	vimm.s32 $0x0;
	vm10 =	veq.s32 v5, v16  }
0x243: {  	v16 =	vbroadcast v8, $0x2;
	vm2 =	veq.s32 v6, v18;
	v13 =	vsel vm0, $0xFFFFFFFF, v13  }
0x244: {  	vm0 =	vlt.s32 v15, v4;
	v15 =	vbroadcast v10, $0xD;
	vm8 =	veq.s32 v5, v11  }
0x245: {  	v11 =	vbroadcast v7, $0xD;
	vm12 =	veq.s32 v6, v17;
	vm10 =	vmand vm10, vm9  }
0x246: {  	v17 =	vbroadcast v7, $0x1;
	[tilespmem:$0x1FFC0] =	vst v13;
	v13 =	vimm.s32 $0x0;
	vm9 =	vmand vm11, vm12  }
0x247: {  	vm11 =	veq.s32 v5, v16;
	v16 =	vbroadcast v10, $0x9;
	v13 =	vsel vm0, $0xFFFFFFFF, v13  }
0x248: {  	vm0 =	veq.s32 v6, v15;
	v15 =	vimm.s32 $0x0;
	vm4 =	vlt.s32 v11, v4  }
0x249: {  	v11 =	vbroadcast v10, $0xA;
	vm7 =	vmand vm9, vm7;
	vm5 =	vmand vm11, vm5  }
0x24a: {  	vm15 =	vlt.s32 v17, v4;
	v17 =	vbroadcast v8, $0xA;
	[tilespmem:$0x1FFF0] =	vst v13;
	v13 =	vbroadcast v8, $0x6  }
0x24b: {  	v15 =	vsel vm0, $0xFFFFFFFF, v15;
	vm0 =	veq.s32 v6, v14;
	v14 =	vimm.s32 $0x0  }
0x24c: {  	v14 =	vsel vm0, $0xFFFFFFFF, v14;
	vm6 =	veq.s32 v5, v13;
	v13 =	vbroadcast v10, $0x6  }
0x24d: {  	v21 =	vsel vm7, $0x1, v1;
	vm10 =	vmand vm10, vm15;
	[tilespmem:$0x1FFE0] =	vst v14;
	v14 =	vbroadcast v7, $0x2  }
0x24e: {  	v12 =	vadd.s32 v21, v12;
	vm9 =	veq.s32 v6, v11;
	vm12 =	veq.s32 v6, v13  }
0x24f: {  	vm13 =	vlt.s32 v14, v4;
	v13 =	vbroadcast v10, $0x8;
	vm14 =	vmand vm6, vm12  }
0x250: {  	vm13 =	vmand vm5, vm13;
	vm5 =	veq.s32 v6, v16;
	v16 =	vbroadcast v7, $0x3  }
0x251: {  	v11 =	vsel vm13, $0x1, v1;
	vm11 =	veq.s32 v6, v13;
	v13 =	vsel vm10, $0x1, v1  }
0x252: {  	vm13 =	vlt.s32 v19, v4;
	v12 =	vadd.s32 v13, v12;
	v13 =	vbroadcast v10, $0x3  }
0x253: {  	vm12 =	vlt.s32 v16, v4;
	v11 =	vadd.s32 v11, v12;
	v12 =	vbroadcast v8, $0x3  }
0x254: {  	v16 =	vbroadcast v8, $0x4;
	vm13 =	vmand vm14, vm13;
	vm14 =	veq.s32 v6, v13  }
0x255: {  	v13 =	vbroadcast v10, $0xF;
	v10 =	vbroadcast v10, $0x5;
	vm15 =	veq.s32 v5, v12  }
0x256: {  	[tilespmem:$0x1FFD0] =	vst v15;
	v15 =	vbroadcast v7, $0xC;
	vm14 =	vmand vm15, vm14;
	vm15 =	veq.s32 v5, v16  }
0x257: {  	v16 =	vsel vm13, $0x1, v1;
	vm13 =	veq.s32 v6, v10;
	v10 =	vbroadcast v7, $0xB  }
0x258: {  	vm0 =	veq.s32 v5, v60;
	v14 =	vbroadcast v8, $0xD;
	v19 =	vbroadcast v8, $0xB  }
0x259: {  	vm10 =	veq.s32 v6, v61;
	v12 =	vbroadcast v8, $0x7;
	vm1 =	vlt.s32 v10, v4;
	v10 =	vld [tilespmem:$0x1FFC0]  }
0x25a: {  	vm14 =	vmand vm14, vm12;
	vm12 =	veq.s32 v6, v24;
	vm0 =	vmand vm0, vm13  }
0x25b: {  	v27 =	vsel vm14, $0x1, v1;
	vm12 =	vmand vm15, vm12;
	vm15 =	vlt.s32 v23, v4  }
0x25c: {  	vm14 =	veq.s32 v5, v17;
	vm12 =	vmand vm12, vm15;
	vm15 =	veq.s32 v5, v19  }
0x25d: {  	v27 =	vadd.s32 v27, v11;
	vm9 =	vmand vm14, vm9;
	vm2 =	vmand vm15, vm2  }
0x25e: {  	vm9 =	vmand vm9, vm3;
	vm1 =	vmand vm2, vm1;
	vm2 =	vnez.u8 v10  }
0x25f: {  	vm3 =	veq.s32 v6, v9;
	vm0 =	vmand vm0, vm2;
	vm2 =	veq.s32 v5, v12  }
0x260: {  	v11 =	vsel vm1, $0x1, v1;
	vm1 =	vmand vm2, vm10;
	vm2 =	veq.s32 v5, v20  }
0x261: {  	vm2 =	vmand vm2, vm3;
	vm3 =	vlt.s32 v15, v4  }
0x262: {  	v9 =	vsel vm12, $0x1, v1;
	vm2 =	vmand vm2, vm3;
	vm3 =	veq.s32 v5, v14;
	v14 =	vld [tilespmem:$0x1FFD0]  }
0x263: {  	v9 =	vadd.s32 v9, v27;
	v10 =	vsel vm0, $0x1, v1  }
0x264: {  	v9 =	vadd.s32 v10, v9  }
0x265: {  	v16 =	vadd.s32 v16, v9;
	v9 =	vld [tilespmem:$0x1FFE0]  }
0x266: {  	v22 =	vbroadcast v7, $0x7  }
0x267: {  	v62 =	vbroadcast v8, $0x9;
	vm0 =	vnez.u8 v14  }
0x268: {  	vm6 =	vlt.s32 v22, v4;
	vm8 =	vmand vm8, vm11;
	vm0 =	vmand vm3, vm0  }
0x269: {  	vm11 =	veq.s32 v5, v62;
	v12 =	vsel vm2, $0x1, v1;
	vm2 =	vmand vm0, vm4  }
0x26a: {  	vm4 =	vmand vm1, vm6;
	vm1 =	vmand vm11, vm5;
	vm5 =	vnez.u8 v9;
	v9 =	vld [tilespmem:$0x1FFF0]  }
0x26b: {  	p0 =	sne.s32 s16, $0x1;
	v59 =	vbroadcast v7, $0x9;
	v25 =	vbroadcast v7, $0x8  }
.Ltmp11:
0x26c: {  	v26 =	vbroadcast v8, $0xE;
	(pc) =	sbr.rel @p0 .LBB2_13-.Ltmp11, $4  }
0x26d: {  	vm7 =	vlt.s32 v59, v4;
	vm15 =	vlt.s32 v25, v4;
	v15 =	vbroadcast v8, $0xF  }
0x26e: {  	v14 =	vsel vm9, $0x1, v1;
	vm3 =	vmand vm8, vm15;
	vm0 =	veq.s32 v5, v26  }
0x26f: {  	vm0 =	vmand vm0, vm5;
	vm1 =	vmand vm1, vm7;
	vm5 =	vnez.u8 v9  }
0x270: {  	s16 =	sadd.s32 $0xFFFFFFFF, s16;
	s17 =	sadd.s32 $0x10, s17;
	s18 =	sadd.s32 $0x10, s18;
	v17 =	vsel vm4, $0x1, v1;
	v9 =	vbroadcast v7, $0xF;
	vm0 =	vmand vm0, vm5  }
.Ltmp12:
0x271: {  	_ = 	snop;
	(pc) =	sbr.rel .LBB2_14-.Ltmp12, $1  }
0x272: {  	_ =	sdelay $0x3  }
.LBB2_17:
0x273: {  	_ =	swait.ge [sflag:s11], $0x400  }
0x274: {  	[sflag:s11] =	ssyncset.done $0x0  }
0x275: {  	s5 =	simm.s32 $0x2000;
	s7 =	simm.s32 $0x1400;
	[sflag:s11] =	ssyncadd.s32 $0xFFFFFC00  }
0x276: {  	[spmem:s2] =	stream.indirect.scatter [tilespmem:s7], [sflag:$0x3], $0x1, s5, s6, $0xb8;
	[tilespmem:$0x185C8] =	vst v63  }
0x277: {  	s16 =	simm.s32 $0x2080;
	s17 =	simm.s32 $0x1480  }
0x278: {  	[spmem:s2] =	stream.indirect.scatter [tilespmem:s17], [sflag:$0x3], $0x1, s16, s6, $0xb8;
	[tilespmem:$0x185C8] =	vst v63  }
0x279: {  	s18 =	simm.s32 $0x2100;
	s19 =	simm.s32 $0x1500  }
0x27a: {  	[spmem:s2] =	stream.indirect.scatter [tilespmem:s19], [sflag:$0x3], $0x1, s18, s6, $0xb8;
	[tilespmem:$0x185C8] =	vst v63  }
0x27b: {  	s20 =	simm.s32 $0x2180;
	s21 =	simm.s32 $0x1580  }
0x27c: {  	[spmem:s2] =	stream.indirect.scatter [tilespmem:s21], [sflag:$0x3], $0x1, s20, s6, $0xb8;
	[tilespmem:$0x185C8] =	vst v63  }
0x27d: {  	s22 =	simm.s32 $0x2200;
	s23 =	simm.s32 $0x1600  }
0x27e: {  	[spmem:s2] =	stream.indirect.scatter [tilespmem:s23], [sflag:$0x3], $0x1, s22, s6, $0xb8;
	[tilespmem:$0x185C8] =	vst v63  }
0x27f: {  	s24 =	simm.s32 $0x2280;
	s25 =	simm.s32 $0x1680  }
0x280: {  	[spmem:s2] =	stream.indirect.scatter [tilespmem:s25], [sflag:$0x3], $0x1, s24, s6, $0xb8;
	[tilespmem:$0x185C8] =	vst v63  }
0x281: {  	s26 =	simm.s32 $0x2300;
	s28 =	simm.s32 $0x1700  }
0x282: {  	[spmem:s2] =	stream.indirect.scatter [tilespmem:s28], [sflag:$0x3], $0x1, s26, s6, $0xb8;
	[tilespmem:$0x185C8] =	vst v63  }
0x283: {  	s29 =	simm.s32 $0x2380;
	s30 =	simm.s32 $0x1780  }
0x284: {  	[spmem:s2] =	stream.indirect.scatter [tilespmem:s30], [sflag:$0x3], $0x1, s29, s6, $0xb8;
	[tilespmem:$0x185C8] =	vst v63  }
0x285: {  	_ =	swait.ge [sflag:s13], $0x80  }
0x286: {  	[sflag:s13] =	ssyncset.done $0x0  }
0x287: {  	[sflag:s13] =	ssyncadd.s32 $0xFFFFFF80  }
0x288: {  	_ =	swait.ge [sflag:s13], $0x80  }
0x289: {  	[sflag:s13] =	ssyncset.done $0x0  }
0x28a: {  	[sflag:s13] =	ssyncadd.s32 $0xFFFFFF80  }
0x28b: {  	_ =	swait.ge [sflag:s13], $0x80  }
0x28c: {  	[sflag:s13] =	ssyncset.done $0x0  }
0x28d: {  	[sflag:s13] =	ssyncadd.s32 $0xFFFFFF80  }
0x28e: {  	_ =	swait.ge [sflag:s13], $0x80  }
0x28f: {  	[sflag:s13] =	ssyncset.done $0x0  }
0x290: {  	[sflag:s13] =	ssyncadd.s32 $0xFFFFFF80  }
0x291: {  	_ =	swait.ge [sflag:s13], $0x80  }
0x292: {  	[sflag:s13] =	ssyncset.done $0x0  }
0x293: {  	[sflag:s13] =	ssyncadd.s32 $0xFFFFFF80  }
0x294: {  	_ =	swait.ge [sflag:s13], $0x80  }
0x295: {  	[sflag:s13] =	ssyncset.done $0x0  }
0x296: {  	[sflag:s13] =	ssyncadd.s32 $0xFFFFFF80  }
0x297: {  	_ =	swait.ge [sflag:s13], $0x80  }
0x298: {  	[sflag:s13] =	ssyncset.done $0x0  }
0x299: {  	[sflag:s13] =	ssyncadd.s32 $0xFFFFFF80  }
0x29a: {  	_ =	swait.ge [sflag:s13], $0x80  }
0x29b: {  	s31 =	sshll.u32 s1, $0x6;
	[sflag:s13] =	ssyncset.done $0x0  }
0x29c: {  	s3 =	sshrl.u32 s3, $0x3;
	s2 =	sor.u32 $0x1C04, s31;
	[sflag:s13] =	ssyncadd.s32 $0xFFFFFF80  }
0x29d: {  	[hbm:s4], [sflag:s2] =	dma.local [spmem:s3], $0x80  }
0x29e: {  	_ =	swait.ge [sflag:s14], $0x80  }
0x29f: {  	[sflag:s14] =	ssyncset.done $0x0  }
0x2a0: {  	[sflag:s14] =	ssyncadd.s32 $0xFFFFFF80  }
0x2a1: {  	_ =	sfence.sel $0x180000  }
0x2a2: {  	[bflag:$0x0] =	sbarrier.arrive $0xFFFF  }
0x2a3: {  	p0 =	sne.s32 s1, $0x0;
	_ =	strace $0x90000047  }
0x2a4: {  	s0 =	sadd.s32 @!p0 $0x100000, s0;
	[bflag:$0x2] =	sbarrier.arrive $0xFFFF  }
0x2a5: {  	[sflag:s0] =	ssyncadd.tile.s32 @!p0 $0x1;
	_ =	shalt  }
.Lfunc_end2:
_tile_overlayer_lowered:
.L_overlay_start_2:
0x2a6: {  	(tag) =	ssettag $0x2  }
0x2a7: {  	s0 =	rddreg [dreg:$0x0];
	s2 =	stileid.u32  }
0x2a8: {  	s1 =	rddreg [dreg:$0x1];
	p0 =	sne.s32 s2, $0x0  }
0x2a9: {  	s3 =	rddreg [dreg:$0x2];
	[bflag:$0x3] =	sbarrier.arrive $0xFFFF;
	s2 =	simm.s32 @!p0 $0x1C04  }
0x2aa: {  	[timem:s3], [sflag:s2] =	dma.local @!p0 [hbm:s0], s1  }
0x2ab: {  	s0 =	simm.s32 @!p0 $0x4  }
0x2ac: {  	_ =	swait.ge @!p0 [sflag:s0], s1  }
0x2ad: {  	s1 =	ssub.s32 @!p0 $0x0, s1;
	[sflag:s0] =	ssyncset.done @!p0 $0x0  }
0x2ae: {  	[sflag:s0] =	ssyncadd.s32 @!p0 s1  }
0x2af: {  	[bflag:$0x3] =	sbarrier.arrive $0xFFFF  }
0x2b0: {  	_ =	shalt  }

</sc_bundles>
